<compile_context>
chip_gen: v7x
topology: tpu7x:2x2x1
jax: 0.10.2.dev20260603
libtpu: 0.0.44.dev20260713+nightly
codegen_flags: <defaults>
</compile_context>

<pallas_src>
import functools

import jax
import jax.numpy as jnp
from jax import lax
from jax.experimental import pallas as pl
from jax.experimental.pallas import tpu as pltpu
from jax.experimental.pallas import tpu_sc as plsc

N = 10000
NPAD = 10240
E = 320000
NC = 2
NS = 16
NW = NC * NS
EW = E // NW
EC = 80
NCHUNK = EW // EC
EEC = 80
ENCHUNK = EW // EEC
RPS = NPAD // NS

_MESH = plsc.VectorSubcoreMesh(core_axis_name="c", subcore_axis_name="s")


def _zero_rows(buf, rows, width):
    zv = jnp.zeros((16,), jnp.float32)

    def body(e, _):
        for k in range(width // 16):
            buf[e, pl.ds(k * 16, 16)] = zv
        return 0

    lax.fori_loop(0, rows, body, 0)


def _deg_body(dst_hbm, out_hbm, didx, ones, acc, sem):
    c = lax.axis_index("c")
    s = lax.axis_index("s")
    wid = c * NS + s
    _zero_rows(ones, EC, 128)
    r0 = s * RPS
    off = 0
    while off < RPS:
        step = min(EC, RPS - off)
        pltpu.sync_copy(ones.at[pl.ds(0, step)], acc.at[pl.ds(r0 + off, step)])
        off += step
    ov = jnp.ones((16,), jnp.float32)

    def fill(e, _):
        ones[e, pl.ds(0, 16)] = ov
        return 0

    lax.fori_loop(0, EC, fill, 0)
    plsc.subcore_barrier()

    def chunk(j, _):
        base = wid * EW + j * EC
        pltpu.sync_copy(dst_hbm.at[pl.ds(base, EC)], didx)
        pltpu.sync_copy(ones, acc.at[didx], add=True)
        return 0

    lax.fori_loop(0, NCHUNK, chunk, 0)
    plsc.subcore_barrier()
    pltpu.sync_copy(acc.at[pl.ds(r0, RPS)], out_hbm.at[c, pl.ds(r0, RPS)])


_deg_call = pl.kernel(
    _deg_body,
    out_type=jax.ShapeDtypeStruct((NC, NPAD, 128), jnp.float32),
    mesh=_MESH,
    scratch_types=[
        pltpu.VMEM((EC,), jnp.int32),
        pltpu.VMEM((EC, 128), jnp.float32),
        pltpu.VMEM_SHARED((NPAD, 128), jnp.float32),
        pltpu.SemaphoreType.DMA,
    ],
)


GC = 200
NGCH = N // GC


def _gather0_body(x_hbm, norm_hbm, a0_hbm, t_hbm,
                  xb, nb, ab, a0_sp, sem_a):
    c = lax.axis_index("c")
    s = lax.axis_index("s")
    wid = c * NS + s

    @pl.when(s == 0)
    def _():
        pltpu.sync_copy(a0_hbm, a0_sp)
    plsc.subcore_barrier()

    def do(cid):
        base = cid * GC
        pltpu.sync_copy(x_hbm.at[pl.ds(base, GC)], xb)
        pltpu.sync_copy(norm_hbm.at[pl.ds(base, GC)], nb)
        pltpu.async_copy(a0_sp.at[xb], ab, sem_a).wait()

        def group(g, _):
            nv = nb[pl.ds(g * 16, 16)]
            for lane in range(16):
                e = g * 16 + lane
                ns = nv[lane]
                for k in range(2):
                    ab[e, pl.ds(k * 16, 16)] = ab[e, pl.ds(k * 16, 16)] * ns
            return 0

        lax.fori_loop(0, GC // 16, group, 0)
        if GC % 16:
            nv = nb[pl.ds(GC - 16, 16)]
            for lane in range(16 - GC % 16, 16):
                e = GC - 16 + lane
                ns = nv[lane]
                for k in range(2):
                    ab[e, pl.ds(k * 16, 16)] = ab[e, pl.ds(k * 16, 16)] * ns
        pltpu.sync_copy(ab, t_hbm.at[pl.ds(base, GC)])

    do(wid)

    @pl.when(wid + NW < NGCH)
    def _():
        do(wid + NW)


_gather0_call = pl.kernel(
    _gather0_body,
    out_type=jax.ShapeDtypeStruct((NPAD, 128), jnp.float32),
    mesh=_MESH,
    scratch_types=[
        pltpu.VMEM((GC,), jnp.int32),
        pltpu.VMEM((GC,), jnp.float32),
        pltpu.VMEM((GC, 128), jnp.float32),
        pltpu.VMEM_SHARED((200, 128), jnp.float32),
        pltpu.SemaphoreType.DMA,
    ],
)


def _edge_body(nl, nf, src_hbm, dst_hbm, t_hbm, out_hbm,
               sidx, didx, srows, drows, msg, acc, sem_s, sem_d):
    c = lax.axis_index("c")
    s = lax.axis_index("s")
    wid = c * NS + s
    r0 = s * RPS

    _zero_rows(msg, EEC, 128)
    for t in range(RPS // EEC):
        pltpu.sync_copy(msg, acc.at[pl.ds(r0 + t * EEC, EEC)])
    plsc.subcore_barrier()

    def chunk(j, _):
        base = wid * EW + j * EEC
        pltpu.sync_copy(src_hbm.at[pl.ds(base, EEC)], sidx)
        pltpu.sync_copy(dst_hbm.at[pl.ds(base, EEC)], didx)
        cp1 = pltpu.async_copy(t_hbm.at[sidx], srows, sem_s)
        cp2 = pltpu.async_copy(t_hbm.at[didx], drows, sem_d)
        cp1.wait()
        cp2.wait()

        def edge(e, _):
            al = srows[e, pl.ds(nf, 16)]
            ar = drows[e, pl.ds(nf + 16, 16)]
            f = 1.0 / (1.0 + jnp.exp(-6.0 * (al + ar)))
            fev = [srows[e, pl.ds(k * 16, 16)] for k in range(nf // 16)]
            for li in range(nl):
                fs = f[li]
                for k in range(nf // 16):
                    msg[e, pl.ds(li * nf + k * 16, 16)] = fev[k] * fs
            return 0

        lax.fori_loop(0, EEC, edge, 0)
        pltpu.sync_copy(msg, acc.at[didx], add=True)
        return 0

    lax.fori_loop(0, ENCHUNK, chunk, 0)
    plsc.subcore_barrier()
    pltpu.sync_copy(acc.at[pl.ds(r0, RPS)], out_hbm.at[c, pl.ds(r0, RPS)])


def _make_edge_call(nl, nf):
    return pl.kernel(
        functools.partial(_edge_body, nl, nf),
        out_type=jax.ShapeDtypeStruct((NC, NPAD, 128), jnp.float32),
        mesh=_MESH,
        scratch_types=[
            pltpu.VMEM((EEC,), jnp.int32),
            pltpu.VMEM((EEC,), jnp.int32),
            pltpu.VMEM((EEC, 128), jnp.float32),
            pltpu.VMEM((EEC, 128), jnp.float32),
            pltpu.VMEM((EEC, 128), jnp.float32),
            pltpu.VMEM_SHARED((NPAD, 128), jnp.float32),
            pltpu.SemaphoreType.DMA,
            pltpu.SemaphoreType.DMA,
        ],
    )


_edge_call_0 = _make_edge_call(4, 32)
_edge_call_12 = _make_edge_call(2, 64)


def _tc_prep_body(degp, emb, w0, b0, al0, alb0, ar0, arb0,
                  norm_o, a0_o):
    dv = degp[...]
    deg = dv[0, :N, 0:1] + dv[1, :N, 0:1]
    norm_o[...] = lax.rsqrt(jnp.maximum(deg, 1.0))
    h0 = jnp.dot(emb[...], w0[...]) + b0[...][None, :]
    alv = lax.dot_general(h0, al0[...], (((1,), (1,)), ((), ()))) + alb0[...][None, :]
    arv = lax.dot_general(h0, ar0[...], (((1,), (1,)), ((), ()))) + arb0[...][None, :]
    z12 = jnp.zeros((200, 12), jnp.float32)
    z64 = jnp.zeros((200, 64), jnp.float32)
    a0_o[...] = jnp.concatenate([h0, alv, z12, arv, z12, z64], axis=1)


def _tc_prep(degp, emb, w0, b0, al0, alb0, ar0, arb0):
    return pl.pallas_call(
        _tc_prep_body,
        out_shape=(
            jax.ShapeDtypeStruct((N, 1), jnp.float32),
            jax.ShapeDtypeStruct((200, 128), jnp.float32),
        ),
    )(degp, emb, w0, b0, al0, alb0, ar0, arb0)


def _bn_lrelu(p, snorm, g, be):
    feat = (p[0, :N] + p[1, :N]) * snorm
    mu = jnp.mean(feat, axis=0, keepdims=True)
    d = feat - mu
    var = jnp.mean(d * d, axis=0, keepdims=True)
    feat = (feat - mu) * lax.rsqrt(var + 1e-5) * g[None, :] + be[None, :]
    return jnp.where(feat >= 0, feat, 0.2 * feat)


def _tc_mid_body(p, snorm, g, be, norm, w, b, alw, alb, arw, arb, t_o):
    feat = _bn_lrelu(p[...], snorm[...], g[...], be[...])
    hidden = jnp.dot(feat, w[...]) + b[...][None, :]
    alv = lax.dot_general(hidden, alw[...], (((1,), (1,)), ((), ()))) + alb[...][None, :]
    arv = lax.dot_general(hidden, arw[...], (((1,), (1,)), ((), ()))) + arb[...][None, :]
    fe = hidden * norm[...]
    zr = jnp.zeros((N, 14), jnp.float32)
    z32 = jnp.zeros((N, 32), jnp.float32)
    zpad = jnp.zeros((NPAD - N, 128), jnp.float32)
    t = jnp.concatenate([fe, alv, zr, arv, zr, z32], axis=1)
    t_o[...] = jnp.concatenate([t, zpad], axis=0)


def _tc_mid(p, snorm, g, be, norm, w, b, alw, alb, arw, arb):
    return pl.pallas_call(
        _tc_mid_body,
        out_shape=jax.ShapeDtypeStruct((NPAD, 128), jnp.float32),
    )(p, snorm, g, be, norm, w, b, alw, alb, arw, arb)


def _tc_final_body(p, snorm, g, be, c1w, c1b, c2w, c2b, out_o):
    feat = _bn_lrelu(p[...], snorm[...], g[...], be[...])
    h = jnp.maximum(feat, 0.0)
    h = jnp.maximum(jnp.dot(h, c1w[...]) + c1b[...][None, :], 0.0)
    out_o[...] = jnp.dot(h, c2w[...]) + c2b[...][None, :]


def _tc_final(p, snorm, g, be, c1w, c1b, c2w, c2b):
    return pl.pallas_call(
        _tc_final_body,
        out_shape=jax.ShapeDtypeStruct((N, 2), jnp.float32),
    )(p, snorm, g, be, c1w, c1b, c2w, c2b)


def kernel(x, edge_index, snorm_n, snorm_e, e, emb,
           W0, b0, AL0, ALb0, AR0, ARb0, g0, be0,
           W1, b1, AL1, ALb1, AR1, ARb1, g1, be1,
           W2, b2, AL2, ALb2, AR2, ARb2, g2, be2,
           c1w, c1b, c2w, c2b):
    src = edge_index[0].astype(jnp.int32)
    dst = edge_index[1].astype(jnp.int32)
    xi = x.astype(jnp.int32)

    degp = _deg_call(dst)
    norm, a0t = _tc_prep(degp, emb, W0, b0, AL0, ALb0, AR0, ARb0)
    t0 = _gather0_call(xi, norm[:, 0], a0t)
    p0 = _edge_call_0(src, dst, t0)
    t1 = _tc_mid(p0, snorm_n, g0, be0, norm, W1, b1, AL1, ALb1, AR1, ARb1)
    p1 = _edge_call_12(src, dst, t1)
    t2 = _tc_mid(p1, snorm_n, g1, be1, norm, W2, b2, AL2, ALb2, AR2, ARb2)
    p2 = _edge_call_12(src, dst, t2)
    return _tc_final(p2, snorm_n, g2, be2, c1w, c1b, c2w, c2b)

# --- scband reference (transcript-rebuilt; emitter-appended) ---
"""Pipeline reference for scband-factor-gnnsbms-15479062135603 (READ-ONLY COPY).

The authoritative reference and input builder live on the scoring server;
editing this copy changes nothing except your own understanding.
"""

import jax, jax.numpy as jnp
import numpy as np

N = 10000
E = 320000
IN_DIM = 128
HID = 128
_CFG = [(4, 32, IN_DIM), (2, 64, HID), (2, 64, HID)]


def setup_inputs(seed: int = 0):
    key = jax.random.key(seed)
    ks = jax.random.split(key, 32)

    def nrm(k, shape, scale=0.05):
        return jax.random.normal(k, shape, dtype=jnp.float32) * scale

    inp = {}
    inp["x"] = jax.random.randint(ks[0], (N,), 0, 200)
    inp["edge_index"] = jax.random.randint(ks[1], (2, E), 0, N)
    inp["snorm_n"] = jax.random.uniform(ks[2], (N, 1), dtype=jnp.float32)
    inp["snorm_e"] = jax.random.uniform(ks[3], (E, 1), dtype=jnp.float32)
    inp["e"] = nrm(ks[4], (E, 4), 1.0)
    inp["emb"] = nrm(ks[5], (200, IN_DIM))
    i = 6
    for l, (nl, nf, ind) in enumerate(_CFG):
        inp["W%d" % l] = nrm(ks[i], (ind, nf)); i += 1
        inp["b%d" % l] = jnp.zeros((nf,), jnp.float32)
        inp["AL%d" % l] = nrm(ks[i], (nl, nf)); i += 1
        inp["ALb%d" % l] = jnp.zeros((nl,), jnp.float32)
        inp["AR%d" % l] = nrm(ks[i], (nl, nf)); i += 1
        inp["ARb%d" % l] = jnp.zeros((nl,), jnp.float32)
        inp["g%d" % l] = jnp.ones((HID,), jnp.float32)
        inp["be%d" % l] = jnp.zeros((HID,), jnp.float32)
    inp["c1w"] = nrm(ks[i], (HID, HID // 2)); i += 1
    inp["c1b"] = jnp.zeros((HID // 2,), jnp.float32)
    inp["c2w"] = nrm(ks[i], (HID // 2, 2)); i += 1
    inp["c2b"] = jnp.zeros((2,), jnp.float32)
    return inp


def _forward(params, x, edge_index, snorm_n):
    src = edge_index[0]
    dst = edge_index[1]
    n = x.shape[0]
    # in-degrees via scatter-add, clamp(min=1)**-0.5
    deg = jnp.zeros((n,), jnp.float32).at[dst].add(1.0)
    norm = jnp.power(jnp.clip(deg, 1.0, None), -0.5)[:, None]
    feat = jnp.take(params["emb"], x, axis=0)
    for l, (nl, nf, ind) in enumerate(_CFG):
        # feat_drop = 0.0 -> dropout is identity
        hidden = feat @ params["W%d" % l] + params["b%d" % l]
        AL = params["AL%d" % l]; ALb = params["ALb%d" % l]
        AR = params["AR%d" % l]; ARb = params["ARb%d" % l]
        fe = hidden * norm
        outs = []
        for li in range(nl):
            a_l = hidden @ AL[li] + ALb[li]
            a_r = hidden @ AR[li] + ARb[li]
            # u_add_v then sigmoid(6*.)
            factor = jax.nn.sigmoid(6.0 * (a_l[src] + a_r[dst]))
            # u_mul_e message + sum reduce (scatter-add to dst)
            m = jnp.take(fe, src, axis=0) * factor[:, None]
            h = jnp.zeros_like(fe).at[dst].add(m)
            outs.append(h)
        feat = jnp.concatenate(outs, axis=-1)
        feat = feat * snorm_n
        # BatchNorm1d (training-mode batch stats)
        mu = jnp.mean(feat, axis=0)
        var = jnp.var(feat, axis=0)
        feat = (feat - mu) / jnp.sqrt(var + 1e-5) * params["g%d" % l] + params["be%d" % l]
        # LeakyReLU(0.2)
        feat = jnp.where(feat >= 0, feat, 0.2 * feat)
    h = jnp.maximum(feat, 0.0)
    h = jnp.maximum(h @ params["c1w"] + params["c1b"], 0.0)
    return h @ params["c2w"] + params["c2b"]


def reference(x, edge_index, snorm_n, snorm_e, e, emb,
              W0, b0, AL0, ALb0, AR0, ARb0, g0, be0,
              W1, b1, AL1, ALb1, AR1, ARb1, g1, be1,
              W2, b2, AL2, ALb2, AR2, ARb2, g2, be2,
              c1w, c1b, c2w, c2b):
    params = {
        "emb": emb,
        "W0": W0, "b0": b0, "AL0": AL0, "ALb0": ALb0, "AR0": AR0, "ARb0": ARb0, "g0": g0, "be0": be0,
        "W1": W1, "b1": b1, "AL1": AL1, "ALb1": ALb1, "AR1": AR1, "ARb1": ARb1, "g1": g1, "be1": be1,
        "W2": W2, "b2": b2, "AL2": AL2, "ALb2": ALb2, "AR2": AR2, "ARb2": ARb2, "g2": g2, "be2": be2,
        "c1w": c1w, "c1b": c1b, "c2w": c2w, "c2b": c2b,
    }
    return _forward(params, x, edge_index, snorm_n)

if __name__ == "__main__":
    import jax
    _d = setup_inputs()
    print(jax.jit(kernel)(*tuple(_d.values())))

</pallas_src>

<mosaic_0001>
#map = affine_map<(d0, d1) -> (0)>
#map1 = affine_map<(d0, d1) -> (0, 0)>
#map2 = affine_map<(d0, d1) -> (0, 0, 0)>
module attributes {stable_mosaic.version = 14 : i64} {
  func.func @_edge_body(%arg0: i32, %arg1: i32, %arg2: memref<320000xi32, #tpu.memory_space<hbm>>, %arg3: memref<320000xi32, #tpu.memory_space<hbm>>, %arg4: memref<10240x128xf32, #tpu.memory_space<hbm>>, %arg5: memref<2x10240x128xf32, #tpu.memory_space<hbm>>, %arg6: memref<80xi32, #tpu.memory_space<vmem>>, %arg7: memref<80xi32, #tpu.memory_space<vmem>>, %arg8: memref<80x128xf32, #tpu.memory_space<vmem>>, %arg9: memref<80x128xf32, #tpu.memory_space<vmem>>, %arg10: memref<80x128xf32, #tpu.memory_space<vmem>>, %arg11: memref<10240x128xf32, #tpu.memory_space<vmem_shared>>, %arg12: memref<!tpu.dma_semaphore, #tpu.memory_space<semaphore_mem>>, %arg13: memref<!tpu.dma_semaphore, #tpu.memory_space<semaphore_mem>>) attributes {dimension_semantics = [#tpu.dimension_semantics<core_parallel>, #tpu.dimension_semantics<subcore_parallel>], iteration_bounds = array<i64: 2, 16>, scalar_prefetch = 0 : i64, scratch_operands = 8 : i64, tpu.core_type = #tpu.core_type<sc_vector_subcore>, window_params = [{transform_indices = #map}, {transform_indices = #map}, {transform_indices = #map1}, {transform_indices = #map2}]} {
    %mul3A = arith.constant 16 : i32
    %mul3A_0 = arith.muli %arg0, %mul3A : i32
    %add3A = arith.addi %mul3A_0, %arg1 : i32
    %mul3A_1 = arith.constant 640 : i32
    %mul3A_2 = arith.muli %arg1, %mul3A_1 : i32
    %broadcast_in_dim3A = arith.constant 0.000000e+00 : f32
    %broadcast_in_dim3A_3 = vector.broadcast %broadcast_in_dim3A : f32 to vector<16xf32>
    %scan3A = arith.constant 0 : i32
    %scan3A_4 = arith.constant 0 : i32
    %scan3A_5 = arith.constant 80 : i32
    %scan3A_6 = arith.addi %scan3A_4, %scan3A_5 : i32
    %scan3A_7 = arith.constant 1 : i32
    %scan3A_8 = scf.for %scan3A_34 = %scan3A_4 to %scan3A_6 step %scan3A_7 iter_args(%scan3A_35 = %scan3A) -> (i32)  : i32 {
      %swap3A = arith.index_cast %scan3A_34 : i32 to index
      %swap3A_36 = arith.constant 0 : index
      %swap3A_37 = tpu.vector_load %arg10[%swap3A, %swap3A_36] {strides = array<i32>} : memref<80x128xf32, #tpu.memory_space<vmem>>, vector<1x16xf32>,
      %swap3A_38 = vector.shape_cast %swap3A_37 : vector<1x16xf32> to vector<16xf32>
      %swap3A_39 = vector.shape_cast %broadcast_in_dim3A_3 : vector<16xf32> to vector<1x16xf32>
      tpu.vector_store %arg10[%swap3A, %swap3A_36], %swap3A_39 {strides = array<i32>} : memref<80x128xf32, #tpu.memory_space<vmem>>, vector<1x16xf32>,
      %swap3A_40 = arith.index_cast %scan3A_34 : i32 to index
      %swap3A_41 = arith.constant 16 : index
      %swap3A_42 = tpu.vector_load %arg10[%swap3A_40, %swap3A_41] {strides = array<i32>} : memref<80x128xf32, #tpu.memory_space<vmem>>, vector<1x16xf32>,
      %swap3A_43 = vector.shape_cast %swap3A_42 : vector<1x16xf32> to vector<16xf32>
      %swap3A_44 = vector.shape_cast %broadcast_in_dim3A_3 : vector<16xf32> to vector<1x16xf32>
      tpu.vector_store %arg10[%swap3A_40, %swap3A_41], %swap3A_44 {strides = array<i32>} : memref<80x128xf32, #tpu.memory_space<vmem>>, vector<1x16xf32>,
      %swap3A_45 = arith.index_cast %scan3A_34 : i32 to index
      %swap3A_46 = arith.constant 32 : index
      %swap3A_47 = tpu.vector_load %arg10[%swap3A_45, %swap3A_46] {strides = array<i32>} : memref<80x128xf32, #tpu.memory_space<vmem>>, vector<1x16xf32>,
      %swap3A_48 = vector.shape_cast %swap3A_47 : vector<1x16xf32> to vector<16xf32>
      %swap3A_49 = vector.shape_cast %broadcast_in_dim3A_3 : vector<16xf32> to vector<1x16xf32>
      tpu.vector_store %arg10[%swap3A_45, %swap3A_46], %swap3A_49 {strides = array<i32>} : memref<80x128xf32, #tpu.memory_space<vmem>>, vector<1x16xf32>,
      %swap3A_50 = arith.index_cast %scan3A_34 : i32 to index
      %swap3A_51 = arith.constant 48 : index
      %swap3A_52 = tpu.vector_load %arg10[%swap3A_50, %swap3A_51] {strides = array<i32>} : memref<80x128xf32, #tpu.memory_space<vmem>>, vector<1x16xf32>,
      %swap3A_53 = vector.shape_cast %swap3A_52 : vector<1x16xf32> to vector<16xf32>
      %swap3A_54 = vector.shape_cast %broadcast_in_dim3A_3 : vector<16xf32> to vector<1x16xf32>
      tpu.vector_store %arg10[%swap3A_50, %swap3A_51], %swap3A_54 {strides = array<i32>} : memref<80x128xf32, #tpu.memory_space<vmem>>, vector<1x16xf32>,
      %swap3A_55 = arith.index_cast %scan3A_34 : i32 to index
      %swap3A_56 = arith.constant 64 : index
      %swap3A_57 = tpu.vector_load %arg10[%swap3A_55, %swap3A_56] {strides = array<i32>} : memref<80x128xf32, #tpu.memory_space<vmem>>, vector<1x16xf32>,
      %swap3A_58 = vector.shape_cast %swap3A_57 : vector<1x16xf32> to vector<16xf32>
      %swap3A_59 = vector.shape_cast %broadcast_in_dim3A_3 : vector<16xf32> to vector<1x16xf32>
      tpu.vector_store %arg10[%swap3A_55, %swap3A_56], %swap3A_59 {strides = array<i32>} : memref<80x128xf32, #tpu.memory_space<vmem>>, vector<1x16xf32>,
      %swap3A_60 = arith.index_cast %scan3A_34 : i32 to index
      %swap3A_61 = arith.constant 80 : index
      %swap3A_62 = tpu.vector_load %arg10[%swap3A_60, %swap3A_61] {strides = array<i32>} : memref<80x128xf32, #tpu.memory_space<vmem>>, vector<1x16xf32>,
      %swap3A_63 = vector.shape_cast %swap3A_62 : vector<1x16xf32> to vector<16xf32>
      %swap3A_64 = vector.shape_cast %broadcast_in_dim3A_3 : vector<16xf32> to vector<1x16xf32>
      tpu.vector_store %arg10[%swap3A_60, %swap3A_61], %swap3A_64 {strides = array<i32>} : memref<80x128xf32, #tpu.memory_space<vmem>>, vector<1x16xf32>,
      %swap3A_65 = arith.index_cast %scan3A_34 : i32 to index
      %swap3A_66 = arith.constant 96 : index
      %swap3A_67 = tpu.vector_load %arg10[%swap3A_65, %swap3A_66] {strides = array<i32>} : memref<80x128xf32, #tpu.memory_space<vmem>>, vector<1x16xf32>,
      %swap3A_68 = vector.shape_cast %swap3A_67 : vector<1x16xf32> to vector<16xf32>
      %swap3A_69 = vector.shape_cast %broadcast_in_dim3A_3 : vector<16xf32> to vector<1x16xf32>
      tpu.vector_store %arg10[%swap3A_65, %swap3A_66], %swap3A_69 {strides = array<i32>} : memref<80x128xf32, #tpu.memory_space<vmem>>, vector<1x16xf32>,
      %swap3A_70 = arith.index_cast %scan3A_34 : i32 to index
      %swap3A_71 = arith.constant 112 : index
      %swap3A_72 = tpu.vector_load %arg10[%swap3A_70, %swap3A_71] {strides = array<i32>} : memref<80x128xf32, #tpu.memory_space<vmem>>, vector<1x16xf32>,
      %swap3A_73 = vector.shape_cast %swap3A_72 : vector<1x16xf32> to vector<16xf32>
      %swap3A_74 = vector.shape_cast %broadcast_in_dim3A_3 : vector<16xf32> to vector<1x16xf32>
      tpu.vector_store %arg10[%swap3A_70, %swap3A_71], %swap3A_74 {strides = array<i32>} : memref<80x128xf32, #tpu.memory_space<vmem>>, vector<1x16xf32>,
      %scan3A_75 = arith.constant 0 : i32
      scf.yield %scan3A_75 : i32
    }
    %scan3A_9 = arith.constant 80 : i32
    %add3A_10 = arith.constant 0 : i32
    %add3A_11 = arith.addi %mul3A_2, %add3A_10 : i32
    "tpu.region"() ({
      %run_scoped3A = tpu.sem_alloc : memref<!tpu.dma_semaphore, #tpu.memory_space<semaphore_mem>>
      %dma_start3A = arith.constant 0 : i32
      %dma_start3A_34 = tpu.memref_slice %arg11[%add3A_11, %dma_start3A] : memref<10240x128xf32, #tpu.memory_space<vmem_shared>> -> memref<80x128xf32, #tpu.memory_space<vmem_shared>>
      %dma_start3A_35 = arith.constant 0 : i32
      %dma_start3A_36 = tpu.memref_slice %arg11[%add3A_11, %dma_start3A_35] : memref<10240x128xf32, #tpu.memory_space<vmem_shared>> -> memref<80x128xf32, #tpu.memory_space<vmem_shared>>
      tpu.enqueue_dma source(%arg10 : memref<80x128xf32, #tpu.memory_space<vmem>>) target(%dma_start3A_36 : memref<80x128xf32, #tpu.memory_space<vmem_shared>>) target_semaphore(%run_scoped3A : memref<!tpu.dma_semaphore, #tpu.memory_space<semaphore_mem>>)
      %dma_wait3A = arith.constant 0 : i32
      %dma_wait3A_37 = tpu.memref_slice %arg11[%add3A_11, %dma_wait3A] : memref<10240x128xf32, #tpu.memory_space<vmem_shared>> -> memref<80x128xf32, #tpu.memory_space<vmem_shared>>
      %dma_wait3A_38 = arith.constant 0 : i32
      %dma_wait3A_39 = tpu.memref_slice %arg11[%add3A_11, %dma_wait3A_38] : memref<10240x128xf32, #tpu.memory_space<vmem_shared>> -> memref<80x128xf32, #tpu.memory_space<vmem_shared>>
      tpu.wait_dma2 semaphore(%run_scoped3A : memref<!tpu.dma_semaphore, #tpu.memory_space<semaphore_mem>>) src(%arg10 : memref<80x128xf32, #tpu.memory_space<vmem>>) dst(%dma_wait3A_39 : memref<80x128xf32, #tpu.memory_space<vmem_shared>>)
      tpu.yield
    }) : () -> ()
    %add3A_12 = arith.constant 80 : i32
    %add3A_13 = arith.addi %mul3A_2, %add3A_12 : i32
    "tpu.region"() ({
      %run_scoped3A = tpu.sem_alloc : memref<!tpu.dma_semaphore, #tpu.memory_space<semaphore_mem>>
      %dma_start3A = arith.constant 0 : i32
      %dma_start3A_34 = tpu.memref_slice %arg11[%add3A_13, %dma_start3A] : memref<10240x128xf32, #tpu.memory_space<vmem_shared>> -> memref<80x128xf32, #tpu.memory_space<vmem_shared>>
      %dma_start3A_35 = arith.constant 0 : i32
      %dma_start3A_36 = tpu.memref_slice %arg11[%add3A_13, %dma_start3A_35] : memref<10240x128xf32, #tpu.memory_space<vmem_shared>> -> memref<80x128xf32, #tpu.memory_space<vmem_shared>>
      tpu.enqueue_dma source(%arg10 : memref<80x128xf32, #tpu.memory_space<vmem>>) target(%dma_start3A_36 : memref<80x128xf32, #tpu.memory_space<vmem_shared>>) target_semaphore(%run_scoped3A : memref<!tpu.dma_semaphore, #tpu.memory_space<semaphore_mem>>)
      %dma_wait3A = arith.constant 0 : i32
      %dma_wait3A_37 = tpu.memref_slice %arg11[%add3A_13, %dma_wait3A] : memref<10240x128xf32, #tpu.memory_space<vmem_shared>> -> memref<80x128xf32, #tpu.memory_space<vmem_shared>>
      %dma_wait3A_38 = arith.constant 0 : i32
      %dma_wait3A_39 = tpu.memref_slice %arg11[%add3A_13, %dma_wait3A_38] : memref<10240x128xf32, #tpu.memory_space<vmem_shared>> -> memref<80x128xf32, #tpu.memory_space<vmem_shared>>
      tpu.wait_dma2 semaphore(%run_scoped3A : memref<!tpu.dma_semaphore, #tpu.memory_space<semaphore_mem>>) src(%arg10 : memref<80x128xf32, #tpu.memory_space<vmem>>) dst(%dma_wait3A_39 : memref<80x128xf32, #tpu.memory_space<vmem_shared>>)
      tpu.yield
    }) : () -> ()
    %add3A_14 = arith.constant 160 : i32
    %add3A_15 = arith.addi %mul3A_2, %add3A_14 : i32
    "tpu.region"() ({
      %run_scoped3A = tpu.sem_alloc : memref<!tpu.dma_semaphore, #tpu.memory_space<semaphore_mem>>
      %dma_start3A = arith.constant 0 : i32
      %dma_start3A_34 = tpu.memref_slice %arg11[%add3A_15, %dma_start3A] : memref<10240x128xf32, #tpu.memory_space<vmem_shared>> -> memref<80x128xf32, #tpu.memory_space<vmem_shared>>
      %dma_start3A_35 = arith.constant 0 : i32
      %dma_start3A_36 = tpu.memref_slice %arg11[%add3A_15, %dma_start3A_35] : memref<10240x128xf32, #tpu.memory_space<vmem_shared>> -> memref<80x128xf32, #tpu.memory_space<vmem_shared>>
      tpu.enqueue_dma source(%arg10 : memref<80x128xf32, #tpu.memory_space<vmem>>) target(%dma_start3A_36 : memref<80x128xf32, #tpu.memory_space<vmem_shared>>) target_semaphore(%run_scoped3A : memref<!tpu.dma_semaphore, #tpu.memory_space<semaphore_mem>>)
      %dma_wait3A = arith.constant 0 : i32
      %dma_wait3A_37 = tpu.memref_slice %arg11[%add3A_15, %dma_wait3A] : memref<10240x128xf32, #tpu.memory_space<vmem_shared>> -> memref<80x128xf32, #tpu.memory_space<vmem_shared>>
      %dma_wait3A_38 = arith.constant 0 : i32
      %dma_wait3A_39 = tpu.memref_slice %arg11[%add3A_15, %dma_wait3A_38] : memref<10240x128xf32, #tpu.memory_space<vmem_shared>> -> memref<80x128xf32, #tpu.memory_space<vmem_shared>>
      tpu.wait_dma2 semaphore(%run_scoped3A : memref<!tpu.dma_semaphore, #tpu.memory_space<semaphore_mem>>) src(%arg10 : memref<80x128xf32, #tpu.memory_space<vmem>>) dst(%dma_wait3A_39 : memref<80x128xf32, #tpu.memory_space<vmem_shared>>)
      tpu.yield
    }) : () -> ()
    %add3A_16 = arith.constant 240 : i32
    %add3A_17 = arith.addi %mul3A_2, %add3A_16 : i32
    "tpu.region"() ({
      %run_scoped3A = tpu.sem_alloc : memref<!tpu.dma_semaphore, #tpu.memory_space<semaphore_mem>>
      %dma_start3A = arith.constant 0 : i32
      %dma_start3A_34 = tpu.memref_slice %arg11[%add3A_17, %dma_start3A] : memref<10240x128xf32, #tpu.memory_space<vmem_shared>> -> memref<80x128xf32, #tpu.memory_space<vmem_shared>>
      %dma_start3A_35 = arith.constant 0 : i32
      %dma_start3A_36 = tpu.memref_slice %arg11[%add3A_17, %dma_start3A_35] : memref<10240x128xf32, #tpu.memory_space<vmem_shared>> -> memref<80x128xf32, #tpu.memory_space<vmem_shared>>
      tpu.enqueue_dma source(%arg10 : memref<80x128xf32, #tpu.memory_space<vmem>>) target(%dma_start3A_36 : memref<80x128xf32, #tpu.memory_space<vmem_shared>>) target_semaphore(%run_scoped3A : memref<!tpu.dma_semaphore, #tpu.memory_space<semaphore_mem>>)
      %dma_wait3A = arith.constant 0 : i32
      %dma_wait3A_37 = tpu.memref_slice %arg11[%add3A_17, %dma_wait3A] : memref<10240x128xf32, #tpu.memory_space<vmem_shared>> -> memref<80x128xf32, #tpu.memory_space<vmem_shared>>
      %dma_wait3A_38 = arith.constant 0 : i32
      %dma_wait3A_39 = tpu.memref_slice %arg11[%add3A_17, %dma_wait3A_38] : memref<10240x128xf32, #tpu.memory_space<vmem_shared>> -> memref<80x128xf32, #tpu.memory_space<vmem_shared>>
      tpu.wait_dma2 semaphore(%run_scoped3A : memref<!tpu.dma_semaphore, #tpu.memory_space<semaphore_mem>>) src(%arg10 : memref<80x128xf32, #tpu.memory_space<vmem>>) dst(%dma_wait3A_39 : memref<80x128xf32, #tpu.memory_space<vmem_shared>>)
      tpu.yield
    }) : () -> ()
    %add3A_18 = arith.constant 320 : i32
    %add3A_19 = arith.addi %mul3A_2, %add3A_18 : i32
    "tpu.region"() ({
      %run_scoped3A = tpu.sem_alloc : memref<!tpu.dma_semaphore, #tpu.memory_space<semaphore_mem>>
      %dma_start3A = arith.constant 0 : i32
      %dma_start3A_34 = tpu.memref_slice %arg11[%add3A_19, %dma_start3A] : memref<10240x128xf32, #tpu.memory_space<vmem_shared>> -> memref<80x128xf32, #tpu.memory_space<vmem_shared>>
      %dma_start3A_35 = arith.constant 0 : i32
      %dma_start3A_36 = tpu.memref_slice %arg11[%add3A_19, %dma_start3A_35] : memref<10240x128xf32, #tpu.memory_space<vmem_shared>> -> memref<80x128xf32, #tpu.memory_space<vmem_shared>>
      tpu.enqueue_dma source(%arg10 : memref<80x128xf32, #tpu.memory_space<vmem>>) target(%dma_start3A_36 : memref<80x128xf32, #tpu.memory_space<vmem_shared>>) target_semaphore(%run_scoped3A : memref<!tpu.dma_semaphore, #tpu.memory_space<semaphore_mem>>)
      %dma_wait3A = arith.constant 0 : i32
      %dma_wait3A_37 = tpu.memref_slice %arg11[%add3A_19, %dma_wait3A] : memref<10240x128xf32, #tpu.memory_space<vmem_shared>> -> memref<80x128xf32, #tpu.memory_space<vmem_shared>>
      %dma_wait3A_38 = arith.constant 0 : i32
      %dma_wait3A_39 = tpu.memref_slice %arg11[%add3A_19, %dma_wait3A_38] : memref<10240x128xf32, #tpu.memory_space<vmem_shared>> -> memref<80x128xf32, #tpu.memory_space<vmem_shared>>
      tpu.wait_dma2 semaphore(%run_scoped3A : memref<!tpu.dma_semaphore, #tpu.memory_space<semaphore_mem>>) src(%arg10 : memref<80x128xf32, #tpu.memory_space<vmem>>) dst(%dma_wait3A_39 : memref<80x128xf32, #tpu.memory_space<vmem_shared>>)
      tpu.yield
    }) : () -> ()
    %add3A_20 = arith.constant 400 : i32
    %add3A_21 = arith.addi %mul3A_2, %add3A_20 : i32
    "tpu.region"() ({
      %run_scoped3A = tpu.sem_alloc : memref<!tpu.dma_semaphore, #tpu.memory_space<semaphore_mem>>
      %dma_start3A = arith.constant 0 : i32
      %dma_start3A_34 = tpu.memref_slice %arg11[%add3A_21, %dma_start3A] : memref<10240x128xf32, #tpu.memory_space<vmem_shared>> -> memref<80x128xf32, #tpu.memory_space<vmem_shared>>
      %dma_start3A_35 = arith.constant 0 : i32
      %dma_start3A_36 = tpu.memref_slice %arg11[%add3A_21, %dma_start3A_35] : memref<10240x128xf32, #tpu.memory_space<vmem_shared>> -> memref<80x128xf32, #tpu.memory_space<vmem_shared>>
      tpu.enqueue_dma source(%arg10 : memref<80x128xf32, #tpu.memory_space<vmem>>) target(%dma_start3A_36 : memref<80x128xf32, #tpu.memory_space<vmem_shared>>) target_semaphore(%run_scoped3A : memref<!tpu.dma_semaphore, #tpu.memory_space<semaphore_mem>>)
      %dma_wait3A = arith.constant 0 : i32
      %dma_wait3A_37 = tpu.memref_slice %arg11[%add3A_21, %dma_wait3A] : memref<10240x128xf32, #tpu.memory_space<vmem_shared>> -> memref<80x128xf32, #tpu.memory_space<vmem_shared>>
      %dma_wait3A_38 = arith.constant 0 : i32
      %dma_wait3A_39 = tpu.memref_slice %arg11[%add3A_21, %dma_wait3A_38] : memref<10240x128xf32, #tpu.memory_space<vmem_shared>> -> memref<80x128xf32, #tpu.memory_space<vmem_shared>>
      tpu.wait_dma2 semaphore(%run_scoped3A : memref<!tpu.dma_semaphore, #tpu.memory_space<semaphore_mem>>) src(%arg10 : memref<80x128xf32, #tpu.memory_space<vmem>>) dst(%dma_wait3A_39 : memref<80x128xf32, #tpu.memory_space<vmem_shared>>)
      tpu.yield
    }) : () -> ()
    %add3A_22 = arith.constant 480 : i32
    %add3A_23 = arith.addi %mul3A_2, %add3A_22 : i32
    "tpu.region"() ({
      %run_scoped3A = tpu.sem_alloc : memref<!tpu.dma_semaphore, #tpu.memory_space<semaphore_mem>>
      %dma_start3A = arith.constant 0 : i32
      %dma_start3A_34 = tpu.memref_slice %arg11[%add3A_23, %dma_start3A] : memref<10240x128xf32, #tpu.memory_space<vmem_shared>> -> memref<80x128xf32, #tpu.memory_space<vmem_shared>>
      %dma_start3A_35 = arith.constant 0 : i32
      %dma_start3A_36 = tpu.memref_slice %arg11[%add3A_23, %dma_start3A_35] : memref<10240x128xf32, #tpu.memory_space<vmem_shared>> -> memref<80x128xf32, #tpu.memory_space<vmem_shared>>
      tpu.enqueue_dma source(%arg10 : memref<80x128xf32, #tpu.memory_space<vmem>>) target(%dma_start3A_36 : memref<80x128xf32, #tpu.memory_space<vmem_shared>>) target_semaphore(%run_scoped3A : memref<!tpu.dma_semaphore, #tpu.memory_space<semaphore_mem>>)
      %dma_wait3A = arith.constant 0 : i32
      %dma_wait3A_37 = tpu.memref_slice %arg11[%add3A_23, %dma_wait3A] : memref<10240x128xf32, #tpu.memory_space<vmem_shared>> -> memref<80x128xf32, #tpu.memory_space<vmem_shared>>
      %dma_wait3A_38 = arith.constant 0 : i32
      %dma_wait3A_39 = tpu.memref_slice %arg11[%add3A_23, %dma_wait3A_38] : memref<10240x128xf32, #tpu.memory_space<vmem_shared>> -> memref<80x128xf32, #tpu.memory_space<vmem_shared>>
      tpu.wait_dma2 semaphore(%run_scoped3A : memref<!tpu.dma_semaphore, #tpu.memory_space<semaphore_mem>>) src(%arg10 : memref<80x128xf32, #tpu.memory_space<vmem>>) dst(%dma_wait3A_39 : memref<80x128xf32, #tpu.memory_space<vmem_shared>>)
      tpu.yield
    }) : () -> ()
    %add3A_24 = arith.constant 560 : i32
    %add3A_25 = arith.addi %mul3A_2, %add3A_24 : i32
    "tpu.region"() ({
      %run_scoped3A = tpu.sem_alloc : memref<!tpu.dma_semaphore, #tpu.memory_space<semaphore_mem>>
      %dma_start3A = arith.constant 0 : i32
      %dma_start3A_34 = tpu.memref_slice %arg11[%add3A_25, %dma_start3A] : memref<10240x128xf32, #tpu.memory_space<vmem_shared>> -> memref<80x128xf32, #tpu.memory_space<vmem_shared>>
      %dma_start3A_35 = arith.constant 0 : i32
      %dma_start3A_36 = tpu.memref_slice %arg11[%add3A_25, %dma_start3A_35] : memref<10240x128xf32, #tpu.memory_space<vmem_shared>> -> memref<80x128xf32, #tpu.memory_space<vmem_shared>>
      tpu.enqueue_dma source(%arg10 : memref<80x128xf32, #tpu.memory_space<vmem>>) target(%dma_start3A_36 : memref<80x128xf32, #tpu.memory_space<vmem_shared>>) target_semaphore(%run_scoped3A : memref<!tpu.dma_semaphore, #tpu.memory_space<semaphore_mem>>)
      %dma_wait3A = arith.constant 0 : i32
      %dma_wait3A_37 = tpu.memref_slice %arg11[%add3A_25, %dma_wait3A] : memref<10240x128xf32, #tpu.memory_space<vmem_shared>> -> memref<80x128xf32, #tpu.memory_space<vmem_shared>>
      %dma_wait3A_38 = arith.constant 0 : i32
      %dma_wait3A_39 = tpu.memref_slice %arg11[%add3A_25, %dma_wait3A_38] : memref<10240x128xf32, #tpu.memory_space<vmem_shared>> -> memref<80x128xf32, #tpu.memory_space<vmem_shared>>
      tpu.wait_dma2 semaphore(%run_scoped3A : memref<!tpu.dma_semaphore, #tpu.memory_space<semaphore_mem>>) src(%arg10 : memref<80x128xf32, #tpu.memory_space<vmem>>) dst(%dma_wait3A_39 : memref<80x128xf32, #tpu.memory_space<vmem_shared>>)
      tpu.yield
    }) : () -> ()
    %barrier3A = arith.constant 0 : index
    tpu.barrier barrier_id(%barrier3A)
    %scan3A_26 = arith.constant 0 : i32
    %scan3A_27 = arith.constant 0 : i32
    %scan3A_28 = arith.constant 125 : i32
    %scan3A_29 = arith.addi %scan3A_27, %scan3A_28 : i32
    %scan3A_30 = arith.constant 1 : i32
    %scan3A_31 = scf.for %scan3A_34 = %scan3A_27 to %scan3A_29 step %scan3A_30 iter_args(%scan3A_35 = %scan3A_26) -> (i32)  : i32 {
      %mul3A_36 = arith.constant 10000 : i32
      %mul3A_37 = arith.muli %add3A, %mul3A_36 : i32
      %mul3A_38 = arith.constant 80 : i32
      %mul3A_39 = arith.muli %scan3A_34, %mul3A_38 : i32
      %add3A_40 = arith.addi %mul3A_37, %mul3A_39 : i32
      "tpu.region"() ({
        %run_scoped3A = tpu.sem_alloc : memref<!tpu.dma_semaphore, #tpu.memory_space<semaphore_mem>>
        %dma_start3A_59 = tpu.memref_slice %arg2[%add3A_40] : memref<320000xi32, #tpu.memory_space<hbm>> -> memref<80xi32, #tpu.memory_space<hbm>>
        %dma_start3A_60 = tpu.memref_slice %arg2[%add3A_40] : memref<320000xi32, #tpu.memory_space<hbm>> -> memref<80xi32, #tpu.memory_space<hbm>>
        tpu.enqueue_dma source(%dma_start3A_60 : memref<80xi32, #tpu.memory_space<hbm>>) target(%arg6 : memref<80xi32, #tpu.memory_space<vmem>>) target_semaphore(%run_scoped3A : memref<!tpu.dma_semaphore, #tpu.memory_space<semaphore_mem>>)
        %dma_wait3A_61 = tpu.memref_slice %arg2[%add3A_40] : memref<320000xi32, #tpu.memory_space<hbm>> -> memref<80xi32, #tpu.memory_space<hbm>>
        %dma_wait3A_62 = tpu.memref_slice %arg2[%add3A_40] : memref<320000xi32, #tpu.memory_space<hbm>> -> memref<80xi32, #tpu.memory_space<hbm>>
        tpu.wait_dma2 semaphore(%run_scoped3A : memref<!tpu.dma_semaphore, #tpu.memory_space<semaphore_mem>>) src(%dma_wait3A_62 : memref<80xi32, #tpu.memory_space<hbm>>) dst(%arg6 : memref<80xi32, #tpu.memory_space<vmem>>)
        tpu.yield
      }) : () -> ()
      "tpu.region"() ({
        %run_scoped3A = tpu.sem_alloc : memref<!tpu.dma_semaphore, #tpu.memory_space<semaphore_mem>>
        %dma_start3A_59 = tpu.memref_slice %arg3[%add3A_40] : memref<320000xi32, #tpu.memory_space<hbm>> -> memref<80xi32, #tpu.memory_space<hbm>>
        %dma_start3A_60 = tpu.memref_slice %arg3[%add3A_40] : memref<320000xi32, #tpu.memory_space<hbm>> -> memref<80xi32, #tpu.memory_space<hbm>>
        tpu.enqueue_dma source(%dma_start3A_60 : memref<80xi32, #tpu.memory_space<hbm>>) target(%arg7 : memref<80xi32, #tpu.memory_space<vmem>>) target_semaphore(%run_scoped3A : memref<!tpu.dma_semaphore, #tpu.memory_space<semaphore_mem>>)
        %dma_wait3A_61 = tpu.memref_slice %arg3[%add3A_40] : memref<320000xi32, #tpu.memory_space<hbm>> -> memref<80xi32, #tpu.memory_space<hbm>>
        %dma_wait3A_62 = tpu.memref_slice %arg3[%add3A_40] : memref<320000xi32, #tpu.memory_space<hbm>> -> memref<80xi32, #tpu.memory_space<hbm>>
        tpu.wait_dma2 semaphore(%run_scoped3A : memref<!tpu.dma_semaphore, #tpu.memory_space<semaphore_mem>>) src(%dma_wait3A_62 : memref<80xi32, #tpu.memory_space<hbm>>) dst(%arg7 : memref<80xi32, #tpu.memory_space<vmem>>)
        tpu.yield
      }) : () -> ()
      %dma_start3A = arith.constant 0 : i32
      %dma_start3A_41 = arith.constant 0 : i32
      %dma_start3A_42 = tpu.memref_slice %arg4[%dma_start3A, %dma_start3A_41] : memref<10240x128xf32, #tpu.memory_space<hbm>> -> memref<10240x128xf32, #tpu.memory_space<hbm>>
      tpu.enqueue_indirect_dma source(%dma_start3A_42 : memref<10240x128xf32, #tpu.memory_space<hbm>>) target(%arg8 : memref<80x128xf32, #tpu.memory_space<vmem>>) offsets(%arg6 : memref<80xi32, #tpu.memory_space<vmem>>) semaphore(%arg12 : memref<!tpu.dma_semaphore, #tpu.memory_space<semaphore_mem>>)
      %dma_start3A_43 = arith.constant 0 : i32
      %dma_start3A_44 = arith.constant 0 : i32
      %dma_start3A_45 = tpu.memref_slice %arg4[%dma_start3A_43, %dma_start3A_44] : memref<10240x128xf32, #tpu.memory_space<hbm>> -> memref<10240x128xf32, #tpu.memory_space<hbm>>
      tpu.enqueue_indirect_dma source(%dma_start3A_45 : memref<10240x128xf32, #tpu.memory_space<hbm>>) target(%arg9 : memref<80x128xf32, #tpu.memory_space<vmem>>) offsets(%arg7 : memref<80xi32, #tpu.memory_space<vmem>>) semaphore(%arg13 : memref<!tpu.dma_semaphore, #tpu.memory_space<semaphore_mem>>)
      %dma_wait3A = arith.constant 0 : i32
      %dma_wait3A_46 = arith.constant 0 : i32
      %dma_wait3A_47 = tpu.memref_slice %arg4[%dma_wait3A, %dma_wait3A_46] : memref<10240x128xf32, #tpu.memory_space<hbm>> -> memref<10240x128xf32, #tpu.memory_space<hbm>>
      tpu.wait_indirect_dma semaphore(%arg12 : memref<!tpu.dma_semaphore, #tpu.memory_space<semaphore_mem>>) src(%dma_wait3A_47 : memref<10240x128xf32, #tpu.memory_space<hbm>>) dst(%arg8 : memref<80x128xf32, #tpu.memory_space<vmem>>)
      %dma_wait3A_48 = arith.constant 0 : i32
      %dma_wait3A_49 = arith.constant 0 : i32
      %dma_wait3A_50 = tpu.memref_slice %arg4[%dma_wait3A_48, %dma_wait3A_49] : memref<10240x128xf32, #tpu.memory_space<hbm>> -> memref<10240x128xf32, #tpu.memory_space<hbm>>
      tpu.wait_indirect_dma semaphore(%arg13 : memref<!tpu.dma_semaphore, #tpu.memory_space<semaphore_mem>>) src(%dma_wait3A_50 : memref<10240x128xf32, #tpu.memory_space<hbm>>) dst(%arg9 : memref<80x128xf32, #tpu.memory_space<vmem>>)
      %scan3A_51 = arith.constant 0 : i32
      %scan3A_52 = arith.constant 0 : i32
      %scan3A_53 = arith.constant 80 : i32
      %scan3A_54 = arith.addi %scan3A_52, %scan3A_53 : i32
      %scan3A_55 = arith.constant 1 : i32
      %scan3A_56 = scf.for %scan3A_59 = %scan3A_52 to %scan3A_54 step %scan3A_55 iter_args(%scan3A_60 = %scan3A_51) -> (i32)  : i32 {
        %get3A = arith.index_cast %scan3A_59 : i32 to index
        %get3A_61 = arith.constant 32 : index
        %get3A_62 = tpu.vector_load %arg8[%get3A, %get3A_61] {strides = array<i32>} : memref<80x128xf32, #tpu.memory_space<vmem>>, vector<1x16xf32>,
        %get3A_63 = vector.shape_cast %get3A_62 : vector<1x16xf32> to vector<16xf32>
        %get3A_64 = arith.index_cast %scan3A_59 : i32 to index
        %get3A_65 = arith.constant 48 : index
        %get3A_66 = tpu.vector_load %arg9[%get3A_64, %get3A_65] {strides = array<i32>} : memref<80x128xf32, #tpu.memory_space<vmem>>, vector<1x16xf32>,
        %get3A_67 = vector.shape_cast %get3A_66 : vector<1x16xf32> to vector<16xf32>
        %add3A_68 = arith.addf %get3A_63, %get3A_67 : vector<16xf32>
        %mul3A_69 = arith.constant -6.000000e+00 : f32
        %mul3A_70 = vector.broadcast %mul3A_69 : f32 to vector<16xf32>
        %mul3A_71 = arith.mulf %mul3A_70, %add3A_68 : vector<16xf32>
        %exp3A = math.exp %mul3A_71 : vector<16xf32>
        %add3A_72 = arith.constant 1.000000e+00 : f32
        %add3A_73 = vector.broadcast %add3A_72 : f32 to vector<16xf32>
        %add3A_74 = arith.addf %add3A_73, %exp3A : vector<16xf32>
        %div3A = arith.constant 1.000000e+00 : f32
        %div3A_75 = vector.broadcast %div3A : f32 to vector<16xf32>
        %div3A_76 = arith.divf %div3A_75, %add3A_74 : vector<16xf32>
        %get3A_77 = arith.index_cast %scan3A_59 : i32 to index
        %get3A_78 = arith.constant 0 : index
        %get3A_79 = tpu.vector_load %arg8[%get3A_77, %get3A_78] {strides = array<i32>} : memref<80x128xf32, #tpu.memory_space<vmem>>, vector<1x16xf32>,
        %get3A_80 = vector.shape_cast %get3A_79 : vector<1x16xf32> to vector<16xf32>
        %get3A_81 = arith.index_cast %scan3A_59 : i32 to index
        %get3A_82 = arith.constant 16 : index
        %get3A_83 = tpu.vector_load %arg8[%get3A_81, %get3A_82] {strides = array<i32>} : memref<80x128xf32, #tpu.memory_space<vmem>>, vector<1x16xf32>,
        %get3A_84 = vector.shape_cast %get3A_83 : vector<1x16xf32> to vector<16xf32>
        %slice3A = vector.extract_strided_slice %div3A_76 {offsets = [0], sizes = [1], strides = [1]} : vector<16xf32> to vector<1xf32>
        %squeeze3A = vector.extract %slice3A[0] : f32 from vector<1xf32>
        %mul3A_85 = vector.broadcast %squeeze3A : f32 to vector<16xf32>
        %mul3A_86 = arith.mulf %get3A_80, %mul3A_85 : vector<16xf32>
        %swap3A = arith.index_cast %scan3A_59 : i32 to index
        %swap3A_87 = arith.constant 0 : index
        %swap3A_88 = tpu.vector_load %arg10[%swap3A, %swap3A_87] {strides = array<i32>} : memref<80x128xf32, #tpu.memory_space<vmem>>, vector<1x16xf32>,
        %swap3A_89 = vector.shape_cast %swap3A_88 : vector<1x16xf32> to vector<16xf32>
        %swap3A_90 = vector.shape_cast %mul3A_86 : vector<16xf32> to vector<1x16xf32>
        tpu.vector_store %arg10[%swap3A, %swap3A_87], %swap3A_90 {strides = array<i32>} : memref<80x128xf32, #tpu.memory_space<vmem>>, vector<1x16xf32>,
        %mul3A_91 = vector.broadcast %squeeze3A : f32 to vector<16xf32>
        %mul3A_92 = arith.mulf %get3A_84, %mul3A_91 : vector<16xf32>
        %swap3A_93 = arith.index_cast %scan3A_59 : i32 to index
        %swap3A_94 = arith.constant 16 : index
        %swap3A_95 = tpu.vector_load %arg10[%swap3A_93, %swap3A_94] {strides = array<i32>} : memref<80x128xf32, #tpu.memory_space<vmem>>, vector<1x16xf32>,
        %swap3A_96 = vector.shape_cast %swap3A_95 : vector<1x16xf32> to vector<16xf32>
        %swap3A_97 = vector.shape_cast %mul3A_92 : vector<16xf32> to vector<1x16xf32>
        tpu.vector_store %arg10[%swap3A_93, %swap3A_94], %swap3A_97 {strides = array<i32>} : memref<80x128xf32, #tpu.memory_space<vmem>>, vector<1x16xf32>,
        %slice3A_98 = vector.extract_strided_slice %div3A_76 {offsets = [1], sizes = [1], strides = [1]} : vector<16xf32> to vector<1xf32>
        %squeeze3A_99 = vector.extract %slice3A_98[0] : f32 from vector<1xf32>
        %mul3A_100 = vector.broadcast %squeeze3A_99 : f32 to vector<16xf32>
        %mul3A_101 = arith.mulf %get3A_80, %mul3A_100 : vector<16xf32>
        %swap3A_102 = arith.index_cast %scan3A_59 : i32 to index
        %swap3A_103 = arith.constant 32 : index
        %swap3A_104 = tpu.vector_load %arg10[%swap3A_102, %swap3A_103] {strides = array<i32>} : memref<80x128xf32, #tpu.memory_space<vmem>>, vector<1x16xf32>,
        %swap3A_105 = vector.shape_cast %swap3A_104 : vector<1x16xf32> to vector<16xf32>
        %swap3A_106 = vector.shape_cast %mul3A_101 : vector<16xf32> to vector<1x16xf32>
        tpu.vector_store %arg10[%swap3A_102, %swap3A_103], %swap3A_106 {strides = array<i32>} : memref<80x128xf32, #tpu.memory_space<vmem>>, vector<1x16xf32>,
        %mul3A_107 = vector.broadcast %squeeze3A_99 : f32 to vector<16xf32>
        %mul3A_108 = arith.mulf %get3A_84, %mul3A_107 : vector<16xf32>
        %swap3A_109 = arith.index_cast %scan3A_59 : i32 to index
        %swap3A_110 = arith.constant 48 : index
        %swap3A_111 = tpu.vector_load %arg10[%swap3A_109, %swap3A_110] {strides = array<i32>} : memref<80x128xf32, #tpu.memory_space<vmem>>, vector<1x16xf32>,
        %swap3A_112 = vector.shape_cast %swap3A_111 : vector<1x16xf32> to vector<16xf32>
        %swap3A_113 = vector.shape_cast %mul3A_108 : vector<16xf32> to vector<1x16xf32>
        tpu.vector_store %arg10[%swap3A_109, %swap3A_110], %swap3A_113 {strides = array<i32>} : memref<80x128xf32, #tpu.memory_space<vmem>>, vector<1x16xf32>,
        %slice3A_114 = vector.extract_strided_slice %div3A_76 {offsets = [2], sizes = [1], strides = [1]} : vector<16xf32> to vector<1xf32>
        %squeeze3A_115 = vector.extract %slice3A_114[0] : f32 from vector<1xf32>
        %mul3A_116 = vector.broadcast %squeeze3A_115 : f32 to vector<16xf32>
        %mul3A_117 = arith.mulf %get3A_80, %mul3A_116 : vector<16xf32>
        %swap3A_118 = arith.index_cast %scan3A_59 : i32 to index
        %swap3A_119 = arith.constant 64 : index
        %swap3A_120 = tpu.vector_load %arg10[%swap3A_118, %swap3A_119] {strides = array<i32>} : memref<80x128xf32, #tpu.memory_space<vmem>>, vector<1x16xf32>,
        %swap3A_121 = vector.shape_cast %swap3A_120 : vector<1x16xf32> to vector<16xf32>
        %swap3A_122 = vector.shape_cast %mul3A_117 : vector<16xf32> to vector<1x16xf32>
        tpu.vector_store %arg10[%swap3A_118, %swap3A_119], %swap3A_122 {strides = array<i32>} : memref<80x128xf32, #tpu.memory_space<vmem>>, vector<1x16xf32>,
        %mul3A_123 = vector.broadcast %squeeze3A_115 : f32 to vector<16xf32>
        %mul3A_124 = arith.mulf %get3A_84, %mul3A_123 : vector<16xf32>
        %swap3A_125 = arith.index_cast %scan3A_59 : i32 to index
        %swap3A_126 = arith.constant 80 : index
        %swap3A_127 = tpu.vector_load %arg10[%swap3A_125, %swap3A_126] {strides = array<i32>} : memref<80x128xf32, #tpu.memory_space<vmem>>, vector<1x16xf32>,
        %swap3A_128 = vector.shape_cast %swap3A_127 : vector<1x16xf32> to vector<16xf32>
        %swap3A_129 = vector.shape_cast %mul3A_124 : vector<16xf32> to vector<1x16xf32>
        tpu.vector_store %arg10[%swap3A_125, %swap3A_126], %swap3A_129 {strides = array<i32>} : memref<80x128xf32, #tpu.memory_space<vmem>>, vector<1x16xf32>,
        %slice3A_130 = vector.extract_strided_slice %div3A_76 {offsets = [3], sizes = [1], strides = [1]} : vector<16xf32> to vector<1xf32>
        %squeeze3A_131 = vector.extract %slice3A_130[0] : f32 from vector<1xf32>
        %mul3A_132 = vector.broadcast %squeeze3A_131 : f32 to vector<16xf32>
        %mul3A_133 = arith.mulf %get3A_80, %mul3A_132 : vector<16xf32>
        %swap3A_134 = arith.index_cast %scan3A_59 : i32 to index
        %swap3A_135 = arith.constant 96 : index
        %swap3A_136 = tpu.vector_load %arg10[%swap3A_134, %swap3A_135] {strides = array<i32>} : memref<80x128xf32, #tpu.memory_space<vmem>>, vector<1x16xf32>,
        %swap3A_137 = vector.shape_cast %swap3A_136 : vector<1x16xf32> to vector<16xf32>
        %swap3A_138 = vector.shape_cast %mul3A_133 : vector<16xf32> to vector<1x16xf32>
        tpu.vector_store %arg10[%swap3A_134, %swap3A_135], %swap3A_138 {strides = array<i32>} : memref<80x128xf32, #tpu.memory_space<vmem>>, vector<1x16xf32>,
        %mul3A_139 = vector.broadcast %squeeze3A_131 : f32 to vector<16xf32>
        %mul3A_140 = arith.mulf %get3A_84, %mul3A_139 : vector<16xf32>
        %swap3A_141 = arith.index_cast %scan3A_59 : i32 to index
        %swap3A_142 = arith.constant 112 : index
        %swap3A_143 = tpu.vector_load %arg10[%swap3A_141, %swap3A_142] {strides = array<i32>} : memref<80x128xf32, #tpu.memory_space<vmem>>, vector<1x16xf32>,
        %swap3A_144 = vector.shape_cast %swap3A_143 : vector<1x16xf32> to vector<16xf32>
        %swap3A_145 = vector.shape_cast %mul3A_140 : vector<16xf32> to vector<1x16xf32>
        tpu.vector_store %arg10[%swap3A_141, %swap3A_142], %swap3A_145 {strides = array<i32>} : memref<80x128xf32, #tpu.memory_space<vmem>>, vector<1x16xf32>,
        %scan3A_146 = arith.constant 0 : i32
        scf.yield %scan3A_146 : i32
      }
      %scan3A_57 = arith.constant 80 : i32
      "tpu.region"() ({
        %run_scoped3A = tpu.sem_alloc : memref<!tpu.dma_semaphore, #tpu.memory_space<semaphore_mem>>
        %dma_start3A_59 = arith.constant 0 : i32
        %dma_start3A_60 = arith.constant 0 : i32
        %dma_start3A_61 = tpu.memref_slice %arg11[%dma_start3A_59, %dma_start3A_60] : memref<10240x128xf32, #tpu.memory_space<vmem_shared>> -> memref<10240x128xf32, #tpu.memory_space<vmem_shared>>
        tpu.enqueue_indirect_dma source(%arg10 : memref<80x128xf32, #tpu.memory_space<vmem>>) target(%dma_start3A_61 : memref<10240x128xf32, #tpu.memory_space<vmem_shared>>) offsets(%arg7 : memref<80xi32, #tpu.memory_space<vmem>>) semaphore(%run_scoped3A : memref<!tpu.dma_semaphore, #tpu.memory_space<semaphore_mem>>) {add = true}
        %dma_wait3A_62 = arith.constant 0 : i32
        %dma_wait3A_63 = arith.constant 0 : i32
        %dma_wait3A_64 = tpu.memref_slice %arg11[%dma_wait3A_62, %dma_wait3A_63] : memref<10240x128xf32, #tpu.memory_space<vmem_shared>> -> memref<10240x128xf32, #tpu.memory_space<vmem_shared>>
        tpu.wait_indirect_dma semaphore(%run_scoped3A : memref<!tpu.dma_semaphore, #tpu.memory_space<semaphore_mem>>) src(%arg10 : memref<80x128xf32, #tpu.memory_space<vmem>>) dst(%dma_wait3A_64 : memref<10240x128xf32, #tpu.memory_space<vmem_shared>>)
        tpu.yield
      }) : () -> ()
      %scan3A_58 = arith.constant 0 : i32
      scf.yield %scan3A_58 : i32
    }
    %scan3A_32 = arith.constant 125 : i32
    %barrier3A_33 = arith.constant 0 : index
    tpu.barrier barrier_id(%barrier3A_33)
    "tpu.region"() ({
      %run_scoped3A = tpu.sem_alloc : memref<!tpu.dma_semaphore, #tpu.memory_space<semaphore_mem>>
      %dma_start3A = arith.constant 0 : i32
      %dma_start3A_34 = tpu.memref_slice %arg5[%arg0, %mul3A_2, %dma_start3A] : memref<2x10240x128xf32, #tpu.memory_space<hbm>> -> memref<1x640x128xf32, #tpu.memory_space<hbm>>
      %dma_start3A_35 = tpu.memref_squeeze %dma_start3A_34 : memref<1x640x128xf32, #tpu.memory_space<hbm>> -> memref<640x128xf32, #tpu.memory_space<hbm>>
      %dma_start3A_36 = arith.constant 0 : i32
      %dma_start3A_37 = tpu.memref_slice %arg11[%mul3A_2, %dma_start3A_36] : memref<10240x128xf32, #tpu.memory_space<vmem_shared>> -> memref<640x128xf32, #tpu.memory_space<vmem_shared>>
      tpu.enqueue_dma source(%dma_start3A_37 : memref<640x128xf32, #tpu.memory_space<vmem_shared>>) target(%dma_start3A_35 : memref<640x128xf32, #tpu.memory_space<hbm>>) target_semaphore(%run_scoped3A : memref<!tpu.dma_semaphore, #tpu.memory_space<semaphore_mem>>)
      %dma_wait3A = arith.constant 0 : i32
      %dma_wait3A_38 = tpu.memref_slice %arg5[%arg0, %mul3A_2, %dma_wait3A] : memref<2x10240x128xf32, #tpu.memory_space<hbm>> -> memref<1x640x128xf32, #tpu.memory_space<hbm>>
      %dma_wait3A_39 = tpu.memref_squeeze %dma_wait3A_38 : memref<1x640x128xf32, #tpu.memory_space<hbm>> -> memref<640x128xf32, #tpu.memory_space<hbm>>
      %dma_wait3A_40 = arith.constant 0 : i32
      %dma_wait3A_41 = tpu.memref_slice %arg11[%mul3A_2, %dma_wait3A_40] : memref<10240x128xf32, #tpu.memory_space<vmem_shared>> -> memref<640x128xf32, #tpu.memory_space<vmem_shared>>
      tpu.wait_dma2 semaphore(%run_scoped3A : memref<!tpu.dma_semaphore, #tpu.memory_space<semaphore_mem>>) src(%dma_wait3A_41 : memref<640x128xf32, #tpu.memory_space<vmem_shared>>) dst(%dma_wait3A_39 : memref<640x128xf32, #tpu.memory_space<hbm>>)
      tpu.yield
    }) : () -> ()
    return
  }
}

#map = affine_map<(d0, d1) -> (0)>
#map1 = affine_map<(d0, d1) -> (0, 0, 0)>
module attributes {stable_mosaic.version = 14 : i64} {
  func.func @_deg_body(%arg0: i32, %arg1: i32, %arg2: memref<320000xi32, #tpu.memory_space<hbm>>, %arg3: memref<2x10240x128xf32, #tpu.memory_space<hbm>>, %arg4: memref<80xi32, #tpu.memory_space<vmem>>, %arg5: memref<80x128xf32, #tpu.memory_space<vmem>>, %arg6: memref<10240x128xf32, #tpu.memory_space<vmem_shared>>, %arg7: memref<!tpu.dma_semaphore, #tpu.memory_space<semaphore_mem>>) attributes {dimension_semantics = [#tpu.dimension_semantics<core_parallel>, #tpu.dimension_semantics<subcore_parallel>], iteration_bounds = array<i64: 2, 16>, scalar_prefetch = 0 : i64, scratch_operands = 4 : i64, tpu.core_type = #tpu.core_type<sc_vector_subcore>, window_params = [{transform_indices = #map}, {transform_indices = #map1}]} {
    %mul3A = arith.constant 16 : i32
    %mul3A_0 = arith.muli %arg0, %mul3A : i32
    %add3A = arith.addi %mul3A_0, %arg1 : i32
    %broadcast_in_dim3A = arith.constant 0.000000e+00 : f32
    %broadcast_in_dim3A_1 = vector.broadcast %broadcast_in_dim3A : f32 to vector<16xf32>
    %scan3A = arith.constant 0 : i32
    %scan3A_2 = arith.constant 0 : i32
    %scan3A_3 = arith.constant 80 : i32
    %scan3A_4 = arith.addi %scan3A_2, %scan3A_3 : i32
    %scan3A_5 = arith.constant 1 : i32
    %scan3A_6 = scf.for %scan3A_43 = %scan3A_2 to %scan3A_4 step %scan3A_5 iter_args(%scan3A_44 = %scan3A) -> (i32)  : i32 {
      %swap3A = arith.index_cast %scan3A_43 : i32 to index
      %swap3A_45 = arith.constant 0 : index
      %swap3A_46 = tpu.vector_load %arg5[%swap3A, %swap3A_45] {strides = array<i32>} : memref<80x128xf32, #tpu.memory_space<vmem>>, vector<1x16xf32>,
      %swap3A_47 = vector.shape_cast %swap3A_46 : vector<1x16xf32> to vector<16xf32>
      %swap3A_48 = vector.shape_cast %broadcast_in_dim3A_1 : vector<16xf32> to vector<1x16xf32>
      tpu.vector_store %arg5[%swap3A, %swap3A_45], %swap3A_48 {strides = array<i32>} : memref<80x128xf32, #tpu.memory_space<vmem>>, vector<1x16xf32>,
      %swap3A_49 = arith.index_cast %scan3A_43 : i32 to index
      %swap3A_50 = arith.constant 16 : index
      %swap3A_51 = tpu.vector_load %arg5[%swap3A_49, %swap3A_50] {strides = array<i32>} : memref<80x128xf32, #tpu.memory_space<vmem>>, vector<1x16xf32>,
      %swap3A_52 = vector.shape_cast %swap3A_51 : vector<1x16xf32> to vector<16xf32>
      %swap3A_53 = vector.shape_cast %broadcast_in_dim3A_1 : vector<16xf32> to vector<1x16xf32>
      tpu.vector_store %arg5[%swap3A_49, %swap3A_50], %swap3A_53 {strides = array<i32>} : memref<80x128xf32, #tpu.memory_space<vmem>>, vector<1x16xf32>,
      %swap3A_54 = arith.index_cast %scan3A_43 : i32 to index
      %swap3A_55 = arith.constant 32 : index
      %swap3A_56 = tpu.vector_load %arg5[%swap3A_54, %swap3A_55] {strides = array<i32>} : memref<80x128xf32, #tpu.memory_space<vmem>>, vector<1x16xf32>,
      %swap3A_57 = vector.shape_cast %swap3A_56 : vector<1x16xf32> to vector<16xf32>
      %swap3A_58 = vector.shape_cast %broadcast_in_dim3A_1 : vector<16xf32> to vector<1x16xf32>
      tpu.vector_store %arg5[%swap3A_54, %swap3A_55], %swap3A_58 {strides = array<i32>} : memref<80x128xf32, #tpu.memory_space<vmem>>, vector<1x16xf32>,
      %swap3A_59 = arith.index_cast %scan3A_43 : i32 to index
      %swap3A_60 = arith.constant 48 : index
      %swap3A_61 = tpu.vector_load %arg5[%swap3A_59, %swap3A_60] {strides = array<i32>} : memref<80x128xf32, #tpu.memory_space<vmem>>, vector<1x16xf32>,
      %swap3A_62 = vector.shape_cast %swap3A_61 : vector<1x16xf32> to vector<16xf32>
      %swap3A_63 = vector.shape_cast %broadcast_in_dim3A_1 : vector<16xf32> to vector<1x16xf32>
      tpu.vector_store %arg5[%swap3A_59, %swap3A_60], %swap3A_63 {strides = array<i32>} : memref<80x128xf32, #tpu.memory_space<vmem>>, vector<1x16xf32>,
      %swap3A_64 = arith.index_cast %scan3A_43 : i32 to index
      %swap3A_65 = arith.constant 64 : index
      %swap3A_66 = tpu.vector_load %arg5[%swap3A_64, %swap3A_65] {strides = array<i32>} : memref<80x128xf32, #tpu.memory_space<vmem>>, vector<1x16xf32>,
      %swap3A_67 = vector.shape_cast %swap3A_66 : vector<1x16xf32> to vector<16xf32>
      %swap3A_68 = vector.shape_cast %broadcast_in_dim3A_1 : vector<16xf32> to vector<1x16xf32>
      tpu.vector_store %arg5[%swap3A_64, %swap3A_65], %swap3A_68 {strides = array<i32>} : memref<80x128xf32, #tpu.memory_space<vmem>>, vector<1x16xf32>,
      %swap3A_69 = arith.index_cast %scan3A_43 : i32 to index
      %swap3A_70 = arith.constant 80 : index
      %swap3A_71 = tpu.vector_load %arg5[%swap3A_69, %swap3A_70] {strides = array<i32>} : memref<80x128xf32, #tpu.memory_space<vmem>>, vector<1x16xf32>,
      %swap3A_72 = vector.shape_cast %swap3A_71 : vector<1x16xf32> to vector<16xf32>
      %swap3A_73 = vector.shape_cast %broadcast_in_dim3A_1 : vector<16xf32> to vector<1x16xf32>
      tpu.vector_store %arg5[%swap3A_69, %swap3A_70], %swap3A_73 {strides = array<i32>} : memref<80x128xf32, #tpu.memory_space<vmem>>, vector<1x16xf32>,
      %swap3A_74 = arith.index_cast %scan3A_43 : i32 to index
      %swap3A_75 = arith.constant 96 : index
      %swap3A_76 = tpu.vector_load %arg5[%swap3A_74, %swap3A_75] {strides = array<i32>} : memref<80x128xf32, #tpu.memory_space<vmem>>, vector<1x16xf32>,
      %swap3A_77 = vector.shape_cast %swap3A_76 : vector<1x16xf32> to vector<16xf32>
      %swap3A_78 = vector.shape_cast %broadcast_in_dim3A_1 : vector<16xf32> to vector<1x16xf32>
      tpu.vector_store %arg5[%swap3A_74, %swap3A_75], %swap3A_78 {strides = array<i32>} : memref<80x128xf32, #tpu.memory_space<vmem>>, vector<1x16xf32>,
      %swap3A_79 = arith.index_cast %scan3A_43 : i32 to index
      %swap3A_80 = arith.constant 112 : index
      %swap3A_81 = tpu.vector_load %arg5[%swap3A_79, %swap3A_80] {strides = array<i32>} : memref<80x128xf32, #tpu.memory_space<vmem>>, vector<1x16xf32>,
      %swap3A_82 = vector.shape_cast %swap3A_81 : vector<1x16xf32> to vector<16xf32>
      %swap3A_83 = vector.shape_cast %broadcast_in_dim3A_1 : vector<16xf32> to vector<1x16xf32>
      tpu.vector_store %arg5[%swap3A_79, %swap3A_80], %swap3A_83 {strides = array<i32>} : memref<80x128xf32, #tpu.memory_space<vmem>>, vector<1x16xf32>,
      %scan3A_84 = arith.constant 0 : i32
      scf.yield %scan3A_84 : i32
    }
    %scan3A_7 = arith.constant 80 : i32
    %mul3A_8 = arith.constant 640 : i32
    %mul3A_9 = arith.muli %arg1, %mul3A_8 : i32
    %add3A_10 = arith.constant 0 : i32
    %add3A_11 = arith.addi %mul3A_9, %add3A_10 : i32
    "tpu.region"() ({
      %run_scoped3A = tpu.sem_alloc : memref<!tpu.dma_semaphore, #tpu.memory_space<semaphore_mem>>
      %dma_start3A = arith.constant 0 : i32
      %dma_start3A_43 = arith.constant 0 : i32
      %dma_start3A_44 = tpu.memref_slice %arg5[%dma_start3A, %dma_start3A_43] : memref<80x128xf32, #tpu.memory_space<vmem>> -> memref<80x128xf32, #tpu.memory_space<vmem>>
      %dma_start3A_45 = arith.constant 0 : i32
      %dma_start3A_46 = tpu.memref_slice %arg6[%add3A_11, %dma_start3A_45] : memref<10240x128xf32, #tpu.memory_space<vmem_shared>> -> memref<80x128xf32, #tpu.memory_space<vmem_shared>>
      %dma_start3A_47 = arith.constant 0 : i32
      %dma_start3A_48 = tpu.memref_slice %arg6[%add3A_11, %dma_start3A_47] : memref<10240x128xf32, #tpu.memory_space<vmem_shared>> -> memref<80x128xf32, #tpu.memory_space<vmem_shared>>
      %dma_start3A_49 = arith.constant 0 : i32
      %dma_start3A_50 = arith.constant 0 : i32
      %dma_start3A_51 = tpu.memref_slice %arg5[%dma_start3A_49, %dma_start3A_50] : memref<80x128xf32, #tpu.memory_space<vmem>> -> memref<80x128xf32, #tpu.memory_space<vmem>>
      tpu.enqueue_dma source(%dma_start3A_51 : memref<80x128xf32, #tpu.memory_space<vmem>>) target(%dma_start3A_48 : memref<80x128xf32, #tpu.memory_space<vmem_shared>>) target_semaphore(%run_scoped3A : memref<!tpu.dma_semaphore, #tpu.memory_space<semaphore_mem>>)
      %dma_wait3A = arith.constant 0 : i32
      %dma_wait3A_52 = arith.constant 0 : i32
      %dma_wait3A_53 = tpu.memref_slice %arg5[%dma_wait3A, %dma_wait3A_52] : memref<80x128xf32, #tpu.memory_space<vmem>> -> memref<80x128xf32, #tpu.memory_space<vmem>>
      %dma_wait3A_54 = arith.constant 0 : i32
      %dma_wait3A_55 = tpu.memref_slice %arg6[%add3A_11, %dma_wait3A_54] : memref<10240x128xf32, #tpu.memory_space<vmem_shared>> -> memref<80x128xf32, #tpu.memory_space<vmem_shared>>
      %dma_wait3A_56 = arith.constant 0 : i32
      %dma_wait3A_57 = tpu.memref_slice %arg6[%add3A_11, %dma_wait3A_56] : memref<10240x128xf32, #tpu.memory_space<vmem_shared>> -> memref<80x128xf32, #tpu.memory_space<vmem_shared>>
      %dma_wait3A_58 = arith.constant 0 : i32
      %dma_wait3A_59 = arith.constant 0 : i32
      %dma_wait3A_60 = tpu.memref_slice %arg5[%dma_wait3A_58, %dma_wait3A_59] : memref<80x128xf32, #tpu.memory_space<vmem>> -> memref<80x128xf32, #tpu.memory_space<vmem>>
      tpu.wait_dma2 semaphore(%run_scoped3A : memref<!tpu.dma_semaphore, #tpu.memory_space<semaphore_mem>>) src(%dma_wait3A_60 : memref<80x128xf32, #tpu.memory_space<vmem>>) dst(%dma_wait3A_57 : memref<80x128xf32, #tpu.memory_space<vmem_shared>>)
      tpu.yield
    }) : () -> ()
    %add3A_12 = arith.constant 80 : i32
    %add3A_13 = arith.addi %mul3A_9, %add3A_12 : i32
    "tpu.region"() ({
      %run_scoped3A = tpu.sem_alloc : memref<!tpu.dma_semaphore, #tpu.memory_space<semaphore_mem>>
      %dma_start3A = arith.constant 0 : i32
      %dma_start3A_43 = arith.constant 0 : i32
      %dma_start3A_44 = tpu.memref_slice %arg5[%dma_start3A, %dma_start3A_43] : memref<80x128xf32, #tpu.memory_space<vmem>> -> memref<80x128xf32, #tpu.memory_space<vmem>>
      %dma_start3A_45 = arith.constant 0 : i32
      %dma_start3A_46 = tpu.memref_slice %arg6[%add3A_13, %dma_start3A_45] : memref<10240x128xf32, #tpu.memory_space<vmem_shared>> -> memref<80x128xf32, #tpu.memory_space<vmem_shared>>
      %dma_start3A_47 = arith.constant 0 : i32
      %dma_start3A_48 = tpu.memref_slice %arg6[%add3A_13, %dma_start3A_47] : memref<10240x128xf32, #tpu.memory_space<vmem_shared>> -> memref<80x128xf32, #tpu.memory_space<vmem_shared>>
      %dma_start3A_49 = arith.constant 0 : i32
      %dma_start3A_50 = arith.constant 0 : i32
      %dma_start3A_51 = tpu.memref_slice %arg5[%dma_start3A_49, %dma_start3A_50] : memref<80x128xf32, #tpu.memory_space<vmem>> -> memref<80x128xf32, #tpu.memory_space<vmem>>
      tpu.enqueue_dma source(%dma_start3A_51 : memref<80x128xf32, #tpu.memory_space<vmem>>) target(%dma_start3A_48 : memref<80x128xf32, #tpu.memory_space<vmem_shared>>) target_semaphore(%run_scoped3A : memref<!tpu.dma_semaphore, #tpu.memory_space<semaphore_mem>>)
      %dma_wait3A = arith.constant 0 : i32
      %dma_wait3A_52 = arith.constant 0 : i32
      %dma_wait3A_53 = tpu.memref_slice %arg5[%dma_wait3A, %dma_wait3A_52] : memref<80x128xf32, #tpu.memory_space<vmem>> -> memref<80x128xf32, #tpu.memory_space<vmem>>
      %dma_wait3A_54 = arith.constant 0 : i32
      %dma_wait3A_55 = tpu.memref_slice %arg6[%add3A_13, %dma_wait3A_54] : memref<10240x128xf32, #tpu.memory_space<vmem_shared>> -> memref<80x128xf32, #tpu.memory_space<vmem_shared>>
      %dma_wait3A_56 = arith.constant 0 : i32
      %dma_wait3A_57 = tpu.memref_slice %arg6[%add3A_13, %dma_wait3A_56] : memref<10240x128xf32, #tpu.memory_space<vmem_shared>> -> memref<80x128xf32, #tpu.memory_space<vmem_shared>>
      %dma_wait3A_58 = arith.constant 0 : i32
      %dma_wait3A_59 = arith.constant 0 : i32
      %dma_wait3A_60 = tpu.memref_slice %arg5[%dma_wait3A_58, %dma_wait3A_59] : memref<80x128xf32, #tpu.memory_space<vmem>> -> memref<80x128xf32, #tpu.memory_space<vmem>>
      tpu.wait_dma2 semaphore(%run_scoped3A : memref<!tpu.dma_semaphore, #tpu.memory_space<semaphore_mem>>) src(%dma_wait3A_60 : memref<80x128xf32, #tpu.memory_space<vmem>>) dst(%dma_wait3A_57 : memref<80x128xf32, #tpu.memory_space<vmem_shared>>)
      tpu.yield
    }) : () -> ()
    %add3A_14 = arith.constant 160 : i32
    %add3A_15 = arith.addi %mul3A_9, %add3A_14 : i32
    "tpu.region"() ({
      %run_scoped3A = tpu.sem_alloc : memref<!tpu.dma_semaphore, #tpu.memory_space<semaphore_mem>>
      %dma_start3A = arith.constant 0 : i32
      %dma_start3A_43 = arith.constant 0 : i32
      %dma_start3A_44 = tpu.memref_slice %arg5[%dma_start3A, %dma_start3A_43] : memref<80x128xf32, #tpu.memory_space<vmem>> -> memref<80x128xf32, #tpu.memory_space<vmem>>
      %dma_start3A_45 = arith.constant 0 : i32
      %dma_start3A_46 = tpu.memref_slice %arg6[%add3A_15, %dma_start3A_45] : memref<10240x128xf32, #tpu.memory_space<vmem_shared>> -> memref<80x128xf32, #tpu.memory_space<vmem_shared>>
      %dma_start3A_47 = arith.constant 0 : i32
      %dma_start3A_48 = tpu.memref_slice %arg6[%add3A_15, %dma_start3A_47] : memref<10240x128xf32, #tpu.memory_space<vmem_shared>> -> memref<80x128xf32, #tpu.memory_space<vmem_shared>>
      %dma_start3A_49 = arith.constant 0 : i32
      %dma_start3A_50 = arith.constant 0 : i32
      %dma_start3A_51 = tpu.memref_slice %arg5[%dma_start3A_49, %dma_start3A_50] : memref<80x128xf32, #tpu.memory_space<vmem>> -> memref<80x128xf32, #tpu.memory_space<vmem>>
      tpu.enqueue_dma source(%dma_start3A_51 : memref<80x128xf32, #tpu.memory_space<vmem>>) target(%dma_start3A_48 : memref<80x128xf32, #tpu.memory_space<vmem_shared>>) target_semaphore(%run_scoped3A : memref<!tpu.dma_semaphore, #tpu.memory_space<semaphore_mem>>)
      %dma_wait3A = arith.constant 0 : i32
      %dma_wait3A_52 = arith.constant 0 : i32
      %dma_wait3A_53 = tpu.memref_slice %arg5[%dma_wait3A, %dma_wait3A_52] : memref<80x128xf32, #tpu.memory_space<vmem>> -> memref<80x128xf32, #tpu.memory_space<vmem>>
      %dma_wait3A_54 = arith.constant 0 : i32
      %dma_wait3A_55 = tpu.memref_slice %arg6[%add3A_15, %dma_wait3A_54] : memref<10240x128xf32, #tpu.memory_space<vmem_shared>> -> memref<80x128xf32, #tpu.memory_space<vmem_shared>>
      %dma_wait3A_56 = arith.constant 0 : i32
      %dma_wait3A_57 = tpu.memref_slice %arg6[%add3A_15, %dma_wait3A_56] : memref<10240x128xf32, #tpu.memory_space<vmem_shared>> -> memref<80x128xf32, #tpu.memory_space<vmem_shared>>
      %dma_wait3A_58 = arith.constant 0 : i32
      %dma_wait3A_59 = arith.constant 0 : i32
      %dma_wait3A_60 = tpu.memref_slice %arg5[%dma_wait3A_58, %dma_wait3A_59] : memref<80x128xf32, #tpu.memory_space<vmem>> -> memref<80x128xf32, #tpu.memory_space<vmem>>
      tpu.wait_dma2 semaphore(%run_scoped3A : memref<!tpu.dma_semaphore, #tpu.memory_space<semaphore_mem>>) src(%dma_wait3A_60 : memref<80x128xf32, #tpu.memory_space<vmem>>) dst(%dma_wait3A_57 : memref<80x128xf32, #tpu.memory_space<vmem_shared>>)
      tpu.yield
    }) : () -> ()
    %add3A_16 = arith.constant 240 : i32
    %add3A_17 = arith.addi %mul3A_9, %add3A_16 : i32
    "tpu.region"() ({
      %run_scoped3A = tpu.sem_alloc : memref<!tpu.dma_semaphore, #tpu.memory_space<semaphore_mem>>
      %dma_start3A = arith.constant 0 : i32
      %dma_start3A_43 = arith.constant 0 : i32
      %dma_start3A_44 = tpu.memref_slice %arg5[%dma_start3A, %dma_start3A_43] : memref<80x128xf32, #tpu.memory_space<vmem>> -> memref<80x128xf32, #tpu.memory_space<vmem>>
      %dma_start3A_45 = arith.constant 0 : i32
      %dma_start3A_46 = tpu.memref_slice %arg6[%add3A_17, %dma_start3A_45] : memref<10240x128xf32, #tpu.memory_space<vmem_shared>> -> memref<80x128xf32, #tpu.memory_space<vmem_shared>>
      %dma_start3A_47 = arith.constant 0 : i32
      %dma_start3A_48 = tpu.memref_slice %arg6[%add3A_17, %dma_start3A_47] : memref<10240x128xf32, #tpu.memory_space<vmem_shared>> -> memref<80x128xf32, #tpu.memory_space<vmem_shared>>
      %dma_start3A_49 = arith.constant 0 : i32
      %dma_start3A_50 = arith.constant 0 : i32
      %dma_start3A_51 = tpu.memref_slice %arg5[%dma_start3A_49, %dma_start3A_50] : memref<80x128xf32, #tpu.memory_space<vmem>> -> memref<80x128xf32, #tpu.memory_space<vmem>>
      tpu.enqueue_dma source(%dma_start3A_51 : memref<80x128xf32, #tpu.memory_space<vmem>>) target(%dma_start3A_48 : memref<80x128xf32, #tpu.memory_space<vmem_shared>>) target_semaphore(%run_scoped3A : memref<!tpu.dma_semaphore, #tpu.memory_space<semaphore_mem>>)
      %dma_wait3A = arith.constant 0 : i32
      %dma_wait3A_52 = arith.constant 0 : i32
      %dma_wait3A_53 = tpu.memref_slice %arg5[%dma_wait3A, %dma_wait3A_52] : memref<80x128xf32, #tpu.memory_space<vmem>> -> memref<80x128xf32, #tpu.memory_space<vmem>>
      %dma_wait3A_54 = arith.constant 0 : i32
      %dma_wait3A_55 = tpu.memref_slice %arg6[%add3A_17, %dma_wait3A_54] : memref<10240x128xf32, #tpu.memory_space<vmem_shared>> -> memref<80x128xf32, #tpu.memory_space<vmem_shared>>
      %dma_wait3A_56 = arith.constant 0 : i32
      %dma_wait3A_57 = tpu.memref_slice %arg6[%add3A_17, %dma_wait3A_56] : memref<10240x128xf32, #tpu.memory_space<vmem_shared>> -> memref<80x128xf32, #tpu.memory_space<vmem_shared>>
      %dma_wait3A_58 = arith.constant 0 : i32
      %dma_wait3A_59 = arith.constant 0 : i32
      %dma_wait3A_60 = tpu.memref_slice %arg5[%dma_wait3A_58, %dma_wait3A_59] : memref<80x128xf32, #tpu.memory_space<vmem>> -> memref<80x128xf32, #tpu.memory_space<vmem>>
      tpu.wait_dma2 semaphore(%run_scoped3A : memref<!tpu.dma_semaphore, #tpu.memory_space<semaphore_mem>>) src(%dma_wait3A_60 : memref<80x128xf32, #tpu.memory_space<vmem>>) dst(%dma_wait3A_57 : memref<80x128xf32, #tpu.memory_space<vmem_shared>>)
      tpu.yield
    }) : () -> ()
    %add3A_18 = arith.constant 320 : i32
    %add3A_19 = arith.addi %mul3A_9, %add3A_18 : i32
    "tpu.region"() ({
      %run_scoped3A = tpu.sem_alloc : memref<!tpu.dma_semaphore, #tpu.memory_space<semaphore_mem>>
      %dma_start3A = arith.constant 0 : i32
      %dma_start3A_43 = arith.constant 0 : i32
      %dma_start3A_44 = tpu.memref_slice %arg5[%dma_start3A, %dma_start3A_43] : memref<80x128xf32, #tpu.memory_space<vmem>> -> memref<80x128xf32, #tpu.memory_space<vmem>>
      %dma_start3A_45 = arith.constant 0 : i32
      %dma_start3A_46 = tpu.memref_slice %arg6[%add3A_19, %dma_start3A_45] : memref<10240x128xf32, #tpu.memory_space<vmem_shared>> -> memref<80x128xf32, #tpu.memory_space<vmem_shared>>
      %dma_start3A_47 = arith.constant 0 : i32
      %dma_start3A_48 = tpu.memref_slice %arg6[%add3A_19, %dma_start3A_47] : memref<10240x128xf32, #tpu.memory_space<vmem_shared>> -> memref<80x128xf32, #tpu.memory_space<vmem_shared>>
      %dma_start3A_49 = arith.constant 0 : i32
      %dma_start3A_50 = arith.constant 0 : i32
      %dma_start3A_51 = tpu.memref_slice %arg5[%dma_start3A_49, %dma_start3A_50] : memref<80x128xf32, #tpu.memory_space<vmem>> -> memref<80x128xf32, #tpu.memory_space<vmem>>
      tpu.enqueue_dma source(%dma_start3A_51 : memref<80x128xf32, #tpu.memory_space<vmem>>) target(%dma_start3A_48 : memref<80x128xf32, #tpu.memory_space<vmem_shared>>) target_semaphore(%run_scoped3A : memref<!tpu.dma_semaphore, #tpu.memory_space<semaphore_mem>>)
      %dma_wait3A = arith.constant 0 : i32
      %dma_wait3A_52 = arith.constant 0 : i32
      %dma_wait3A_53 = tpu.memref_slice %arg5[%dma_wait3A, %dma_wait3A_52] : memref<80x128xf32, #tpu.memory_space<vmem>> -> memref<80x128xf32, #tpu.memory_space<vmem>>
      %dma_wait3A_54 = arith.constant 0 : i32
      %dma_wait3A_55 = tpu.memref_slice %arg6[%add3A_19, %dma_wait3A_54] : memref<10240x128xf32, #tpu.memory_space<vmem_shared>> -> memref<80x128xf32, #tpu.memory_space<vmem_shared>>
      %dma_wait3A_56 = arith.constant 0 : i32
      %dma_wait3A_57 = tpu.memref_slice %arg6[%add3A_19, %dma_wait3A_56] : memref<10240x128xf32, #tpu.memory_space<vmem_shared>> -> memref<80x128xf32, #tpu.memory_space<vmem_shared>>
      %dma_wait3A_58 = arith.constant 0 : i32
      %dma_wait3A_59 = arith.constant 0 : i32
      %dma_wait3A_60 = tpu.memref_slice %arg5[%dma_wait3A_58, %dma_wait3A_59] : memref<80x128xf32, #tpu.memory_space<vmem>> -> memref<80x128xf32, #tpu.memory_space<vmem>>
      tpu.wait_dma2 semaphore(%run_scoped3A : memref<!tpu.dma_semaphore, #tpu.memory_space<semaphore_mem>>) src(%dma_wait3A_60 : memref<80x128xf32, #tpu.memory_space<vmem>>) dst(%dma_wait3A_57 : memref<80x128xf32, #tpu.memory_space<vmem_shared>>)
      tpu.yield
    }) : () -> ()
    %add3A_20 = arith.constant 400 : i32
    %add3A_21 = arith.addi %mul3A_9, %add3A_20 : i32
    "tpu.region"() ({
      %run_scoped3A = tpu.sem_alloc : memref<!tpu.dma_semaphore, #tpu.memory_space<semaphore_mem>>
      %dma_start3A = arith.constant 0 : i32
      %dma_start3A_43 = arith.constant 0 : i32
      %dma_start3A_44 = tpu.memref_slice %arg5[%dma_start3A, %dma_start3A_43] : memref<80x128xf32, #tpu.memory_space<vmem>> -> memref<80x128xf32, #tpu.memory_space<vmem>>
      %dma_start3A_45 = arith.constant 0 : i32
      %dma_start3A_46 = tpu.memref_slice %arg6[%add3A_21, %dma_start3A_45] : memref<10240x128xf32, #tpu.memory_space<vmem_shared>> -> memref<80x128xf32, #tpu.memory_space<vmem_shared>>
      %dma_start3A_47 = arith.constant 0 : i32
      %dma_start3A_48 = tpu.memref_slice %arg6[%add3A_21, %dma_start3A_47] : memref<10240x128xf32, #tpu.memory_space<vmem_shared>> -> memref<80x128xf32, #tpu.memory_space<vmem_shared>>
      %dma_start3A_49 = arith.constant 0 : i32
      %dma_start3A_50 = arith.constant 0 : i32
      %dma_start3A_51 = tpu.memref_slice %arg5[%dma_start3A_49, %dma_start3A_50] : memref<80x128xf32, #tpu.memory_space<vmem>> -> memref<80x128xf32, #tpu.memory_space<vmem>>
      tpu.enqueue_dma source(%dma_start3A_51 : memref<80x128xf32, #tpu.memory_space<vmem>>) target(%dma_start3A_48 : memref<80x128xf32, #tpu.memory_space<vmem_shared>>) target_semaphore(%run_scoped3A : memref<!tpu.dma_semaphore, #tpu.memory_space<semaphore_mem>>)
      %dma_wait3A = arith.constant 0 : i32
      %dma_wait3A_52 = arith.constant 0 : i32
      %dma_wait3A_53 = tpu.memref_slice %arg5[%dma_wait3A, %dma_wait3A_52] : memref<80x128xf32, #tpu.memory_space<vmem>> -> memref<80x128xf32, #tpu.memory_space<vmem>>
      %dma_wait3A_54 = arith.constant 0 : i32
      %dma_wait3A_55 = tpu.memref_slice %arg6[%add3A_21, %dma_wait3A_54] : memref<10240x128xf32, #tpu.memory_space<vmem_shared>> -> memref<80x128xf32, #tpu.memory_space<vmem_shared>>
      %dma_wait3A_56 = arith.constant 0 : i32
      %dma_wait3A_57 = tpu.memref_slice %arg6[%add3A_21, %dma_wait3A_56] : memref<10240x128xf32, #tpu.memory_space<vmem_shared>> -> memref<80x128xf32, #tpu.memory_space<vmem_shared>>
      %dma_wait3A_58 = arith.constant 0 : i32
      %dma_wait3A_59 = arith.constant 0 : i32
      %dma_wait3A_60 = tpu.memref_slice %arg5[%dma_wait3A_58, %dma_wait3A_59] : memref<80x128xf32, #tpu.memory_space<vmem>> -> memref<80x128xf32, #tpu.memory_space<vmem>>
      tpu.wait_dma2 semaphore(%run_scoped3A : memref<!tpu.dma_semaphore, #tpu.memory_space<semaphore_mem>>) src(%dma_wait3A_60 : memref<80x128xf32, #tpu.memory_space<vmem>>) dst(%dma_wait3A_57 : memref<80x128xf32, #tpu.memory_space<vmem_shared>>)
      tpu.yield
    }) : () -> ()
    %add3A_22 = arith.constant 480 : i32
    %add3A_23 = arith.addi %mul3A_9, %add3A_22 : i32
    "tpu.region"() ({
      %run_scoped3A = tpu.sem_alloc : memref<!tpu.dma_semaphore, #tpu.memory_space<semaphore_mem>>
      %dma_start3A = arith.constant 0 : i32
      %dma_start3A_43 = arith.constant 0 : i32
      %dma_start3A_44 = tpu.memref_slice %arg5[%dma_start3A, %dma_start3A_43] : memref<80x128xf32, #tpu.memory_space<vmem>> -> memref<80x128xf32, #tpu.memory_space<vmem>>
      %dma_start3A_45 = arith.constant 0 : i32
      %dma_start3A_46 = tpu.memref_slice %arg6[%add3A_23, %dma_start3A_45] : memref<10240x128xf32, #tpu.memory_space<vmem_shared>> -> memref<80x128xf32, #tpu.memory_space<vmem_shared>>
      %dma_start3A_47 = arith.constant 0 : i32
      %dma_start3A_48 = tpu.memref_slice %arg6[%add3A_23, %dma_start3A_47] : memref<10240x128xf32, #tpu.memory_space<vmem_shared>> -> memref<80x128xf32, #tpu.memory_space<vmem_shared>>
      %dma_start3A_49 = arith.constant 0 : i32
      %dma_start3A_50 = arith.constant 0 : i32
      %dma_start3A_51 = tpu.memref_slice %arg5[%dma_start3A_49, %dma_start3A_50] : memref<80x128xf32, #tpu.memory_space<vmem>> -> memref<80x128xf32, #tpu.memory_space<vmem>>
      tpu.enqueue_dma source(%dma_start3A_51 : memref<80x128xf32, #tpu.memory_space<vmem>>) target(%dma_start3A_48 : memref<80x128xf32, #tpu.memory_space<vmem_shared>>) target_semaphore(%run_scoped3A : memref<!tpu.dma_semaphore, #tpu.memory_space<semaphore_mem>>)
      %dma_wait3A = arith.constant 0 : i32
      %dma_wait3A_52 = arith.constant 0 : i32
      %dma_wait3A_53 = tpu.memref_slice %arg5[%dma_wait3A, %dma_wait3A_52] : memref<80x128xf32, #tpu.memory_space<vmem>> -> memref<80x128xf32, #tpu.memory_space<vmem>>
      %dma_wait3A_54 = arith.constant 0 : i32
      %dma_wait3A_55 = tpu.memref_slice %arg6[%add3A_23, %dma_wait3A_54] : memref<10240x128xf32, #tpu.memory_space<vmem_shared>> -> memref<80x128xf32, #tpu.memory_space<vmem_shared>>
      %dma_wait3A_56 = arith.constant 0 : i32
      %dma_wait3A_57 = tpu.memref_slice %arg6[%add3A_23, %dma_wait3A_56] : memref<10240x128xf32, #tpu.memory_space<vmem_shared>> -> memref<80x128xf32, #tpu.memory_space<vmem_shared>>
      %dma_wait3A_58 = arith.constant 0 : i32
      %dma_wait3A_59 = arith.constant 0 : i32
      %dma_wait3A_60 = tpu.memref_slice %arg5[%dma_wait3A_58, %dma_wait3A_59] : memref<80x128xf32, #tpu.memory_space<vmem>> -> memref<80x128xf32, #tpu.memory_space<vmem>>
      tpu.wait_dma2 semaphore(%run_scoped3A : memref<!tpu.dma_semaphore, #tpu.memory_space<semaphore_mem>>) src(%dma_wait3A_60 : memref<80x128xf32, #tpu.memory_space<vmem>>) dst(%dma_wait3A_57 : memref<80x128xf32, #tpu.memory_space<vmem_shared>>)
      tpu.yield
    }) : () -> ()
    %add3A_24 = arith.constant 560 : i32
    %add3A_25 = arith.addi %mul3A_9, %add3A_24 : i32
    "tpu.region"() ({
      %run_scoped3A = tpu.sem_alloc : memref<!tpu.dma_semaphore, #tpu.memory_space<semaphore_mem>>
      %dma_start3A = arith.constant 0 : i32
      %dma_start3A_43 = arith.constant 0 : i32
      %dma_start3A_44 = tpu.memref_slice %arg5[%dma_start3A, %dma_start3A_43] : memref<80x128xf32, #tpu.memory_space<vmem>> -> memref<80x128xf32, #tpu.memory_space<vmem>>
      %dma_start3A_45 = arith.constant 0 : i32
      %dma_start3A_46 = tpu.memref_slice %arg6[%add3A_25, %dma_start3A_45] : memref<10240x128xf32, #tpu.memory_space<vmem_shared>> -> memref<80x128xf32, #tpu.memory_space<vmem_shared>>
      %dma_start3A_47 = arith.constant 0 : i32
      %dma_start3A_48 = tpu.memref_slice %arg6[%add3A_25, %dma_start3A_47] : memref<10240x128xf32, #tpu.memory_space<vmem_shared>> -> memref<80x128xf32, #tpu.memory_space<vmem_shared>>
      %dma_start3A_49 = arith.constant 0 : i32
      %dma_start3A_50 = arith.constant 0 : i32
      %dma_start3A_51 = tpu.memref_slice %arg5[%dma_start3A_49, %dma_start3A_50] : memref<80x128xf32, #tpu.memory_space<vmem>> -> memref<80x128xf32, #tpu.memory_space<vmem>>
      tpu.enqueue_dma source(%dma_start3A_51 : memref<80x128xf32, #tpu.memory_space<vmem>>) target(%dma_start3A_48 : memref<80x128xf32, #tpu.memory_space<vmem_shared>>) target_semaphore(%run_scoped3A : memref<!tpu.dma_semaphore, #tpu.memory_space<semaphore_mem>>)
      %dma_wait3A = arith.constant 0 : i32
      %dma_wait3A_52 = arith.constant 0 : i32
      %dma_wait3A_53 = tpu.memref_slice %arg5[%dma_wait3A, %dma_wait3A_52] : memref<80x128xf32, #tpu.memory_space<vmem>> -> memref<80x128xf32, #tpu.memory_space<vmem>>
      %dma_wait3A_54 = arith.constant 0 : i32
      %dma_wait3A_55 = tpu.memref_slice %arg6[%add3A_25, %dma_wait3A_54] : memref<10240x128xf32, #tpu.memory_space<vmem_shared>> -> memref<80x128xf32, #tpu.memory_space<vmem_shared>>
      %dma_wait3A_56 = arith.constant 0 : i32
      %dma_wait3A_57 = tpu.memref_slice %arg6[%add3A_25, %dma_wait3A_56] : memref<10240x128xf32, #tpu.memory_space<vmem_shared>> -> memref<80x128xf32, #tpu.memory_space<vmem_shared>>
      %dma_wait3A_58 = arith.constant 0 : i32
      %dma_wait3A_59 = arith.constant 0 : i32
      %dma_wait3A_60 = tpu.memref_slice %arg5[%dma_wait3A_58, %dma_wait3A_59] : memref<80x128xf32, #tpu.memory_space<vmem>> -> memref<80x128xf32, #tpu.memory_space<vmem>>
      tpu.wait_dma2 semaphore(%run_scoped3A : memref<!tpu.dma_semaphore, #tpu.memory_space<semaphore_mem>>) src(%dma_wait3A_60 : memref<80x128xf32, #tpu.memory_space<vmem>>) dst(%dma_wait3A_57 : memref<80x128xf32, #tpu.memory_space<vmem_shared>>)
      tpu.yield
    }) : () -> ()
    %broadcast_in_dim3A_26 = arith.constant 1.000000e+00 : f32
    %broadcast_in_dim3A_27 = vector.broadcast %broadcast_in_dim3A_26 : f32 to vector<16xf32>
    %scan3A_28 = arith.constant 0 : i32
    %scan3A_29 = arith.constant 0 : i32
    %scan3A_30 = arith.constant 80 : i32
    %scan3A_31 = arith.addi %scan3A_29, %scan3A_30 : i32
    %scan3A_32 = arith.constant 1 : i32
    %scan3A_33 = scf.for %scan3A_43 = %scan3A_29 to %scan3A_31 step %scan3A_32 iter_args(%scan3A_44 = %scan3A_28) -> (i32)  : i32 {
      %swap3A = arith.index_cast %scan3A_43 : i32 to index
      %swap3A_45 = arith.constant 0 : index
      %swap3A_46 = tpu.vector_load %arg5[%swap3A, %swap3A_45] {strides = array<i32>} : memref<80x128xf32, #tpu.memory_space<vmem>>, vector<1x16xf32>,
      %swap3A_47 = vector.shape_cast %swap3A_46 : vector<1x16xf32> to vector<16xf32>
      %swap3A_48 = vector.shape_cast %broadcast_in_dim3A_27 : vector<16xf32> to vector<1x16xf32>
      tpu.vector_store %arg5[%swap3A, %swap3A_45], %swap3A_48 {strides = array<i32>} : memref<80x128xf32, #tpu.memory_space<vmem>>, vector<1x16xf32>,
      %scan3A_49 = arith.constant 0 : i32
      scf.yield %scan3A_49 : i32
    }
    %scan3A_34 = arith.constant 80 : i32
    %barrier3A = arith.constant 0 : index
    tpu.barrier barrier_id(%barrier3A)
    %scan3A_35 = arith.constant 0 : i32
    %scan3A_36 = arith.constant 0 : i32
    %scan3A_37 = arith.constant 125 : i32
    %scan3A_38 = arith.addi %scan3A_36, %scan3A_37 : i32
    %scan3A_39 = arith.constant 1 : i32
    %scan3A_40 = scf.for %scan3A_43 = %scan3A_36 to %scan3A_38 step %scan3A_39 iter_args(%scan3A_44 = %scan3A_35) -> (i32)  : i32 {
      %mul3A_45 = arith.constant 10000 : i32
      %mul3A_46 = arith.muli %add3A, %mul3A_45 : i32
      %mul3A_47 = arith.constant 80 : i32
      %mul3A_48 = arith.muli %scan3A_43, %mul3A_47 : i32
      %add3A_49 = arith.addi %mul3A_46, %mul3A_48 : i32
      "tpu.region"() ({
        %run_scoped3A = tpu.sem_alloc : memref<!tpu.dma_semaphore, #tpu.memory_space<semaphore_mem>>
        %dma_start3A = tpu.memref_slice %arg2[%add3A_49] : memref<320000xi32, #tpu.memory_space<hbm>> -> memref<80xi32, #tpu.memory_space<hbm>>
        %dma_start3A_51 = tpu.memref_slice %arg2[%add3A_49] : memref<320000xi32, #tpu.memory_space<hbm>> -> memref<80xi32, #tpu.memory_space<hbm>>
        tpu.enqueue_dma source(%dma_start3A_51 : memref<80xi32, #tpu.memory_space<hbm>>) target(%arg4 : memref<80xi32, #tpu.memory_space<vmem>>) target_semaphore(%run_scoped3A : memref<!tpu.dma_semaphore, #tpu.memory_space<semaphore_mem>>)
        %dma_wait3A = tpu.memref_slice %arg2[%add3A_49] : memref<320000xi32, #tpu.memory_space<hbm>> -> memref<80xi32, #tpu.memory_space<hbm>>
        %dma_wait3A_52 = tpu.memref_slice %arg2[%add3A_49] : memref<320000xi32, #tpu.memory_space<hbm>> -> memref<80xi32, #tpu.memory_space<hbm>>
        tpu.wait_dma2 semaphore(%run_scoped3A : memref<!tpu.dma_semaphore, #tpu.memory_space<semaphore_mem>>) src(%dma_wait3A_52 : memref<80xi32, #tpu.memory_space<hbm>>) dst(%arg4 : memref<80xi32, #tpu.memory_space<vmem>>)
        tpu.yield
      }) : () -> ()
      "tpu.region"() ({
        %run_scoped3A = tpu.sem_alloc : memref<!tpu.dma_semaphore, #tpu.memory_space<semaphore_mem>>
        %dma_start3A = arith.constant 0 : i32
        %dma_start3A_51 = arith.constant 0 : i32
        %dma_start3A_52 = tpu.memref_slice %arg6[%dma_start3A, %dma_start3A_51] : memref<10240x128xf32, #tpu.memory_space<vmem_shared>> -> memref<10240x128xf32, #tpu.memory_space<vmem_shared>>
        tpu.enqueue_indirect_dma source(%arg5 : memref<80x128xf32, #tpu.memory_space<vmem>>) target(%dma_start3A_52 : memref<10240x128xf32, #tpu.memory_space<vmem_shared>>) offsets(%arg4 : memref<80xi32, #tpu.memory_space<vmem>>) semaphore(%run_scoped3A : memref<!tpu.dma_semaphore, #tpu.memory_space<semaphore_mem>>) {add = true}
        %dma_wait3A = arith.constant 0 : i32
        %dma_wait3A_53 = arith.constant 0 : i32
        %dma_wait3A_54 = tpu.memref_slice %arg6[%dma_wait3A, %dma_wait3A_53] : memref<10240x128xf32, #tpu.memory_space<vmem_shared>> -> memref<10240x128xf32, #tpu.memory_space<vmem_shared>>
        tpu.wait_indirect_dma semaphore(%run_scoped3A : memref<!tpu.dma_semaphore, #tpu.memory_space<semaphore_mem>>) src(%arg5 : memref<80x128xf32, #tpu.memory_space<vmem>>) dst(%dma_wait3A_54 : memref<10240x128xf32, #tpu.memory_space<vmem_shared>>)
        tpu.yield
      }) : () -> ()
      %scan3A_50 = arith.constant 0 : i32
      scf.yield %scan3A_50 : i32
    }
    %scan3A_41 = arith.constant 125 : i32
    %barrier3A_42 = arith.constant 0 : index
    tpu.barrier barrier_id(%barrier3A_42)
    "tpu.region"() ({
      %run_scoped3A = tpu.sem_alloc : memref<!tpu.dma_semaphore, #tpu.memory_space<semaphore_mem>>
      %dma_start3A = arith.constant 0 : i32
      %dma_start3A_43 = tpu.memref_slice %arg3[%arg0, %mul3A_9, %dma_start3A] : memref<2x10240x128xf32, #tpu.memory_space<hbm>> -> memref<1x640x128xf32, #tpu.memory_space<hbm>>
      %dma_start3A_44 = tpu.memref_squeeze %dma_start3A_43 : memref<1x640x128xf32, #tpu.memory_space<hbm>> -> memref<640x128xf32, #tpu.memory_space<hbm>>
      %dma_start3A_45 = arith.constant 0 : i32
      %dma_start3A_46 = tpu.memref_slice %arg6[%mul3A_9, %dma_start3A_45] : memref<10240x128xf32, #tpu.memory_space<vmem_shared>> -> memref<640x128xf32, #tpu.memory_space<vmem_shared>>
      tpu.enqueue_dma source(%dma_start3A_46 : memref<640x128xf32, #tpu.memory_space<vmem_shared>>) target(%dma_start3A_44 : memref<640x128xf32, #tpu.memory_space<hbm>>) target_semaphore(%run_scoped3A : memref<!tpu.dma_semaphore, #tpu.memory_space<semaphore_mem>>)
      %dma_wait3A = arith.constant 0 : i32
      %dma_wait3A_47 = tpu.memref_slice %arg3[%arg0, %mul3A_9, %dma_wait3A] : memref<2x10240x128xf32, #tpu.memory_space<hbm>> -> memref<1x640x128xf32, #tpu.memory_space<hbm>>
      %dma_wait3A_48 = tpu.memref_squeeze %dma_wait3A_47 : memref<1x640x128xf32, #tpu.memory_space<hbm>> -> memref<640x128xf32, #tpu.memory_space<hbm>>
      %dma_wait3A_49 = arith.constant 0 : i32
      %dma_wait3A_50 = tpu.memref_slice %arg6[%mul3A_9, %dma_wait3A_49] : memref<10240x128xf32, #tpu.memory_space<vmem_shared>> -> memref<640x128xf32, #tpu.memory_space<vmem_shared>>
      tpu.wait_dma2 semaphore(%run_scoped3A : memref<!tpu.dma_semaphore, #tpu.memory_space<semaphore_mem>>) src(%dma_wait3A_50 : memref<640x128xf32, #tpu.memory_space<vmem_shared>>) dst(%dma_wait3A_48 : memref<640x128xf32, #tpu.memory_space<hbm>>)
      tpu.yield
    }) : () -> ()
    return
  }
}

#map = affine_map<(d0, d1) -> (0)>
#map1 = affine_map<(d0, d1) -> (0, 0)>
#map2 = affine_map<(d0, d1) -> (0, 0, 0)>
module attributes {stable_mosaic.version = 14 : i64} {
  func.func @_edge_body(%arg0: i32, %arg1: i32, %arg2: memref<320000xi32, #tpu.memory_space<hbm>>, %arg3: memref<320000xi32, #tpu.memory_space<hbm>>, %arg4: memref<10240x128xf32, #tpu.memory_space<hbm>>, %arg5: memref<2x10240x128xf32, #tpu.memory_space<hbm>>, %arg6: memref<80xi32, #tpu.memory_space<vmem>>, %arg7: memref<80xi32, #tpu.memory_space<vmem>>, %arg8: memref<80x128xf32, #tpu.memory_space<vmem>>, %arg9: memref<80x128xf32, #tpu.memory_space<vmem>>, %arg10: memref<80x128xf32, #tpu.memory_space<vmem>>, %arg11: memref<10240x128xf32, #tpu.memory_space<vmem_shared>>, %arg12: memref<!tpu.dma_semaphore, #tpu.memory_space<semaphore_mem>>, %arg13: memref<!tpu.dma_semaphore, #tpu.memory_space<semaphore_mem>>) attributes {dimension_semantics = [#tpu.dimension_semantics<core_parallel>, #tpu.dimension_semantics<subcore_parallel>], iteration_bounds = array<i64: 2, 16>, scalar_prefetch = 0 : i64, scratch_operands = 8 : i64, tpu.core_type = #tpu.core_type<sc_vector_subcore>, window_params = [{transform_indices = #map}, {transform_indices = #map}, {transform_indices = #map1}, {transform_indices = #map2}]} {
    %mul3A = arith.constant 16 : i32
    %mul3A_0 = arith.muli %arg0, %mul3A : i32
    %add3A = arith.addi %mul3A_0, %arg1 : i32
    %mul3A_1 = arith.constant 640 : i32
    %mul3A_2 = arith.muli %arg1, %mul3A_1 : i32
    %broadcast_in_dim3A = arith.constant 0.000000e+00 : f32
    %broadcast_in_dim3A_3 = vector.broadcast %broadcast_in_dim3A : f32 to vector<16xf32>
    %scan3A = arith.constant 0 : i32
    %scan3A_4 = arith.constant 0 : i32
    %scan3A_5 = arith.constant 80 : i32
    %scan3A_6 = arith.addi %scan3A_4, %scan3A_5 : i32
    %scan3A_7 = arith.constant 1 : i32
    %scan3A_8 = scf.for %scan3A_34 = %scan3A_4 to %scan3A_6 step %scan3A_7 iter_args(%scan3A_35 = %scan3A) -> (i32)  : i32 {
      %swap3A = arith.index_cast %scan3A_34 : i32 to index
      %swap3A_36 = arith.constant 0 : index
      %swap3A_37 = tpu.vector_load %arg10[%swap3A, %swap3A_36] {strides = array<i32>} : memref<80x128xf32, #tpu.memory_space<vmem>>, vector<1x16xf32>,
      %swap3A_38 = vector.shape_cast %swap3A_37 : vector<1x16xf32> to vector<16xf32>
      %swap3A_39 = vector.shape_cast %broadcast_in_dim3A_3 : vector<16xf32> to vector<1x16xf32>
      tpu.vector_store %arg10[%swap3A, %swap3A_36], %swap3A_39 {strides = array<i32>} : memref<80x128xf32, #tpu.memory_space<vmem>>, vector<1x16xf32>,
      %swap3A_40 = arith.index_cast %scan3A_34 : i32 to index
      %swap3A_41 = arith.constant 16 : index
      %swap3A_42 = tpu.vector_load %arg10[%swap3A_40, %swap3A_41] {strides = array<i32>} : memref<80x128xf32, #tpu.memory_space<vmem>>, vector<1x16xf32>,
      %swap3A_43 = vector.shape_cast %swap3A_42 : vector<1x16xf32> to vector<16xf32>
      %swap3A_44 = vector.shape_cast %broadcast_in_dim3A_3 : vector<16xf32> to vector<1x16xf32>
      tpu.vector_store %arg10[%swap3A_40, %swap3A_41], %swap3A_44 {strides = array<i32>} : memref<80x128xf32, #tpu.memory_space<vmem>>, vector<1x16xf32>,
      %swap3A_45 = arith.index_cast %scan3A_34 : i32 to index
      %swap3A_46 = arith.constant 32 : index
      %swap3A_47 = tpu.vector_load %arg10[%swap3A_45, %swap3A_46] {strides = array<i32>} : memref<80x128xf32, #tpu.memory_space<vmem>>, vector<1x16xf32>,
      %swap3A_48 = vector.shape_cast %swap3A_47 : vector<1x16xf32> to vector<16xf32>
      %swap3A_49 = vector.shape_cast %broadcast_in_dim3A_3 : vector<16xf32> to vector<1x16xf32>
      tpu.vector_store %arg10[%swap3A_45, %swap3A_46], %swap3A_49 {strides = array<i32>} : memref<80x128xf32, #tpu.memory_space<vmem>>, vector<1x16xf32>,
      %swap3A_50 = arith.index_cast %scan3A_34 : i32 to index
      %swap3A_51 = arith.constant 48 : index
      %swap3A_52 = tpu.vector_load %arg10[%swap3A_50, %swap3A_51] {strides = array<i32>} : memref<80x128xf32, #tpu.memory_space<vmem>>, vector<1x16xf32>,
      %swap3A_53 = vector.shape_cast %swap3A_52 : vector<1x16xf32> to vector<16xf32>
      %swap3A_54 = vector.shape_cast %broadcast_in_dim3A_3 : vector<16xf32> to vector<1x16xf32>
      tpu.vector_store %arg10[%swap3A_50, %swap3A_51], %swap3A_54 {strides = array<i32>} : memref<80x128xf32, #tpu.memory_space<vmem>>, vector<1x16xf32>,
      %swap3A_55 = arith.index_cast %scan3A_34 : i32 to index
      %swap3A_56 = arith.constant 64 : index
      %swap3A_57 = tpu.vector_load %arg10[%swap3A_55, %swap3A_56] {strides = array<i32>} : memref<80x128xf32, #tpu.memory_space<vmem>>, vector<1x16xf32>,
      %swap3A_58 = vector.shape_cast %swap3A_57 : vector<1x16xf32> to vector<16xf32>
      %swap3A_59 = vector.shape_cast %broadcast_in_dim3A_3 : vector<16xf32> to vector<1x16xf32>
      tpu.vector_store %arg10[%swap3A_55, %swap3A_56], %swap3A_59 {strides = array<i32>} : memref<80x128xf32, #tpu.memory_space<vmem>>, vector<1x16xf32>,
      %swap3A_60 = arith.index_cast %scan3A_34 : i32 to index
      %swap3A_61 = arith.constant 80 : index
      %swap3A_62 = tpu.vector_load %arg10[%swap3A_60, %swap3A_61] {strides = array<i32>} : memref<80x128xf32, #tpu.memory_space<vmem>>, vector<1x16xf32>,
      %swap3A_63 = vector.shape_cast %swap3A_62 : vector<1x16xf32> to vector<16xf32>
      %swap3A_64 = vector.shape_cast %broadcast_in_dim3A_3 : vector<16xf32> to vector<1x16xf32>
      tpu.vector_store %arg10[%swap3A_60, %swap3A_61], %swap3A_64 {strides = array<i32>} : memref<80x128xf32, #tpu.memory_space<vmem>>, vector<1x16xf32>,
      %swap3A_65 = arith.index_cast %scan3A_34 : i32 to index
      %swap3A_66 = arith.constant 96 : index
      %swap3A_67 = tpu.vector_load %arg10[%swap3A_65, %swap3A_66] {strides = array<i32>} : memref<80x128xf32, #tpu.memory_space<vmem>>, vector<1x16xf32>,
      %swap3A_68 = vector.shape_cast %swap3A_67 : vector<1x16xf32> to vector<16xf32>
      %swap3A_69 = vector.shape_cast %broadcast_in_dim3A_3 : vector<16xf32> to vector<1x16xf32>
      tpu.vector_store %arg10[%swap3A_65, %swap3A_66], %swap3A_69 {strides = array<i32>} : memref<80x128xf32, #tpu.memory_space<vmem>>, vector<1x16xf32>,
      %swap3A_70 = arith.index_cast %scan3A_34 : i32 to index
      %swap3A_71 = arith.constant 112 : index
      %swap3A_72 = tpu.vector_load %arg10[%swap3A_70, %swap3A_71] {strides = array<i32>} : memref<80x128xf32, #tpu.memory_space<vmem>>, vector<1x16xf32>,
      %swap3A_73 = vector.shape_cast %swap3A_72 : vector<1x16xf32> to vector<16xf32>
      %swap3A_74 = vector.shape_cast %broadcast_in_dim3A_3 : vector<16xf32> to vector<1x16xf32>
      tpu.vector_store %arg10[%swap3A_70, %swap3A_71], %swap3A_74 {strides = array<i32>} : memref<80x128xf32, #tpu.memory_space<vmem>>, vector<1x16xf32>,
      %scan3A_75 = arith.constant 0 : i32
      scf.yield %scan3A_75 : i32
    }
    %scan3A_9 = arith.constant 80 : i32
    %add3A_10 = arith.constant 0 : i32
    %add3A_11 = arith.addi %mul3A_2, %add3A_10 : i32
    "tpu.region"() ({
      %run_scoped3A = tpu.sem_alloc : memref<!tpu.dma_semaphore, #tpu.memory_space<semaphore_mem>>
      %dma_start3A = arith.constant 0 : i32
      %dma_start3A_34 = tpu.memref_slice %arg11[%add3A_11, %dma_start3A] : memref<10240x128xf32, #tpu.memory_space<vmem_shared>> -> memref<80x128xf32, #tpu.memory_space<vmem_shared>>
      %dma_start3A_35 = arith.constant 0 : i32
      %dma_start3A_36 = tpu.memref_slice %arg11[%add3A_11, %dma_start3A_35] : memref<10240x128xf32, #tpu.memory_space<vmem_shared>> -> memref<80x128xf32, #tpu.memory_space<vmem_shared>>
      tpu.enqueue_dma source(%arg10 : memref<80x128xf32, #tpu.memory_space<vmem>>) target(%dma_start3A_36 : memref<80x128xf32, #tpu.memory_space<vmem_shared>>) target_semaphore(%run_scoped3A : memref<!tpu.dma_semaphore, #tpu.memory_space<semaphore_mem>>)
      %dma_wait3A = arith.constant 0 : i32
      %dma_wait3A_37 = tpu.memref_slice %arg11[%add3A_11, %dma_wait3A] : memref<10240x128xf32, #tpu.memory_space<vmem_shared>> -> memref<80x128xf32, #tpu.memory_space<vmem_shared>>
      %dma_wait3A_38 = arith.constant 0 : i32
      %dma_wait3A_39 = tpu.memref_slice %arg11[%add3A_11, %dma_wait3A_38] : memref<10240x128xf32, #tpu.memory_space<vmem_shared>> -> memref<80x128xf32, #tpu.memory_space<vmem_shared>>
      tpu.wait_dma2 semaphore(%run_scoped3A : memref<!tpu.dma_semaphore, #tpu.memory_space<semaphore_mem>>) src(%arg10 : memref<80x128xf32, #tpu.memory_space<vmem>>) dst(%dma_wait3A_39 : memref<80x128xf32, #tpu.memory_space<vmem_shared>>)
      tpu.yield
    }) : () -> ()
    %add3A_12 = arith.constant 80 : i32
    %add3A_13 = arith.addi %mul3A_2, %add3A_12 : i32
    "tpu.region"() ({
      %run_scoped3A = tpu.sem_alloc : memref<!tpu.dma_semaphore, #tpu.memory_space<semaphore_mem>>
      %dma_start3A = arith.constant 0 : i32
      %dma_start3A_34 = tpu.memref_slice %arg11[%add3A_13, %dma_start3A] : memref<10240x128xf32, #tpu.memory_space<vmem_shared>> -> memref<80x128xf32, #tpu.memory_space<vmem_shared>>
      %dma_start3A_35 = arith.constant 0 : i32
      %dma_start3A_36 = tpu.memref_slice %arg11[%add3A_13, %dma_start3A_35] : memref<10240x128xf32, #tpu.memory_space<vmem_shared>> -> memref<80x128xf32, #tpu.memory_space<vmem_shared>>
      tpu.enqueue_dma source(%arg10 : memref<80x128xf32, #tpu.memory_space<vmem>>) target(%dma_start3A_36 : memref<80x128xf32, #tpu.memory_space<vmem_shared>>) target_semaphore(%run_scoped3A : memref<!tpu.dma_semaphore, #tpu.memory_space<semaphore_mem>>)
      %dma_wait3A = arith.constant 0 : i32
      %dma_wait3A_37 = tpu.memref_slice %arg11[%add3A_13, %dma_wait3A] : memref<10240x128xf32, #tpu.memory_space<vmem_shared>> -> memref<80x128xf32, #tpu.memory_space<vmem_shared>>
      %dma_wait3A_38 = arith.constant 0 : i32
      %dma_wait3A_39 = tpu.memref_slice %arg11[%add3A_13, %dma_wait3A_38] : memref<10240x128xf32, #tpu.memory_space<vmem_shared>> -> memref<80x128xf32, #tpu.memory_space<vmem_shared>>
      tpu.wait_dma2 semaphore(%run_scoped3A : memref<!tpu.dma_semaphore, #tpu.memory_space<semaphore_mem>>) src(%arg10 : memref<80x128xf32, #tpu.memory_space<vmem>>) dst(%dma_wait3A_39 : memref<80x128xf32, #tpu.memory_space<vmem_shared>>)
      tpu.yield
    }) : () -> ()
    %add3A_14 = arith.constant 160 : i32
    %add3A_15 = arith.addi %mul3A_2, %add3A_14 : i32
    "tpu.region"() ({
      %run_scoped3A = tpu.sem_alloc : memref<!tpu.dma_semaphore, #tpu.memory_space<semaphore_mem>>
      %dma_start3A = arith.constant 0 : i32
      %dma_start3A_34 = tpu.memref_slice %arg11[%add3A_15, %dma_start3A] : memref<10240x128xf32, #tpu.memory_space<vmem_shared>> -> memref<80x128xf32, #tpu.memory_space<vmem_shared>>
      %dma_start3A_35 = arith.constant 0 : i32
      %dma_start3A_36 = tpu.memref_slice %arg11[%add3A_15, %dma_start3A_35] : memref<10240x128xf32, #tpu.memory_space<vmem_shared>> -> memref<80x128xf32, #tpu.memory_space<vmem_shared>>
      tpu.enqueue_dma source(%arg10 : memref<80x128xf32, #tpu.memory_space<vmem>>) target(%dma_start3A_36 : memref<80x128xf32, #tpu.memory_space<vmem_shared>>) target_semaphore(%run_scoped3A : memref<!tpu.dma_semaphore, #tpu.memory_space<semaphore_mem>>)
      %dma_wait3A = arith.constant 0 : i32
      %dma_wait3A_37 = tpu.memref_slice %arg11[%add3A_15, %dma_wait3A] : memref<10240x128xf32, #tpu.memory_space<vmem_shared>> -> memref<80x128xf32, #tpu.memory_space<vmem_shared>>
      %dma_wait3A_38 = arith.constant 0 : i32
      %dma_wait3A_39 = tpu.memref_slice %arg11[%add3A_15, %dma_wait3A_38] : memref<10240x128xf32, #tpu.memory_space<vmem_shared>> -> memref<80x128xf32, #tpu.memory_space<vmem_shared>>
      tpu.wait_dma2 semaphore(%run_scoped3A : memref<!tpu.dma_semaphore, #tpu.memory_space<semaphore_mem>>) src(%arg10 : memref<80x128xf32, #tpu.memory_space<vmem>>) dst(%dma_wait3A_39 : memref<80x128xf32, #tpu.memory_space<vmem_shared>>)
      tpu.yield
    }) : () -> ()
    %add3A_16 = arith.constant 240 : i32
    %add3A_17 = arith.addi %mul3A_2, %add3A_16 : i32
    "tpu.region"() ({
      %run_scoped3A = tpu.sem_alloc : memref<!tpu.dma_semaphore, #tpu.memory_space<semaphore_mem>>
      %dma_start3A = arith.constant 0 : i32
      %dma_start3A_34 = tpu.memref_slice %arg11[%add3A_17, %dma_start3A] : memref<10240x128xf32, #tpu.memory_space<vmem_shared>> -> memref<80x128xf32, #tpu.memory_space<vmem_shared>>
      %dma_start3A_35 = arith.constant 0 : i32
      %dma_start3A_36 = tpu.memref_slice %arg11[%add3A_17, %dma_start3A_35] : memref<10240x128xf32, #tpu.memory_space<vmem_shared>> -> memref<80x128xf32, #tpu.memory_space<vmem_shared>>
      tpu.enqueue_dma source(%arg10 : memref<80x128xf32, #tpu.memory_space<vmem>>) target(%dma_start3A_36 : memref<80x128xf32, #tpu.memory_space<vmem_shared>>) target_semaphore(%run_scoped3A : memref<!tpu.dma_semaphore, #tpu.memory_space<semaphore_mem>>)
      %dma_wait3A = arith.constant 0 : i32
      %dma_wait3A_37 = tpu.memref_slice %arg11[%add3A_17, %dma_wait3A] : memref<10240x128xf32, #tpu.memory_space<vmem_shared>> -> memref<80x128xf32, #tpu.memory_space<vmem_shared>>
      %dma_wait3A_38 = arith.constant 0 : i32
      %dma_wait3A_39 = tpu.memref_slice %arg11[%add3A_17, %dma_wait3A_38] : memref<10240x128xf32, #tpu.memory_space<vmem_shared>> -> memref<80x128xf32, #tpu.memory_space<vmem_shared>>
      tpu.wait_dma2 semaphore(%run_scoped3A : memref<!tpu.dma_semaphore, #tpu.memory_space<semaphore_mem>>) src(%arg10 : memref<80x128xf32, #tpu.memory_space<vmem>>) dst(%dma_wait3A_39 : memref<80x128xf32, #tpu.memory_space<vmem_shared>>)
      tpu.yield
    }) : () -> ()
    %add3A_18 = arith.constant 320 : i32
    %add3A_19 = arith.addi %mul3A_2, %add3A_18 : i32
    "tpu.region"() ({
      %run_scoped3A = tpu.sem_alloc : memref<!tpu.dma_semaphore, #tpu.memory_space<semaphore_mem>>
      %dma_start3A = arith.constant 0 : i32
      %dma_start3A_34 = tpu.memref_slice %arg11[%add3A_19, %dma_start3A] : memref<10240x128xf32, #tpu.memory_space<vmem_shared>> -> memref<80x128xf32, #tpu.memory_space<vmem_shared>>
      %dma_start3A_35 = arith.constant 0 : i32
      %dma_start3A_36 = tpu.memref_slice %arg11[%add3A_19, %dma_start3A_35] : memref<10240x128xf32, #tpu.memory_space<vmem_shared>> -> memref<80x128xf32, #tpu.memory_space<vmem_shared>>
      tpu.enqueue_dma source(%arg10 : memref<80x128xf32, #tpu.memory_space<vmem>>) target(%dma_start3A_36 : memref<80x128xf32, #tpu.memory_space<vmem_shared>>) target_semaphore(%run_scoped3A : memref<!tpu.dma_semaphore, #tpu.memory_space<semaphore_mem>>)
      %dma_wait3A = arith.constant 0 : i32
      %dma_wait3A_37 = tpu.memref_slice %arg11[%add3A_19, %dma_wait3A] : memref<10240x128xf32, #tpu.memory_space<vmem_shared>> -> memref<80x128xf32, #tpu.memory_space<vmem_shared>>
      %dma_wait3A_38 = arith.constant 0 : i32
      %dma_wait3A_39 = tpu.memref_slice %arg11[%add3A_19, %dma_wait3A_38] : memref<10240x128xf32, #tpu.memory_space<vmem_shared>> -> memref<80x128xf32, #tpu.memory_space<vmem_shared>>
      tpu.wait_dma2 semaphore(%run_scoped3A : memref<!tpu.dma_semaphore, #tpu.memory_space<semaphore_mem>>) src(%arg10 : memref<80x128xf32, #tpu.memory_space<vmem>>) dst(%dma_wait3A_39 : memref<80x128xf32, #tpu.memory_space<vmem_shared>>)
      tpu.yield
    }) : () -> ()
    %add3A_20 = arith.constant 400 : i32
    %add3A_21 = arith.addi %mul3A_2, %add3A_20 : i32
    "tpu.region"() ({
      %run_scoped3A = tpu.sem_alloc : memref<!tpu.dma_semaphore, #tpu.memory_space<semaphore_mem>>
      %dma_start3A = arith.constant 0 : i32
      %dma_start3A_34 = tpu.memref_slice %arg11[%add3A_21, %dma_start3A] : memref<10240x128xf32, #tpu.memory_space<vmem_shared>> -> memref<80x128xf32, #tpu.memory_space<vmem_shared>>
      %dma_start3A_35 = arith.constant 0 : i32
      %dma_start3A_36 = tpu.memref_slice %arg11[%add3A_21, %dma_start3A_35] : memref<10240x128xf32, #tpu.memory_space<vmem_shared>> -> memref<80x128xf32, #tpu.memory_space<vmem_shared>>
      tpu.enqueue_dma source(%arg10 : memref<80x128xf32, #tpu.memory_space<vmem>>) target(%dma_start3A_36 : memref<80x128xf32, #tpu.memory_space<vmem_shared>>) target_semaphore(%run_scoped3A : memref<!tpu.dma_semaphore, #tpu.memory_space<semaphore_mem>>)
      %dma_wait3A = arith.constant 0 : i32
      %dma_wait3A_37 = tpu.memref_slice %arg11[%add3A_21, %dma_wait3A] : memref<10240x128xf32, #tpu.memory_space<vmem_shared>> -> memref<80x128xf32, #tpu.memory_space<vmem_shared>>
      %dma_wait3A_38 = arith.constant 0 : i32
      %dma_wait3A_39 = tpu.memref_slice %arg11[%add3A_21, %dma_wait3A_38] : memref<10240x128xf32, #tpu.memory_space<vmem_shared>> -> memref<80x128xf32, #tpu.memory_space<vmem_shared>>
      tpu.wait_dma2 semaphore(%run_scoped3A : memref<!tpu.dma_semaphore, #tpu.memory_space<semaphore_mem>>) src(%arg10 : memref<80x128xf32, #tpu.memory_space<vmem>>) dst(%dma_wait3A_39 : memref<80x128xf32, #tpu.memory_space<vmem_shared>>)
      tpu.yield
    }) : () -> ()
    %add3A_22 = arith.constant 480 : i32
    %add3A_23 = arith.addi %mul3A_2, %add3A_22 : i32
    "tpu.region"() ({
      %run_scoped3A = tpu.sem_alloc : memref<!tpu.dma_semaphore, #tpu.memory_space<semaphore_mem>>
      %dma_start3A = arith.constant 0 : i32
      %dma_start3A_34 = tpu.memref_slice %arg11[%add3A_23, %dma_start3A] : memref<10240x128xf32, #tpu.memory_space<vmem_shared>> -> memref<80x128xf32, #tpu.memory_space<vmem_shared>>
      %dma_start3A_35 = arith.constant 0 : i32
      %dma_start3A_36 = tpu.memref_slice %arg11[%add3A_23, %dma_start3A_35] : memref<10240x128xf32, #tpu.memory_space<vmem_shared>> -> memref<80x128xf32, #tpu.memory_space<vmem_shared>>
      tpu.enqueue_dma source(%arg10 : memref<80x128xf32, #tpu.memory_space<vmem>>) target(%dma_start3A_36 : memref<80x128xf32, #tpu.memory_space<vmem_shared>>) target_semaphore(%run_scoped3A : memref<!tpu.dma_semaphore, #tpu.memory_space<semaphore_mem>>)
      %dma_wait3A = arith.constant 0 : i32
      %dma_wait3A_37 = tpu.memref_slice %arg11[%add3A_23, %dma_wait3A] : memref<10240x128xf32, #tpu.memory_space<vmem_shared>> -> memref<80x128xf32, #tpu.memory_space<vmem_shared>>
      %dma_wait3A_38 = arith.constant 0 : i32
      %dma_wait3A_39 = tpu.memref_slice %arg11[%add3A_23, %dma_wait3A_38] : memref<10240x128xf32, #tpu.memory_space<vmem_shared>> -> memref<80x128xf32, #tpu.memory_space<vmem_shared>>
      tpu.wait_dma2 semaphore(%run_scoped3A : memref<!tpu.dma_semaphore, #tpu.memory_space<semaphore_mem>>) src(%arg10 : memref<80x128xf32, #tpu.memory_space<vmem>>) dst(%dma_wait3A_39 : memref<80x128xf32, #tpu.memory_space<vmem_shared>>)
      tpu.yield
    }) : () -> ()
    %add3A_24 = arith.constant 560 : i32
    %add3A_25 = arith.addi %mul3A_2, %add3A_24 : i32
    "tpu.region"() ({
      %run_scoped3A = tpu.sem_alloc : memref<!tpu.dma_semaphore, #tpu.memory_space<semaphore_mem>>
      %dma_start3A = arith.constant 0 : i32
      %dma_start3A_34 = tpu.memref_slice %arg11[%add3A_25, %dma_start3A] : memref<10240x128xf32, #tpu.memory_space<vmem_shared>> -> memref<80x128xf32, #tpu.memory_space<vmem_shared>>
      %dma_start3A_35 = arith.constant 0 : i32
      %dma_start3A_36 = tpu.memref_slice %arg11[%add3A_25, %dma_start3A_35] : memref<10240x128xf32, #tpu.memory_space<vmem_shared>> -> memref<80x128xf32, #tpu.memory_space<vmem_shared>>
      tpu.enqueue_dma source(%arg10 : memref<80x128xf32, #tpu.memory_space<vmem>>) target(%dma_start3A_36 : memref<80x128xf32, #tpu.memory_space<vmem_shared>>) target_semaphore(%run_scoped3A : memref<!tpu.dma_semaphore, #tpu.memory_space<semaphore_mem>>)
      %dma_wait3A = arith.constant 0 : i32
      %dma_wait3A_37 = tpu.memref_slice %arg11[%add3A_25, %dma_wait3A] : memref<10240x128xf32, #tpu.memory_space<vmem_shared>> -> memref<80x128xf32, #tpu.memory_space<vmem_shared>>
      %dma_wait3A_38 = arith.constant 0 : i32
      %dma_wait3A_39 = tpu.memref_slice %arg11[%add3A_25, %dma_wait3A_38] : memref<10240x128xf32, #tpu.memory_space<vmem_shared>> -> memref<80x128xf32, #tpu.memory_space<vmem_shared>>
      tpu.wait_dma2 semaphore(%run_scoped3A : memref<!tpu.dma_semaphore, #tpu.memory_space<semaphore_mem>>) src(%arg10 : memref<80x128xf32, #tpu.memory_space<vmem>>) dst(%dma_wait3A_39 : memref<80x128xf32, #tpu.memory_space<vmem_shared>>)
      tpu.yield
    }) : () -> ()
    %barrier3A = arith.constant 0 : index
    tpu.barrier barrier_id(%barrier3A)
    %scan3A_26 = arith.constant 0 : i32
    %scan3A_27 = arith.constant 0 : i32
    %scan3A_28 = arith.constant 125 : i32
    %scan3A_29 = arith.addi %scan3A_27, %scan3A_28 : i32
    %scan3A_30 = arith.constant 1 : i32
    %scan3A_31 = scf.for %scan3A_34 = %scan3A_27 to %scan3A_29 step %scan3A_30 iter_args(%scan3A_35 = %scan3A_26) -> (i32)  : i32 {
      %mul3A_36 = arith.constant 10000 : i32
      %mul3A_37 = arith.muli %add3A, %mul3A_36 : i32
      %mul3A_38 = arith.constant 80 : i32
      %mul3A_39 = arith.muli %scan3A_34, %mul3A_38 : i32
      %add3A_40 = arith.addi %mul3A_37, %mul3A_39 : i32
      "tpu.region"() ({
        %run_scoped3A = tpu.sem_alloc : memref<!tpu.dma_semaphore, #tpu.memory_space<semaphore_mem>>
        %dma_start3A_59 = tpu.memref_slice %arg2[%add3A_40] : memref<320000xi32, #tpu.memory_space<hbm>> -> memref<80xi32, #tpu.memory_space<hbm>>
        %dma_start3A_60 = tpu.memref_slice %arg2[%add3A_40] : memref<320000xi32, #tpu.memory_space<hbm>> -> memref<80xi32, #tpu.memory_space<hbm>>
        tpu.enqueue_dma source(%dma_start3A_60 : memref<80xi32, #tpu.memory_space<hbm>>) target(%arg6 : memref<80xi32, #tpu.memory_space<vmem>>) target_semaphore(%run_scoped3A : memref<!tpu.dma_semaphore, #tpu.memory_space<semaphore_mem>>)
        %dma_wait3A_61 = tpu.memref_slice %arg2[%add3A_40] : memref<320000xi32, #tpu.memory_space<hbm>> -> memref<80xi32, #tpu.memory_space<hbm>>
        %dma_wait3A_62 = tpu.memref_slice %arg2[%add3A_40] : memref<320000xi32, #tpu.memory_space<hbm>> -> memref<80xi32, #tpu.memory_space<hbm>>
        tpu.wait_dma2 semaphore(%run_scoped3A : memref<!tpu.dma_semaphore, #tpu.memory_space<semaphore_mem>>) src(%dma_wait3A_62 : memref<80xi32, #tpu.memory_space<hbm>>) dst(%arg6 : memref<80xi32, #tpu.memory_space<vmem>>)
        tpu.yield
      }) : () -> ()
      "tpu.region"() ({
        %run_scoped3A = tpu.sem_alloc : memref<!tpu.dma_semaphore, #tpu.memory_space<semaphore_mem>>
        %dma_start3A_59 = tpu.memref_slice %arg3[%add3A_40] : memref<320000xi32, #tpu.memory_space<hbm>> -> memref<80xi32, #tpu.memory_space<hbm>>
        %dma_start3A_60 = tpu.memref_slice %arg3[%add3A_40] : memref<320000xi32, #tpu.memory_space<hbm>> -> memref<80xi32, #tpu.memory_space<hbm>>
        tpu.enqueue_dma source(%dma_start3A_60 : memref<80xi32, #tpu.memory_space<hbm>>) target(%arg7 : memref<80xi32, #tpu.memory_space<vmem>>) target_semaphore(%run_scoped3A : memref<!tpu.dma_semaphore, #tpu.memory_space<semaphore_mem>>)
        %dma_wait3A_61 = tpu.memref_slice %arg3[%add3A_40] : memref<320000xi32, #tpu.memory_space<hbm>> -> memref<80xi32, #tpu.memory_space<hbm>>
        %dma_wait3A_62 = tpu.memref_slice %arg3[%add3A_40] : memref<320000xi32, #tpu.memory_space<hbm>> -> memref<80xi32, #tpu.memory_space<hbm>>
        tpu.wait_dma2 semaphore(%run_scoped3A : memref<!tpu.dma_semaphore, #tpu.memory_space<semaphore_mem>>) src(%dma_wait3A_62 : memref<80xi32, #tpu.memory_space<hbm>>) dst(%arg7 : memref<80xi32, #tpu.memory_space<vmem>>)
        tpu.yield
      }) : () -> ()
      %dma_start3A = arith.constant 0 : i32
      %dma_start3A_41 = arith.constant 0 : i32
      %dma_start3A_42 = tpu.memref_slice %arg4[%dma_start3A, %dma_start3A_41] : memref<10240x128xf32, #tpu.memory_space<hbm>> -> memref<10240x128xf32, #tpu.memory_space<hbm>>
      tpu.enqueue_indirect_dma source(%dma_start3A_42 : memref<10240x128xf32, #tpu.memory_space<hbm>>) target(%arg8 : memref<80x128xf32, #tpu.memory_space<vmem>>) offsets(%arg6 : memref<80xi32, #tpu.memory_space<vmem>>) semaphore(%arg12 : memref<!tpu.dma_semaphore, #tpu.memory_space<semaphore_mem>>)
      %dma_start3A_43 = arith.constant 0 : i32
      %dma_start3A_44 = arith.constant 0 : i32
      %dma_start3A_45 = tpu.memref_slice %arg4[%dma_start3A_43, %dma_start3A_44] : memref<10240x128xf32, #tpu.memory_space<hbm>> -> memref<10240x128xf32, #tpu.memory_space<hbm>>
      tpu.enqueue_indirect_dma source(%dma_start3A_45 : memref<10240x128xf32, #tpu.memory_space<hbm>>) target(%arg9 : memref<80x128xf32, #tpu.memory_space<vmem>>) offsets(%arg7 : memref<80xi32, #tpu.memory_space<vmem>>) semaphore(%arg13 : memref<!tpu.dma_semaphore, #tpu.memory_space<semaphore_mem>>)
      %dma_wait3A = arith.constant 0 : i32
      %dma_wait3A_46 = arith.constant 0 : i32
      %dma_wait3A_47 = tpu.memref_slice %arg4[%dma_wait3A, %dma_wait3A_46] : memref<10240x128xf32, #tpu.memory_space<hbm>> -> memref<10240x128xf32, #tpu.memory_space<hbm>>
      tpu.wait_indirect_dma semaphore(%arg12 : memref<!tpu.dma_semaphore, #tpu.memory_space<semaphore_mem>>) src(%dma_wait3A_47 : memref<10240x128xf32, #tpu.memory_space<hbm>>) dst(%arg8 : memref<80x128xf32, #tpu.memory_space<vmem>>)
      %dma_wait3A_48 = arith.constant 0 : i32
      %dma_wait3A_49 = arith.constant 0 : i32
      %dma_wait3A_50 = tpu.memref_slice %arg4[%dma_wait3A_48, %dma_wait3A_49] : memref<10240x128xf32, #tpu.memory_space<hbm>> -> memref<10240x128xf32, #tpu.memory_space<hbm>>
      tpu.wait_indirect_dma semaphore(%arg13 : memref<!tpu.dma_semaphore, #tpu.memory_space<semaphore_mem>>) src(%dma_wait3A_50 : memref<10240x128xf32, #tpu.memory_space<hbm>>) dst(%arg9 : memref<80x128xf32, #tpu.memory_space<vmem>>)
      %scan3A_51 = arith.constant 0 : i32
      %scan3A_52 = arith.constant 0 : i32
      %scan3A_53 = arith.constant 80 : i32
      %scan3A_54 = arith.addi %scan3A_52, %scan3A_53 : i32
      %scan3A_55 = arith.constant 1 : i32
      %scan3A_56 = scf.for %scan3A_59 = %scan3A_52 to %scan3A_54 step %scan3A_55 iter_args(%scan3A_60 = %scan3A_51) -> (i32)  : i32 {
        %get3A = arith.index_cast %scan3A_59 : i32 to index
        %get3A_61 = arith.constant 64 : index
        %get3A_62 = tpu.vector_load %arg8[%get3A, %get3A_61] {strides = array<i32>} : memref<80x128xf32, #tpu.memory_space<vmem>>, vector<1x16xf32>,
        %get3A_63 = vector.shape_cast %get3A_62 : vector<1x16xf32> to vector<16xf32>
        %get3A_64 = arith.index_cast %scan3A_59 : i32 to index
        %get3A_65 = arith.constant 80 : index
        %get3A_66 = tpu.vector_load %arg9[%get3A_64, %get3A_65] {strides = array<i32>} : memref<80x128xf32, #tpu.memory_space<vmem>>, vector<1x16xf32>,
        %get3A_67 = vector.shape_cast %get3A_66 : vector<1x16xf32> to vector<16xf32>
        %add3A_68 = arith.addf %get3A_63, %get3A_67 : vector<16xf32>
        %mul3A_69 = arith.constant -6.000000e+00 : f32
        %mul3A_70 = vector.broadcast %mul3A_69 : f32 to vector<16xf32>
        %mul3A_71 = arith.mulf %mul3A_70, %add3A_68 : vector<16xf32>
        %exp3A = math.exp %mul3A_71 : vector<16xf32>
        %add3A_72 = arith.constant 1.000000e+00 : f32
        %add3A_73 = vector.broadcast %add3A_72 : f32 to vector<16xf32>
        %add3A_74 = arith.addf %add3A_73, %exp3A : vector<16xf32>
        %div3A = arith.constant 1.000000e+00 : f32
        %div3A_75 = vector.broadcast %div3A : f32 to vector<16xf32>
        %div3A_76 = arith.divf %div3A_75, %add3A_74 : vector<16xf32>
        %get3A_77 = arith.index_cast %scan3A_59 : i32 to index
        %get3A_78 = arith.constant 0 : index
        %get3A_79 = tpu.vector_load %arg8[%get3A_77, %get3A_78] {strides = array<i32>} : memref<80x128xf32, #tpu.memory_space<vmem>>, vector<1x16xf32>,
        %get3A_80 = vector.shape_cast %get3A_79 : vector<1x16xf32> to vector<16xf32>
        %get3A_81 = arith.index_cast %scan3A_59 : i32 to index
        %get3A_82 = arith.constant 16 : index
        %get3A_83 = tpu.vector_load %arg8[%get3A_81, %get3A_82] {strides = array<i32>} : memref<80x128xf32, #tpu.memory_space<vmem>>, vector<1x16xf32>,
        %get3A_84 = vector.shape_cast %get3A_83 : vector<1x16xf32> to vector<16xf32>
        %get3A_85 = arith.index_cast %scan3A_59 : i32 to index
        %get3A_86 = arith.constant 32 : index
        %get3A_87 = tpu.vector_load %arg8[%get3A_85, %get3A_86] {strides = array<i32>} : memref<80x128xf32, #tpu.memory_space<vmem>>, vector<1x16xf32>,
        %get3A_88 = vector.shape_cast %get3A_87 : vector<1x16xf32> to vector<16xf32>
        %get3A_89 = arith.index_cast %scan3A_59 : i32 to index
        %get3A_90 = arith.constant 48 : index
        %get3A_91 = tpu.vector_load %arg8[%get3A_89, %get3A_90] {strides = array<i32>} : memref<80x128xf32, #tpu.memory_space<vmem>>, vector<1x16xf32>,
        %get3A_92 = vector.shape_cast %get3A_91 : vector<1x16xf32> to vector<16xf32>
        %slice3A = vector.extract_strided_slice %div3A_76 {offsets = [0], sizes = [1], strides = [1]} : vector<16xf32> to vector<1xf32>
        %squeeze3A = vector.extract %slice3A[0] : f32 from vector<1xf32>
        %mul3A_93 = vector.broadcast %squeeze3A : f32 to vector<16xf32>
        %mul3A_94 = arith.mulf %get3A_80, %mul3A_93 : vector<16xf32>
        %swap3A = arith.index_cast %scan3A_59 : i32 to index
        %swap3A_95 = arith.constant 0 : index
        %swap3A_96 = tpu.vector_load %arg10[%swap3A, %swap3A_95] {strides = array<i32>} : memref<80x128xf32, #tpu.memory_space<vmem>>, vector<1x16xf32>,
        %swap3A_97 = vector.shape_cast %swap3A_96 : vector<1x16xf32> to vector<16xf32>
        %swap3A_98 = vector.shape_cast %mul3A_94 : vector<16xf32> to vector<1x16xf32>
        tpu.vector_store %arg10[%swap3A, %swap3A_95], %swap3A_98 {strides = array<i32>} : memref<80x128xf32, #tpu.memory_space<vmem>>, vector<1x16xf32>,
        %mul3A_99 = vector.broadcast %squeeze3A : f32 to vector<16xf32>
        %mul3A_100 = arith.mulf %get3A_84, %mul3A_99 : vector<16xf32>
        %swap3A_101 = arith.index_cast %scan3A_59 : i32 to index
        %swap3A_102 = arith.constant 16 : index
        %swap3A_103 = tpu.vector_load %arg10[%swap3A_101, %swap3A_102] {strides = array<i32>} : memref<80x128xf32, #tpu.memory_space<vmem>>, vector<1x16xf32>,
        %swap3A_104 = vector.shape_cast %swap3A_103 : vector<1x16xf32> to vector<16xf32>
        %swap3A_105 = vector.shape_cast %mul3A_100 : vector<16xf32> to vector<1x16xf32>
        tpu.vector_store %arg10[%swap3A_101, %swap3A_102], %swap3A_105 {strides = array<i32>} : memref<80x128xf32, #tpu.memory_space<vmem>>, vector<1x16xf32>,
        %mul3A_106 = vector.broadcast %squeeze3A : f32 to vector<16xf32>
        %mul3A_107 = arith.mulf %get3A_88, %mul3A_106 : vector<16xf32>
        %swap3A_108 = arith.index_cast %scan3A_59 : i32 to index
        %swap3A_109 = arith.constant 32 : index
        %swap3A_110 = tpu.vector_load %arg10[%swap3A_108, %swap3A_109] {strides = array<i32>} : memref<80x128xf32, #tpu.memory_space<vmem>>, vector<1x16xf32>,
        %swap3A_111 = vector.shape_cast %swap3A_110 : vector<1x16xf32> to vector<16xf32>
        %swap3A_112 = vector.shape_cast %mul3A_107 : vector<16xf32> to vector<1x16xf32>
        tpu.vector_store %arg10[%swap3A_108, %swap3A_109], %swap3A_112 {strides = array<i32>} : memref<80x128xf32, #tpu.memory_space<vmem>>, vector<1x16xf32>,
        %mul3A_113 = vector.broadcast %squeeze3A : f32 to vector<16xf32>
        %mul3A_114 = arith.mulf %get3A_92, %mul3A_113 : vector<16xf32>
        %swap3A_115 = arith.index_cast %scan3A_59 : i32 to index
        %swap3A_116 = arith.constant 48 : index
        %swap3A_117 = tpu.vector_load %arg10[%swap3A_115, %swap3A_116] {strides = array<i32>} : memref<80x128xf32, #tpu.memory_space<vmem>>, vector<1x16xf32>,
        %swap3A_118 = vector.shape_cast %swap3A_117 : vector<1x16xf32> to vector<16xf32>
        %swap3A_119 = vector.shape_cast %mul3A_114 : vector<16xf32> to vector<1x16xf32>
        tpu.vector_store %arg10[%swap3A_115, %swap3A_116], %swap3A_119 {strides = array<i32>} : memref<80x128xf32, #tpu.memory_space<vmem>>, vector<1x16xf32>,
        %slice3A_120 = vector.extract_strided_slice %div3A_76 {offsets = [1], sizes = [1], strides = [1]} : vector<16xf32> to vector<1xf32>
        %squeeze3A_121 = vector.extract %slice3A_120[0] : f32 from vector<1xf32>
        %mul3A_122 = vector.broadcast %squeeze3A_121 : f32 to vector<16xf32>
        %mul3A_123 = arith.mulf %get3A_80, %mul3A_122 : vector<16xf32>
        %swap3A_124 = arith.index_cast %scan3A_59 : i32 to index
        %swap3A_125 = arith.constant 64 : index
        %swap3A_126 = tpu.vector_load %arg10[%swap3A_124, %swap3A_125] {strides = array<i32>} : memref<80x128xf32, #tpu.memory_space<vmem>>, vector<1x16xf32>,
        %swap3A_127 = vector.shape_cast %swap3A_126 : vector<1x16xf32> to vector<16xf32>
        %swap3A_128 = vector.shape_cast %mul3A_123 : vector<16xf32> to vector<1x16xf32>
        tpu.vector_store %arg10[%swap3A_124, %swap3A_125], %swap3A_128 {strides = array<i32>} : memref<80x128xf32, #tpu.memory_space<vmem>>, vector<1x16xf32>,
        %mul3A_129 = vector.broadcast %squeeze3A_121 : f32 to vector<16xf32>
        %mul3A_130 = arith.mulf %get3A_84, %mul3A_129 : vector<16xf32>
        %swap3A_131 = arith.index_cast %scan3A_59 : i32 to index
        %swap3A_132 = arith.constant 80 : index
        %swap3A_133 = tpu.vector_load %arg10[%swap3A_131, %swap3A_132] {strides = array<i32>} : memref<80x128xf32, #tpu.memory_space<vmem>>, vector<1x16xf32>,
        %swap3A_134 = vector.shape_cast %swap3A_133 : vector<1x16xf32> to vector<16xf32>
        %swap3A_135 = vector.shape_cast %mul3A_130 : vector<16xf32> to vector<1x16xf32>
        tpu.vector_store %arg10[%swap3A_131, %swap3A_132], %swap3A_135 {strides = array<i32>} : memref<80x128xf32, #tpu.memory_space<vmem>>, vector<1x16xf32>,
        %mul3A_136 = vector.broadcast %squeeze3A_121 : f32 to vector<16xf32>
        %mul3A_137 = arith.mulf %get3A_88, %mul3A_136 : vector<16xf32>
        %swap3A_138 = arith.index_cast %scan3A_59 : i32 to index
        %swap3A_139 = arith.constant 96 : index
        %swap3A_140 = tpu.vector_load %arg10[%swap3A_138, %swap3A_139] {strides = array<i32>} : memref<80x128xf32, #tpu.memory_space<vmem>>, vector<1x16xf32>,
        %swap3A_141 = vector.shape_cast %swap3A_140 : vector<1x16xf32> to vector<16xf32>
        %swap3A_142 = vector.shape_cast %mul3A_137 : vector<16xf32> to vector<1x16xf32>
        tpu.vector_store %arg10[%swap3A_138, %swap3A_139], %swap3A_142 {strides = array<i32>} : memref<80x128xf32, #tpu.memory_space<vmem>>, vector<1x16xf32>,
        %mul3A_143 = vector.broadcast %squeeze3A_121 : f32 to vector<16xf32>
        %mul3A_144 = arith.mulf %get3A_92, %mul3A_143 : vector<16xf32>
        %swap3A_145 = arith.index_cast %scan3A_59 : i32 to index
        %swap3A_146 = arith.constant 112 : index
        %swap3A_147 = tpu.vector_load %arg10[%swap3A_145, %swap3A_146] {strides = array<i32>} : memref<80x128xf32, #tpu.memory_space<vmem>>, vector<1x16xf32>,
        %swap3A_148 = vector.shape_cast %swap3A_147 : vector<1x16xf32> to vector<16xf32>
        %swap3A_149 = vector.shape_cast %mul3A_144 : vector<16xf32> to vector<1x16xf32>
        tpu.vector_store %arg10[%swap3A_145, %swap3A_146], %swap3A_149 {strides = array<i32>} : memref<80x128xf32, #tpu.memory_space<vmem>>, vector<1x16xf32>,
        %scan3A_150 = arith.constant 0 : i32
        scf.yield %scan3A_150 : i32
      }
      %scan3A_57 = arith.constant 80 : i32
      "tpu.region"() ({
        %run_scoped3A = tpu.sem_alloc : memref<!tpu.dma_semaphore, #tpu.memory_space<semaphore_mem>>
        %dma_start3A_59 = arith.constant 0 : i32
        %dma_start3A_60 = arith.constant 0 : i32
        %dma_start3A_61 = tpu.memref_slice %arg11[%dma_start3A_59, %dma_start3A_60] : memref<10240x128xf32, #tpu.memory_space<vmem_shared>> -> memref<10240x128xf32, #tpu.memory_space<vmem_shared>>
        tpu.enqueue_indirect_dma source(%arg10 : memref<80x128xf32, #tpu.memory_space<vmem>>) target(%dma_start3A_61 : memref<10240x128xf32, #tpu.memory_space<vmem_shared>>) offsets(%arg7 : memref<80xi32, #tpu.memory_space<vmem>>) semaphore(%run_scoped3A : memref<!tpu.dma_semaphore, #tpu.memory_space<semaphore_mem>>) {add = true}
        %dma_wait3A_62 = arith.constant 0 : i32
        %dma_wait3A_63 = arith.constant 0 : i32
        %dma_wait3A_64 = tpu.memref_slice %arg11[%dma_wait3A_62, %dma_wait3A_63] : memref<10240x128xf32, #tpu.memory_space<vmem_shared>> -> memref<10240x128xf32, #tpu.memory_space<vmem_shared>>
        tpu.wait_indirect_dma semaphore(%run_scoped3A : memref<!tpu.dma_semaphore, #tpu.memory_space<semaphore_mem>>) src(%arg10 : memref<80x128xf32, #tpu.memory_space<vmem>>) dst(%dma_wait3A_64 : memref<10240x128xf32, #tpu.memory_space<vmem_shared>>)
        tpu.yield
      }) : () -> ()
      %scan3A_58 = arith.constant 0 : i32
      scf.yield %scan3A_58 : i32
    }
    %scan3A_32 = arith.constant 125 : i32
    %barrier3A_33 = arith.constant 0 : index
    tpu.barrier barrier_id(%barrier3A_33)
    "tpu.region"() ({
      %run_scoped3A = tpu.sem_alloc : memref<!tpu.dma_semaphore, #tpu.memory_space<semaphore_mem>>
      %dma_start3A = arith.constant 0 : i32
      %dma_start3A_34 = tpu.memref_slice %arg5[%arg0, %mul3A_2, %dma_start3A] : memref<2x10240x128xf32, #tpu.memory_space<hbm>> -> memref<1x640x128xf32, #tpu.memory_space<hbm>>
      %dma_start3A_35 = tpu.memref_squeeze %dma_start3A_34 : memref<1x640x128xf32, #tpu.memory_space<hbm>> -> memref<640x128xf32, #tpu.memory_space<hbm>>
      %dma_start3A_36 = arith.constant 0 : i32
      %dma_start3A_37 = tpu.memref_slice %arg11[%mul3A_2, %dma_start3A_36] : memref<10240x128xf32, #tpu.memory_space<vmem_shared>> -> memref<640x128xf32, #tpu.memory_space<vmem_shared>>
      tpu.enqueue_dma source(%dma_start3A_37 : memref<640x128xf32, #tpu.memory_space<vmem_shared>>) target(%dma_start3A_35 : memref<640x128xf32, #tpu.memory_space<hbm>>) target_semaphore(%run_scoped3A : memref<!tpu.dma_semaphore, #tpu.memory_space<semaphore_mem>>)
      %dma_wait3A = arith.constant 0 : i32
      %dma_wait3A_38 = tpu.memref_slice %arg5[%arg0, %mul3A_2, %dma_wait3A] : memref<2x10240x128xf32, #tpu.memory_space<hbm>> -> memref<1x640x128xf32, #tpu.memory_space<hbm>>
      %dma_wait3A_39 = tpu.memref_squeeze %dma_wait3A_38 : memref<1x640x128xf32, #tpu.memory_space<hbm>> -> memref<640x128xf32, #tpu.memory_space<hbm>>
      %dma_wait3A_40 = arith.constant 0 : i32
      %dma_wait3A_41 = tpu.memref_slice %arg11[%mul3A_2, %dma_wait3A_40] : memref<10240x128xf32, #tpu.memory_space<vmem_shared>> -> memref<640x128xf32, #tpu.memory_space<vmem_shared>>
      tpu.wait_dma2 semaphore(%run_scoped3A : memref<!tpu.dma_semaphore, #tpu.memory_space<semaphore_mem>>) src(%dma_wait3A_41 : memref<640x128xf32, #tpu.memory_space<vmem_shared>>) dst(%dma_wait3A_39 : memref<640x128xf32, #tpu.memory_space<hbm>>)
      tpu.yield
    }) : () -> ()
    return
  }
}

#map = affine_map<(d0, d1) -> (0)>
#map1 = affine_map<(d0, d1) -> (0, 0)>
module attributes {stable_mosaic.version = 14 : i64} {
  func.func @_gather0_body(%arg0: i32, %arg1: i32, %arg2: memref<10000xi32, #tpu.memory_space<hbm>>, %arg3: memref<10000xf32, #tpu.memory_space<hbm>>, %arg4: memref<200x128xf32, #tpu.memory_space<hbm>>, %arg5: memref<10240x128xf32, #tpu.memory_space<hbm>>, %arg6: memref<200xi32, #tpu.memory_space<vmem>>, %arg7: memref<200xf32, #tpu.memory_space<vmem>>, %arg8: memref<200x128xf32, #tpu.memory_space<vmem>>, %arg9: memref<200x128xf32, #tpu.memory_space<vmem_shared>>, %arg10: memref<!tpu.dma_semaphore, #tpu.memory_space<semaphore_mem>>) attributes {dimension_semantics = [#tpu.dimension_semantics<core_parallel>, #tpu.dimension_semantics<subcore_parallel>], iteration_bounds = array<i64: 2, 16>, scalar_prefetch = 0 : i64, scratch_operands = 5 : i64, tpu.core_type = #tpu.core_type<sc_vector_subcore>, window_params = [{transform_indices = #map}, {transform_indices = #map}, {transform_indices = #map1}, {transform_indices = #map1}]} {
    %mul3A = arith.constant 16 : i32
    %mul3A_0 = arith.muli %arg0, %mul3A : i32
    %add3A = arith.addi %mul3A_0, %arg1 : i32
    %eq3A = arith.constant 0 : i32
    %eq3A_1 = arith.cmpi eq, %arg1, %eq3A : i32
    %convert_element_type3A = arith.extui %eq3A_1 : i1 to i32
    %cond3A = arith.constant 0 : i32
    %cond3A_2 = arith.cmpi ne, %convert_element_type3A, %cond3A : i32
    scf.if %cond3A_2 {
      "tpu.region"() ({
        %run_scoped3A = tpu.sem_alloc : memref<!tpu.dma_semaphore, #tpu.memory_space<semaphore_mem>>
        tpu.enqueue_dma source(%arg4 : memref<200x128xf32, #tpu.memory_space<hbm>>) target(%arg9 : memref<200x128xf32, #tpu.memory_space<vmem_shared>>) target_semaphore(%run_scoped3A : memref<!tpu.dma_semaphore, #tpu.memory_space<semaphore_mem>>)
        tpu.wait_dma2 semaphore(%run_scoped3A : memref<!tpu.dma_semaphore, #tpu.memory_space<semaphore_mem>>) src(%arg4 : memref<200x128xf32, #tpu.memory_space<hbm>>) dst(%arg9 : memref<200x128xf32, #tpu.memory_space<vmem_shared>>)
        tpu.yield
      }) : () -> ()
    } else {
    }
    %barrier3A = arith.constant 0 : index
    tpu.barrier barrier_id(%barrier3A)
    %mul3A_3 = arith.constant 200 : i32
    %mul3A_4 = arith.muli %add3A, %mul3A_3 : i32
    "tpu.region"() ({
      %run_scoped3A = tpu.sem_alloc : memref<!tpu.dma_semaphore, #tpu.memory_space<semaphore_mem>>
      %dma_start3A_244 = tpu.memref_slice %arg2[%mul3A_4] : memref<10000xi32, #tpu.memory_space<hbm>> -> memref<200xi32, #tpu.memory_space<hbm>>
      %dma_start3A_245 = tpu.memref_slice %arg2[%mul3A_4] : memref<10000xi32, #tpu.memory_space<hbm>> -> memref<200xi32, #tpu.memory_space<hbm>>
      tpu.enqueue_dma source(%dma_start3A_245 : memref<200xi32, #tpu.memory_space<hbm>>) target(%arg6 : memref<200xi32, #tpu.memory_space<vmem>>) target_semaphore(%run_scoped3A : memref<!tpu.dma_semaphore, #tpu.memory_space<semaphore_mem>>)
      %dma_wait3A_246 = tpu.memref_slice %arg2[%mul3A_4] : memref<10000xi32, #tpu.memory_space<hbm>> -> memref<200xi32, #tpu.memory_space<hbm>>
      %dma_wait3A_247 = tpu.memref_slice %arg2[%mul3A_4] : memref<10000xi32, #tpu.memory_space<hbm>> -> memref<200xi32, #tpu.memory_space<hbm>>
      tpu.wait_dma2 semaphore(%run_scoped3A : memref<!tpu.dma_semaphore, #tpu.memory_space<semaphore_mem>>) src(%dma_wait3A_247 : memref<200xi32, #tpu.memory_space<hbm>>) dst(%arg6 : memref<200xi32, #tpu.memory_space<vmem>>)
      tpu.yield
    }) : () -> ()
    "tpu.region"() ({
      %run_scoped3A = tpu.sem_alloc : memref<!tpu.dma_semaphore, #tpu.memory_space<semaphore_mem>>
      %dma_start3A_244 = tpu.memref_slice %arg3[%mul3A_4] : memref<10000xf32, #tpu.memory_space<hbm>> -> memref<200xf32, #tpu.memory_space<hbm>>
      %dma_start3A_245 = tpu.memref_slice %arg3[%mul3A_4] : memref<10000xf32, #tpu.memory_space<hbm>> -> memref<200xf32, #tpu.memory_space<hbm>>
      tpu.enqueue_dma source(%dma_start3A_245 : memref<200xf32, #tpu.memory_space<hbm>>) target(%arg7 : memref<200xf32, #tpu.memory_space<vmem>>) target_semaphore(%run_scoped3A : memref<!tpu.dma_semaphore, #tpu.memory_space<semaphore_mem>>)
      %dma_wait3A_246 = tpu.memref_slice %arg3[%mul3A_4] : memref<10000xf32, #tpu.memory_space<hbm>> -> memref<200xf32, #tpu.memory_space<hbm>>
      %dma_wait3A_247 = tpu.memref_slice %arg3[%mul3A_4] : memref<10000xf32, #tpu.memory_space<hbm>> -> memref<200xf32, #tpu.memory_space<hbm>>
      tpu.wait_dma2 semaphore(%run_scoped3A : memref<!tpu.dma_semaphore, #tpu.memory_space<semaphore_mem>>) src(%dma_wait3A_247 : memref<200xf32, #tpu.memory_space<hbm>>) dst(%arg7 : memref<200xf32, #tpu.memory_space<vmem>>)
      tpu.yield
    }) : () -> ()
    %dma_start3A = arith.constant 0 : i32
    %dma_start3A_5 = arith.constant 0 : i32
    %dma_start3A_6 = tpu.memref_slice %arg9[%dma_start3A, %dma_start3A_5] : memref<200x128xf32, #tpu.memory_space<vmem_shared>> -> memref<200x128xf32, #tpu.memory_space<vmem_shared>>
    tpu.enqueue_indirect_dma source(%dma_start3A_6 : memref<200x128xf32, #tpu.memory_space<vmem_shared>>) target(%arg8 : memref<200x128xf32, #tpu.memory_space<vmem>>) offsets(%arg6 : memref<200xi32, #tpu.memory_space<vmem>>) semaphore(%arg10 : memref<!tpu.dma_semaphore, #tpu.memory_space<semaphore_mem>>)
    %dma_wait3A = arith.constant 0 : i32
    %dma_wait3A_7 = arith.constant 0 : i32
    %dma_wait3A_8 = tpu.memref_slice %arg9[%dma_wait3A, %dma_wait3A_7] : memref<200x128xf32, #tpu.memory_space<vmem_shared>> -> memref<200x128xf32, #tpu.memory_space<vmem_shared>>
    tpu.wait_indirect_dma semaphore(%arg10 : memref<!tpu.dma_semaphore, #tpu.memory_space<semaphore_mem>>) src(%dma_wait3A_8 : memref<200x128xf32, #tpu.memory_space<vmem_shared>>) dst(%arg8 : memref<200x128xf32, #tpu.memory_space<vmem>>)
    %scan3A = arith.constant 0 : i32
    %scan3A_9 = arith.constant 0 : i32
    %scan3A_10 = arith.constant 12 : i32
    %scan3A_11 = arith.addi %scan3A_9, %scan3A_10 : i32
    %scan3A_12 = arith.constant 1 : i32
    %scan3A_13 = scf.for %scan3A_244 = %scan3A_9 to %scan3A_11 step %scan3A_12 iter_args(%scan3A_245 = %scan3A) -> (i32)  : i32 {
      %mul3A_246 = arith.constant 16 : i32
      %mul3A_247 = arith.muli %scan3A_244, %mul3A_246 : i32
      %get3A_248 = arith.index_cast %mul3A_247 : i32 to index
      %get3A_249 = tpu.vector_load %arg7[%get3A_248] {strides = array<i32>} : memref<200xf32, #tpu.memory_space<vmem>>, vector<16xf32>,
      %get3A_250 = vector.shape_cast %get3A_249 : vector<16xf32> to vector<16xf32>
      %mul3A_251 = arith.constant 16 : i32
      %mul3A_252 = arith.muli %scan3A_244, %mul3A_251 : i32
      %add3A_253 = arith.constant 0 : i32
      %add3A_254 = arith.addi %mul3A_252, %add3A_253 : i32
      %slice3A_255 = vector.extract_strided_slice %get3A_250 {offsets = [0], sizes = [1], strides = [1]} : vector<16xf32> to vector<1xf32>
      %squeeze3A_256 = vector.extract %slice3A_255[0] : f32 from vector<1xf32>
      %get3A_257 = arith.index_cast %add3A_254 : i32 to index
      %get3A_258 = arith.constant 0 : index
      %get3A_259 = tpu.vector_load %arg8[%get3A_257, %get3A_258] {strides = array<i32>} : memref<200x128xf32, #tpu.memory_space<vmem>>, vector<1x16xf32>,
      %get3A_260 = vector.shape_cast %get3A_259 : vector<1x16xf32> to vector<16xf32>
      %mul3A_261 = vector.broadcast %squeeze3A_256 : f32 to vector<16xf32>
      %mul3A_262 = arith.mulf %get3A_260, %mul3A_261 : vector<16xf32>
      %swap3A_263 = arith.index_cast %add3A_254 : i32 to index
      %swap3A_264 = arith.constant 0 : index
      %swap3A_265 = tpu.vector_load %arg8[%swap3A_263, %swap3A_264] {strides = array<i32>} : memref<200x128xf32, #tpu.memory_space<vmem>>, vector<1x16xf32>,
      %swap3A_266 = vector.shape_cast %swap3A_265 : vector<1x16xf32> to vector<16xf32>
      %swap3A_267 = vector.shape_cast %mul3A_262 : vector<16xf32> to vector<1x16xf32>
      tpu.vector_store %arg8[%swap3A_263, %swap3A_264], %swap3A_267 {strides = array<i32>} : memref<200x128xf32, #tpu.memory_space<vmem>>, vector<1x16xf32>,
      %get3A_268 = arith.index_cast %add3A_254 : i32 to index
      %get3A_269 = arith.constant 16 : index
      %get3A_270 = tpu.vector_load %arg8[%get3A_268, %get3A_269] {strides = array<i32>} : memref<200x128xf32, #tpu.memory_space<vmem>>, vector<1x16xf32>,
      %get3A_271 = vector.shape_cast %get3A_270 : vector<1x16xf32> to vector<16xf32>
      %mul3A_272 = vector.broadcast %squeeze3A_256 : f32 to vector<16xf32>
      %mul3A_273 = arith.mulf %get3A_271, %mul3A_272 : vector<16xf32>
      %swap3A_274 = arith.index_cast %add3A_254 : i32 to index
      %swap3A_275 = arith.constant 16 : index
      %swap3A_276 = tpu.vector_load %arg8[%swap3A_274, %swap3A_275] {strides = array<i32>} : memref<200x128xf32, #tpu.memory_space<vmem>>, vector<1x16xf32>,
      %swap3A_277 = vector.shape_cast %swap3A_276 : vector<1x16xf32> to vector<16xf32>
      %swap3A_278 = vector.shape_cast %mul3A_273 : vector<16xf32> to vector<1x16xf32>
      tpu.vector_store %arg8[%swap3A_274, %swap3A_275], %swap3A_278 {strides = array<i32>} : memref<200x128xf32, #tpu.memory_space<vmem>>, vector<1x16xf32>,
      %mul3A_279 = arith.constant 16 : i32
      %mul3A_280 = arith.muli %scan3A_244, %mul3A_279 : i32
      %add3A_281 = arith.constant 1 : i32
      %add3A_282 = arith.addi %mul3A_280, %add3A_281 : i32
      %slice3A_283 = vector.extract_strided_slice %get3A_250 {offsets = [1], sizes = [1], strides = [1]} : vector<16xf32> to vector<1xf32>
      %squeeze3A_284 = vector.extract %slice3A_283[0] : f32 from vector<1xf32>
      %get3A_285 = arith.index_cast %add3A_282 : i32 to index
      %get3A_286 = arith.constant 0 : index
      %get3A_287 = tpu.vector_load %arg8[%get3A_285, %get3A_286] {strides = array<i32>} : memref<200x128xf32, #tpu.memory_space<vmem>>, vector<1x16xf32>,
      %get3A_288 = vector.shape_cast %get3A_287 : vector<1x16xf32> to vector<16xf32>
      %mul3A_289 = vector.broadcast %squeeze3A_284 : f32 to vector<16xf32>
      %mul3A_290 = arith.mulf %get3A_288, %mul3A_289 : vector<16xf32>
      %swap3A_291 = arith.index_cast %add3A_282 : i32 to index
      %swap3A_292 = arith.constant 0 : index
      %swap3A_293 = tpu.vector_load %arg8[%swap3A_291, %swap3A_292] {strides = array<i32>} : memref<200x128xf32, #tpu.memory_space<vmem>>, vector<1x16xf32>,
      %swap3A_294 = vector.shape_cast %swap3A_293 : vector<1x16xf32> to vector<16xf32>
      %swap3A_295 = vector.shape_cast %mul3A_290 : vector<16xf32> to vector<1x16xf32>
      tpu.vector_store %arg8[%swap3A_291, %swap3A_292], %swap3A_295 {strides = array<i32>} : memref<200x128xf32, #tpu.memory_space<vmem>>, vector<1x16xf32>,
      %get3A_296 = arith.index_cast %add3A_282 : i32 to index
      %get3A_297 = arith.constant 16 : index
      %get3A_298 = tpu.vector_load %arg8[%get3A_296, %get3A_297] {strides = array<i32>} : memref<200x128xf32, #tpu.memory_space<vmem>>, vector<1x16xf32>,
      %get3A_299 = vector.shape_cast %get3A_298 : vector<1x16xf32> to vector<16xf32>
      %mul3A_300 = vector.broadcast %squeeze3A_284 : f32 to vector<16xf32>
      %mul3A_301 = arith.mulf %get3A_299, %mul3A_300 : vector<16xf32>
      %swap3A_302 = arith.index_cast %add3A_282 : i32 to index
      %swap3A_303 = arith.constant 16 : index
      %swap3A_304 = tpu.vector_load %arg8[%swap3A_302, %swap3A_303] {strides = array<i32>} : memref<200x128xf32, #tpu.memory_space<vmem>>, vector<1x16xf32>,
      %swap3A_305 = vector.shape_cast %swap3A_304 : vector<1x16xf32> to vector<16xf32>
      %swap3A_306 = vector.shape_cast %mul3A_301 : vector<16xf32> to vector<1x16xf32>
      tpu.vector_store %arg8[%swap3A_302, %swap3A_303], %swap3A_306 {strides = array<i32>} : memref<200x128xf32, #tpu.memory_space<vmem>>, vector<1x16xf32>,
      %mul3A_307 = arith.constant 16 : i32
      %mul3A_308 = arith.muli %scan3A_244, %mul3A_307 : i32
      %add3A_309 = arith.constant 2 : i32
      %add3A_310 = arith.addi %mul3A_308, %add3A_309 : i32
      %slice3A_311 = vector.extract_strided_slice %get3A_250 {offsets = [2], sizes = [1], strides = [1]} : vector<16xf32> to vector<1xf32>
      %squeeze3A_312 = vector.extract %slice3A_311[0] : f32 from vector<1xf32>
      %get3A_313 = arith.index_cast %add3A_310 : i32 to index
      %get3A_314 = arith.constant 0 : index
      %get3A_315 = tpu.vector_load %arg8[%get3A_313, %get3A_314] {strides = array<i32>} : memref<200x128xf32, #tpu.memory_space<vmem>>, vector<1x16xf32>,
      %get3A_316 = vector.shape_cast %get3A_315 : vector<1x16xf32> to vector<16xf32>
      %mul3A_317 = vector.broadcast %squeeze3A_312 : f32 to vector<16xf32>
      %mul3A_318 = arith.mulf %get3A_316, %mul3A_317 : vector<16xf32>
      %swap3A_319 = arith.index_cast %add3A_310 : i32 to index
      %swap3A_320 = arith.constant 0 : index
      %swap3A_321 = tpu.vector_load %arg8[%swap3A_319, %swap3A_320] {strides = array<i32>} : memref<200x128xf32, #tpu.memory_space<vmem>>, vector<1x16xf32>,
      %swap3A_322 = vector.shape_cast %swap3A_321 : vector<1x16xf32> to vector<16xf32>
      %swap3A_323 = vector.shape_cast %mul3A_318 : vector<16xf32> to vector<1x16xf32>
      tpu.vector_store %arg8[%swap3A_319, %swap3A_320], %swap3A_323 {strides = array<i32>} : memref<200x128xf32, #tpu.memory_space<vmem>>, vector<1x16xf32>,
      %get3A_324 = arith.index_cast %add3A_310 : i32 to index
      %get3A_325 = arith.constant 16 : index
      %get3A_326 = tpu.vector_load %arg8[%get3A_324, %get3A_325] {strides = array<i32>} : memref<200x128xf32, #tpu.memory_space<vmem>>, vector<1x16xf32>,
      %get3A_327 = vector.shape_cast %get3A_326 : vector<1x16xf32> to vector<16xf32>
      %mul3A_328 = vector.broadcast %squeeze3A_312 : f32 to vector<16xf32>
      %mul3A_329 = arith.mulf %get3A_327, %mul3A_328 : vector<16xf32>
      %swap3A_330 = arith.index_cast %add3A_310 : i32 to index
      %swap3A_331 = arith.constant 16 : index
      %swap3A_332 = tpu.vector_load %arg8[%swap3A_330, %swap3A_331] {strides = array<i32>} : memref<200x128xf32, #tpu.memory_space<vmem>>, vector<1x16xf32>,
      %swap3A_333 = vector.shape_cast %swap3A_332 : vector<1x16xf32> to vector<16xf32>
      %swap3A_334 = vector.shape_cast %mul3A_329 : vector<16xf32> to vector<1x16xf32>
      tpu.vector_store %arg8[%swap3A_330, %swap3A_331], %swap3A_334 {strides = array<i32>} : memref<200x128xf32, #tpu.memory_space<vmem>>, vector<1x16xf32>,
      %mul3A_335 = arith.constant 16 : i32
      %mul3A_336 = arith.muli %scan3A_244, %mul3A_335 : i32
      %add3A_337 = arith.constant 3 : i32
      %add3A_338 = arith.addi %mul3A_336, %add3A_337 : i32
      %slice3A_339 = vector.extract_strided_slice %get3A_250 {offsets = [3], sizes = [1], strides = [1]} : vector<16xf32> to vector<1xf32>
      %squeeze3A_340 = vector.extract %slice3A_339[0] : f32 from vector<1xf32>
      %get3A_341 = arith.index_cast %add3A_338 : i32 to index
      %get3A_342 = arith.constant 0 : index
      %get3A_343 = tpu.vector_load %arg8[%get3A_341, %get3A_342] {strides = array<i32>} : memref<200x128xf32, #tpu.memory_space<vmem>>, vector<1x16xf32>,
      %get3A_344 = vector.shape_cast %get3A_343 : vector<1x16xf32> to vector<16xf32>
      %mul3A_345 = vector.broadcast %squeeze3A_340 : f32 to vector<16xf32>
      %mul3A_346 = arith.mulf %get3A_344, %mul3A_345 : vector<16xf32>
      %swap3A_347 = arith.index_cast %add3A_338 : i32 to index
      %swap3A_348 = arith.constant 0 : index
      %swap3A_349 = tpu.vector_load %arg8[%swap3A_347, %swap3A_348] {strides = array<i32>} : memref<200x128xf32, #tpu.memory_space<vmem>>, vector<1x16xf32>,
      %swap3A_350 = vector.shape_cast %swap3A_349 : vector<1x16xf32> to vector<16xf32>
      %swap3A_351 = vector.shape_cast %mul3A_346 : vector<16xf32> to vector<1x16xf32>
      tpu.vector_store %arg8[%swap3A_347, %swap3A_348], %swap3A_351 {strides = array<i32>} : memref<200x128xf32, #tpu.memory_space<vmem>>, vector<1x16xf32>,
      %get3A_352 = arith.index_cast %add3A_338 : i32 to index
      %get3A_353 = arith.constant 16 : index
      %get3A_354 = tpu.vector_load %arg8[%get3A_352, %get3A_353] {strides = array<i32>} : memref<200x128xf32, #tpu.memory_space<vmem>>, vector<1x16xf32>,
      %get3A_355 = vector.shape_cast %get3A_354 : vector<1x16xf32> to vector<16xf32>
      %mul3A_356 = vector.broadcast %squeeze3A_340 : f32 to vector<16xf32>
      %mul3A_357 = arith.mulf %get3A_355, %mul3A_356 : vector<16xf32>
      %swap3A_358 = arith.index_cast %add3A_338 : i32 to index
      %swap3A_359 = arith.constant 16 : index
      %swap3A_360 = tpu.vector_load %arg8[%swap3A_358, %swap3A_359] {strides = array<i32>} : memref<200x128xf32, #tpu.memory_space<vmem>>, vector<1x16xf32>,
      %swap3A_361 = vector.shape_cast %swap3A_360 : vector<1x16xf32> to vector<16xf32>
      %swap3A_362 = vector.shape_cast %mul3A_357 : vector<16xf32> to vector<1x16xf32>
      tpu.vector_store %arg8[%swap3A_358, %swap3A_359], %swap3A_362 {strides = array<i32>} : memref<200x128xf32, #tpu.memory_space<vmem>>, vector<1x16xf32>,
      %mul3A_363 = arith.constant 16 : i32
      %mul3A_364 = arith.muli %scan3A_244, %mul3A_363 : i32
      %add3A_365 = arith.constant 4 : i32
      %add3A_366 = arith.addi %mul3A_364, %add3A_365 : i32
      %slice3A_367 = vector.extract_strided_slice %get3A_250 {offsets = [4], sizes = [1], strides = [1]} : vector<16xf32> to vector<1xf32>
      %squeeze3A_368 = vector.extract %slice3A_367[0] : f32 from vector<1xf32>
      %get3A_369 = arith.index_cast %add3A_366 : i32 to index
      %get3A_370 = arith.constant 0 : index
      %get3A_371 = tpu.vector_load %arg8[%get3A_369, %get3A_370] {strides = array<i32>} : memref<200x128xf32, #tpu.memory_space<vmem>>, vector<1x16xf32>,
      %get3A_372 = vector.shape_cast %get3A_371 : vector<1x16xf32> to vector<16xf32>
      %mul3A_373 = vector.broadcast %squeeze3A_368 : f32 to vector<16xf32>
      %mul3A_374 = arith.mulf %get3A_372, %mul3A_373 : vector<16xf32>
      %swap3A_375 = arith.index_cast %add3A_366 : i32 to index
      %swap3A_376 = arith.constant 0 : index
      %swap3A_377 = tpu.vector_load %arg8[%swap3A_375, %swap3A_376] {strides = array<i32>} : memref<200x128xf32, #tpu.memory_space<vmem>>, vector<1x16xf32>,
      %swap3A_378 = vector.shape_cast %swap3A_377 : vector<1x16xf32> to vector<16xf32>
      %swap3A_379 = vector.shape_cast %mul3A_374 : vector<16xf32> to vector<1x16xf32>
      tpu.vector_store %arg8[%swap3A_375, %swap3A_376], %swap3A_379 {strides = array<i32>} : memref<200x128xf32, #tpu.memory_space<vmem>>, vector<1x16xf32>,
      %get3A_380 = arith.index_cast %add3A_366 : i32 to index
      %get3A_381 = arith.constant 16 : index
      %get3A_382 = tpu.vector_load %arg8[%get3A_380, %get3A_381] {strides = array<i32>} : memref<200x128xf32, #tpu.memory_space<vmem>>, vector<1x16xf32>,
      %get3A_383 = vector.shape_cast %get3A_382 : vector<1x16xf32> to vector<16xf32>
      %mul3A_384 = vector.broadcast %squeeze3A_368 : f32 to vector<16xf32>
      %mul3A_385 = arith.mulf %get3A_383, %mul3A_384 : vector<16xf32>
      %swap3A_386 = arith.index_cast %add3A_366 : i32 to index
      %swap3A_387 = arith.constant 16 : index
      %swap3A_388 = tpu.vector_load %arg8[%swap3A_386, %swap3A_387] {strides = array<i32>} : memref<200x128xf32, #tpu.memory_space<vmem>>, vector<1x16xf32>,
      %swap3A_389 = vector.shape_cast %swap3A_388 : vector<1x16xf32> to vector<16xf32>
      %swap3A_390 = vector.shape_cast %mul3A_385 : vector<16xf32> to vector<1x16xf32>
      tpu.vector_store %arg8[%swap3A_386, %swap3A_387], %swap3A_390 {strides = array<i32>} : memref<200x128xf32, #tpu.memory_space<vmem>>, vector<1x16xf32>,
      %mul3A_391 = arith.constant 16 : i32
      %mul3A_392 = arith.muli %scan3A_244, %mul3A_391 : i32
      %add3A_393 = arith.constant 5 : i32
      %add3A_394 = arith.addi %mul3A_392, %add3A_393 : i32
      %slice3A_395 = vector.extract_strided_slice %get3A_250 {offsets = [5], sizes = [1], strides = [1]} : vector<16xf32> to vector<1xf32>
      %squeeze3A_396 = vector.extract %slice3A_395[0] : f32 from vector<1xf32>
      %get3A_397 = arith.index_cast %add3A_394 : i32 to index
      %get3A_398 = arith.constant 0 : index
      %get3A_399 = tpu.vector_load %arg8[%get3A_397, %get3A_398] {strides = array<i32>} : memref<200x128xf32, #tpu.memory_space<vmem>>, vector<1x16xf32>,
      %get3A_400 = vector.shape_cast %get3A_399 : vector<1x16xf32> to vector<16xf32>
      %mul3A_401 = vector.broadcast %squeeze3A_396 : f32 to vector<16xf32>
      %mul3A_402 = arith.mulf %get3A_400, %mul3A_401 : vector<16xf32>
      %swap3A_403 = arith.index_cast %add3A_394 : i32 to index
      %swap3A_404 = arith.constant 0 : index
      %swap3A_405 = tpu.vector_load %arg8[%swap3A_403, %swap3A_404] {strides = array<i32>} : memref<200x128xf32, #tpu.memory_space<vmem>>, vector<1x16xf32>,
      %swap3A_406 = vector.shape_cast %swap3A_405 : vector<1x16xf32> to vector<16xf32>
      %swap3A_407 = vector.shape_cast %mul3A_402 : vector<16xf32> to vector<1x16xf32>
      tpu.vector_store %arg8[%swap3A_403, %swap3A_404], %swap3A_407 {strides = array<i32>} : memref<200x128xf32, #tpu.memory_space<vmem>>, vector<1x16xf32>,
      %get3A_408 = arith.index_cast %add3A_394 : i32 to index
      %get3A_409 = arith.constant 16 : index
      %get3A_410 = tpu.vector_load %arg8[%get3A_408, %get3A_409] {strides = array<i32>} : memref<200x128xf32, #tpu.memory_space<vmem>>, vector<1x16xf32>,
      %get3A_411 = vector.shape_cast %get3A_410 : vector<1x16xf32> to vector<16xf32>
      %mul3A_412 = vector.broadcast %squeeze3A_396 : f32 to vector<16xf32>
      %mul3A_413 = arith.mulf %get3A_411, %mul3A_412 : vector<16xf32>
      %swap3A_414 = arith.index_cast %add3A_394 : i32 to index
      %swap3A_415 = arith.constant 16 : index
      %swap3A_416 = tpu.vector_load %arg8[%swap3A_414, %swap3A_415] {strides = array<i32>} : memref<200x128xf32, #tpu.memory_space<vmem>>, vector<1x16xf32>,
      %swap3A_417 = vector.shape_cast %swap3A_416 : vector<1x16xf32> to vector<16xf32>
      %swap3A_418 = vector.shape_cast %mul3A_413 : vector<16xf32> to vector<1x16xf32>
      tpu.vector_store %arg8[%swap3A_414, %swap3A_415], %swap3A_418 {strides = array<i32>} : memref<200x128xf32, #tpu.memory_space<vmem>>, vector<1x16xf32>,
      %mul3A_419 = arith.constant 16 : i32
      %mul3A_420 = arith.muli %scan3A_244, %mul3A_419 : i32
      %add3A_421 = arith.constant 6 : i32
      %add3A_422 = arith.addi %mul3A_420, %add3A_421 : i32
      %slice3A_423 = vector.extract_strided_slice %get3A_250 {offsets = [6], sizes = [1], strides = [1]} : vector<16xf32> to vector<1xf32>
      %squeeze3A_424 = vector.extract %slice3A_423[0] : f32 from vector<1xf32>
      %get3A_425 = arith.index_cast %add3A_422 : i32 to index
      %get3A_426 = arith.constant 0 : index
      %get3A_427 = tpu.vector_load %arg8[%get3A_425, %get3A_426] {strides = array<i32>} : memref<200x128xf32, #tpu.memory_space<vmem>>, vector<1x16xf32>,
      %get3A_428 = vector.shape_cast %get3A_427 : vector<1x16xf32> to vector<16xf32>
      %mul3A_429 = vector.broadcast %squeeze3A_424 : f32 to vector<16xf32>
      %mul3A_430 = arith.mulf %get3A_428, %mul3A_429 : vector<16xf32>
      %swap3A_431 = arith.index_cast %add3A_422 : i32 to index
      %swap3A_432 = arith.constant 0 : index
      %swap3A_433 = tpu.vector_load %arg8[%swap3A_431, %swap3A_432] {strides = array<i32>} : memref<200x128xf32, #tpu.memory_space<vmem>>, vector<1x16xf32>,
      %swap3A_434 = vector.shape_cast %swap3A_433 : vector<1x16xf32> to vector<16xf32>
      %swap3A_435 = vector.shape_cast %mul3A_430 : vector<16xf32> to vector<1x16xf32>
      tpu.vector_store %arg8[%swap3A_431, %swap3A_432], %swap3A_435 {strides = array<i32>} : memref<200x128xf32, #tpu.memory_space<vmem>>, vector<1x16xf32>,
      %get3A_436 = arith.index_cast %add3A_422 : i32 to index
      %get3A_437 = arith.constant 16 : index
      %get3A_438 = tpu.vector_load %arg8[%get3A_436, %get3A_437] {strides = array<i32>} : memref<200x128xf32, #tpu.memory_space<vmem>>, vector<1x16xf32>,
      %get3A_439 = vector.shape_cast %get3A_438 : vector<1x16xf32> to vector<16xf32>
      %mul3A_440 = vector.broadcast %squeeze3A_424 : f32 to vector<16xf32>
      %mul3A_441 = arith.mulf %get3A_439, %mul3A_440 : vector<16xf32>
      %swap3A_442 = arith.index_cast %add3A_422 : i32 to index
      %swap3A_443 = arith.constant 16 : index
      %swap3A_444 = tpu.vector_load %arg8[%swap3A_442, %swap3A_443] {strides = array<i32>} : memref<200x128xf32, #tpu.memory_space<vmem>>, vector<1x16xf32>,
      %swap3A_445 = vector.shape_cast %swap3A_444 : vector<1x16xf32> to vector<16xf32>
      %swap3A_446 = vector.shape_cast %mul3A_441 : vector<16xf32> to vector<1x16xf32>
      tpu.vector_store %arg8[%swap3A_442, %swap3A_443], %swap3A_446 {strides = array<i32>} : memref<200x128xf32, #tpu.memory_space<vmem>>, vector<1x16xf32>,
      %mul3A_447 = arith.constant 16 : i32
      %mul3A_448 = arith.muli %scan3A_244, %mul3A_447 : i32
      %add3A_449 = arith.constant 7 : i32
      %add3A_450 = arith.addi %mul3A_448, %add3A_449 : i32
      %slice3A_451 = vector.extract_strided_slice %get3A_250 {offsets = [7], sizes = [1], strides = [1]} : vector<16xf32> to vector<1xf32>
      %squeeze3A_452 = vector.extract %slice3A_451[0] : f32 from vector<1xf32>
      %get3A_453 = arith.index_cast %add3A_450 : i32 to index
      %get3A_454 = arith.constant 0 : index
      %get3A_455 = tpu.vector_load %arg8[%get3A_453, %get3A_454] {strides = array<i32>} : memref<200x128xf32, #tpu.memory_space<vmem>>, vector<1x16xf32>,
      %get3A_456 = vector.shape_cast %get3A_455 : vector<1x16xf32> to vector<16xf32>
      %mul3A_457 = vector.broadcast %squeeze3A_452 : f32 to vector<16xf32>
      %mul3A_458 = arith.mulf %get3A_456, %mul3A_457 : vector<16xf32>
      %swap3A_459 = arith.index_cast %add3A_450 : i32 to index
      %swap3A_460 = arith.constant 0 : index
      %swap3A_461 = tpu.vector_load %arg8[%swap3A_459, %swap3A_460] {strides = array<i32>} : memref<200x128xf32, #tpu.memory_space<vmem>>, vector<1x16xf32>,
      %swap3A_462 = vector.shape_cast %swap3A_461 : vector<1x16xf32> to vector<16xf32>
      %swap3A_463 = vector.shape_cast %mul3A_458 : vector<16xf32> to vector<1x16xf32>
      tpu.vector_store %arg8[%swap3A_459, %swap3A_460], %swap3A_463 {strides = array<i32>} : memref<200x128xf32, #tpu.memory_space<vmem>>, vector<1x16xf32>,
      %get3A_464 = arith.index_cast %add3A_450 : i32 to index
      %get3A_465 = arith.constant 16 : index
      %get3A_466 = tpu.vector_load %arg8[%get3A_464, %get3A_465] {strides = array<i32>} : memref<200x128xf32, #tpu.memory_space<vmem>>, vector<1x16xf32>,
      %get3A_467 = vector.shape_cast %get3A_466 : vector<1x16xf32> to vector<16xf32>
      %mul3A_468 = vector.broadcast %squeeze3A_452 : f32 to vector<16xf32>
      %mul3A_469 = arith.mulf %get3A_467, %mul3A_468 : vector<16xf32>
      %swap3A_470 = arith.index_cast %add3A_450 : i32 to index
      %swap3A_471 = arith.constant 16 : index
      %swap3A_472 = tpu.vector_load %arg8[%swap3A_470, %swap3A_471] {strides = array<i32>} : memref<200x128xf32, #tpu.memory_space<vmem>>, vector<1x16xf32>,
      %swap3A_473 = vector.shape_cast %swap3A_472 : vector<1x16xf32> to vector<16xf32>
      %swap3A_474 = vector.shape_cast %mul3A_469 : vector<16xf32> to vector<1x16xf32>
      tpu.vector_store %arg8[%swap3A_470, %swap3A_471], %swap3A_474 {strides = array<i32>} : memref<200x128xf32, #tpu.memory_space<vmem>>, vector<1x16xf32>,
      %mul3A_475 = arith.constant 16 : i32
      %mul3A_476 = arith.muli %scan3A_244, %mul3A_475 : i32
      %add3A_477 = arith.constant 8 : i32
      %add3A_478 = arith.addi %mul3A_476, %add3A_477 : i32
      %slice3A_479 = vector.extract_strided_slice %get3A_250 {offsets = [8], sizes = [1], strides = [1]} : vector<16xf32> to vector<1xf32>
      %squeeze3A_480 = vector.extract %slice3A_479[0] : f32 from vector<1xf32>
      %get3A_481 = arith.index_cast %add3A_478 : i32 to index
      %get3A_482 = arith.constant 0 : index
      %get3A_483 = tpu.vector_load %arg8[%get3A_481, %get3A_482] {strides = array<i32>} : memref<200x128xf32, #tpu.memory_space<vmem>>, vector<1x16xf32>,
      %get3A_484 = vector.shape_cast %get3A_483 : vector<1x16xf32> to vector<16xf32>
      %mul3A_485 = vector.broadcast %squeeze3A_480 : f32 to vector<16xf32>
      %mul3A_486 = arith.mulf %get3A_484, %mul3A_485 : vector<16xf32>
      %swap3A_487 = arith.index_cast %add3A_478 : i32 to index
      %swap3A_488 = arith.constant 0 : index
      %swap3A_489 = tpu.vector_load %arg8[%swap3A_487, %swap3A_488] {strides = array<i32>} : memref<200x128xf32, #tpu.memory_space<vmem>>, vector<1x16xf32>,
      %swap3A_490 = vector.shape_cast %swap3A_489 : vector<1x16xf32> to vector<16xf32>
      %swap3A_491 = vector.shape_cast %mul3A_486 : vector<16xf32> to vector<1x16xf32>
      tpu.vector_store %arg8[%swap3A_487, %swap3A_488], %swap3A_491 {strides = array<i32>} : memref<200x128xf32, #tpu.memory_space<vmem>>, vector<1x16xf32>,
      %get3A_492 = arith.index_cast %add3A_478 : i32 to index
      %get3A_493 = arith.constant 16 : index
      %get3A_494 = tpu.vector_load %arg8[%get3A_492, %get3A_493] {strides = array<i32>} : memref<200x128xf32, #tpu.memory_space<vmem>>, vector<1x16xf32>,
      %get3A_495 = vector.shape_cast %get3A_494 : vector<1x16xf32> to vector<16xf32>
      %mul3A_496 = vector.broadcast %squeeze3A_480 : f32 to vector<16xf32>
      %mul3A_497 = arith.mulf %get3A_495, %mul3A_496 : vector<16xf32>
      %swap3A_498 = arith.index_cast %add3A_478 : i32 to index
      %swap3A_499 = arith.constant 16 : index
      %swap3A_500 = tpu.vector_load %arg8[%swap3A_498, %swap3A_499] {strides = array<i32>} : memref<200x128xf32, #tpu.memory_space<vmem>>, vector<1x16xf32>,
      %swap3A_501 = vector.shape_cast %swap3A_500 : vector<1x16xf32> to vector<16xf32>
      %swap3A_502 = vector.shape_cast %mul3A_497 : vector<16xf32> to vector<1x16xf32>
      tpu.vector_store %arg8[%swap3A_498, %swap3A_499], %swap3A_502 {strides = array<i32>} : memref<200x128xf32, #tpu.memory_space<vmem>>, vector<1x16xf32>,
      %mul3A_503 = arith.constant 16 : i32
      %mul3A_504 = arith.muli %scan3A_244, %mul3A_503 : i32
      %add3A_505 = arith.constant 9 : i32
      %add3A_506 = arith.addi %mul3A_504, %add3A_505 : i32
      %slice3A_507 = vector.extract_strided_slice %get3A_250 {offsets = [9], sizes = [1], strides = [1]} : vector<16xf32> to vector<1xf32>
      %squeeze3A_508 = vector.extract %slice3A_507[0] : f32 from vector<1xf32>
      %get3A_509 = arith.index_cast %add3A_506 : i32 to index
      %get3A_510 = arith.constant 0 : index
      %get3A_511 = tpu.vector_load %arg8[%get3A_509, %get3A_510] {strides = array<i32>} : memref<200x128xf32, #tpu.memory_space<vmem>>, vector<1x16xf32>,
      %get3A_512 = vector.shape_cast %get3A_511 : vector<1x16xf32> to vector<16xf32>
      %mul3A_513 = vector.broadcast %squeeze3A_508 : f32 to vector<16xf32>
      %mul3A_514 = arith.mulf %get3A_512, %mul3A_513 : vector<16xf32>
      %swap3A_515 = arith.index_cast %add3A_506 : i32 to index
      %swap3A_516 = arith.constant 0 : index
      %swap3A_517 = tpu.vector_load %arg8[%swap3A_515, %swap3A_516] {strides = array<i32>} : memref<200x128xf32, #tpu.memory_space<vmem>>, vector<1x16xf32>,
      %swap3A_518 = vector.shape_cast %swap3A_517 : vector<1x16xf32> to vector<16xf32>
      %swap3A_519 = vector.shape_cast %mul3A_514 : vector<16xf32> to vector<1x16xf32>
      tpu.vector_store %arg8[%swap3A_515, %swap3A_516], %swap3A_519 {strides = array<i32>} : memref<200x128xf32, #tpu.memory_space<vmem>>, vector<1x16xf32>,
      %get3A_520 = arith.index_cast %add3A_506 : i32 to index
      %get3A_521 = arith.constant 16 : index
      %get3A_522 = tpu.vector_load %arg8[%get3A_520, %get3A_521] {strides = array<i32>} : memref<200x128xf32, #tpu.memory_space<vmem>>, vector<1x16xf32>,
      %get3A_523 = vector.shape_cast %get3A_522 : vector<1x16xf32> to vector<16xf32>
      %mul3A_524 = vector.broadcast %squeeze3A_508 : f32 to vector<16xf32>
      %mul3A_525 = arith.mulf %get3A_523, %mul3A_524 : vector<16xf32>
      %swap3A_526 = arith.index_cast %add3A_506 : i32 to index
      %swap3A_527 = arith.constant 16 : index
      %swap3A_528 = tpu.vector_load %arg8[%swap3A_526, %swap3A_527] {strides = array<i32>} : memref<200x128xf32, #tpu.memory_space<vmem>>, vector<1x16xf32>,
      %swap3A_529 = vector.shape_cast %swap3A_528 : vector<1x16xf32> to vector<16xf32>
      %swap3A_530 = vector.shape_cast %mul3A_525 : vector<16xf32> to vector<1x16xf32>
      tpu.vector_store %arg8[%swap3A_526, %swap3A_527], %swap3A_530 {strides = array<i32>} : memref<200x128xf32, #tpu.memory_space<vmem>>, vector<1x16xf32>,
      %mul3A_531 = arith.constant 16 : i32
      %mul3A_532 = arith.muli %scan3A_244, %mul3A_531 : i32
      %add3A_533 = arith.constant 10 : i32
      %add3A_534 = arith.addi %mul3A_532, %add3A_533 : i32
      %slice3A_535 = vector.extract_strided_slice %get3A_250 {offsets = [10], sizes = [1], strides = [1]} : vector<16xf32> to vector<1xf32>
      %squeeze3A_536 = vector.extract %slice3A_535[0] : f32 from vector<1xf32>
      %get3A_537 = arith.index_cast %add3A_534 : i32 to index
      %get3A_538 = arith.constant 0 : index
      %get3A_539 = tpu.vector_load %arg8[%get3A_537, %get3A_538] {strides = array<i32>} : memref<200x128xf32, #tpu.memory_space<vmem>>, vector<1x16xf32>,
      %get3A_540 = vector.shape_cast %get3A_539 : vector<1x16xf32> to vector<16xf32>
      %mul3A_541 = vector.broadcast %squeeze3A_536 : f32 to vector<16xf32>
      %mul3A_542 = arith.mulf %get3A_540, %mul3A_541 : vector<16xf32>
      %swap3A_543 = arith.index_cast %add3A_534 : i32 to index
      %swap3A_544 = arith.constant 0 : index
      %swap3A_545 = tpu.vector_load %arg8[%swap3A_543, %swap3A_544] {strides = array<i32>} : memref<200x128xf32, #tpu.memory_space<vmem>>, vector<1x16xf32>,
      %swap3A_546 = vector.shape_cast %swap3A_545 : vector<1x16xf32> to vector<16xf32>
      %swap3A_547 = vector.shape_cast %mul3A_542 : vector<16xf32> to vector<1x16xf32>
      tpu.vector_store %arg8[%swap3A_543, %swap3A_544], %swap3A_547 {strides = array<i32>} : memref<200x128xf32, #tpu.memory_space<vmem>>, vector<1x16xf32>,
      %get3A_548 = arith.index_cast %add3A_534 : i32 to index
      %get3A_549 = arith.constant 16 : index
      %get3A_550 = tpu.vector_load %arg8[%get3A_548, %get3A_549] {strides = array<i32>} : memref<200x128xf32, #tpu.memory_space<vmem>>, vector<1x16xf32>,
      %get3A_551 = vector.shape_cast %get3A_550 : vector<1x16xf32> to vector<16xf32>
      %mul3A_552 = vector.broadcast %squeeze3A_536 : f32 to vector<16xf32>
      %mul3A_553 = arith.mulf %get3A_551, %mul3A_552 : vector<16xf32>
      %swap3A_554 = arith.index_cast %add3A_534 : i32 to index
      %swap3A_555 = arith.constant 16 : index
      %swap3A_556 = tpu.vector_load %arg8[%swap3A_554, %swap3A_555] {strides = array<i32>} : memref<200x128xf32, #tpu.memory_space<vmem>>, vector<1x16xf32>,
      %swap3A_557 = vector.shape_cast %swap3A_556 : vector<1x16xf32> to vector<16xf32>
      %swap3A_558 = vector.shape_cast %mul3A_553 : vector<16xf32> to vector<1x16xf32>
      tpu.vector_store %arg8[%swap3A_554, %swap3A_555], %swap3A_558 {strides = array<i32>} : memref<200x128xf32, #tpu.memory_space<vmem>>, vector<1x16xf32>,
      %mul3A_559 = arith.constant 16 : i32
      %mul3A_560 = arith.muli %scan3A_244, %mul3A_559 : i32
      %add3A_561 = arith.constant 11 : i32
      %add3A_562 = arith.addi %mul3A_560, %add3A_561 : i32
      %slice3A_563 = vector.extract_strided_slice %get3A_250 {offsets = [11], sizes = [1], strides = [1]} : vector<16xf32> to vector<1xf32>
      %squeeze3A_564 = vector.extract %slice3A_563[0] : f32 from vector<1xf32>
      %get3A_565 = arith.index_cast %add3A_562 : i32 to index
      %get3A_566 = arith.constant 0 : index
      %get3A_567 = tpu.vector_load %arg8[%get3A_565, %get3A_566] {strides = array<i32>} : memref<200x128xf32, #tpu.memory_space<vmem>>, vector<1x16xf32>,
      %get3A_568 = vector.shape_cast %get3A_567 : vector<1x16xf32> to vector<16xf32>
      %mul3A_569 = vector.broadcast %squeeze3A_564 : f32 to vector<16xf32>
      %mul3A_570 = arith.mulf %get3A_568, %mul3A_569 : vector<16xf32>
      %swap3A_571 = arith.index_cast %add3A_562 : i32 to index
      %swap3A_572 = arith.constant 0 : index
      %swap3A_573 = tpu.vector_load %arg8[%swap3A_571, %swap3A_572] {strides = array<i32>} : memref<200x128xf32, #tpu.memory_space<vmem>>, vector<1x16xf32>,
      %swap3A_574 = vector.shape_cast %swap3A_573 : vector<1x16xf32> to vector<16xf32>
      %swap3A_575 = vector.shape_cast %mul3A_570 : vector<16xf32> to vector<1x16xf32>
      tpu.vector_store %arg8[%swap3A_571, %swap3A_572], %swap3A_575 {strides = array<i32>} : memref<200x128xf32, #tpu.memory_space<vmem>>, vector<1x16xf32>,
      %get3A_576 = arith.index_cast %add3A_562 : i32 to index
      %get3A_577 = arith.constant 16 : index
      %get3A_578 = tpu.vector_load %arg8[%get3A_576, %get3A_577] {strides = array<i32>} : memref<200x128xf32, #tpu.memory_space<vmem>>, vector<1x16xf32>,
      %get3A_579 = vector.shape_cast %get3A_578 : vector<1x16xf32> to vector<16xf32>
      %mul3A_580 = vector.broadcast %squeeze3A_564 : f32 to vector<16xf32>
      %mul3A_581 = arith.mulf %get3A_579, %mul3A_580 : vector<16xf32>
      %swap3A_582 = arith.index_cast %add3A_562 : i32 to index
      %swap3A_583 = arith.constant 16 : index
      %swap3A_584 = tpu.vector_load %arg8[%swap3A_582, %swap3A_583] {strides = array<i32>} : memref<200x128xf32, #tpu.memory_space<vmem>>, vector<1x16xf32>,
      %swap3A_585 = vector.shape_cast %swap3A_584 : vector<1x16xf32> to vector<16xf32>
      %swap3A_586 = vector.shape_cast %mul3A_581 : vector<16xf32> to vector<1x16xf32>
      tpu.vector_store %arg8[%swap3A_582, %swap3A_583], %swap3A_586 {strides = array<i32>} : memref<200x128xf32, #tpu.memory_space<vmem>>, vector<1x16xf32>,
      %mul3A_587 = arith.constant 16 : i32
      %mul3A_588 = arith.muli %scan3A_244, %mul3A_587 : i32
      %add3A_589 = arith.constant 12 : i32
      %add3A_590 = arith.addi %mul3A_588, %add3A_589 : i32
      %slice3A_591 = vector.extract_strided_slice %get3A_250 {offsets = [12], sizes = [1], strides = [1]} : vector<16xf32> to vector<1xf32>
      %squeeze3A_592 = vector.extract %slice3A_591[0] : f32 from vector<1xf32>
      %get3A_593 = arith.index_cast %add3A_590 : i32 to index
      %get3A_594 = arith.constant 0 : index
      %get3A_595 = tpu.vector_load %arg8[%get3A_593, %get3A_594] {strides = array<i32>} : memref<200x128xf32, #tpu.memory_space<vmem>>, vector<1x16xf32>,
      %get3A_596 = vector.shape_cast %get3A_595 : vector<1x16xf32> to vector<16xf32>
      %mul3A_597 = vector.broadcast %squeeze3A_592 : f32 to vector<16xf32>
      %mul3A_598 = arith.mulf %get3A_596, %mul3A_597 : vector<16xf32>
      %swap3A_599 = arith.index_cast %add3A_590 : i32 to index
      %swap3A_600 = arith.constant 0 : index
      %swap3A_601 = tpu.vector_load %arg8[%swap3A_599, %swap3A_600] {strides = array<i32>} : memref<200x128xf32, #tpu.memory_space<vmem>>, vector<1x16xf32>,
      %swap3A_602 = vector.shape_cast %swap3A_601 : vector<1x16xf32> to vector<16xf32>
      %swap3A_603 = vector.shape_cast %mul3A_598 : vector<16xf32> to vector<1x16xf32>
      tpu.vector_store %arg8[%swap3A_599, %swap3A_600], %swap3A_603 {strides = array<i32>} : memref<200x128xf32, #tpu.memory_space<vmem>>, vector<1x16xf32>,
      %get3A_604 = arith.index_cast %add3A_590 : i32 to index
      %get3A_605 = arith.constant 16 : index
      %get3A_606 = tpu.vector_load %arg8[%get3A_604, %get3A_605] {strides = array<i32>} : memref<200x128xf32, #tpu.memory_space<vmem>>, vector<1x16xf32>,
      %get3A_607 = vector.shape_cast %get3A_606 : vector<1x16xf32> to vector<16xf32>
      %mul3A_608 = vector.broadcast %squeeze3A_592 : f32 to vector<16xf32>
      %mul3A_609 = arith.mulf %get3A_607, %mul3A_608 : vector<16xf32>
      %swap3A_610 = arith.index_cast %add3A_590 : i32 to index
      %swap3A_611 = arith.constant 16 : index
      %swap3A_612 = tpu.vector_load %arg8[%swap3A_610, %swap3A_611] {strides = array<i32>} : memref<200x128xf32, #tpu.memory_space<vmem>>, vector<1x16xf32>,
      %swap3A_613 = vector.shape_cast %swap3A_612 : vector<1x16xf32> to vector<16xf32>
      %swap3A_614 = vector.shape_cast %mul3A_609 : vector<16xf32> to vector<1x16xf32>
      tpu.vector_store %arg8[%swap3A_610, %swap3A_611], %swap3A_614 {strides = array<i32>} : memref<200x128xf32, #tpu.memory_space<vmem>>, vector<1x16xf32>,
      %mul3A_615 = arith.constant 16 : i32
      %mul3A_616 = arith.muli %scan3A_244, %mul3A_615 : i32
      %add3A_617 = arith.constant 13 : i32
      %add3A_618 = arith.addi %mul3A_616, %add3A_617 : i32
      %slice3A_619 = vector.extract_strided_slice %get3A_250 {offsets = [13], sizes = [1], strides = [1]} : vector<16xf32> to vector<1xf32>
      %squeeze3A_620 = vector.extract %slice3A_619[0] : f32 from vector<1xf32>
      %get3A_621 = arith.index_cast %add3A_618 : i32 to index
      %get3A_622 = arith.constant 0 : index
      %get3A_623 = tpu.vector_load %arg8[%get3A_621, %get3A_622] {strides = array<i32>} : memref<200x128xf32, #tpu.memory_space<vmem>>, vector<1x16xf32>,
      %get3A_624 = vector.shape_cast %get3A_623 : vector<1x16xf32> to vector<16xf32>
      %mul3A_625 = vector.broadcast %squeeze3A_620 : f32 to vector<16xf32>
      %mul3A_626 = arith.mulf %get3A_624, %mul3A_625 : vector<16xf32>
      %swap3A_627 = arith.index_cast %add3A_618 : i32 to index
      %swap3A_628 = arith.constant 0 : index
      %swap3A_629 = tpu.vector_load %arg8[%swap3A_627, %swap3A_628] {strides = array<i32>} : memref<200x128xf32, #tpu.memory_space<vmem>>, vector<1x16xf32>,
      %swap3A_630 = vector.shape_cast %swap3A_629 : vector<1x16xf32> to vector<16xf32>
      %swap3A_631 = vector.shape_cast %mul3A_626 : vector<16xf32> to vector<1x16xf32>
      tpu.vector_store %arg8[%swap3A_627, %swap3A_628], %swap3A_631 {strides = array<i32>} : memref<200x128xf32, #tpu.memory_space<vmem>>, vector<1x16xf32>,
      %get3A_632 = arith.index_cast %add3A_618 : i32 to index
      %get3A_633 = arith.constant 16 : index
      %get3A_634 = tpu.vector_load %arg8[%get3A_632, %get3A_633] {strides = array<i32>} : memref<200x128xf32, #tpu.memory_space<vmem>>, vector<1x16xf32>,
      %get3A_635 = vector.shape_cast %get3A_634 : vector<1x16xf32> to vector<16xf32>
      %mul3A_636 = vector.broadcast %squeeze3A_620 : f32 to vector<16xf32>
      %mul3A_637 = arith.mulf %get3A_635, %mul3A_636 : vector<16xf32>
      %swap3A_638 = arith.index_cast %add3A_618 : i32 to index
      %swap3A_639 = arith.constant 16 : index
      %swap3A_640 = tpu.vector_load %arg8[%swap3A_638, %swap3A_639] {strides = array<i32>} : memref<200x128xf32, #tpu.memory_space<vmem>>, vector<1x16xf32>,
      %swap3A_641 = vector.shape_cast %swap3A_640 : vector<1x16xf32> to vector<16xf32>
      %swap3A_642 = vector.shape_cast %mul3A_637 : vector<16xf32> to vector<1x16xf32>
      tpu.vector_store %arg8[%swap3A_638, %swap3A_639], %swap3A_642 {strides = array<i32>} : memref<200x128xf32, #tpu.memory_space<vmem>>, vector<1x16xf32>,
      %mul3A_643 = arith.constant 16 : i32
      %mul3A_644 = arith.muli %scan3A_244, %mul3A_643 : i32
      %add3A_645 = arith.constant 14 : i32
      %add3A_646 = arith.addi %mul3A_644, %add3A_645 : i32
      %slice3A_647 = vector.extract_strided_slice %get3A_250 {offsets = [14], sizes = [1], strides = [1]} : vector<16xf32> to vector<1xf32>
      %squeeze3A_648 = vector.extract %slice3A_647[0] : f32 from vector<1xf32>
      %get3A_649 = arith.index_cast %add3A_646 : i32 to index
      %get3A_650 = arith.constant 0 : index
      %get3A_651 = tpu.vector_load %arg8[%get3A_649, %get3A_650] {strides = array<i32>} : memref<200x128xf32, #tpu.memory_space<vmem>>, vector<1x16xf32>,
      %get3A_652 = vector.shape_cast %get3A_651 : vector<1x16xf32> to vector<16xf32>
      %mul3A_653 = vector.broadcast %squeeze3A_648 : f32 to vector<16xf32>
      %mul3A_654 = arith.mulf %get3A_652, %mul3A_653 : vector<16xf32>
      %swap3A_655 = arith.index_cast %add3A_646 : i32 to index
      %swap3A_656 = arith.constant 0 : index
      %swap3A_657 = tpu.vector_load %arg8[%swap3A_655, %swap3A_656] {strides = array<i32>} : memref<200x128xf32, #tpu.memory_space<vmem>>, vector<1x16xf32>,
      %swap3A_658 = vector.shape_cast %swap3A_657 : vector<1x16xf32> to vector<16xf32>
      %swap3A_659 = vector.shape_cast %mul3A_654 : vector<16xf32> to vector<1x16xf32>
      tpu.vector_store %arg8[%swap3A_655, %swap3A_656], %swap3A_659 {strides = array<i32>} : memref<200x128xf32, #tpu.memory_space<vmem>>, vector<1x16xf32>,
      %get3A_660 = arith.index_cast %add3A_646 : i32 to index
      %get3A_661 = arith.constant 16 : index
      %get3A_662 = tpu.vector_load %arg8[%get3A_660, %get3A_661] {strides = array<i32>} : memref<200x128xf32, #tpu.memory_space<vmem>>, vector<1x16xf32>,
      %get3A_663 = vector.shape_cast %get3A_662 : vector<1x16xf32> to vector<16xf32>
      %mul3A_664 = vector.broadcast %squeeze3A_648 : f32 to vector<16xf32>
      %mul3A_665 = arith.mulf %get3A_663, %mul3A_664 : vector<16xf32>
      %swap3A_666 = arith.index_cast %add3A_646 : i32 to index
      %swap3A_667 = arith.constant 16 : index
      %swap3A_668 = tpu.vector_load %arg8[%swap3A_666, %swap3A_667] {strides = array<i32>} : memref<200x128xf32, #tpu.memory_space<vmem>>, vector<1x16xf32>,
      %swap3A_669 = vector.shape_cast %swap3A_668 : vector<1x16xf32> to vector<16xf32>
      %swap3A_670 = vector.shape_cast %mul3A_665 : vector<16xf32> to vector<1x16xf32>
      tpu.vector_store %arg8[%swap3A_666, %swap3A_667], %swap3A_670 {strides = array<i32>} : memref<200x128xf32, #tpu.memory_space<vmem>>, vector<1x16xf32>,
      %mul3A_671 = arith.constant 16 : i32
      %mul3A_672 = arith.muli %scan3A_244, %mul3A_671 : i32
      %add3A_673 = arith.constant 15 : i32
      %add3A_674 = arith.addi %mul3A_672, %add3A_673 : i32
      %slice3A_675 = vector.extract_strided_slice %get3A_250 {offsets = [15], sizes = [1], strides = [1]} : vector<16xf32> to vector<1xf32>
      %squeeze3A_676 = vector.extract %slice3A_675[0] : f32 from vector<1xf32>
      %get3A_677 = arith.index_cast %add3A_674 : i32 to index
      %get3A_678 = arith.constant 0 : index
      %get3A_679 = tpu.vector_load %arg8[%get3A_677, %get3A_678] {strides = array<i32>} : memref<200x128xf32, #tpu.memory_space<vmem>>, vector<1x16xf32>,
      %get3A_680 = vector.shape_cast %get3A_679 : vector<1x16xf32> to vector<16xf32>
      %mul3A_681 = vector.broadcast %squeeze3A_676 : f32 to vector<16xf32>
      %mul3A_682 = arith.mulf %get3A_680, %mul3A_681 : vector<16xf32>
      %swap3A_683 = arith.index_cast %add3A_674 : i32 to index
      %swap3A_684 = arith.constant 0 : index
      %swap3A_685 = tpu.vector_load %arg8[%swap3A_683, %swap3A_684] {strides = array<i32>} : memref<200x128xf32, #tpu.memory_space<vmem>>, vector<1x16xf32>,
      %swap3A_686 = vector.shape_cast %swap3A_685 : vector<1x16xf32> to vector<16xf32>
      %swap3A_687 = vector.shape_cast %mul3A_682 : vector<16xf32> to vector<1x16xf32>
      tpu.vector_store %arg8[%swap3A_683, %swap3A_684], %swap3A_687 {strides = array<i32>} : memref<200x128xf32, #tpu.memory_space<vmem>>, vector<1x16xf32>,
      %get3A_688 = arith.index_cast %add3A_674 : i32 to index
      %get3A_689 = arith.constant 16 : index
      %get3A_690 = tpu.vector_load %arg8[%get3A_688, %get3A_689] {strides = array<i32>} : memref<200x128xf32, #tpu.memory_space<vmem>>, vector<1x16xf32>,
      %get3A_691 = vector.shape_cast %get3A_690 : vector<1x16xf32> to vector<16xf32>
      %mul3A_692 = vector.broadcast %squeeze3A_676 : f32 to vector<16xf32>
      %mul3A_693 = arith.mulf %get3A_691, %mul3A_692 : vector<16xf32>
      %swap3A_694 = arith.index_cast %add3A_674 : i32 to index
      %swap3A_695 = arith.constant 16 : index
      %swap3A_696 = tpu.vector_load %arg8[%swap3A_694, %swap3A_695] {strides = array<i32>} : memref<200x128xf32, #tpu.memory_space<vmem>>, vector<1x16xf32>,
      %swap3A_697 = vector.shape_cast %swap3A_696 : vector<1x16xf32> to vector<16xf32>
      %swap3A_698 = vector.shape_cast %mul3A_693 : vector<16xf32> to vector<1x16xf32>
      tpu.vector_store %arg8[%swap3A_694, %swap3A_695], %swap3A_698 {strides = array<i32>} : memref<200x128xf32, #tpu.memory_space<vmem>>, vector<1x16xf32>,
      %scan3A_699 = arith.constant 0 : i32
      scf.yield %scan3A_699 : i32
    }
    %scan3A_14 = arith.constant 12 : i32
    %get3A = arith.constant 184 : index
    %get3A_15 = tpu.vector_load %arg7[%get3A] {strides = array<i32>} : memref<200xf32, #tpu.memory_space<vmem>>, vector<16xf32>,
    %get3A_16 = vector.shape_cast %get3A_15 : vector<16xf32> to vector<16xf32>
    %slice3A = vector.extract_strided_slice %get3A_16 {offsets = [8], sizes = [1], strides = [1]} : vector<16xf32> to vector<1xf32>
    %squeeze3A = vector.extract %slice3A[0] : f32 from vector<1xf32>
    %get3A_17 = arith.constant 192 : i32
    %get3A_18 = arith.index_cast %get3A_17 : i32 to index
    %get3A_19 = arith.constant 0 : index
    %get3A_20 = tpu.vector_load %arg8[%get3A_18, %get3A_19] {strides = array<i32>} : memref<200x128xf32, #tpu.memory_space<vmem>>, vector<1x16xf32>,
    %get3A_21 = vector.shape_cast %get3A_20 : vector<1x16xf32> to vector<16xf32>
    %mul3A_22 = vector.broadcast %squeeze3A : f32 to vector<16xf32>
    %mul3A_23 = arith.mulf %get3A_21, %mul3A_22 : vector<16xf32>
    %swap3A = arith.constant 192 : i32
    %swap3A_24 = arith.index_cast %swap3A : i32 to index
    %swap3A_25 = arith.constant 0 : index
    %swap3A_26 = tpu.vector_load %arg8[%swap3A_24, %swap3A_25] {strides = array<i32>} : memref<200x128xf32, #tpu.memory_space<vmem>>, vector<1x16xf32>,
    %swap3A_27 = vector.shape_cast %swap3A_26 : vector<1x16xf32> to vector<16xf32>
    %swap3A_28 = vector.shape_cast %mul3A_23 : vector<16xf32> to vector<1x16xf32>
    tpu.vector_store %arg8[%swap3A_24, %swap3A_25], %swap3A_28 {strides = array<i32>} : memref<200x128xf32, #tpu.memory_space<vmem>>, vector<1x16xf32>,
    %get3A_29 = arith.constant 192 : i32
    %get3A_30 = arith.index_cast %get3A_29 : i32 to index
    %get3A_31 = arith.constant 16 : index
    %get3A_32 = tpu.vector_load %arg8[%get3A_30, %get3A_31] {strides = array<i32>} : memref<200x128xf32, #tpu.memory_space<vmem>>, vector<1x16xf32>,
    %get3A_33 = vector.shape_cast %get3A_32 : vector<1x16xf32> to vector<16xf32>
    %mul3A_34 = vector.broadcast %squeeze3A : f32 to vector<16xf32>
    %mul3A_35 = arith.mulf %get3A_33, %mul3A_34 : vector<16xf32>
    %swap3A_36 = arith.constant 192 : i32
    %swap3A_37 = arith.index_cast %swap3A_36 : i32 to index
    %swap3A_38 = arith.constant 16 : index
    %swap3A_39 = tpu.vector_load %arg8[%swap3A_37, %swap3A_38] {strides = array<i32>} : memref<200x128xf32, #tpu.memory_space<vmem>>, vector<1x16xf32>,
    %swap3A_40 = vector.shape_cast %swap3A_39 : vector<1x16xf32> to vector<16xf32>
    %swap3A_41 = vector.shape_cast %mul3A_35 : vector<16xf32> to vector<1x16xf32>
    tpu.vector_store %arg8[%swap3A_37, %swap3A_38], %swap3A_41 {strides = array<i32>} : memref<200x128xf32, #tpu.memory_space<vmem>>, vector<1x16xf32>,
    %slice3A_42 = vector.extract_strided_slice %get3A_16 {offsets = [9], sizes = [1], strides = [1]} : vector<16xf32> to vector<1xf32>
    %squeeze3A_43 = vector.extract %slice3A_42[0] : f32 from vector<1xf32>
    %get3A_44 = arith.constant 193 : i32
    %get3A_45 = arith.index_cast %get3A_44 : i32 to index
    %get3A_46 = arith.constant 0 : index
    %get3A_47 = tpu.vector_load %arg8[%get3A_45, %get3A_46] {strides = array<i32>} : memref<200x128xf32, #tpu.memory_space<vmem>>, vector<1x16xf32>,
    %get3A_48 = vector.shape_cast %get3A_47 : vector<1x16xf32> to vector<16xf32>
    %mul3A_49 = vector.broadcast %squeeze3A_43 : f32 to vector<16xf32>
    %mul3A_50 = arith.mulf %get3A_48, %mul3A_49 : vector<16xf32>
    %swap3A_51 = arith.constant 193 : i32
    %swap3A_52 = arith.index_cast %swap3A_51 : i32 to index
    %swap3A_53 = arith.constant 0 : index
    %swap3A_54 = tpu.vector_load %arg8[%swap3A_52, %swap3A_53] {strides = array<i32>} : memref<200x128xf32, #tpu.memory_space<vmem>>, vector<1x16xf32>,
    %swap3A_55 = vector.shape_cast %swap3A_54 : vector<1x16xf32> to vector<16xf32>
    %swap3A_56 = vector.shape_cast %mul3A_50 : vector<16xf32> to vector<1x16xf32>
    tpu.vector_store %arg8[%swap3A_52, %swap3A_53], %swap3A_56 {strides = array<i32>} : memref<200x128xf32, #tpu.memory_space<vmem>>, vector<1x16xf32>,
    %get3A_57 = arith.constant 193 : i32
    %get3A_58 = arith.index_cast %get3A_57 : i32 to index
    %get3A_59 = arith.constant 16 : index
    %get3A_60 = tpu.vector_load %arg8[%get3A_58, %get3A_59] {strides = array<i32>} : memref<200x128xf32, #tpu.memory_space<vmem>>, vector<1x16xf32>,
    %get3A_61 = vector.shape_cast %get3A_60 : vector<1x16xf32> to vector<16xf32>
    %mul3A_62 = vector.broadcast %squeeze3A_43 : f32 to vector<16xf32>
    %mul3A_63 = arith.mulf %get3A_61, %mul3A_62 : vector<16xf32>
    %swap3A_64 = arith.constant 193 : i32
    %swap3A_65 = arith.index_cast %swap3A_64 : i32 to index
    %swap3A_66 = arith.constant 16 : index
    %swap3A_67 = tpu.vector_load %arg8[%swap3A_65, %swap3A_66] {strides = array<i32>} : memref<200x128xf32, #tpu.memory_space<vmem>>, vector<1x16xf32>,
    %swap3A_68 = vector.shape_cast %swap3A_67 : vector<1x16xf32> to vector<16xf32>
    %swap3A_69 = vector.shape_cast %mul3A_63 : vector<16xf32> to vector<1x16xf32>
    tpu.vector_store %arg8[%swap3A_65, %swap3A_66], %swap3A_69 {strides = array<i32>} : memref<200x128xf32, #tpu.memory_space<vmem>>, vector<1x16xf32>,
    %slice3A_70 = vector.extract_strided_slice %get3A_16 {offsets = [10], sizes = [1], strides = [1]} : vector<16xf32> to vector<1xf32>
    %squeeze3A_71 = vector.extract %slice3A_70[0] : f32 from vector<1xf32>
    %get3A_72 = arith.constant 194 : i32
    %get3A_73 = arith.index_cast %get3A_72 : i32 to index
    %get3A_74 = arith.constant 0 : index
    %get3A_75 = tpu.vector_load %arg8[%get3A_73, %get3A_74] {strides = array<i32>} : memref<200x128xf32, #tpu.memory_space<vmem>>, vector<1x16xf32>,
    %get3A_76 = vector.shape_cast %get3A_75 : vector<1x16xf32> to vector<16xf32>
    %mul3A_77 = vector.broadcast %squeeze3A_71 : f32 to vector<16xf32>
    %mul3A_78 = arith.mulf %get3A_76, %mul3A_77 : vector<16xf32>
    %swap3A_79 = arith.constant 194 : i32
    %swap3A_80 = arith.index_cast %swap3A_79 : i32 to index
    %swap3A_81 = arith.constant 0 : index
    %swap3A_82 = tpu.vector_load %arg8[%swap3A_80, %swap3A_81] {strides = array<i32>} : memref<200x128xf32, #tpu.memory_space<vmem>>, vector<1x16xf32>,
    %swap3A_83 = vector.shape_cast %swap3A_82 : vector<1x16xf32> to vector<16xf32>
    %swap3A_84 = vector.shape_cast %mul3A_78 : vector<16xf32> to vector<1x16xf32>
    tpu.vector_store %arg8[%swap3A_80, %swap3A_81], %swap3A_84 {strides = array<i32>} : memref<200x128xf32, #tpu.memory_space<vmem>>, vector<1x16xf32>,
    %get3A_85 = arith.constant 194 : i32
    %get3A_86 = arith.index_cast %get3A_85 : i32 to index
    %get3A_87 = arith.constant 16 : index
    %get3A_88 = tpu.vector_load %arg8[%get3A_86, %get3A_87] {strides = array<i32>} : memref<200x128xf32, #tpu.memory_space<vmem>>, vector<1x16xf32>,
    %get3A_89 = vector.shape_cast %get3A_88 : vector<1x16xf32> to vector<16xf32>
    %mul3A_90 = vector.broadcast %squeeze3A_71 : f32 to vector<16xf32>
    %mul3A_91 = arith.mulf %get3A_89, %mul3A_90 : vector<16xf32>
    %swap3A_92 = arith.constant 194 : i32
    %swap3A_93 = arith.index_cast %swap3A_92 : i32 to index
    %swap3A_94 = arith.constant 16 : index
    %swap3A_95 = tpu.vector_load %arg8[%swap3A_93, %swap3A_94] {strides = array<i32>} : memref<200x128xf32, #tpu.memory_space<vmem>>, vector<1x16xf32>,
    %swap3A_96 = vector.shape_cast %swap3A_95 : vector<1x16xf32> to vector<16xf32>
    %swap3A_97 = vector.shape_cast %mul3A_91 : vector<16xf32> to vector<1x16xf32>
    tpu.vector_store %arg8[%swap3A_93, %swap3A_94], %swap3A_97 {strides = array<i32>} : memref<200x128xf32, #tpu.memory_space<vmem>>, vector<1x16xf32>,
    %slice3A_98 = vector.extract_strided_slice %get3A_16 {offsets = [11], sizes = [1], strides = [1]} : vector<16xf32> to vector<1xf32>
    %squeeze3A_99 = vector.extract %slice3A_98[0] : f32 from vector<1xf32>
    %get3A_100 = arith.constant 195 : i32
    %get3A_101 = arith.index_cast %get3A_100 : i32 to index
    %get3A_102 = arith.constant 0 : index
    %get3A_103 = tpu.vector_load %arg8[%get3A_101, %get3A_102] {strides = array<i32>} : memref<200x128xf32, #tpu.memory_space<vmem>>, vector<1x16xf32>,
    %get3A_104 = vector.shape_cast %get3A_103 : vector<1x16xf32> to vector<16xf32>
    %mul3A_105 = vector.broadcast %squeeze3A_99 : f32 to vector<16xf32>
    %mul3A_106 = arith.mulf %get3A_104, %mul3A_105 : vector<16xf32>
    %swap3A_107 = arith.constant 195 : i32
    %swap3A_108 = arith.index_cast %swap3A_107 : i32 to index
    %swap3A_109 = arith.constant 0 : index
    %swap3A_110 = tpu.vector_load %arg8[%swap3A_108, %swap3A_109] {strides = array<i32>} : memref<200x128xf32, #tpu.memory_space<vmem>>, vector<1x16xf32>,
    %swap3A_111 = vector.shape_cast %swap3A_110 : vector<1x16xf32> to vector<16xf32>
    %swap3A_112 = vector.shape_cast %mul3A_106 : vector<16xf32> to vector<1x16xf32>
    tpu.vector_store %arg8[%swap3A_108, %swap3A_109], %swap3A_112 {strides = array<i32>} : memref<200x128xf32, #tpu.memory_space<vmem>>, vector<1x16xf32>,
    %get3A_113 = arith.constant 195 : i32
    %get3A_114 = arith.index_cast %get3A_113 : i32 to index
    %get3A_115 = arith.constant 16 : index
    %get3A_116 = tpu.vector_load %arg8[%get3A_114, %get3A_115] {strides = array<i32>} : memref<200x128xf32, #tpu.memory_space<vmem>>, vector<1x16xf32>,
    %get3A_117 = vector.shape_cast %get3A_116 : vector<1x16xf32> to vector<16xf32>
    %mul3A_118 = vector.broadcast %squeeze3A_99 : f32 to vector<16xf32>
    %mul3A_119 = arith.mulf %get3A_117, %mul3A_118 : vector<16xf32>
    %swap3A_120 = arith.constant 195 : i32
    %swap3A_121 = arith.index_cast %swap3A_120 : i32 to index
    %swap3A_122 = arith.constant 16 : index
    %swap3A_123 = tpu.vector_load %arg8[%swap3A_121, %swap3A_122] {strides = array<i32>} : memref<200x128xf32, #tpu.memory_space<vmem>>, vector<1x16xf32>,
    %swap3A_124 = vector.shape_cast %swap3A_123 : vector<1x16xf32> to vector<16xf32>
    %swap3A_125 = vector.shape_cast %mul3A_119 : vector<16xf32> to vector<1x16xf32>
    tpu.vector_store %arg8[%swap3A_121, %swap3A_122], %swap3A_125 {strides = array<i32>} : memref<200x128xf32, #tpu.memory_space<vmem>>, vector<1x16xf32>,
    %slice3A_126 = vector.extract_strided_slice %get3A_16 {offsets = [12], sizes = [1], strides = [1]} : vector<16xf32> to vector<1xf32>
    %squeeze3A_127 = vector.extract %slice3A_126[0] : f32 from vector<1xf32>
    %get3A_128 = arith.constant 196 : i32
    %get3A_129 = arith.index_cast %get3A_128 : i32 to index
    %get3A_130 = arith.constant 0 : index
    %get3A_131 = tpu.vector_load %arg8[%get3A_129, %get3A_130] {strides = array<i32>} : memref<200x128xf32, #tpu.memory_space<vmem>>, vector<1x16xf32>,
    %get3A_132 = vector.shape_cast %get3A_131 : vector<1x16xf32> to vector<16xf32>
    %mul3A_133 = vector.broadcast %squeeze3A_127 : f32 to vector<16xf32>
    %mul3A_134 = arith.mulf %get3A_132, %mul3A_133 : vector<16xf32>
    %swap3A_135 = arith.constant 196 : i32
    %swap3A_136 = arith.index_cast %swap3A_135 : i32 to index
    %swap3A_137 = arith.constant 0 : index
    %swap3A_138 = tpu.vector_load %arg8[%swap3A_136, %swap3A_137] {strides = array<i32>} : memref<200x128xf32, #tpu.memory_space<vmem>>, vector<1x16xf32>,
    %swap3A_139 = vector.shape_cast %swap3A_138 : vector<1x16xf32> to vector<16xf32>
    %swap3A_140 = vector.shape_cast %mul3A_134 : vector<16xf32> to vector<1x16xf32>
    tpu.vector_store %arg8[%swap3A_136, %swap3A_137], %swap3A_140 {strides = array<i32>} : memref<200x128xf32, #tpu.memory_space<vmem>>, vector<1x16xf32>,
    %get3A_141 = arith.constant 196 : i32
    %get3A_142 = arith.index_cast %get3A_141 : i32 to index
    %get3A_143 = arith.constant 16 : index
    %get3A_144 = tpu.vector_load %arg8[%get3A_142, %get3A_143] {strides = array<i32>} : memref<200x128xf32, #tpu.memory_space<vmem>>, vector<1x16xf32>,
    %get3A_145 = vector.shape_cast %get3A_144 : vector<1x16xf32> to vector<16xf32>
    %mul3A_146 = vector.broadcast %squeeze3A_127 : f32 to vector<16xf32>
    %mul3A_147 = arith.mulf %get3A_145, %mul3A_146 : vector<16xf32>
    %swap3A_148 = arith.constant 196 : i32
    %swap3A_149 = arith.index_cast %swap3A_148 : i32 to index
    %swap3A_150 = arith.constant 16 : index
    %swap3A_151 = tpu.vector_load %arg8[%swap3A_149, %swap3A_150] {strides = array<i32>} : memref<200x128xf32, #tpu.memory_space<vmem>>, vector<1x16xf32>,
    %swap3A_152 = vector.shape_cast %swap3A_151 : vector<1x16xf32> to vector<16xf32>
    %swap3A_153 = vector.shape_cast %mul3A_147 : vector<16xf32> to vector<1x16xf32>
    tpu.vector_store %arg8[%swap3A_149, %swap3A_150], %swap3A_153 {strides = array<i32>} : memref<200x128xf32, #tpu.memory_space<vmem>>, vector<1x16xf32>,
    %slice3A_154 = vector.extract_strided_slice %get3A_16 {offsets = [13], sizes = [1], strides = [1]} : vector<16xf32> to vector<1xf32>
    %squeeze3A_155 = vector.extract %slice3A_154[0] : f32 from vector<1xf32>
    %get3A_156 = arith.constant 197 : i32
    %get3A_157 = arith.index_cast %get3A_156 : i32 to index
    %get3A_158 = arith.constant 0 : index
    %get3A_159 = tpu.vector_load %arg8[%get3A_157, %get3A_158] {strides = array<i32>} : memref<200x128xf32, #tpu.memory_space<vmem>>, vector<1x16xf32>,
    %get3A_160 = vector.shape_cast %get3A_159 : vector<1x16xf32> to vector<16xf32>
    %mul3A_161 = vector.broadcast %squeeze3A_155 : f32 to vector<16xf32>
    %mul3A_162 = arith.mulf %get3A_160, %mul3A_161 : vector<16xf32>
    %swap3A_163 = arith.constant 197 : i32
    %swap3A_164 = arith.index_cast %swap3A_163 : i32 to index
    %swap3A_165 = arith.constant 0 : index
    %swap3A_166 = tpu.vector_load %arg8[%swap3A_164, %swap3A_165] {strides = array<i32>} : memref<200x128xf32, #tpu.memory_space<vmem>>, vector<1x16xf32>,
    %swap3A_167 = vector.shape_cast %swap3A_166 : vector<1x16xf32> to vector<16xf32>
    %swap3A_168 = vector.shape_cast %mul3A_162 : vector<16xf32> to vector<1x16xf32>
    tpu.vector_store %arg8[%swap3A_164, %swap3A_165], %swap3A_168 {strides = array<i32>} : memref<200x128xf32, #tpu.memory_space<vmem>>, vector<1x16xf32>,
    %get3A_169 = arith.constant 197 : i32
    %get3A_170 = arith.index_cast %get3A_169 : i32 to index
    %get3A_171 = arith.constant 16 : index
    %get3A_172 = tpu.vector_load %arg8[%get3A_170, %get3A_171] {strides = array<i32>} : memref<200x128xf32, #tpu.memory_space<vmem>>, vector<1x16xf32>,
    %get3A_173 = vector.shape_cast %get3A_172 : vector<1x16xf32> to vector<16xf32>
    %mul3A_174 = vector.broadcast %squeeze3A_155 : f32 to vector<16xf32>
    %mul3A_175 = arith.mulf %get3A_173, %mul3A_174 : vector<16xf32>
    %swap3A_176 = arith.constant 197 : i32
    %swap3A_177 = arith.index_cast %swap3A_176 : i32 to index
    %swap3A_178 = arith.constant 16 : index
    %swap3A_179 = tpu.vector_load %arg8[%swap3A_177, %swap3A_178] {strides = array<i32>} : memref<200x128xf32, #tpu.memory_space<vmem>>, vector<1x16xf32>,
    %swap3A_180 = vector.shape_cast %swap3A_179 : vector<1x16xf32> to vector<16xf32>
    %swap3A_181 = vector.shape_cast %mul3A_175 : vector<16xf32> to vector<1x16xf32>
    tpu.vector_store %arg8[%swap3A_177, %swap3A_178], %swap3A_181 {strides = array<i32>} : memref<200x128xf32, #tpu.memory_space<vmem>>, vector<1x16xf32>,
    %slice3A_182 = vector.extract_strided_slice %get3A_16 {offsets = [14], sizes = [1], strides = [1]} : vector<16xf32> to vector<1xf32>
    %squeeze3A_183 = vector.extract %slice3A_182[0] : f32 from vector<1xf32>
    %get3A_184 = arith.constant 198 : i32
    %get3A_185 = arith.index_cast %get3A_184 : i32 to index
    %get3A_186 = arith.constant 0 : index
    %get3A_187 = tpu.vector_load %arg8[%get3A_185, %get3A_186] {strides = array<i32>} : memref<200x128xf32, #tpu.memory_space<vmem>>, vector<1x16xf32>,
    %get3A_188 = vector.shape_cast %get3A_187 : vector<1x16xf32> to vector<16xf32>
    %mul3A_189 = vector.broadcast %squeeze3A_183 : f32 to vector<16xf32>
    %mul3A_190 = arith.mulf %get3A_188, %mul3A_189 : vector<16xf32>
    %swap3A_191 = arith.constant 198 : i32
    %swap3A_192 = arith.index_cast %swap3A_191 : i32 to index
    %swap3A_193 = arith.constant 0 : index
    %swap3A_194 = tpu.vector_load %arg8[%swap3A_192, %swap3A_193] {strides = array<i32>} : memref<200x128xf32, #tpu.memory_space<vmem>>, vector<1x16xf32>,
    %swap3A_195 = vector.shape_cast %swap3A_194 : vector<1x16xf32> to vector<16xf32>
    %swap3A_196 = vector.shape_cast %mul3A_190 : vector<16xf32> to vector<1x16xf32>
    tpu.vector_store %arg8[%swap3A_192, %swap3A_193], %swap3A_196 {strides = array<i32>} : memref<200x128xf32, #tpu.memory_space<vmem>>, vector<1x16xf32>,
    %get3A_197 = arith.constant 198 : i32
    %get3A_198 = arith.index_cast %get3A_197 : i32 to index
    %get3A_199 = arith.constant 16 : index
    %get3A_200 = tpu.vector_load %arg8[%get3A_198, %get3A_199] {strides = array<i32>} : memref<200x128xf32, #tpu.memory_space<vmem>>, vector<1x16xf32>,
    %get3A_201 = vector.shape_cast %get3A_200 : vector<1x16xf32> to vector<16xf32>
    %mul3A_202 = vector.broadcast %squeeze3A_183 : f32 to vector<16xf32>
    %mul3A_203 = arith.mulf %get3A_201, %mul3A_202 : vector<16xf32>
    %swap3A_204 = arith.constant 198 : i32
    %swap3A_205 = arith.index_cast %swap3A_204 : i32 to index
    %swap3A_206 = arith.constant 16 : index
    %swap3A_207 = tpu.vector_load %arg8[%swap3A_205, %swap3A_206] {strides = array<i32>} : memref<200x128xf32, #tpu.memory_space<vmem>>, vector<1x16xf32>,
    %swap3A_208 = vector.shape_cast %swap3A_207 : vector<1x16xf32> to vector<16xf32>
    %swap3A_209 = vector.shape_cast %mul3A_203 : vector<16xf32> to vector<1x16xf32>
    tpu.vector_store %arg8[%swap3A_205, %swap3A_206], %swap3A_209 {strides = array<i32>} : memref<200x128xf32, #tpu.memory_space<vmem>>, vector<1x16xf32>,
    %slice3A_210 = vector.extract_strided_slice %get3A_16 {offsets = [15], sizes = [1], strides = [1]} : vector<16xf32> to vector<1xf32>
    %squeeze3A_211 = vector.extract %slice3A_210[0] : f32 from vector<1xf32>
    %get3A_212 = arith.constant 199 : i32
    %get3A_213 = arith.index_cast %get3A_212 : i32 to index
    %get3A_214 = arith.constant 0 : index
    %get3A_215 = tpu.vector_load %arg8[%get3A_213, %get3A_214] {strides = array<i32>} : memref<200x128xf32, #tpu.memory_space<vmem>>, vector<1x16xf32>,
    %get3A_216 = vector.shape_cast %get3A_215 : vector<1x16xf32> to vector<16xf32>
    %mul3A_217 = vector.broadcast %squeeze3A_211 : f32 to vector<16xf32>
    %mul3A_218 = arith.mulf %get3A_216, %mul3A_217 : vector<16xf32>
    %swap3A_219 = arith.constant 199 : i32
    %swap3A_220 = arith.index_cast %swap3A_219 : i32 to index
    %swap3A_221 = arith.constant 0 : index
    %swap3A_222 = tpu.vector_load %arg8[%swap3A_220, %swap3A_221] {strides = array<i32>} : memref<200x128xf32, #tpu.memory_space<vmem>>, vector<1x16xf32>,
    %swap3A_223 = vector.shape_cast %swap3A_222 : vector<1x16xf32> to vector<16xf32>
    %swap3A_224 = vector.shape_cast %mul3A_218 : vector<16xf32> to vector<1x16xf32>
    tpu.vector_store %arg8[%swap3A_220, %swap3A_221], %swap3A_224 {strides = array<i32>} : memref<200x128xf32, #tpu.memory_space<vmem>>, vector<1x16xf32>,
    %get3A_225 = arith.constant 199 : i32
    %get3A_226 = arith.index_cast %get3A_225 : i32 to index
    %get3A_227 = arith.constant 16 : index
    %get3A_228 = tpu.vector_load %arg8[%get3A_226, %get3A_227] {strides = array<i32>} : memref<200x128xf32, #tpu.memory_space<vmem>>, vector<1x16xf32>,
    %get3A_229 = vector.shape_cast %get3A_228 : vector<1x16xf32> to vector<16xf32>
    %mul3A_230 = vector.broadcast %squeeze3A_211 : f32 to vector<16xf32>
    %mul3A_231 = arith.mulf %get3A_229, %mul3A_230 : vector<16xf32>
    %swap3A_232 = arith.constant 199 : i32
    %swap3A_233 = arith.index_cast %swap3A_232 : i32 to index
    %swap3A_234 = arith.constant 16 : index
    %swap3A_235 = tpu.vector_load %arg8[%swap3A_233, %swap3A_234] {strides = array<i32>} : memref<200x128xf32, #tpu.memory_space<vmem>>, vector<1x16xf32>,
    %swap3A_236 = vector.shape_cast %swap3A_235 : vector<1x16xf32> to vector<16xf32>
    %swap3A_237 = vector.shape_cast %mul3A_231 : vector<16xf32> to vector<1x16xf32>
    tpu.vector_store %arg8[%swap3A_233, %swap3A_234], %swap3A_237 {strides = array<i32>} : memref<200x128xf32, #tpu.memory_space<vmem>>, vector<1x16xf32>,
    "tpu.region"() ({
      %run_scoped3A = tpu.sem_alloc : memref<!tpu.dma_semaphore, #tpu.memory_space<semaphore_mem>>
      %dma_start3A_244 = arith.constant 0 : i32
      %dma_start3A_245 = tpu.memref_slice %arg5[%mul3A_4, %dma_start3A_244] : memref<10240x128xf32, #tpu.memory_space<hbm>> -> memref<200x128xf32, #tpu.memory_space<hbm>>
      %dma_start3A_246 = arith.constant 0 : i32
      %dma_start3A_247 = tpu.memref_slice %arg5[%mul3A_4, %dma_start3A_246] : memref<10240x128xf32, #tpu.memory_space<hbm>> -> memref<200x128xf32, #tpu.memory_space<hbm>>
      tpu.enqueue_dma source(%arg8 : memref<200x128xf32, #tpu.memory_space<vmem>>) target(%dma_start3A_247 : memref<200x128xf32, #tpu.memory_space<hbm>>) target_semaphore(%run_scoped3A : memref<!tpu.dma_semaphore, #tpu.memory_space<semaphore_mem>>)
      %dma_wait3A_248 = arith.constant 0 : i32
      %dma_wait3A_249 = tpu.memref_slice %arg5[%mul3A_4, %dma_wait3A_248] : memref<10240x128xf32, #tpu.memory_space<hbm>> -> memref<200x128xf32, #tpu.memory_space<hbm>>
      %dma_wait3A_250 = arith.constant 0 : i32
      %dma_wait3A_251 = tpu.memref_slice %arg5[%mul3A_4, %dma_wait3A_250] : memref<10240x128xf32, #tpu.memory_space<hbm>> -> memref<200x128xf32, #tpu.memory_space<hbm>>
      tpu.wait_dma2 semaphore(%run_scoped3A : memref<!tpu.dma_semaphore, #tpu.memory_space<semaphore_mem>>) src(%arg8 : memref<200x128xf32, #tpu.memory_space<vmem>>) dst(%dma_wait3A_251 : memref<200x128xf32, #tpu.memory_space<hbm>>)
      tpu.yield
    }) : () -> ()
    %add3A_238 = arith.constant 32 : i32
    %add3A_239 = arith.addi %add3A, %add3A_238 : i32
    %lt3A = arith.constant 50 : i32
    %lt3A_240 = arith.cmpi slt, %add3A_239, %lt3A : i32
    %convert_element_type3A_241 = arith.extui %lt3A_240 : i1 to i32
    %cond3A_242 = arith.constant 0 : i32
    %cond3A_243 = arith.cmpi ne, %convert_element_type3A_241, %cond3A_242 : i32
    scf.if %cond3A_243 {
      %add3A_244 = arith.constant 32 : i32
      %add3A_245 = arith.addi %add3A, %add3A_244 : i32
      %mul3A_246 = arith.constant 200 : i32
      %mul3A_247 = arith.muli %add3A_245, %mul3A_246 : i32
      "tpu.region"() ({
        %run_scoped3A = tpu.sem_alloc : memref<!tpu.dma_semaphore, #tpu.memory_space<semaphore_mem>>
        %dma_start3A_488 = tpu.memref_slice %arg2[%mul3A_247] : memref<10000xi32, #tpu.memory_space<hbm>> -> memref<200xi32, #tpu.memory_space<hbm>>
        %dma_start3A_489 = tpu.memref_slice %arg2[%mul3A_247] : memref<10000xi32, #tpu.memory_space<hbm>> -> memref<200xi32, #tpu.memory_space<hbm>>
        tpu.enqueue_dma source(%dma_start3A_489 : memref<200xi32, #tpu.memory_space<hbm>>) target(%arg6 : memref<200xi32, #tpu.memory_space<vmem>>) target_semaphore(%run_scoped3A : memref<!tpu.dma_semaphore, #tpu.memory_space<semaphore_mem>>)
        %dma_wait3A_490 = tpu.memref_slice %arg2[%mul3A_247] : memref<10000xi32, #tpu.memory_space<hbm>> -> memref<200xi32, #tpu.memory_space<hbm>>
        %dma_wait3A_491 = tpu.memref_slice %arg2[%mul3A_247] : memref<10000xi32, #tpu.memory_space<hbm>> -> memref<200xi32, #tpu.memory_space<hbm>>
        tpu.wait_dma2 semaphore(%run_scoped3A : memref<!tpu.dma_semaphore, #tpu.memory_space<semaphore_mem>>) src(%dma_wait3A_491 : memref<200xi32, #tpu.memory_space<hbm>>) dst(%arg6 : memref<200xi32, #tpu.memory_space<vmem>>)
        tpu.yield
      }) : () -> ()
      "tpu.region"() ({
        %run_scoped3A = tpu.sem_alloc : memref<!tpu.dma_semaphore, #tpu.memory_space<semaphore_mem>>
        %dma_start3A_488 = tpu.memref_slice %arg3[%mul3A_247] : memref<10000xf32, #tpu.memory_space<hbm>> -> memref<200xf32, #tpu.memory_space<hbm>>
        %dma_start3A_489 = tpu.memref_slice %arg3[%mul3A_247] : memref<10000xf32, #tpu.memory_space<hbm>> -> memref<200xf32, #tpu.memory_space<hbm>>
        tpu.enqueue_dma source(%dma_start3A_489 : memref<200xf32, #tpu.memory_space<hbm>>) target(%arg7 : memref<200xf32, #tpu.memory_space<vmem>>) target_semaphore(%run_scoped3A : memref<!tpu.dma_semaphore, #tpu.memory_space<semaphore_mem>>)
        %dma_wait3A_490 = tpu.memref_slice %arg3[%mul3A_247] : memref<10000xf32, #tpu.memory_space<hbm>> -> memref<200xf32, #tpu.memory_space<hbm>>
        %dma_wait3A_491 = tpu.memref_slice %arg3[%mul3A_247] : memref<10000xf32, #tpu.memory_space<hbm>> -> memref<200xf32, #tpu.memory_space<hbm>>
        tpu.wait_dma2 semaphore(%run_scoped3A : memref<!tpu.dma_semaphore, #tpu.memory_space<semaphore_mem>>) src(%dma_wait3A_491 : memref<200xf32, #tpu.memory_space<hbm>>) dst(%arg7 : memref<200xf32, #tpu.memory_space<vmem>>)
        tpu.yield
      }) : () -> ()
      %dma_start3A_248 = arith.constant 0 : i32
      %dma_start3A_249 = arith.constant 0 : i32
      %dma_start3A_250 = tpu.memref_slice %arg9[%dma_start3A_248, %dma_start3A_249] : memref<200x128xf32, #tpu.memory_space<vmem_shared>> -> memref<200x128xf32, #tpu.memory_space<vmem_shared>>
      tpu.enqueue_indirect_dma source(%dma_start3A_250 : memref<200x128xf32, #tpu.memory_space<vmem_shared>>) target(%arg8 : memref<200x128xf32, #tpu.memory_space<vmem>>) offsets(%arg6 : memref<200xi32, #tpu.memory_space<vmem>>) semaphore(%arg10 : memref<!tpu.dma_semaphore, #tpu.memory_space<semaphore_mem>>)
      %dma_wait3A_251 = arith.constant 0 : i32
      %dma_wait3A_252 = arith.constant 0 : i32
      %dma_wait3A_253 = tpu.memref_slice %arg9[%dma_wait3A_251, %dma_wait3A_252] : memref<200x128xf32, #tpu.memory_space<vmem_shared>> -> memref<200x128xf32, #tpu.memory_space<vmem_shared>>
      tpu.wait_indirect_dma semaphore(%arg10 : memref<!tpu.dma_semaphore, #tpu.memory_space<semaphore_mem>>) src(%dma_wait3A_253 : memref<200x128xf32, #tpu.memory_space<vmem_shared>>) dst(%arg8 : memref<200x128xf32, #tpu.memory_space<vmem>>)
      %scan3A_254 = arith.constant 0 : i32
      %scan3A_255 = arith.constant 0 : i32
      %scan3A_256 = arith.constant 12 : i32
      %scan3A_257 = arith.addi %scan3A_255, %scan3A_256 : i32
      %scan3A_258 = arith.constant 1 : i32
      %scan3A_259 = scf.for %scan3A_488 = %scan3A_255 to %scan3A_257 step %scan3A_258 iter_args(%scan3A_489 = %scan3A_254) -> (i32)  : i32 {
        %mul3A_490 = arith.constant 16 : i32
        %mul3A_491 = arith.muli %scan3A_488, %mul3A_490 : i32
        %get3A_492 = arith.index_cast %mul3A_491 : i32 to index
        %get3A_493 = tpu.vector_load %arg7[%get3A_492] {strides = array<i32>} : memref<200xf32, #tpu.memory_space<vmem>>, vector<16xf32>,
        %get3A_494 = vector.shape_cast %get3A_493 : vector<16xf32> to vector<16xf32>
        %mul3A_495 = arith.constant 16 : i32
        %mul3A_496 = arith.muli %scan3A_488, %mul3A_495 : i32
        %add3A_497 = arith.constant 0 : i32
        %add3A_498 = arith.addi %mul3A_496, %add3A_497 : i32
        %slice3A_499 = vector.extract_strided_slice %get3A_494 {offsets = [0], sizes = [1], strides = [1]} : vector<16xf32> to vector<1xf32>
        %squeeze3A_500 = vector.extract %slice3A_499[0] : f32 from vector<1xf32>
        %get3A_501 = arith.index_cast %add3A_498 : i32 to index
        %get3A_502 = arith.constant 0 : index
        %get3A_503 = tpu.vector_load %arg8[%get3A_501, %get3A_502] {strides = array<i32>} : memref<200x128xf32, #tpu.memory_space<vmem>>, vector<1x16xf32>,
        %get3A_504 = vector.shape_cast %get3A_503 : vector<1x16xf32> to vector<16xf32>
        %mul3A_505 = vector.broadcast %squeeze3A_500 : f32 to vector<16xf32>
        %mul3A_506 = arith.mulf %get3A_504, %mul3A_505 : vector<16xf32>
        %swap3A_507 = arith.index_cast %add3A_498 : i32 to index
        %swap3A_508 = arith.constant 0 : index
        %swap3A_509 = tpu.vector_load %arg8[%swap3A_507, %swap3A_508] {strides = array<i32>} : memref<200x128xf32, #tpu.memory_space<vmem>>, vector<1x16xf32>,
        %swap3A_510 = vector.shape_cast %swap3A_509 : vector<1x16xf32> to vector<16xf32>
        %swap3A_511 = vector.shape_cast %mul3A_506 : vector<16xf32> to vector<1x16xf32>
        tpu.vector_store %arg8[%swap3A_507, %swap3A_508], %swap3A_511 {strides = array<i32>} : memref<200x128xf32, #tpu.memory_space<vmem>>, vector<1x16xf32>,
        %get3A_512 = arith.index_cast %add3A_498 : i32 to index
        %get3A_513 = arith.constant 16 : index
        %get3A_514 = tpu.vector_load %arg8[%get3A_512, %get3A_513] {strides = array<i32>} : memref<200x128xf32, #tpu.memory_space<vmem>>, vector<1x16xf32>,
        %get3A_515 = vector.shape_cast %get3A_514 : vector<1x16xf32> to vector<16xf32>
        %mul3A_516 = vector.broadcast %squeeze3A_500 : f32 to vector<16xf32>
        %mul3A_517 = arith.mulf %get3A_515, %mul3A_516 : vector<16xf32>
        %swap3A_518 = arith.index_cast %add3A_498 : i32 to index
        %swap3A_519 = arith.constant 16 : index
        %swap3A_520 = tpu.vector_load %arg8[%swap3A_518, %swap3A_519] {strides = array<i32>} : memref<200x128xf32, #tpu.memory_space<vmem>>, vector<1x16xf32>,
        %swap3A_521 = vector.shape_cast %swap3A_520 : vector<1x16xf32> to vector<16xf32>
        %swap3A_522 = vector.shape_cast %mul3A_517 : vector<16xf32> to vector<1x16xf32>
        tpu.vector_store %arg8[%swap3A_518, %swap3A_519], %swap3A_522 {strides = array<i32>} : memref<200x128xf32, #tpu.memory_space<vmem>>, vector<1x16xf32>,
        %mul3A_523 = arith.constant 16 : i32
        %mul3A_524 = arith.muli %scan3A_488, %mul3A_523 : i32
        %add3A_525 = arith.constant 1 : i32
        %add3A_526 = arith.addi %mul3A_524, %add3A_525 : i32
        %slice3A_527 = vector.extract_strided_slice %get3A_494 {offsets = [1], sizes = [1], strides = [1]} : vector<16xf32> to vector<1xf32>
        %squeeze3A_528 = vector.extract %slice3A_527[0] : f32 from vector<1xf32>
        %get3A_529 = arith.index_cast %add3A_526 : i32 to index
        %get3A_530 = arith.constant 0 : index
        %get3A_531 = tpu.vector_load %arg8[%get3A_529, %get3A_530] {strides = array<i32>} : memref<200x128xf32, #tpu.memory_space<vmem>>, vector<1x16xf32>,
        %get3A_532 = vector.shape_cast %get3A_531 : vector<1x16xf32> to vector<16xf32>
        %mul3A_533 = vector.broadcast %squeeze3A_528 : f32 to vector<16xf32>
        %mul3A_534 = arith.mulf %get3A_532, %mul3A_533 : vector<16xf32>
        %swap3A_535 = arith.index_cast %add3A_526 : i32 to index
        %swap3A_536 = arith.constant 0 : index
        %swap3A_537 = tpu.vector_load %arg8[%swap3A_535, %swap3A_536] {strides = array<i32>} : memref<200x128xf32, #tpu.memory_space<vmem>>, vector<1x16xf32>,
        %swap3A_538 = vector.shape_cast %swap3A_537 : vector<1x16xf32> to vector<16xf32>
        %swap3A_539 = vector.shape_cast %mul3A_534 : vector<16xf32> to vector<1x16xf32>
        tpu.vector_store %arg8[%swap3A_535, %swap3A_536], %swap3A_539 {strides = array<i32>} : memref<200x128xf32, #tpu.memory_space<vmem>>, vector<1x16xf32>,
        %get3A_540 = arith.index_cast %add3A_526 : i32 to index
        %get3A_541 = arith.constant 16 : index
        %get3A_542 = tpu.vector_load %arg8[%get3A_540, %get3A_541] {strides = array<i32>} : memref<200x128xf32, #tpu.memory_space<vmem>>, vector<1x16xf32>,
        %get3A_543 = vector.shape_cast %get3A_542 : vector<1x16xf32> to vector<16xf32>
        %mul3A_544 = vector.broadcast %squeeze3A_528 : f32 to vector<16xf32>
        %mul3A_545 = arith.mulf %get3A_543, %mul3A_544 : vector<16xf32>
        %swap3A_546 = arith.index_cast %add3A_526 : i32 to index
        %swap3A_547 = arith.constant 16 : index
        %swap3A_548 = tpu.vector_load %arg8[%swap3A_546, %swap3A_547] {strides = array<i32>} : memref<200x128xf32, #tpu.memory_space<vmem>>, vector<1x16xf32>,
        %swap3A_549 = vector.shape_cast %swap3A_548 : vector<1x16xf32> to vector<16xf32>
        %swap3A_550 = vector.shape_cast %mul3A_545 : vector<16xf32> to vector<1x16xf32>
        tpu.vector_store %arg8[%swap3A_546, %swap3A_547], %swap3A_550 {strides = array<i32>} : memref<200x128xf32, #tpu.memory_space<vmem>>, vector<1x16xf32>,
        %mul3A_551 = arith.constant 16 : i32
        %mul3A_552 = arith.muli %scan3A_488, %mul3A_551 : i32
        %add3A_553 = arith.constant 2 : i32
        %add3A_554 = arith.addi %mul3A_552, %add3A_553 : i32
        %slice3A_555 = vector.extract_strided_slice %get3A_494 {offsets = [2], sizes = [1], strides = [1]} : vector<16xf32> to vector<1xf32>
        %squeeze3A_556 = vector.extract %slice3A_555[0] : f32 from vector<1xf32>
        %get3A_557 = arith.index_cast %add3A_554 : i32 to index
        %get3A_558 = arith.constant 0 : index
        %get3A_559 = tpu.vector_load %arg8[%get3A_557, %get3A_558] {strides = array<i32>} : memref<200x128xf32, #tpu.memory_space<vmem>>, vector<1x16xf32>,
        %get3A_560 = vector.shape_cast %get3A_559 : vector<1x16xf32> to vector<16xf32>
        %mul3A_561 = vector.broadcast %squeeze3A_556 : f32 to vector<16xf32>
        %mul3A_562 = arith.mulf %get3A_560, %mul3A_561 : vector<16xf32>
        %swap3A_563 = arith.index_cast %add3A_554 : i32 to index
        %swap3A_564 = arith.constant 0 : index
        %swap3A_565 = tpu.vector_load %arg8[%swap3A_563, %swap3A_564] {strides = array<i32>} : memref<200x128xf32, #tpu.memory_space<vmem>>, vector<1x16xf32>,
        %swap3A_566 = vector.shape_cast %swap3A_565 : vector<1x16xf32> to vector<16xf32>
        %swap3A_567 = vector.shape_cast %mul3A_562 : vector<16xf32> to vector<1x16xf32>
        tpu.vector_store %arg8[%swap3A_563, %swap3A_564], %swap3A_567 {strides = array<i32>} : memref<200x128xf32, #tpu.memory_space<vmem>>, vector<1x16xf32>,
        %get3A_568 = arith.index_cast %add3A_554 : i32 to index
        %get3A_569 = arith.constant 16 : index
        %get3A_570 = tpu.vector_load %arg8[%get3A_568, %get3A_569] {strides = array<i32>} : memref<200x128xf32, #tpu.memory_space<vmem>>, vector<1x16xf32>,
        %get3A_571 = vector.shape_cast %get3A_570 : vector<1x16xf32> to vector<16xf32>
        %mul3A_572 = vector.broadcast %squeeze3A_556 : f32 to vector<16xf32>
        %mul3A_573 = arith.mulf %get3A_571, %mul3A_572 : vector<16xf32>
        %swap3A_574 = arith.index_cast %add3A_554 : i32 to index
        %swap3A_575 = arith.constant 16 : index
        %swap3A_576 = tpu.vector_load %arg8[%swap3A_574, %swap3A_575] {strides = array<i32>} : memref<200x128xf32, #tpu.memory_space<vmem>>, vector<1x16xf32>,
        %swap3A_577 = vector.shape_cast %swap3A_576 : vector<1x16xf32> to vector<16xf32>
        %swap3A_578 = vector.shape_cast %mul3A_573 : vector<16xf32> to vector<1x16xf32>
        tpu.vector_store %arg8[%swap3A_574, %swap3A_575], %swap3A_578 {strides = array<i32>} : memref<200x128xf32, #tpu.memory_space<vmem>>, vector<1x16xf32>,
        %mul3A_579 = arith.constant 16 : i32
        %mul3A_580 = arith.muli %scan3A_488, %mul3A_579 : i32
        %add3A_581 = arith.constant 3 : i32
        %add3A_582 = arith.addi %mul3A_580, %add3A_581 : i32
        %slice3A_583 = vector.extract_strided_slice %get3A_494 {offsets = [3], sizes = [1], strides = [1]} : vector<16xf32> to vector<1xf32>
        %squeeze3A_584 = vector.extract %slice3A_583[0] : f32 from vector<1xf32>
        %get3A_585 = arith.index_cast %add3A_582 : i32 to index
        %get3A_586 = arith.constant 0 : index
        %get3A_587 = tpu.vector_load %arg8[%get3A_585, %get3A_586] {strides = array<i32>} : memref<200x128xf32, #tpu.memory_space<vmem>>, vector<1x16xf32>,
        %get3A_588 = vector.shape_cast %get3A_587 : vector<1x16xf32> to vector<16xf32>
        %mul3A_589 = vector.broadcast %squeeze3A_584 : f32 to vector<16xf32>
        %mul3A_590 = arith.mulf %get3A_588, %mul3A_589 : vector<16xf32>
        %swap3A_591 = arith.index_cast %add3A_582 : i32 to index
        %swap3A_592 = arith.constant 0 : index
        %swap3A_593 = tpu.vector_load %arg8[%swap3A_591, %swap3A_592] {strides = array<i32>} : memref<200x128xf32, #tpu.memory_space<vmem>>, vector<1x16xf32>,
        %swap3A_594 = vector.shape_cast %swap3A_593 : vector<1x16xf32> to vector<16xf32>
        %swap3A_595 = vector.shape_cast %mul3A_590 : vector<16xf32> to vector<1x16xf32>
        tpu.vector_store %arg8[%swap3A_591, %swap3A_592], %swap3A_595 {strides = array<i32>} : memref<200x128xf32, #tpu.memory_space<vmem>>, vector<1x16xf32>,
        %get3A_596 = arith.index_cast %add3A_582 : i32 to index
        %get3A_597 = arith.constant 16 : index
        %get3A_598 = tpu.vector_load %arg8[%get3A_596, %get3A_597] {strides = array<i32>} : memref<200x128xf32, #tpu.memory_space<vmem>>, vector<1x16xf32>,
        %get3A_599 = vector.shape_cast %get3A_598 : vector<1x16xf32> to vector<16xf32>
        %mul3A_600 = vector.broadcast %squeeze3A_584 : f32 to vector<16xf32>
        %mul3A_601 = arith.mulf %get3A_599, %mul3A_600 : vector<16xf32>
        %swap3A_602 = arith.index_cast %add3A_582 : i32 to index
        %swap3A_603 = arith.constant 16 : index
        %swap3A_604 = tpu.vector_load %arg8[%swap3A_602, %swap3A_603] {strides = array<i32>} : memref<200x128xf32, #tpu.memory_space<vmem>>, vector<1x16xf32>,
        %swap3A_605 = vector.shape_cast %swap3A_604 : vector<1x16xf32> to vector<16xf32>
        %swap3A_606 = vector.shape_cast %mul3A_601 : vector<16xf32> to vector<1x16xf32>
        tpu.vector_store %arg8[%swap3A_602, %swap3A_603], %swap3A_606 {strides = array<i32>} : memref<200x128xf32, #tpu.memory_space<vmem>>, vector<1x16xf32>,
        %mul3A_607 = arith.constant 16 : i32
        %mul3A_608 = arith.muli %scan3A_488, %mul3A_607 : i32
        %add3A_609 = arith.constant 4 : i32
        %add3A_610 = arith.addi %mul3A_608, %add3A_609 : i32
        %slice3A_611 = vector.extract_strided_slice %get3A_494 {offsets = [4], sizes = [1], strides = [1]} : vector<16xf32> to vector<1xf32>
        %squeeze3A_612 = vector.extract %slice3A_611[0] : f32 from vector<1xf32>
        %get3A_613 = arith.index_cast %add3A_610 : i32 to index
        %get3A_614 = arith.constant 0 : index
        %get3A_615 = tpu.vector_load %arg8[%get3A_613, %get3A_614] {strides = array<i32>} : memref<200x128xf32, #tpu.memory_space<vmem>>, vector<1x16xf32>,
        %get3A_616 = vector.shape_cast %get3A_615 : vector<1x16xf32> to vector<16xf32>
        %mul3A_617 = vector.broadcast %squeeze3A_612 : f32 to vector<16xf32>
        %mul3A_618 = arith.mulf %get3A_616, %mul3A_617 : vector<16xf32>
        %swap3A_619 = arith.index_cast %add3A_610 : i32 to index
        %swap3A_620 = arith.constant 0 : index
        %swap3A_621 = tpu.vector_load %arg8[%swap3A_619, %swap3A_620] {strides = array<i32>} : memref<200x128xf32, #tpu.memory_space<vmem>>, vector<1x16xf32>,
        %swap3A_622 = vector.shape_cast %swap3A_621 : vector<1x16xf32> to vector<16xf32>
        %swap3A_623 = vector.shape_cast %mul3A_618 : vector<16xf32> to vector<1x16xf32>
        tpu.vector_store %arg8[%swap3A_619, %swap3A_620], %swap3A_623 {strides = array<i32>} : memref<200x128xf32, #tpu.memory_space<vmem>>, vector<1x16xf32>,
        %get3A_624 = arith.index_cast %add3A_610 : i32 to index
        %get3A_625 = arith.constant 16 : index
        %get3A_626 = tpu.vector_load %arg8[%get3A_624, %get3A_625] {strides = array<i32>} : memref<200x128xf32, #tpu.memory_space<vmem>>, vector<1x16xf32>,
        %get3A_627 = vector.shape_cast %get3A_626 : vector<1x16xf32> to vector<16xf32>
        %mul3A_628 = vector.broadcast %squeeze3A_612 : f32 to vector<16xf32>
        %mul3A_629 = arith.mulf %get3A_627, %mul3A_628 : vector<16xf32>
        %swap3A_630 = arith.index_cast %add3A_610 : i32 to index
        %swap3A_631 = arith.constant 16 : index
        %swap3A_632 = tpu.vector_load %arg8[%swap3A_630, %swap3A_631] {strides = array<i32>} : memref<200x128xf32, #tpu.memory_space<vmem>>, vector<1x16xf32>,
        %swap3A_633 = vector.shape_cast %swap3A_632 : vector<1x16xf32> to vector<16xf32>
        %swap3A_634 = vector.shape_cast %mul3A_629 : vector<16xf32> to vector<1x16xf32>
        tpu.vector_store %arg8[%swap3A_630, %swap3A_631], %swap3A_634 {strides = array<i32>} : memref<200x128xf32, #tpu.memory_space<vmem>>, vector<1x16xf32>,
        %mul3A_635 = arith.constant 16 : i32
        %mul3A_636 = arith.muli %scan3A_488, %mul3A_635 : i32
        %add3A_637 = arith.constant 5 : i32
        %add3A_638 = arith.addi %mul3A_636, %add3A_637 : i32
        %slice3A_639 = vector.extract_strided_slice %get3A_494 {offsets = [5], sizes = [1], strides = [1]} : vector<16xf32> to vector<1xf32>
        %squeeze3A_640 = vector.extract %slice3A_639[0] : f32 from vector<1xf32>
        %get3A_641 = arith.index_cast %add3A_638 : i32 to index
        %get3A_642 = arith.constant 0 : index
        %get3A_643 = tpu.vector_load %arg8[%get3A_641, %get3A_642] {strides = array<i32>} : memref<200x128xf32, #tpu.memory_space<vmem>>, vector<1x16xf32>,
        %get3A_644 = vector.shape_cast %get3A_643 : vector<1x16xf32> to vector<16xf32>
        %mul3A_645 = vector.broadcast %squeeze3A_640 : f32 to vector<16xf32>
        %mul3A_646 = arith.mulf %get3A_644, %mul3A_645 : vector<16xf32>
        %swap3A_647 = arith.index_cast %add3A_638 : i32 to index
        %swap3A_648 = arith.constant 0 : index
        %swap3A_649 = tpu.vector_load %arg8[%swap3A_647, %swap3A_648] {strides = array<i32>} : memref<200x128xf32, #tpu.memory_space<vmem>>, vector<1x16xf32>,
        %swap3A_650 = vector.shape_cast %swap3A_649 : vector<1x16xf32> to vector<16xf32>
        %swap3A_651 = vector.shape_cast %mul3A_646 : vector<16xf32> to vector<1x16xf32>
        tpu.vector_store %arg8[%swap3A_647, %swap3A_648], %swap3A_651 {strides = array<i32>} : memref<200x128xf32, #tpu.memory_space<vmem>>, vector<1x16xf32>,
        %get3A_652 = arith.index_cast %add3A_638 : i32 to index
        %get3A_653 = arith.constant 16 : index
        %get3A_654 = tpu.vector_load %arg8[%get3A_652, %get3A_653] {strides = array<i32>} : memref<200x128xf32, #tpu.memory_space<vmem>>, vector<1x16xf32>,
        %get3A_655 = vector.shape_cast %get3A_654 : vector<1x16xf32> to vector<16xf32>
        %mul3A_656 = vector.broadcast %squeeze3A_640 : f32 to vector<16xf32>
        %mul3A_657 = arith.mulf %get3A_655, %mul3A_656 : vector<16xf32>
        %swap3A_658 = arith.index_cast %add3A_638 : i32 to index
        %swap3A_659 = arith.constant 16 : index
        %swap3A_660 = tpu.vector_load %arg8[%swap3A_658, %swap3A_659] {strides = array<i32>} : memref<200x128xf32, #tpu.memory_space<vmem>>, vector<1x16xf32>,
        %swap3A_661 = vector.shape_cast %swap3A_660 : vector<1x16xf32> to vector<16xf32>
        %swap3A_662 = vector.shape_cast %mul3A_657 : vector<16xf32> to vector<1x16xf32>
        tpu.vector_store %arg8[%swap3A_658, %swap3A_659], %swap3A_662 {strides = array<i32>} : memref<200x128xf32, #tpu.memory_space<vmem>>, vector<1x16xf32>,
        %mul3A_663 = arith.constant 16 : i32
        %mul3A_664 = arith.muli %scan3A_488, %mul3A_663 : i32
        %add3A_665 = arith.constant 6 : i32
        %add3A_666 = arith.addi %mul3A_664, %add3A_665 : i32
        %slice3A_667 = vector.extract_strided_slice %get3A_494 {offsets = [6], sizes = [1], strides = [1]} : vector<16xf32> to vector<1xf32>
        %squeeze3A_668 = vector.extract %slice3A_667[0] : f32 from vector<1xf32>
        %get3A_669 = arith.index_cast %add3A_666 : i32 to index
        %get3A_670 = arith.constant 0 : index
        %get3A_671 = tpu.vector_load %arg8[%get3A_669, %get3A_670] {strides = array<i32>} : memref<200x128xf32, #tpu.memory_space<vmem>>, vector<1x16xf32>,
        %get3A_672 = vector.shape_cast %get3A_671 : vector<1x16xf32> to vector<16xf32>
        %mul3A_673 = vector.broadcast %squeeze3A_668 : f32 to vector<16xf32>
        %mul3A_674 = arith.mulf %get3A_672, %mul3A_673 : vector<16xf32>
        %swap3A_675 = arith.index_cast %add3A_666 : i32 to index
        %swap3A_676 = arith.constant 0 : index
        %swap3A_677 = tpu.vector_load %arg8[%swap3A_675, %swap3A_676] {strides = array<i32>} : memref<200x128xf32, #tpu.memory_space<vmem>>, vector<1x16xf32>,
        %swap3A_678 = vector.shape_cast %swap3A_677 : vector<1x16xf32> to vector<16xf32>
        %swap3A_679 = vector.shape_cast %mul3A_674 : vector<16xf32> to vector<1x16xf32>
        tpu.vector_store %arg8[%swap3A_675, %swap3A_676], %swap3A_679 {strides = array<i32>} : memref<200x128xf32, #tpu.memory_space<vmem>>, vector<1x16xf32>,
        %get3A_680 = arith.index_cast %add3A_666 : i32 to index
        %get3A_681 = arith.constant 16 : index
        %get3A_682 = tpu.vector_load %arg8[%get3A_680, %get3A_681] {strides = array<i32>} : memref<200x128xf32, #tpu.memory_space<vmem>>, vector<1x16xf32>,
        %get3A_683 = vector.shape_cast %get3A_682 : vector<1x16xf32> to vector<16xf32>
        %mul3A_684 = vector.broadcast %squeeze3A_668 : f32 to vector<16xf32>
        %mul3A_685 = arith.mulf %get3A_683, %mul3A_684 : vector<16xf32>
        %swap3A_686 = arith.index_cast %add3A_666 : i32 to index
        %swap3A_687 = arith.constant 16 : index
        %swap3A_688 = tpu.vector_load %arg8[%swap3A_686, %swap3A_687] {strides = array<i32>} : memref<200x128xf32, #tpu.memory_space<vmem>>, vector<1x16xf32>,
        %swap3A_689 = vector.shape_cast %swap3A_688 : vector<1x16xf32> to vector<16xf32>
        %swap3A_690 = vector.shape_cast %mul3A_685 : vector<16xf32> to vector<1x16xf32>
        tpu.vector_store %arg8[%swap3A_686, %swap3A_687], %swap3A_690 {strides = array<i32>} : memref<200x128xf32, #tpu.memory_space<vmem>>, vector<1x16xf32>,
        %mul3A_691 = arith.constant 16 : i32
        %mul3A_692 = arith.muli %scan3A_488, %mul3A_691 : i32
        %add3A_693 = arith.constant 7 : i32
        %add3A_694 = arith.addi %mul3A_692, %add3A_693 : i32
        %slice3A_695 = vector.extract_strided_slice %get3A_494 {offsets = [7], sizes = [1], strides = [1]} : vector<16xf32> to vector<1xf32>
        %squeeze3A_696 = vector.extract %slice3A_695[0] : f32 from vector<1xf32>
        %get3A_697 = arith.index_cast %add3A_694 : i32 to index
        %get3A_698 = arith.constant 0 : index
        %get3A_699 = tpu.vector_load %arg8[%get3A_697, %get3A_698] {strides = array<i32>} : memref<200x128xf32, #tpu.memory_space<vmem>>, vector<1x16xf32>,
        %get3A_700 = vector.shape_cast %get3A_699 : vector<1x16xf32> to vector<16xf32>
        %mul3A_701 = vector.broadcast %squeeze3A_696 : f32 to vector<16xf32>
        %mul3A_702 = arith.mulf %get3A_700, %mul3A_701 : vector<16xf32>
        %swap3A_703 = arith.index_cast %add3A_694 : i32 to index
        %swap3A_704 = arith.constant 0 : index
        %swap3A_705 = tpu.vector_load %arg8[%swap3A_703, %swap3A_704] {strides = array<i32>} : memref<200x128xf32, #tpu.memory_space<vmem>>, vector<1x16xf32>,
        %swap3A_706 = vector.shape_cast %swap3A_705 : vector<1x16xf32> to vector<16xf32>
        %swap3A_707 = vector.shape_cast %mul3A_702 : vector<16xf32> to vector<1x16xf32>
        tpu.vector_store %arg8[%swap3A_703, %swap3A_704], %swap3A_707 {strides = array<i32>} : memref<200x128xf32, #tpu.memory_space<vmem>>, vector<1x16xf32>,
        %get3A_708 = arith.index_cast %add3A_694 : i32 to index
        %get3A_709 = arith.constant 16 : index
        %get3A_710 = tpu.vector_load %arg8[%get3A_708, %get3A_709] {strides = array<i32>} : memref<200x128xf32, #tpu.memory_space<vmem>>, vector<1x16xf32>,
        %get3A_711 = vector.shape_cast %get3A_710 : vector<1x16xf32> to vector<16xf32>
        %mul3A_712 = vector.broadcast %squeeze3A_696 : f32 to vector<16xf32>
        %mul3A_713 = arith.mulf %get3A_711, %mul3A_712 : vector<16xf32>
        %swap3A_714 = arith.index_cast %add3A_694 : i32 to index
        %swap3A_715 = arith.constant 16 : index
        %swap3A_716 = tpu.vector_load %arg8[%swap3A_714, %swap3A_715] {strides = array<i32>} : memref<200x128xf32, #tpu.memory_space<vmem>>, vector<1x16xf32>,
        %swap3A_717 = vector.shape_cast %swap3A_716 : vector<1x16xf32> to vector<16xf32>
        %swap3A_718 = vector.shape_cast %mul3A_713 : vector<16xf32> to vector<1x16xf32>
        tpu.vector_store %arg8[%swap3A_714, %swap3A_715], %swap3A_718 {strides = array<i32>} : memref<200x128xf32, #tpu.memory_space<vmem>>, vector<1x16xf32>,
        %mul3A_719 = arith.constant 16 : i32
        %mul3A_720 = arith.muli %scan3A_488, %mul3A_719 : i32
        %add3A_721 = arith.constant 8 : i32
        %add3A_722 = arith.addi %mul3A_720, %add3A_721 : i32
        %slice3A_723 = vector.extract_strided_slice %get3A_494 {offsets = [8], sizes = [1], strides = [1]} : vector<16xf32> to vector<1xf32>
        %squeeze3A_724 = vector.extract %slice3A_723[0] : f32 from vector<1xf32>
        %get3A_725 = arith.index_cast %add3A_722 : i32 to index
        %get3A_726 = arith.constant 0 : index
        %get3A_727 = tpu.vector_load %arg8[%get3A_725, %get3A_726] {strides = array<i32>} : memref<200x128xf32, #tpu.memory_space<vmem>>, vector<1x16xf32>,
        %get3A_728 = vector.shape_cast %get3A_727 : vector<1x16xf32> to vector<16xf32>
        %mul3A_729 = vector.broadcast %squeeze3A_724 : f32 to vector<16xf32>
        %mul3A_730 = arith.mulf %get3A_728, %mul3A_729 : vector<16xf32>
        %swap3A_731 = arith.index_cast %add3A_722 : i32 to index
        %swap3A_732 = arith.constant 0 : index
        %swap3A_733 = tpu.vector_load %arg8[%swap3A_731, %swap3A_732] {strides = array<i32>} : memref<200x128xf32, #tpu.memory_space<vmem>>, vector<1x16xf32>,
        %swap3A_734 = vector.shape_cast %swap3A_733 : vector<1x16xf32> to vector<16xf32>
        %swap3A_735 = vector.shape_cast %mul3A_730 : vector<16xf32> to vector<1x16xf32>
        tpu.vector_store %arg8[%swap3A_731, %swap3A_732], %swap3A_735 {strides = array<i32>} : memref<200x128xf32, #tpu.memory_space<vmem>>, vector<1x16xf32>,
        %get3A_736 = arith.index_cast %add3A_722 : i32 to index
        %get3A_737 = arith.constant 16 : index
        %get3A_738 = tpu.vector_load %arg8[%get3A_736, %get3A_737] {strides = array<i32>} : memref<200x128xf32, #tpu.memory_space<vmem>>, vector<1x16xf32>,
        %get3A_739 = vector.shape_cast %get3A_738 : vector<1x16xf32> to vector<16xf32>
        %mul3A_740 = vector.broadcast %squeeze3A_724 : f32 to vector<16xf32>
        %mul3A_741 = arith.mulf %get3A_739, %mul3A_740 : vector<16xf32>
        %swap3A_742 = arith.index_cast %add3A_722 : i32 to index
        %swap3A_743 = arith.constant 16 : index
        %swap3A_744 = tpu.vector_load %arg8[%swap3A_742, %swap3A_743] {strides = array<i32>} : memref<200x128xf32, #tpu.memory_space<vmem>>, vector<1x16xf32>,
        %swap3A_745 = vector.shape_cast %swap3A_744 : vector<1x16xf32> to vector<16xf32>
        %swap3A_746 = vector.shape_cast %mul3A_741 : vector<16xf32> to vector<1x16xf32>
        tpu.vector_store %arg8[%swap3A_742, %swap3A_743], %swap3A_746 {strides = array<i32>} : memref<200x128xf32, #tpu.memory_space<vmem>>, vector<1x16xf32>,
        %mul3A_747 = arith.constant 16 : i32
        %mul3A_748 = arith.muli %scan3A_488, %mul3A_747 : i32
        %add3A_749 = arith.constant 9 : i32
        %add3A_750 = arith.addi %mul3A_748, %add3A_749 : i32
        %slice3A_751 = vector.extract_strided_slice %get3A_494 {offsets = [9], sizes = [1], strides = [1]} : vector<16xf32> to vector<1xf32>
        %squeeze3A_752 = vector.extract %slice3A_751[0] : f32 from vector<1xf32>
        %get3A_753 = arith.index_cast %add3A_750 : i32 to index
        %get3A_754 = arith.constant 0 : index
        %get3A_755 = tpu.vector_load %arg8[%get3A_753, %get3A_754] {strides = array<i32>} : memref<200x128xf32, #tpu.memory_space<vmem>>, vector<1x16xf32>,
        %get3A_756 = vector.shape_cast %get3A_755 : vector<1x16xf32> to vector<16xf32>
        %mul3A_757 = vector.broadcast %squeeze3A_752 : f32 to vector<16xf32>
        %mul3A_758 = arith.mulf %get3A_756, %mul3A_757 : vector<16xf32>
        %swap3A_759 = arith.index_cast %add3A_750 : i32 to index
        %swap3A_760 = arith.constant 0 : index
        %swap3A_761 = tpu.vector_load %arg8[%swap3A_759, %swap3A_760] {strides = array<i32>} : memref<200x128xf32, #tpu.memory_space<vmem>>, vector<1x16xf32>,
        %swap3A_762 = vector.shape_cast %swap3A_761 : vector<1x16xf32> to vector<16xf32>
        %swap3A_763 = vector.shape_cast %mul3A_758 : vector<16xf32> to vector<1x16xf32>
        tpu.vector_store %arg8[%swap3A_759, %swap3A_760], %swap3A_763 {strides = array<i32>} : memref<200x128xf32, #tpu.memory_space<vmem>>, vector<1x16xf32>,
        %get3A_764 = arith.index_cast %add3A_750 : i32 to index
        %get3A_765 = arith.constant 16 : index
        %get3A_766 = tpu.vector_load %arg8[%get3A_764, %get3A_765] {strides = array<i32>} : memref<200x128xf32, #tpu.memory_space<vmem>>, vector<1x16xf32>,
        %get3A_767 = vector.shape_cast %get3A_766 : vector<1x16xf32> to vector<16xf32>
        %mul3A_768 = vector.broadcast %squeeze3A_752 : f32 to vector<16xf32>
        %mul3A_769 = arith.mulf %get3A_767, %mul3A_768 : vector<16xf32>
        %swap3A_770 = arith.index_cast %add3A_750 : i32 to index
        %swap3A_771 = arith.constant 16 : index
        %swap3A_772 = tpu.vector_load %arg8[%swap3A_770, %swap3A_771] {strides = array<i32>} : memref<200x128xf32, #tpu.memory_space<vmem>>, vector<1x16xf32>,
        %swap3A_773 = vector.shape_cast %swap3A_772 : vector<1x16xf32> to vector<16xf32>
        %swap3A_774 = vector.shape_cast %mul3A_769 : vector<16xf32> to vector<1x16xf32>
        tpu.vector_store %arg8[%swap3A_770, %swap3A_771], %swap3A_774 {strides = array<i32>} : memref<200x128xf32, #tpu.memory_space<vmem>>, vector<1x16xf32>,
        %mul3A_775 = arith.constant 16 : i32
        %mul3A_776 = arith.muli %scan3A_488, %mul3A_775 : i32
        %add3A_777 = arith.constant 10 : i32
        %add3A_778 = arith.addi %mul3A_776, %add3A_777 : i32
        %slice3A_779 = vector.extract_strided_slice %get3A_494 {offsets = [10], sizes = [1], strides = [1]} : vector<16xf32> to vector<1xf32>
        %squeeze3A_780 = vector.extract %slice3A_779[0] : f32 from vector<1xf32>
        %get3A_781 = arith.index_cast %add3A_778 : i32 to index
        %get3A_782 = arith.constant 0 : index
        %get3A_783 = tpu.vector_load %arg8[%get3A_781, %get3A_782] {strides = array<i32>} : memref<200x128xf32, #tpu.memory_space<vmem>>, vector<1x16xf32>,
        %get3A_784 = vector.shape_cast %get3A_783 : vector<1x16xf32> to vector<16xf32>
        %mul3A_785 = vector.broadcast %squeeze3A_780 : f32 to vector<16xf32>
        %mul3A_786 = arith.mulf %get3A_784, %mul3A_785 : vector<16xf32>
        %swap3A_787 = arith.index_cast %add3A_778 : i32 to index
        %swap3A_788 = arith.constant 0 : index
        %swap3A_789 = tpu.vector_load %arg8[%swap3A_787, %swap3A_788] {strides = array<i32>} : memref<200x128xf32, #tpu.memory_space<vmem>>, vector<1x16xf32>,
        %swap3A_790 = vector.shape_cast %swap3A_789 : vector<1x16xf32> to vector<16xf32>
        %swap3A_791 = vector.shape_cast %mul3A_786 : vector<16xf32> to vector<1x16xf32>
        tpu.vector_store %arg8[%swap3A_787, %swap3A_788], %swap3A_791 {strides = array<i32>} : memref<200x128xf32, #tpu.memory_space<vmem>>, vector<1x16xf32>,
        %get3A_792 = arith.index_cast %add3A_778 : i32 to index
        %get3A_793 = arith.constant 16 : index
        %get3A_794 = tpu.vector_load %arg8[%get3A_792, %get3A_793] {strides = array<i32>} : memref<200x128xf32, #tpu.memory_space<vmem>>, vector<1x16xf32>,
        %get3A_795 = vector.shape_cast %get3A_794 : vector<1x16xf32> to vector<16xf32>
        %mul3A_796 = vector.broadcast %squeeze3A_780 : f32 to vector<16xf32>
        %mul3A_797 = arith.mulf %get3A_795, %mul3A_796 : vector<16xf32>
        %swap3A_798 = arith.index_cast %add3A_778 : i32 to index
        %swap3A_799 = arith.constant 16 : index
        %swap3A_800 = tpu.vector_load %arg8[%swap3A_798, %swap3A_799] {strides = array<i32>} : memref<200x128xf32, #tpu.memory_space<vmem>>, vector<1x16xf32>,
        %swap3A_801 = vector.shape_cast %swap3A_800 : vector<1x16xf32> to vector<16xf32>
        %swap3A_802 = vector.shape_cast %mul3A_797 : vector<16xf32> to vector<1x16xf32>
        tpu.vector_store %arg8[%swap3A_798, %swap3A_799], %swap3A_802 {strides = array<i32>} : memref<200x128xf32, #tpu.memory_space<vmem>>, vector<1x16xf32>,
        %mul3A_803 = arith.constant 16 : i32
        %mul3A_804 = arith.muli %scan3A_488, %mul3A_803 : i32
        %add3A_805 = arith.constant 11 : i32
        %add3A_806 = arith.addi %mul3A_804, %add3A_805 : i32
        %slice3A_807 = vector.extract_strided_slice %get3A_494 {offsets = [11], sizes = [1], strides = [1]} : vector<16xf32> to vector<1xf32>
        %squeeze3A_808 = vector.extract %slice3A_807[0] : f32 from vector<1xf32>
        %get3A_809 = arith.index_cast %add3A_806 : i32 to index
        %get3A_810 = arith.constant 0 : index
        %get3A_811 = tpu.vector_load %arg8[%get3A_809, %get3A_810] {strides = array<i32>} : memref<200x128xf32, #tpu.memory_space<vmem>>, vector<1x16xf32>,
        %get3A_812 = vector.shape_cast %get3A_811 : vector<1x16xf32> to vector<16xf32>
        %mul3A_813 = vector.broadcast %squeeze3A_808 : f32 to vector<16xf32>
        %mul3A_814 = arith.mulf %get3A_812, %mul3A_813 : vector<16xf32>
        %swap3A_815 = arith.index_cast %add3A_806 : i32 to index
        %swap3A_816 = arith.constant 0 : index
        %swap3A_817 = tpu.vector_load %arg8[%swap3A_815, %swap3A_816] {strides = array<i32>} : memref<200x128xf32, #tpu.memory_space<vmem>>, vector<1x16xf32>,
        %swap3A_818 = vector.shape_cast %swap3A_817 : vector<1x16xf32> to vector<16xf32>
        %swap3A_819 = vector.shape_cast %mul3A_814 : vector<16xf32> to vector<1x16xf32>
        tpu.vector_store %arg8[%swap3A_815, %swap3A_816], %swap3A_819 {strides = array<i32>} : memref<200x128xf32, #tpu.memory_space<vmem>>, vector<1x16xf32>,
        %get3A_820 = arith.index_cast %add3A_806 : i32 to index
        %get3A_821 = arith.constant 16 : index
        %get3A_822 = tpu.vector_load %arg8[%get3A_820, %get3A_821] {strides = array<i32>} : memref<200x128xf32, #tpu.memory_space<vmem>>, vector<1x16xf32>,
        %get3A_823 = vector.shape_cast %get3A_822 : vector<1x16xf32> to vector<16xf32>
        %mul3A_824 = vector.broadcast %squeeze3A_808 : f32 to vector<16xf32>
        %mul3A_825 = arith.mulf %get3A_823, %mul3A_824 : vector<16xf32>
        %swap3A_826 = arith.index_cast %add3A_806 : i32 to index
        %swap3A_827 = arith.constant 16 : index
        %swap3A_828 = tpu.vector_load %arg8[%swap3A_826, %swap3A_827] {strides = array<i32>} : memref<200x128xf32, #tpu.memory_space<vmem>>, vector<1x16xf32>,
        %swap3A_829 = vector.shape_cast %swap3A_828 : vector<1x16xf32> to vector<16xf32>
        %swap3A_830 = vector.shape_cast %mul3A_825 : vector<16xf32> to vector<1x16xf32>
        tpu.vector_store %arg8[%swap3A_826, %swap3A_827], %swap3A_830 {strides = array<i32>} : memref<200x128xf32, #tpu.memory_space<vmem>>, vector<1x16xf32>,
        %mul3A_831 = arith.constant 16 : i32
        %mul3A_832 = arith.muli %scan3A_488, %mul3A_831 : i32
        %add3A_833 = arith.constant 12 : i32
        %add3A_834 = arith.addi %mul3A_832, %add3A_833 : i32
        %slice3A_835 = vector.extract_strided_slice %get3A_494 {offsets = [12], sizes = [1], strides = [1]} : vector<16xf32> to vector<1xf32>
        %squeeze3A_836 = vector.extract %slice3A_835[0] : f32 from vector<1xf32>
        %get3A_837 = arith.index_cast %add3A_834 : i32 to index
        %get3A_838 = arith.constant 0 : index
        %get3A_839 = tpu.vector_load %arg8[%get3A_837, %get3A_838] {strides = array<i32>} : memref<200x128xf32, #tpu.memory_space<vmem>>, vector<1x16xf32>,
        %get3A_840 = vector.shape_cast %get3A_839 : vector<1x16xf32> to vector<16xf32>
        %mul3A_841 = vector.broadcast %squeeze3A_836 : f32 to vector<16xf32>
        %mul3A_842 = arith.mulf %get3A_840, %mul3A_841 : vector<16xf32>
        %swap3A_843 = arith.index_cast %add3A_834 : i32 to index
        %swap3A_844 = arith.constant 0 : index
        %swap3A_845 = tpu.vector_load %arg8[%swap3A_843, %swap3A_844] {strides = array<i32>} : memref<200x128xf32, #tpu.memory_space<vmem>>, vector<1x16xf32>,
        %swap3A_846 = vector.shape_cast %swap3A_845 : vector<1x16xf32> to vector<16xf32>
        %swap3A_847 = vector.shape_cast %mul3A_842 : vector<16xf32> to vector<1x16xf32>
        tpu.vector_store %arg8[%swap3A_843, %swap3A_844], %swap3A_847 {strides = array<i32>} : memref<200x128xf32, #tpu.memory_space<vmem>>, vector<1x16xf32>,
        %get3A_848 = arith.index_cast %add3A_834 : i32 to index
        %get3A_849 = arith.constant 16 : index
        %get3A_850 = tpu.vector_load %arg8[%get3A_848, %get3A_849] {strides = array<i32>} : memref<200x128xf32, #tpu.memory_space<vmem>>, vector<1x16xf32>,
        %get3A_851 = vector.shape_cast %get3A_850 : vector<1x16xf32> to vector<16xf32>
        %mul3A_852 = vector.broadcast %squeeze3A_836 : f32 to vector<16xf32>
        %mul3A_853 = arith.mulf %get3A_851, %mul3A_852 : vector<16xf32>
        %swap3A_854 = arith.index_cast %add3A_834 : i32 to index
        %swap3A_855 = arith.constant 16 : index
        %swap3A_856 = tpu.vector_load %arg8[%swap3A_854, %swap3A_855] {strides = array<i32>} : memref<200x128xf32, #tpu.memory_space<vmem>>, vector<1x16xf32>,
        %swap3A_857 = vector.shape_cast %swap3A_856 : vector<1x16xf32> to vector<16xf32>
        %swap3A_858 = vector.shape_cast %mul3A_853 : vector<16xf32> to vector<1x16xf32>
        tpu.vector_store %arg8[%swap3A_854, %swap3A_855], %swap3A_858 {strides = array<i32>} : memref<200x128xf32, #tpu.memory_space<vmem>>, vector<1x16xf32>,
        %mul3A_859 = arith.constant 16 : i32
        %mul3A_860 = arith.muli %scan3A_488, %mul3A_859 : i32
        %add3A_861 = arith.constant 13 : i32
        %add3A_862 = arith.addi %mul3A_860, %add3A_861 : i32
        %slice3A_863 = vector.extract_strided_slice %get3A_494 {offsets = [13], sizes = [1], strides = [1]} : vector<16xf32> to vector<1xf32>
        %squeeze3A_864 = vector.extract %slice3A_863[0] : f32 from vector<1xf32>
        %get3A_865 = arith.index_cast %add3A_862 : i32 to index
        %get3A_866 = arith.constant 0 : index
        %get3A_867 = tpu.vector_load %arg8[%get3A_865, %get3A_866] {strides = array<i32>} : memref<200x128xf32, #tpu.memory_space<vmem>>, vector<1x16xf32>,
        %get3A_868 = vector.shape_cast %get3A_867 : vector<1x16xf32> to vector<16xf32>
        %mul3A_869 = vector.broadcast %squeeze3A_864 : f32 to vector<16xf32>
        %mul3A_870 = arith.mulf %get3A_868, %mul3A_869 : vector<16xf32>
        %swap3A_871 = arith.index_cast %add3A_862 : i32 to index
        %swap3A_872 = arith.constant 0 : index
        %swap3A_873 = tpu.vector_load %arg8[%swap3A_871, %swap3A_872] {strides = array<i32>} : memref<200x128xf32, #tpu.memory_space<vmem>>, vector<1x16xf32>,
        %swap3A_874 = vector.shape_cast %swap3A_873 : vector<1x16xf32> to vector<16xf32>
        %swap3A_875 = vector.shape_cast %mul3A_870 : vector<16xf32> to vector<1x16xf32>
        tpu.vector_store %arg8[%swap3A_871, %swap3A_872], %swap3A_875 {strides = array<i32>} : memref<200x128xf32, #tpu.memory_space<vmem>>, vector<1x16xf32>,
        %get3A_876 = arith.index_cast %add3A_862 : i32 to index
        %get3A_877 = arith.constant 16 : index
        %get3A_878 = tpu.vector_load %arg8[%get3A_876, %get3A_877] {strides = array<i32>} : memref<200x128xf32, #tpu.memory_space<vmem>>, vector<1x16xf32>,
        %get3A_879 = vector.shape_cast %get3A_878 : vector<1x16xf32> to vector<16xf32>
        %mul3A_880 = vector.broadcast %squeeze3A_864 : f32 to vector<16xf32>
        %mul3A_881 = arith.mulf %get3A_879, %mul3A_880 : vector<16xf32>
        %swap3A_882 = arith.index_cast %add3A_862 : i32 to index
        %swap3A_883 = arith.constant 16 : index
        %swap3A_884 = tpu.vector_load %arg8[%swap3A_882, %swap3A_883] {strides = array<i32>} : memref<200x128xf32, #tpu.memory_space<vmem>>, vector<1x16xf32>,
        %swap3A_885 = vector.shape_cast %swap3A_884 : vector<1x16xf32> to vector<16xf32>
        %swap3A_886 = vector.shape_cast %mul3A_881 : vector<16xf32> to vector<1x16xf32>
        tpu.vector_store %arg8[%swap3A_882, %swap3A_883], %swap3A_886 {strides = array<i32>} : memref<200x128xf32, #tpu.memory_space<vmem>>, vector<1x16xf32>,
        %mul3A_887 = arith.constant 16 : i32
        %mul3A_888 = arith.muli %scan3A_488, %mul3A_887 : i32
        %add3A_889 = arith.constant 14 : i32
        %add3A_890 = arith.addi %mul3A_888, %add3A_889 : i32
        %slice3A_891 = vector.extract_strided_slice %get3A_494 {offsets = [14], sizes = [1], strides = [1]} : vector<16xf32> to vector<1xf32>
        %squeeze3A_892 = vector.extract %slice3A_891[0] : f32 from vector<1xf32>
        %get3A_893 = arith.index_cast %add3A_890 : i32 to index
        %get3A_894 = arith.constant 0 : index
        %get3A_895 = tpu.vector_load %arg8[%get3A_893, %get3A_894] {strides = array<i32>} : memref<200x128xf32, #tpu.memory_space<vmem>>, vector<1x16xf32>,
        %get3A_896 = vector.shape_cast %get3A_895 : vector<1x16xf32> to vector<16xf32>
        %mul3A_897 = vector.broadcast %squeeze3A_892 : f32 to vector<16xf32>
        %mul3A_898 = arith.mulf %get3A_896, %mul3A_897 : vector<16xf32>
        %swap3A_899 = arith.index_cast %add3A_890 : i32 to index
        %swap3A_900 = arith.constant 0 : index
        %swap3A_901 = tpu.vector_load %arg8[%swap3A_899, %swap3A_900] {strides = array<i32>} : memref<200x128xf32, #tpu.memory_space<vmem>>, vector<1x16xf32>,
        %swap3A_902 = vector.shape_cast %swap3A_901 : vector<1x16xf32> to vector<16xf32>
        %swap3A_903 = vector.shape_cast %mul3A_898 : vector<16xf32> to vector<1x16xf32>
        tpu.vector_store %arg8[%swap3A_899, %swap3A_900], %swap3A_903 {strides = array<i32>} : memref<200x128xf32, #tpu.memory_space<vmem>>, vector<1x16xf32>,
        %get3A_904 = arith.index_cast %add3A_890 : i32 to index
        %get3A_905 = arith.constant 16 : index
        %get3A_906 = tpu.vector_load %arg8[%get3A_904, %get3A_905] {strides = array<i32>} : memref<200x128xf32, #tpu.memory_space<vmem>>, vector<1x16xf32>,
        %get3A_907 = vector.shape_cast %get3A_906 : vector<1x16xf32> to vector<16xf32>
        %mul3A_908 = vector.broadcast %squeeze3A_892 : f32 to vector<16xf32>
        %mul3A_909 = arith.mulf %get3A_907, %mul3A_908 : vector<16xf32>
        %swap3A_910 = arith.index_cast %add3A_890 : i32 to index
        %swap3A_911 = arith.constant 16 : index
        %swap3A_912 = tpu.vector_load %arg8[%swap3A_910, %swap3A_911] {strides = array<i32>} : memref<200x128xf32, #tpu.memory_space<vmem>>, vector<1x16xf32>,
        %swap3A_913 = vector.shape_cast %swap3A_912 : vector<1x16xf32> to vector<16xf32>
        %swap3A_914 = vector.shape_cast %mul3A_909 : vector<16xf32> to vector<1x16xf32>
        tpu.vector_store %arg8[%swap3A_910, %swap3A_911], %swap3A_914 {strides = array<i32>} : memref<200x128xf32, #tpu.memory_space<vmem>>, vector<1x16xf32>,
        %mul3A_915 = arith.constant 16 : i32
        %mul3A_916 = arith.muli %scan3A_488, %mul3A_915 : i32
        %add3A_917 = arith.constant 15 : i32
        %add3A_918 = arith.addi %mul3A_916, %add3A_917 : i32
        %slice3A_919 = vector.extract_strided_slice %get3A_494 {offsets = [15], sizes = [1], strides = [1]} : vector<16xf32> to vector<1xf32>
        %squeeze3A_920 = vector.extract %slice3A_919[0] : f32 from vector<1xf32>
        %get3A_921 = arith.index_cast %add3A_918 : i32 to index
        %get3A_922 = arith.constant 0 : index
        %get3A_923 = tpu.vector_load %arg8[%get3A_921, %get3A_922] {strides = array<i32>} : memref<200x128xf32, #tpu.memory_space<vmem>>, vector<1x16xf32>,
        %get3A_924 = vector.shape_cast %get3A_923 : vector<1x16xf32> to vector<16xf32>
        %mul3A_925 = vector.broadcast %squeeze3A_920 : f32 to vector<16xf32>
        %mul3A_926 = arith.mulf %get3A_924, %mul3A_925 : vector<16xf32>
        %swap3A_927 = arith.index_cast %add3A_918 : i32 to index
        %swap3A_928 = arith.constant 0 : index
        %swap3A_929 = tpu.vector_load %arg8[%swap3A_927, %swap3A_928] {strides = array<i32>} : memref<200x128xf32, #tpu.memory_space<vmem>>, vector<1x16xf32>,
        %swap3A_930 = vector.shape_cast %swap3A_929 : vector<1x16xf32> to vector<16xf32>
        %swap3A_931 = vector.shape_cast %mul3A_926 : vector<16xf32> to vector<1x16xf32>
        tpu.vector_store %arg8[%swap3A_927, %swap3A_928], %swap3A_931 {strides = array<i32>} : memref<200x128xf32, #tpu.memory_space<vmem>>, vector<1x16xf32>,
        %get3A_932 = arith.index_cast %add3A_918 : i32 to index
        %get3A_933 = arith.constant 16 : index
        %get3A_934 = tpu.vector_load %arg8[%get3A_932, %get3A_933] {strides = array<i32>} : memref<200x128xf32, #tpu.memory_space<vmem>>, vector<1x16xf32>,
        %get3A_935 = vector.shape_cast %get3A_934 : vector<1x16xf32> to vector<16xf32>
        %mul3A_936 = vector.broadcast %squeeze3A_920 : f32 to vector<16xf32>
        %mul3A_937 = arith.mulf %get3A_935, %mul3A_936 : vector<16xf32>
        %swap3A_938 = arith.index_cast %add3A_918 : i32 to index
        %swap3A_939 = arith.constant 16 : index
        %swap3A_940 = tpu.vector_load %arg8[%swap3A_938, %swap3A_939] {strides = array<i32>} : memref<200x128xf32, #tpu.memory_space<vmem>>, vector<1x16xf32>,
        %swap3A_941 = vector.shape_cast %swap3A_940 : vector<1x16xf32> to vector<16xf32>
        %swap3A_942 = vector.shape_cast %mul3A_937 : vector<16xf32> to vector<1x16xf32>
        tpu.vector_store %arg8[%swap3A_938, %swap3A_939], %swap3A_942 {strides = array<i32>} : memref<200x128xf32, #tpu.memory_space<vmem>>, vector<1x16xf32>,
        %scan3A_943 = arith.constant 0 : i32
        scf.yield %scan3A_943 : i32
      }
      %scan3A_260 = arith.constant 12 : i32
      %get3A_261 = arith.constant 184 : index
      %get3A_262 = tpu.vector_load %arg7[%get3A_261] {strides = array<i32>} : memref<200xf32, #tpu.memory_space<vmem>>, vector<16xf32>,
      %get3A_263 = vector.shape_cast %get3A_262 : vector<16xf32> to vector<16xf32>
      %slice3A_264 = vector.extract_strided_slice %get3A_263 {offsets = [8], sizes = [1], strides = [1]} : vector<16xf32> to vector<1xf32>
      %squeeze3A_265 = vector.extract %slice3A_264[0] : f32 from vector<1xf32>
      %get3A_266 = arith.constant 192 : i32
      %get3A_267 = arith.index_cast %get3A_266 : i32 to index
      %get3A_268 = arith.constant 0 : index
      %get3A_269 = tpu.vector_load %arg8[%get3A_267, %get3A_268] {strides = array<i32>} : memref<200x128xf32, #tpu.memory_space<vmem>>, vector<1x16xf32>,
      %get3A_270 = vector.shape_cast %get3A_269 : vector<1x16xf32> to vector<16xf32>
      %mul3A_271 = vector.broadcast %squeeze3A_265 : f32 to vector<16xf32>
      %mul3A_272 = arith.mulf %get3A_270, %mul3A_271 : vector<16xf32>
      %swap3A_273 = arith.constant 192 : i32
      %swap3A_274 = arith.index_cast %swap3A_273 : i32 to index
      %swap3A_275 = arith.constant 0 : index
      %swap3A_276 = tpu.vector_load %arg8[%swap3A_274, %swap3A_275] {strides = array<i32>} : memref<200x128xf32, #tpu.memory_space<vmem>>, vector<1x16xf32>,
      %swap3A_277 = vector.shape_cast %swap3A_276 : vector<1x16xf32> to vector<16xf32>
      %swap3A_278 = vector.shape_cast %mul3A_272 : vector<16xf32> to vector<1x16xf32>
      tpu.vector_store %arg8[%swap3A_274, %swap3A_275], %swap3A_278 {strides = array<i32>} : memref<200x128xf32, #tpu.memory_space<vmem>>, vector<1x16xf32>,
      %get3A_279 = arith.constant 192 : i32
      %get3A_280 = arith.index_cast %get3A_279 : i32 to index
      %get3A_281 = arith.constant 16 : index
      %get3A_282 = tpu.vector_load %arg8[%get3A_280, %get3A_281] {strides = array<i32>} : memref<200x128xf32, #tpu.memory_space<vmem>>, vector<1x16xf32>,
      %get3A_283 = vector.shape_cast %get3A_282 : vector<1x16xf32> to vector<16xf32>
      %mul3A_284 = vector.broadcast %squeeze3A_265 : f32 to vector<16xf32>
      %mul3A_285 = arith.mulf %get3A_283, %mul3A_284 : vector<16xf32>
      %swap3A_286 = arith.constant 192 : i32
      %swap3A_287 = arith.index_cast %swap3A_286 : i32 to index
      %swap3A_288 = arith.constant 16 : index
      %swap3A_289 = tpu.vector_load %arg8[%swap3A_287, %swap3A_288] {strides = array<i32>} : memref<200x128xf32, #tpu.memory_space<vmem>>, vector<1x16xf32>,
      %swap3A_290 = vector.shape_cast %swap3A_289 : vector<1x16xf32> to vector<16xf32>
      %swap3A_291 = vector.shape_cast %mul3A_285 : vector<16xf32> to vector<1x16xf32>
      tpu.vector_store %arg8[%swap3A_287, %swap3A_288], %swap3A_291 {strides = array<i32>} : memref<200x128xf32, #tpu.memory_space<vmem>>, vector<1x16xf32>,
      %slice3A_292 = vector.extract_strided_slice %get3A_263 {offsets = [9], sizes = [1], strides = [1]} : vector<16xf32> to vector<1xf32>
      %squeeze3A_293 = vector.extract %slice3A_292[0] : f32 from vector<1xf32>
      %get3A_294 = arith.constant 193 : i32
      %get3A_295 = arith.index_cast %get3A_294 : i32 to index
      %get3A_296 = arith.constant 0 : index
      %get3A_297 = tpu.vector_load %arg8[%get3A_295, %get3A_296] {strides = array<i32>} : memref<200x128xf32, #tpu.memory_space<vmem>>, vector<1x16xf32>,
      %get3A_298 = vector.shape_cast %get3A_297 : vector<1x16xf32> to vector<16xf32>
      %mul3A_299 = vector.broadcast %squeeze3A_293 : f32 to vector<16xf32>
      %mul3A_300 = arith.mulf %get3A_298, %mul3A_299 : vector<16xf32>
      %swap3A_301 = arith.constant 193 : i32
      %swap3A_302 = arith.index_cast %swap3A_301 : i32 to index
      %swap3A_303 = arith.constant 0 : index
      %swap3A_304 = tpu.vector_load %arg8[%swap3A_302, %swap3A_303] {strides = array<i32>} : memref<200x128xf32, #tpu.memory_space<vmem>>, vector<1x16xf32>,
      %swap3A_305 = vector.shape_cast %swap3A_304 : vector<1x16xf32> to vector<16xf32>
      %swap3A_306 = vector.shape_cast %mul3A_300 : vector<16xf32> to vector<1x16xf32>
      tpu.vector_store %arg8[%swap3A_302, %swap3A_303], %swap3A_306 {strides = array<i32>} : memref<200x128xf32, #tpu.memory_space<vmem>>, vector<1x16xf32>,
      %get3A_307 = arith.constant 193 : i32
      %get3A_308 = arith.index_cast %get3A_307 : i32 to index
      %get3A_309 = arith.constant 16 : index
      %get3A_310 = tpu.vector_load %arg8[%get3A_308, %get3A_309] {strides = array<i32>} : memref<200x128xf32, #tpu.memory_space<vmem>>, vector<1x16xf32>,
      %get3A_311 = vector.shape_cast %get3A_310 : vector<1x16xf32> to vector<16xf32>
      %mul3A_312 = vector.broadcast %squeeze3A_293 : f32 to vector<16xf32>
      %mul3A_313 = arith.mulf %get3A_311, %mul3A_312 : vector<16xf32>
      %swap3A_314 = arith.constant 193 : i32
      %swap3A_315 = arith.index_cast %swap3A_314 : i32 to index
      %swap3A_316 = arith.constant 16 : index
      %swap3A_317 = tpu.vector_load %arg8[%swap3A_315, %swap3A_316] {strides = array<i32>} : memref<200x128xf32, #tpu.memory_space<vmem>>, vector<1x16xf32>,
      %swap3A_318 = vector.shape_cast %swap3A_317 : vector<1x16xf32> to vector<16xf32>
      %swap3A_319 = vector.shape_cast %mul3A_313 : vector<16xf32> to vector<1x16xf32>
      tpu.vector_store %arg8[%swap3A_315, %swap3A_316], %swap3A_319 {strides = array<i32>} : memref<200x128xf32, #tpu.memory_space<vmem>>, vector<1x16xf32>,
      %slice3A_320 = vector.extract_strided_slice %get3A_263 {offsets = [10], sizes = [1], strides = [1]} : vector<16xf32> to vector<1xf32>
      %squeeze3A_321 = vector.extract %slice3A_320[0] : f32 from vector<1xf32>
      %get3A_322 = arith.constant 194 : i32
      %get3A_323 = arith.index_cast %get3A_322 : i32 to index
      %get3A_324 = arith.constant 0 : index
      %get3A_325 = tpu.vector_load %arg8[%get3A_323, %get3A_324] {strides = array<i32>} : memref<200x128xf32, #tpu.memory_space<vmem>>, vector<1x16xf32>,
      %get3A_326 = vector.shape_cast %get3A_325 : vector<1x16xf32> to vector<16xf32>
      %mul3A_327 = vector.broadcast %squeeze3A_321 : f32 to vector<16xf32>
      %mul3A_328 = arith.mulf %get3A_326, %mul3A_327 : vector<16xf32>
      %swap3A_329 = arith.constant 194 : i32
      %swap3A_330 = arith.index_cast %swap3A_329 : i32 to index
      %swap3A_331 = arith.constant 0 : index
      %swap3A_332 = tpu.vector_load %arg8[%swap3A_330, %swap3A_331] {strides = array<i32>} : memref<200x128xf32, #tpu.memory_space<vmem>>, vector<1x16xf32>,
      %swap3A_333 = vector.shape_cast %swap3A_332 : vector<1x16xf32> to vector<16xf32>
      %swap3A_334 = vector.shape_cast %mul3A_328 : vector<16xf32> to vector<1x16xf32>
      tpu.vector_store %arg8[%swap3A_330, %swap3A_331], %swap3A_334 {strides = array<i32>} : memref<200x128xf32, #tpu.memory_space<vmem>>, vector<1x16xf32>,
      %get3A_335 = arith.constant 194 : i32
      %get3A_336 = arith.index_cast %get3A_335 : i32 to index
      %get3A_337 = arith.constant 16 : index
      %get3A_338 = tpu.vector_load %arg8[%get3A_336, %get3A_337] {strides = array<i32>} : memref<200x128xf32, #tpu.memory_space<vmem>>, vector<1x16xf32>,
      %get3A_339 = vector.shape_cast %get3A_338 : vector<1x16xf32> to vector<16xf32>
      %mul3A_340 = vector.broadcast %squeeze3A_321 : f32 to vector<16xf32>
      %mul3A_341 = arith.mulf %get3A_339, %mul3A_340 : vector<16xf32>
      %swap3A_342 = arith.constant 194 : i32
      %swap3A_343 = arith.index_cast %swap3A_342 : i32 to index
      %swap3A_344 = arith.constant 16 : index
      %swap3A_345 = tpu.vector_load %arg8[%swap3A_343, %swap3A_344] {strides = array<i32>} : memref<200x128xf32, #tpu.memory_space<vmem>>, vector<1x16xf32>,
      %swap3A_346 = vector.shape_cast %swap3A_345 : vector<1x16xf32> to vector<16xf32>
      %swap3A_347 = vector.shape_cast %mul3A_341 : vector<16xf32> to vector<1x16xf32>
      tpu.vector_store %arg8[%swap3A_343, %swap3A_344], %swap3A_347 {strides = array<i32>} : memref<200x128xf32, #tpu.memory_space<vmem>>, vector<1x16xf32>,
      %slice3A_348 = vector.extract_strided_slice %get3A_263 {offsets = [11], sizes = [1], strides = [1]} : vector<16xf32> to vector<1xf32>
      %squeeze3A_349 = vector.extract %slice3A_348[0] : f32 from vector<1xf32>
      %get3A_350 = arith.constant 195 : i32
      %get3A_351 = arith.index_cast %get3A_350 : i32 to index
      %get3A_352 = arith.constant 0 : index
      %get3A_353 = tpu.vector_load %arg8[%get3A_351, %get3A_352] {strides = array<i32>} : memref<200x128xf32, #tpu.memory_space<vmem>>, vector<1x16xf32>,
      %get3A_354 = vector.shape_cast %get3A_353 : vector<1x16xf32> to vector<16xf32>
      %mul3A_355 = vector.broadcast %squeeze3A_349 : f32 to vector<16xf32>
      %mul3A_356 = arith.mulf %get3A_354, %mul3A_355 : vector<16xf32>
      %swap3A_357 = arith.constant 195 : i32
      %swap3A_358 = arith.index_cast %swap3A_357 : i32 to index
      %swap3A_359 = arith.constant 0 : index
      %swap3A_360 = tpu.vector_load %arg8[%swap3A_358, %swap3A_359] {strides = array<i32>} : memref<200x128xf32, #tpu.memory_space<vmem>>, vector<1x16xf32>,
      %swap3A_361 = vector.shape_cast %swap3A_360 : vector<1x16xf32> to vector<16xf32>
      %swap3A_362 = vector.shape_cast %mul3A_356 : vector<16xf32> to vector<1x16xf32>
      tpu.vector_store %arg8[%swap3A_358, %swap3A_359], %swap3A_362 {strides = array<i32>} : memref<200x128xf32, #tpu.memory_space<vmem>>, vector<1x16xf32>,
      %get3A_363 = arith.constant 195 : i32
      %get3A_364 = arith.index_cast %get3A_363 : i32 to index
      %get3A_365 = arith.constant 16 : index
      %get3A_366 = tpu.vector_load %arg8[%get3A_364, %get3A_365] {strides = array<i32>} : memref<200x128xf32, #tpu.memory_space<vmem>>, vector<1x16xf32>,
      %get3A_367 = vector.shape_cast %get3A_366 : vector<1x16xf32> to vector<16xf32>
      %mul3A_368 = vector.broadcast %squeeze3A_349 : f32 to vector<16xf32>
      %mul3A_369 = arith.mulf %get3A_367, %mul3A_368 : vector<16xf32>
      %swap3A_370 = arith.constant 195 : i32
      %swap3A_371 = arith.index_cast %swap3A_370 : i32 to index
      %swap3A_372 = arith.constant 16 : index
      %swap3A_373 = tpu.vector_load %arg8[%swap3A_371, %swap3A_372] {strides = array<i32>} : memref<200x128xf32, #tpu.memory_space<vmem>>, vector<1x16xf32>,
      %swap3A_374 = vector.shape_cast %swap3A_373 : vector<1x16xf32> to vector<16xf32>
      %swap3A_375 = vector.shape_cast %mul3A_369 : vector<16xf32> to vector<1x16xf32>
      tpu.vector_store %arg8[%swap3A_371, %swap3A_372], %swap3A_375 {strides = array<i32>} : memref<200x128xf32, #tpu.memory_space<vmem>>, vector<1x16xf32>,
      %slice3A_376 = vector.extract_strided_slice %get3A_263 {offsets = [12], sizes = [1], strides = [1]} : vector<16xf32> to vector<1xf32>
      %squeeze3A_377 = vector.extract %slice3A_376[0] : f32 from vector<1xf32>
      %get3A_378 = arith.constant 196 : i32
      %get3A_379 = arith.index_cast %get3A_378 : i32 to index
      %get3A_380 = arith.constant 0 : index
      %get3A_381 = tpu.vector_load %arg8[%get3A_379, %get3A_380] {strides = array<i32>} : memref<200x128xf32, #tpu.memory_space<vmem>>, vector<1x16xf32>,
      %get3A_382 = vector.shape_cast %get3A_381 : vector<1x16xf32> to vector<16xf32>
      %mul3A_383 = vector.broadcast %squeeze3A_377 : f32 to vector<16xf32>
      %mul3A_384 = arith.mulf %get3A_382, %mul3A_383 : vector<16xf32>
      %swap3A_385 = arith.constant 196 : i32
      %swap3A_386 = arith.index_cast %swap3A_385 : i32 to index
      %swap3A_387 = arith.constant 0 : index
      %swap3A_388 = tpu.vector_load %arg8[%swap3A_386, %swap3A_387] {strides = array<i32>} : memref<200x128xf32, #tpu.memory_space<vmem>>, vector<1x16xf32>,
      %swap3A_389 = vector.shape_cast %swap3A_388 : vector<1x16xf32> to vector<16xf32>
      %swap3A_390 = vector.shape_cast %mul3A_384 : vector<16xf32> to vector<1x16xf32>
      tpu.vector_store %arg8[%swap3A_386, %swap3A_387], %swap3A_390 {strides = array<i32>} : memref<200x128xf32, #tpu.memory_space<vmem>>, vector<1x16xf32>,
      %get3A_391 = arith.constant 196 : i32
      %get3A_392 = arith.index_cast %get3A_391 : i32 to index
      %get3A_393 = arith.constant 16 : index
      %get3A_394 = tpu.vector_load %arg8[%get3A_392, %get3A_393] {strides = array<i32>} : memref<200x128xf32, #tpu.memory_space<vmem>>, vector<1x16xf32>,
      %get3A_395 = vector.shape_cast %get3A_394 : vector<1x16xf32> to vector<16xf32>
      %mul3A_396 = vector.broadcast %squeeze3A_377 : f32 to vector<16xf32>
      %mul3A_397 = arith.mulf %get3A_395, %mul3A_396 : vector<16xf32>
      %swap3A_398 = arith.constant 196 : i32
      %swap3A_399 = arith.index_cast %swap3A_398 : i32 to index
      %swap3A_400 = arith.constant 16 : index
      %swap3A_401 = tpu.vector_load %arg8[%swap3A_399, %swap3A_400] {strides = array<i32>} : memref<200x128xf32, #tpu.memory_space<vmem>>, vector<1x16xf32>,
      %swap3A_402 = vector.shape_cast %swap3A_401 : vector<1x16xf32> to vector<16xf32>
      %swap3A_403 = vector.shape_cast %mul3A_397 : vector<16xf32> to vector<1x16xf32>
      tpu.vector_store %arg8[%swap3A_399, %swap3A_400], %swap3A_403 {strides = array<i32>} : memref<200x128xf32, #tpu.memory_space<vmem>>, vector<1x16xf32>,
      %slice3A_404 = vector.extract_strided_slice %get3A_263 {offsets = [13], sizes = [1], strides = [1]} : vector<16xf32> to vector<1xf32>
      %squeeze3A_405 = vector.extract %slice3A_404[0] : f32 from vector<1xf32>
      %get3A_406 = arith.constant 197 : i32
      %get3A_407 = arith.index_cast %get3A_406 : i32 to index
      %get3A_408 = arith.constant 0 : index
      %get3A_409 = tpu.vector_load %arg8[%get3A_407, %get3A_408] {strides = array<i32>} : memref<200x128xf32, #tpu.memory_space<vmem>>, vector<1x16xf32>,
      %get3A_410 = vector.shape_cast %get3A_409 : vector<1x16xf32> to vector<16xf32>
      %mul3A_411 = vector.broadcast %squeeze3A_405 : f32 to vector<16xf32>
      %mul3A_412 = arith.mulf %get3A_410, %mul3A_411 : vector<16xf32>
      %swap3A_413 = arith.constant 197 : i32
      %swap3A_414 = arith.index_cast %swap3A_413 : i32 to index
      %swap3A_415 = arith.constant 0 : index
      %swap3A_416 = tpu.vector_load %arg8[%swap3A_414, %swap3A_415] {strides = array<i32>} : memref<200x128xf32, #tpu.memory_space<vmem>>, vector<1x16xf32>,
      %swap3A_417 = vector.shape_cast %swap3A_416 : vector<1x16xf32> to vector<16xf32>
      %swap3A_418 = vector.shape_cast %mul3A_412 : vector<16xf32> to vector<1x16xf32>
      tpu.vector_store %arg8[%swap3A_414, %swap3A_415], %swap3A_418 {strides = array<i32>} : memref<200x128xf32, #tpu.memory_space<vmem>>, vector<1x16xf32>,
      %get3A_419 = arith.constant 197 : i32
      %get3A_420 = arith.index_cast %get3A_419 : i32 to index
      %get3A_421 = arith.constant 16 : index
      %get3A_422 = tpu.vector_load %arg8[%get3A_420, %get3A_421] {strides = array<i32>} : memref<200x128xf32, #tpu.memory_space<vmem>>, vector<1x16xf32>,
      %get3A_423 = vector.shape_cast %get3A_422 : vector<1x16xf32> to vector<16xf32>
      %mul3A_424 = vector.broadcast %squeeze3A_405 : f32 to vector<16xf32>
      %mul3A_425 = arith.mulf %get3A_423, %mul3A_424 : vector<16xf32>
      %swap3A_426 = arith.constant 197 : i32
      %swap3A_427 = arith.index_cast %swap3A_426 : i32 to index
      %swap3A_428 = arith.constant 16 : index
      %swap3A_429 = tpu.vector_load %arg8[%swap3A_427, %swap3A_428] {strides = array<i32>} : memref<200x128xf32, #tpu.memory_space<vmem>>, vector<1x16xf32>,
      %swap3A_430 = vector.shape_cast %swap3A_429 : vector<1x16xf32> to vector<16xf32>
      %swap3A_431 = vector.shape_cast %mul3A_425 : vector<16xf32> to vector<1x16xf32>
      tpu.vector_store %arg8[%swap3A_427, %swap3A_428], %swap3A_431 {strides = array<i32>} : memref<200x128xf32, #tpu.memory_space<vmem>>, vector<1x16xf32>,
      %slice3A_432 = vector.extract_strided_slice %get3A_263 {offsets = [14], sizes = [1], strides = [1]} : vector<16xf32> to vector<1xf32>
      %squeeze3A_433 = vector.extract %slice3A_432[0] : f32 from vector<1xf32>
      %get3A_434 = arith.constant 198 : i32
      %get3A_435 = arith.index_cast %get3A_434 : i32 to index
      %get3A_436 = arith.constant 0 : index
      %get3A_437 = tpu.vector_load %arg8[%get3A_435, %get3A_436] {strides = array<i32>} : memref<200x128xf32, #tpu.memory_space<vmem>>, vector<1x16xf32>,
      %get3A_438 = vector.shape_cast %get3A_437 : vector<1x16xf32> to vector<16xf32>
      %mul3A_439 = vector.broadcast %squeeze3A_433 : f32 to vector<16xf32>
      %mul3A_440 = arith.mulf %get3A_438, %mul3A_439 : vector<16xf32>
      %swap3A_441 = arith.constant 198 : i32
      %swap3A_442 = arith.index_cast %swap3A_441 : i32 to index
      %swap3A_443 = arith.constant 0 : index
      %swap3A_444 = tpu.vector_load %arg8[%swap3A_442, %swap3A_443] {strides = array<i32>} : memref<200x128xf32, #tpu.memory_space<vmem>>, vector<1x16xf32>,
      %swap3A_445 = vector.shape_cast %swap3A_444 : vector<1x16xf32> to vector<16xf32>
      %swap3A_446 = vector.shape_cast %mul3A_440 : vector<16xf32> to vector<1x16xf32>
      tpu.vector_store %arg8[%swap3A_442, %swap3A_443], %swap3A_446 {strides = array<i32>} : memref<200x128xf32, #tpu.memory_space<vmem>>, vector<1x16xf32>,
      %get3A_447 = arith.constant 198 : i32
      %get3A_448 = arith.index_cast %get3A_447 : i32 to index
      %get3A_449 = arith.constant 16 : index
      %get3A_450 = tpu.vector_load %arg8[%get3A_448, %get3A_449] {strides = array<i32>} : memref<200x128xf32, #tpu.memory_space<vmem>>, vector<1x16xf32>,
      %get3A_451 = vector.shape_cast %get3A_450 : vector<1x16xf32> to vector<16xf32>
      %mul3A_452 = vector.broadcast %squeeze3A_433 : f32 to vector<16xf32>
      %mul3A_453 = arith.mulf %get3A_451, %mul3A_452 : vector<16xf32>
      %swap3A_454 = arith.constant 198 : i32
      %swap3A_455 = arith.index_cast %swap3A_454 : i32 to index
      %swap3A_456 = arith.constant 16 : index
      %swap3A_457 = tpu.vector_load %arg8[%swap3A_455, %swap3A_456] {strides = array<i32>} : memref<200x128xf32, #tpu.memory_space<vmem>>, vector<1x16xf32>,
      %swap3A_458 = vector.shape_cast %swap3A_457 : vector<1x16xf32> to vector<16xf32>
      %swap3A_459 = vector.shape_cast %mul3A_453 : vector<16xf32> to vector<1x16xf32>
      tpu.vector_store %arg8[%swap3A_455, %swap3A_456], %swap3A_459 {strides = array<i32>} : memref<200x128xf32, #tpu.memory_space<vmem>>, vector<1x16xf32>,
      %slice3A_460 = vector.extract_strided_slice %get3A_263 {offsets = [15], sizes = [1], strides = [1]} : vector<16xf32> to vector<1xf32>
      %squeeze3A_461 = vector.extract %slice3A_460[0] : f32 from vector<1xf32>
      %get3A_462 = arith.constant 199 : i32
      %get3A_463 = arith.index_cast %get3A_462 : i32 to index
      %get3A_464 = arith.constant 0 : index
      %get3A_465 = tpu.vector_load %arg8[%get3A_463, %get3A_464] {strides = array<i32>} : memref<200x128xf32, #tpu.memory_space<vmem>>, vector<1x16xf32>,
      %get3A_466 = vector.shape_cast %get3A_465 : vector<1x16xf32> to vector<16xf32>
      %mul3A_467 = vector.broadcast %squeeze3A_461 : f32 to vector<16xf32>
      %mul3A_468 = arith.mulf %get3A_466, %mul3A_467 : vector<16xf32>
      %swap3A_469 = arith.constant 199 : i32
      %swap3A_470 = arith.index_cast %swap3A_469 : i32 to index
      %swap3A_471 = arith.constant 0 : index
      %swap3A_472 = tpu.vector_load %arg8[%swap3A_470, %swap3A_471] {strides = array<i32>} : memref<200x128xf32, #tpu.memory_space<vmem>>, vector<1x16xf32>,
      %swap3A_473 = vector.shape_cast %swap3A_472 : vector<1x16xf32> to vector<16xf32>
      %swap3A_474 = vector.shape_cast %mul3A_468 : vector<16xf32> to vector<1x16xf32>
      tpu.vector_store %arg8[%swap3A_470, %swap3A_471], %swap3A_474 {strides = array<i32>} : memref<200x128xf32, #tpu.memory_space<vmem>>, vector<1x16xf32>,
      %get3A_475 = arith.constant 199 : i32
      %get3A_476 = arith.index_cast %get3A_475 : i32 to index
      %get3A_477 = arith.constant 16 : index
      %get3A_478 = tpu.vector_load %arg8[%get3A_476, %get3A_477] {strides = array<i32>} : memref<200x128xf32, #tpu.memory_space<vmem>>, vector<1x16xf32>,
      %get3A_479 = vector.shape_cast %get3A_478 : vector<1x16xf32> to vector<16xf32>
      %mul3A_480 = vector.broadcast %squeeze3A_461 : f32 to vector<16xf32>
      %mul3A_481 = arith.mulf %get3A_479, %mul3A_480 : vector<16xf32>
      %swap3A_482 = arith.constant 199 : i32
      %swap3A_483 = arith.index_cast %swap3A_482 : i32 to index
      %swap3A_484 = arith.constant 16 : index
      %swap3A_485 = tpu.vector_load %arg8[%swap3A_483, %swap3A_484] {strides = array<i32>} : memref<200x128xf32, #tpu.memory_space<vmem>>, vector<1x16xf32>,
      %swap3A_486 = vector.shape_cast %swap3A_485 : vector<1x16xf32> to vector<16xf32>
      %swap3A_487 = vector.shape_cast %mul3A_481 : vector<16xf32> to vector<1x16xf32>
      tpu.vector_store %arg8[%swap3A_483, %swap3A_484], %swap3A_487 {strides = array<i32>} : memref<200x128xf32, #tpu.memory_space<vmem>>, vector<1x16xf32>,
      "tpu.region"() ({
        %run_scoped3A = tpu.sem_alloc : memref<!tpu.dma_semaphore, #tpu.memory_space<semaphore_mem>>
        %dma_start3A_488 = arith.constant 0 : i32
        %dma_start3A_489 = tpu.memref_slice %arg5[%mul3A_247, %dma_start3A_488] : memref<10240x128xf32, #tpu.memory_space<hbm>> -> memref<200x128xf32, #tpu.memory_space<hbm>>
        %dma_start3A_490 = arith.constant 0 : i32
        %dma_start3A_491 = tpu.memref_slice %arg5[%mul3A_247, %dma_start3A_490] : memref<10240x128xf32, #tpu.memory_space<hbm>> -> memref<200x128xf32, #tpu.memory_space<hbm>>
        tpu.enqueue_dma source(%arg8 : memref<200x128xf32, #tpu.memory_space<vmem>>) target(%dma_start3A_491 : memref<200x128xf32, #tpu.memory_space<hbm>>) target_semaphore(%run_scoped3A : memref<!tpu.dma_semaphore, #tpu.memory_space<semaphore_mem>>)
        %dma_wait3A_492 = arith.constant 0 : i32
        %dma_wait3A_493 = tpu.memref_slice %arg5[%mul3A_247, %dma_wait3A_492] : memref<10240x128xf32, #tpu.memory_space<hbm>> -> memref<200x128xf32, #tpu.memory_space<hbm>>
        %dma_wait3A_494 = arith.constant 0 : i32
        %dma_wait3A_495 = tpu.memref_slice %arg5[%mul3A_247, %dma_wait3A_494] : memref<10240x128xf32, #tpu.memory_space<hbm>> -> memref<200x128xf32, #tpu.memory_space<hbm>>
        tpu.wait_dma2 semaphore(%run_scoped3A : memref<!tpu.dma_semaphore, #tpu.memory_space<semaphore_mem>>) src(%arg8 : memref<200x128xf32, #tpu.memory_space<vmem>>) dst(%dma_wait3A_495 : memref<200x128xf32, #tpu.memory_space<hbm>>)
        tpu.yield
      }) : () -> ()
    } else {
    }
    return
  }
}

#map = affine_map<(d0, d1) -> (0)>
#map1 = affine_map<(d0, d1) -> (0, 0)>
#map2 = affine_map<(d0, d1) -> (0, 0, 0)>
module attributes {stable_mosaic.version = 14 : i64} {
  func.func @_edge_body(%arg0: i32, %arg1: i32, %arg2: memref<320000xi32, #tpu.memory_space<hbm>>, %arg3: memref<320000xi32, #tpu.memory_space<hbm>>, %arg4: memref<10240x128xf32, #tpu.memory_space<hbm>>, %arg5: memref<2x10240x128xf32, #tpu.memory_space<hbm>>, %arg6: memref<80xi32, #tpu.memory_space<vmem>>, %arg7: memref<80xi32, #tpu.memory_space<vmem>>, %arg8: memref<80x128xf32, #tpu.memory_space<vmem>>, %arg9: memref<80x128xf32, #tpu.memory_space<vmem>>, %arg10: memref<80x128xf32, #tpu.memory_space<vmem>>, %arg11: memref<10240x128xf32, #tpu.memory_space<vmem_shared>>, %arg12: memref<!tpu.dma_semaphore, #tpu.memory_space<semaphore_mem>>, %arg13: memref<!tpu.dma_semaphore, #tpu.memory_space<semaphore_mem>>) attributes {dimension_semantics = [#tpu.dimension_semantics<core_parallel>, #tpu.dimension_semantics<subcore_parallel>], iteration_bounds = array<i64: 2, 16>, scalar_prefetch = 0 : i64, scratch_operands = 8 : i64, tpu.core_type = #tpu.core_type<sc_vector_subcore>, window_params = [{transform_indices = #map}, {transform_indices = #map}, {transform_indices = #map1}, {transform_indices = #map2}]} {
    %mul3A = arith.constant 16 : i32
    %mul3A_0 = arith.muli %arg0, %mul3A : i32
    %add3A = arith.addi %mul3A_0, %arg1 : i32
    %mul3A_1 = arith.constant 640 : i32
    %mul3A_2 = arith.muli %arg1, %mul3A_1 : i32
    %broadcast_in_dim3A = arith.constant 0.000000e+00 : f32
    %broadcast_in_dim3A_3 = vector.broadcast %broadcast_in_dim3A : f32 to vector<16xf32>
    %scan3A = arith.constant 0 : i32
    %scan3A_4 = arith.constant 0 : i32
    %scan3A_5 = arith.constant 80 : i32
    %scan3A_6 = arith.addi %scan3A_4, %scan3A_5 : i32
    %scan3A_7 = arith.constant 1 : i32
    %scan3A_8 = scf.for %scan3A_34 = %scan3A_4 to %scan3A_6 step %scan3A_7 iter_args(%scan3A_35 = %scan3A) -> (i32)  : i32 {
      %swap3A = arith.index_cast %scan3A_34 : i32 to index
      %swap3A_36 = arith.constant 0 : index
      %swap3A_37 = tpu.vector_load %arg10[%swap3A, %swap3A_36] {strides = array<i32>} : memref<80x128xf32, #tpu.memory_space<vmem>>, vector<1x16xf32>,
      %swap3A_38 = vector.shape_cast %swap3A_37 : vector<1x16xf32> to vector<16xf32>
      %swap3A_39 = vector.shape_cast %broadcast_in_dim3A_3 : vector<16xf32> to vector<1x16xf32>
      tpu.vector_store %arg10[%swap3A, %swap3A_36], %swap3A_39 {strides = array<i32>} : memref<80x128xf32, #tpu.memory_space<vmem>>, vector<1x16xf32>,
      %swap3A_40 = arith.index_cast %scan3A_34 : i32 to index
      %swap3A_41 = arith.constant 16 : index
      %swap3A_42 = tpu.vector_load %arg10[%swap3A_40, %swap3A_41] {strides = array<i32>} : memref<80x128xf32, #tpu.memory_space<vmem>>, vector<1x16xf32>,
      %swap3A_43 = vector.shape_cast %swap3A_42 : vector<1x16xf32> to vector<16xf32>
      %swap3A_44 = vector.shape_cast %broadcast_in_dim3A_3 : vector<16xf32> to vector<1x16xf32>
      tpu.vector_store %arg10[%swap3A_40, %swap3A_41], %swap3A_44 {strides = array<i32>} : memref<80x128xf32, #tpu.memory_space<vmem>>, vector<1x16xf32>,
      %swap3A_45 = arith.index_cast %scan3A_34 : i32 to index
      %swap3A_46 = arith.constant 32 : index
      %swap3A_47 = tpu.vector_load %arg10[%swap3A_45, %swap3A_46] {strides = array<i32>} : memref<80x128xf32, #tpu.memory_space<vmem>>, vector<1x16xf32>,
      %swap3A_48 = vector.shape_cast %swap3A_47 : vector<1x16xf32> to vector<16xf32>
      %swap3A_49 = vector.shape_cast %broadcast_in_dim3A_3 : vector<16xf32> to vector<1x16xf32>
      tpu.vector_store %arg10[%swap3A_45, %swap3A_46], %swap3A_49 {strides = array<i32>} : memref<80x128xf32, #tpu.memory_space<vmem>>, vector<1x16xf32>,
      %swap3A_50 = arith.index_cast %scan3A_34 : i32 to index
      %swap3A_51 = arith.constant 48 : index
      %swap3A_52 = tpu.vector_load %arg10[%swap3A_50, %swap3A_51] {strides = array<i32>} : memref<80x128xf32, #tpu.memory_space<vmem>>, vector<1x16xf32>,
      %swap3A_53 = vector.shape_cast %swap3A_52 : vector<1x16xf32> to vector<16xf32>
      %swap3A_54 = vector.shape_cast %broadcast_in_dim3A_3 : vector<16xf32> to vector<1x16xf32>
      tpu.vector_store %arg10[%swap3A_50, %swap3A_51], %swap3A_54 {strides = array<i32>} : memref<80x128xf32, #tpu.memory_space<vmem>>, vector<1x16xf32>,
      %swap3A_55 = arith.index_cast %scan3A_34 : i32 to index
      %swap3A_56 = arith.constant 64 : index
      %swap3A_57 = tpu.vector_load %arg10[%swap3A_55, %swap3A_56] {strides = array<i32>} : memref<80x128xf32, #tpu.memory_space<vmem>>, vector<1x16xf32>,
      %swap3A_58 = vector.shape_cast %swap3A_57 : vector<1x16xf32> to vector<16xf32>
      %swap3A_59 = vector.shape_cast %broadcast_in_dim3A_3 : vector<16xf32> to vector<1x16xf32>
      tpu.vector_store %arg10[%swap3A_55, %swap3A_56], %swap3A_59 {strides = array<i32>} : memref<80x128xf32, #tpu.memory_space<vmem>>, vector<1x16xf32>,
      %swap3A_60 = arith.index_cast %scan3A_34 : i32 to index
      %swap3A_61 = arith.constant 80 : index
      %swap3A_62 = tpu.vector_load %arg10[%swap3A_60, %swap3A_61] {strides = array<i32>} : memref<80x128xf32, #tpu.memory_space<vmem>>, vector<1x16xf32>,
      %swap3A_63 = vector.shape_cast %swap3A_62 : vector<1x16xf32> to vector<16xf32>
      %swap3A_64 = vector.shape_cast %broadcast_in_dim3A_3 : vector<16xf32> to vector<1x16xf32>
      tpu.vector_store %arg10[%swap3A_60, %swap3A_61], %swap3A_64 {strides = array<i32>} : memref<80x128xf32, #tpu.memory_space<vmem>>, vector<1x16xf32>,
      %swap3A_65 = arith.index_cast %scan3A_34 : i32 to index
      %swap3A_66 = arith.constant 96 : index
      %swap3A_67 = tpu.vector_load %arg10[%swap3A_65, %swap3A_66] {strides = array<i32>} : memref<80x128xf32, #tpu.memory_space<vmem>>, vector<1x16xf32>,
      %swap3A_68 = vector.shape_cast %swap3A_67 : vector<1x16xf32> to vector<16xf32>
      %swap3A_69 = vector.shape_cast %broadcast_in_dim3A_3 : vector<16xf32> to vector<1x16xf32>
      tpu.vector_store %arg10[%swap3A_65, %swap3A_66], %swap3A_69 {strides = array<i32>} : memref<80x128xf32, #tpu.memory_space<vmem>>, vector<1x16xf32>,
      %swap3A_70 = arith.index_cast %scan3A_34 : i32 to index
      %swap3A_71 = arith.constant 112 : index
      %swap3A_72 = tpu.vector_load %arg10[%swap3A_70, %swap3A_71] {strides = array<i32>} : memref<80x128xf32, #tpu.memory_space<vmem>>, vector<1x16xf32>,
      %swap3A_73 = vector.shape_cast %swap3A_72 : vector<1x16xf32> to vector<16xf32>
      %swap3A_74 = vector.shape_cast %broadcast_in_dim3A_3 : vector<16xf32> to vector<1x16xf32>
      tpu.vector_store %arg10[%swap3A_70, %swap3A_71], %swap3A_74 {strides = array<i32>} : memref<80x128xf32, #tpu.memory_space<vmem>>, vector<1x16xf32>,
      %scan3A_75 = arith.constant 0 : i32
      scf.yield %scan3A_75 : i32
    }
    %scan3A_9 = arith.constant 80 : i32
    %add3A_10 = arith.constant 0 : i32
    %add3A_11 = arith.addi %mul3A_2, %add3A_10 : i32
    "tpu.region"() ({
      %run_scoped3A = tpu.sem_alloc : memref<!tpu.dma_semaphore, #tpu.memory_space<semaphore_mem>>
      %dma_start3A = arith.constant 0 : i32
      %dma_start3A_34 = tpu.memref_slice %arg11[%add3A_11, %dma_start3A] : memref<10240x128xf32, #tpu.memory_space<vmem_shared>> -> memref<80x128xf32, #tpu.memory_space<vmem_shared>>
      %dma_start3A_35 = arith.constant 0 : i32
      %dma_start3A_36 = tpu.memref_slice %arg11[%add3A_11, %dma_start3A_35] : memref<10240x128xf32, #tpu.memory_space<vmem_shared>> -> memref<80x128xf32, #tpu.memory_space<vmem_shared>>
      tpu.enqueue_dma source(%arg10 : memref<80x128xf32, #tpu.memory_space<vmem>>) target(%dma_start3A_36 : memref<80x128xf32, #tpu.memory_space<vmem_shared>>) target_semaphore(%run_scoped3A : memref<!tpu.dma_semaphore, #tpu.memory_space<semaphore_mem>>)
      %dma_wait3A = arith.constant 0 : i32
      %dma_wait3A_37 = tpu.memref_slice %arg11[%add3A_11, %dma_wait3A] : memref<10240x128xf32, #tpu.memory_space<vmem_shared>> -> memref<80x128xf32, #tpu.memory_space<vmem_shared>>
      %dma_wait3A_38 = arith.constant 0 : i32
      %dma_wait3A_39 = tpu.memref_slice %arg11[%add3A_11, %dma_wait3A_38] : memref<10240x128xf32, #tpu.memory_space<vmem_shared>> -> memref<80x128xf32, #tpu.memory_space<vmem_shared>>
      tpu.wait_dma2 semaphore(%run_scoped3A : memref<!tpu.dma_semaphore, #tpu.memory_space<semaphore_mem>>) src(%arg10 : memref<80x128xf32, #tpu.memory_space<vmem>>) dst(%dma_wait3A_39 : memref<80x128xf32, #tpu.memory_space<vmem_shared>>)
      tpu.yield
    }) : () -> ()
    %add3A_12 = arith.constant 80 : i32
    %add3A_13 = arith.addi %mul3A_2, %add3A_12 : i32
    "tpu.region"() ({
      %run_scoped3A = tpu.sem_alloc : memref<!tpu.dma_semaphore, #tpu.memory_space<semaphore_mem>>
      %dma_start3A = arith.constant 0 : i32
      %dma_start3A_34 = tpu.memref_slice %arg11[%add3A_13, %dma_start3A] : memref<10240x128xf32, #tpu.memory_space<vmem_shared>> -> memref<80x128xf32, #tpu.memory_space<vmem_shared>>
      %dma_start3A_35 = arith.constant 0 : i32
      %dma_start3A_36 = tpu.memref_slice %arg11[%add3A_13, %dma_start3A_35] : memref<10240x128xf32, #tpu.memory_space<vmem_shared>> -> memref<80x128xf32, #tpu.memory_space<vmem_shared>>
      tpu.enqueue_dma source(%arg10 : memref<80x128xf32, #tpu.memory_space<vmem>>) target(%dma_start3A_36 : memref<80x128xf32, #tpu.memory_space<vmem_shared>>) target_semaphore(%run_scoped3A : memref<!tpu.dma_semaphore, #tpu.memory_space<semaphore_mem>>)
      %dma_wait3A = arith.constant 0 : i32
      %dma_wait3A_37 = tpu.memref_slice %arg11[%add3A_13, %dma_wait3A] : memref<10240x128xf32, #tpu.memory_space<vmem_shared>> -> memref<80x128xf32, #tpu.memory_space<vmem_shared>>
      %dma_wait3A_38 = arith.constant 0 : i32
      %dma_wait3A_39 = tpu.memref_slice %arg11[%add3A_13, %dma_wait3A_38] : memref<10240x128xf32, #tpu.memory_space<vmem_shared>> -> memref<80x128xf32, #tpu.memory_space<vmem_shared>>
      tpu.wait_dma2 semaphore(%run_scoped3A : memref<!tpu.dma_semaphore, #tpu.memory_space<semaphore_mem>>) src(%arg10 : memref<80x128xf32, #tpu.memory_space<vmem>>) dst(%dma_wait3A_39 : memref<80x128xf32, #tpu.memory_space<vmem_shared>>)
      tpu.yield
    }) : () -> ()
    %add3A_14 = arith.constant 160 : i32
    %add3A_15 = arith.addi %mul3A_2, %add3A_14 : i32
    "tpu.region"() ({
      %run_scoped3A = tpu.sem_alloc : memref<!tpu.dma_semaphore, #tpu.memory_space<semaphore_mem>>
      %dma_start3A = arith.constant 0 : i32
      %dma_start3A_34 = tpu.memref_slice %arg11[%add3A_15, %dma_start3A] : memref<10240x128xf32, #tpu.memory_space<vmem_shared>> -> memref<80x128xf32, #tpu.memory_space<vmem_shared>>
      %dma_start3A_35 = arith.constant 0 : i32
      %dma_start3A_36 = tpu.memref_slice %arg11[%add3A_15, %dma_start3A_35] : memref<10240x128xf32, #tpu.memory_space<vmem_shared>> -> memref<80x128xf32, #tpu.memory_space<vmem_shared>>
      tpu.enqueue_dma source(%arg10 : memref<80x128xf32, #tpu.memory_space<vmem>>) target(%dma_start3A_36 : memref<80x128xf32, #tpu.memory_space<vmem_shared>>) target_semaphore(%run_scoped3A : memref<!tpu.dma_semaphore, #tpu.memory_space<semaphore_mem>>)
      %dma_wait3A = arith.constant 0 : i32
      %dma_wait3A_37 = tpu.memref_slice %arg11[%add3A_15, %dma_wait3A] : memref<10240x128xf32, #tpu.memory_space<vmem_shared>> -> memref<80x128xf32, #tpu.memory_space<vmem_shared>>
      %dma_wait3A_38 = arith.constant 0 : i32
      %dma_wait3A_39 = tpu.memref_slice %arg11[%add3A_15, %dma_wait3A_38] : memref<10240x128xf32, #tpu.memory_space<vmem_shared>> -> memref<80x128xf32, #tpu.memory_space<vmem_shared>>
      tpu.wait_dma2 semaphore(%run_scoped3A : memref<!tpu.dma_semaphore, #tpu.memory_space<semaphore_mem>>) src(%arg10 : memref<80x128xf32, #tpu.memory_space<vmem>>) dst(%dma_wait3A_39 : memref<80x128xf32, #tpu.memory_space<vmem_shared>>)
      tpu.yield
    }) : () -> ()
    %add3A_16 = arith.constant 240 : i32
    %add3A_17 = arith.addi %mul3A_2, %add3A_16 : i32
    "tpu.region"() ({
      %run_scoped3A = tpu.sem_alloc : memref<!tpu.dma_semaphore, #tpu.memory_space<semaphore_mem>>
      %dma_start3A = arith.constant 0 : i32
      %dma_start3A_34 = tpu.memref_slice %arg11[%add3A_17, %dma_start3A] : memref<10240x128xf32, #tpu.memory_space<vmem_shared>> -> memref<80x128xf32, #tpu.memory_space<vmem_shared>>
      %dma_start3A_35 = arith.constant 0 : i32
      %dma_start3A_36 = tpu.memref_slice %arg11[%add3A_17, %dma_start3A_35] : memref<10240x128xf32, #tpu.memory_space<vmem_shared>> -> memref<80x128xf32, #tpu.memory_space<vmem_shared>>
      tpu.enqueue_dma source(%arg10 : memref<80x128xf32, #tpu.memory_space<vmem>>) target(%dma_start3A_36 : memref<80x128xf32, #tpu.memory_space<vmem_shared>>) target_semaphore(%run_scoped3A : memref<!tpu.dma_semaphore, #tpu.memory_space<semaphore_mem>>)
      %dma_wait3A = arith.constant 0 : i32
      %dma_wait3A_37 = tpu.memref_slice %arg11[%add3A_17, %dma_wait3A] : memref<10240x128xf32, #tpu.memory_space<vmem_shared>> -> memref<80x128xf32, #tpu.memory_space<vmem_shared>>
      %dma_wait3A_38 = arith.constant 0 : i32
      %dma_wait3A_39 = tpu.memref_slice %arg11[%add3A_17, %dma_wait3A_38] : memref<10240x128xf32, #tpu.memory_space<vmem_shared>> -> memref<80x128xf32, #tpu.memory_space<vmem_shared>>
      tpu.wait_dma2 semaphore(%run_scoped3A : memref<!tpu.dma_semaphore, #tpu.memory_space<semaphore_mem>>) src(%arg10 : memref<80x128xf32, #tpu.memory_space<vmem>>) dst(%dma_wait3A_39 : memref<80x128xf32, #tpu.memory_space<vmem_shared>>)
      tpu.yield
    }) : () -> ()
    %add3A_18 = arith.constant 320 : i32
    %add3A_19 = arith.addi %mul3A_2, %add3A_18 : i32
    "tpu.region"() ({
      %run_scoped3A = tpu.sem_alloc : memref<!tpu.dma_semaphore, #tpu.memory_space<semaphore_mem>>
      %dma_start3A = arith.constant 0 : i32
      %dma_start3A_34 = tpu.memref_slice %arg11[%add3A_19, %dma_start3A] : memref<10240x128xf32, #tpu.memory_space<vmem_shared>> -> memref<80x128xf32, #tpu.memory_space<vmem_shared>>
      %dma_start3A_35 = arith.constant 0 : i32
      %dma_start3A_36 = tpu.memref_slice %arg11[%add3A_19, %dma_start3A_35] : memref<10240x128xf32, #tpu.memory_space<vmem_shared>> -> memref<80x128xf32, #tpu.memory_space<vmem_shared>>
      tpu.enqueue_dma source(%arg10 : memref<80x128xf32, #tpu.memory_space<vmem>>) target(%dma_start3A_36 : memref<80x128xf32, #tpu.memory_space<vmem_shared>>) target_semaphore(%run_scoped3A : memref<!tpu.dma_semaphore, #tpu.memory_space<semaphore_mem>>)
      %dma_wait3A = arith.constant 0 : i32
      %dma_wait3A_37 = tpu.memref_slice %arg11[%add3A_19, %dma_wait3A] : memref<10240x128xf32, #tpu.memory_space<vmem_shared>> -> memref<80x128xf32, #tpu.memory_space<vmem_shared>>
      %dma_wait3A_38 = arith.constant 0 : i32
      %dma_wait3A_39 = tpu.memref_slice %arg11[%add3A_19, %dma_wait3A_38] : memref<10240x128xf32, #tpu.memory_space<vmem_shared>> -> memref<80x128xf32, #tpu.memory_space<vmem_shared>>
      tpu.wait_dma2 semaphore(%run_scoped3A : memref<!tpu.dma_semaphore, #tpu.memory_space<semaphore_mem>>) src(%arg10 : memref<80x128xf32, #tpu.memory_space<vmem>>) dst(%dma_wait3A_39 : memref<80x128xf32, #tpu.memory_space<vmem_shared>>)
      tpu.yield
    }) : () -> ()
    %add3A_20 = arith.constant 400 : i32
    %add3A_21 = arith.addi %mul3A_2, %add3A_20 : i32
    "tpu.region"() ({
      %run_scoped3A = tpu.sem_alloc : memref<!tpu.dma_semaphore, #tpu.memory_space<semaphore_mem>>
      %dma_start3A = arith.constant 0 : i32
      %dma_start3A_34 = tpu.memref_slice %arg11[%add3A_21, %dma_start3A] : memref<10240x128xf32, #tpu.memory_space<vmem_shared>> -> memref<80x128xf32, #tpu.memory_space<vmem_shared>>
      %dma_start3A_35 = arith.constant 0 : i32
      %dma_start3A_36 = tpu.memref_slice %arg11[%add3A_21, %dma_start3A_35] : memref<10240x128xf32, #tpu.memory_space<vmem_shared>> -> memref<80x128xf32, #tpu.memory_space<vmem_shared>>
      tpu.enqueue_dma source(%arg10 : memref<80x128xf32, #tpu.memory_space<vmem>>) target(%dma_start3A_36 : memref<80x128xf32, #tpu.memory_space<vmem_shared>>) target_semaphore(%run_scoped3A : memref<!tpu.dma_semaphore, #tpu.memory_space<semaphore_mem>>)
      %dma_wait3A = arith.constant 0 : i32
      %dma_wait3A_37 = tpu.memref_slice %arg11[%add3A_21, %dma_wait3A] : memref<10240x128xf32, #tpu.memory_space<vmem_shared>> -> memref<80x128xf32, #tpu.memory_space<vmem_shared>>
      %dma_wait3A_38 = arith.constant 0 : i32
      %dma_wait3A_39 = tpu.memref_slice %arg11[%add3A_21, %dma_wait3A_38] : memref<10240x128xf32, #tpu.memory_space<vmem_shared>> -> memref<80x128xf32, #tpu.memory_space<vmem_shared>>
      tpu.wait_dma2 semaphore(%run_scoped3A : memref<!tpu.dma_semaphore, #tpu.memory_space<semaphore_mem>>) src(%arg10 : memref<80x128xf32, #tpu.memory_space<vmem>>) dst(%dma_wait3A_39 : memref<80x128xf32, #tpu.memory_space<vmem_shared>>)
      tpu.yield
    }) : () -> ()
    %add3A_22 = arith.constant 480 : i32
    %add3A_23 = arith.addi %mul3A_2, %add3A_22 : i32
    "tpu.region"() ({
      %run_scoped3A = tpu.sem_alloc : memref<!tpu.dma_semaphore, #tpu.memory_space<semaphore_mem>>
      %dma_start3A = arith.constant 0 : i32
      %dma_start3A_34 = tpu.memref_slice %arg11[%add3A_23, %dma_start3A] : memref<10240x128xf32, #tpu.memory_space<vmem_shared>> -> memref<80x128xf32, #tpu.memory_space<vmem_shared>>
      %dma_start3A_35 = arith.constant 0 : i32
      %dma_start3A_36 = tpu.memref_slice %arg11[%add3A_23, %dma_start3A_35] : memref<10240x128xf32, #tpu.memory_space<vmem_shared>> -> memref<80x128xf32, #tpu.memory_space<vmem_shared>>
      tpu.enqueue_dma source(%arg10 : memref<80x128xf32, #tpu.memory_space<vmem>>) target(%dma_start3A_36 : memref<80x128xf32, #tpu.memory_space<vmem_shared>>) target_semaphore(%run_scoped3A : memref<!tpu.dma_semaphore, #tpu.memory_space<semaphore_mem>>)
      %dma_wait3A = arith.constant 0 : i32
      %dma_wait3A_37 = tpu.memref_slice %arg11[%add3A_23, %dma_wait3A] : memref<10240x128xf32, #tpu.memory_space<vmem_shared>> -> memref<80x128xf32, #tpu.memory_space<vmem_shared>>
      %dma_wait3A_38 = arith.constant 0 : i32
      %dma_wait3A_39 = tpu.memref_slice %arg11[%add3A_23, %dma_wait3A_38] : memref<10240x128xf32, #tpu.memory_space<vmem_shared>> -> memref<80x128xf32, #tpu.memory_space<vmem_shared>>
      tpu.wait_dma2 semaphore(%run_scoped3A : memref<!tpu.dma_semaphore, #tpu.memory_space<semaphore_mem>>) src(%arg10 : memref<80x128xf32, #tpu.memory_space<vmem>>) dst(%dma_wait3A_39 : memref<80x128xf32, #tpu.memory_space<vmem_shared>>)
      tpu.yield
    }) : () -> ()
    %add3A_24 = arith.constant 560 : i32
    %add3A_25 = arith.addi %mul3A_2, %add3A_24 : i32
    "tpu.region"() ({
      %run_scoped3A = tpu.sem_alloc : memref<!tpu.dma_semaphore, #tpu.memory_space<semaphore_mem>>
      %dma_start3A = arith.constant 0 : i32
      %dma_start3A_34 = tpu.memref_slice %arg11[%add3A_25, %dma_start3A] : memref<10240x128xf32, #tpu.memory_space<vmem_shared>> -> memref<80x128xf32, #tpu.memory_space<vmem_shared>>
      %dma_start3A_35 = arith.constant 0 : i32
      %dma_start3A_36 = tpu.memref_slice %arg11[%add3A_25, %dma_start3A_35] : memref<10240x128xf32, #tpu.memory_space<vmem_shared>> -> memref<80x128xf32, #tpu.memory_space<vmem_shared>>
      tpu.enqueue_dma source(%arg10 : memref<80x128xf32, #tpu.memory_space<vmem>>) target(%dma_start3A_36 : memref<80x128xf32, #tpu.memory_space<vmem_shared>>) target_semaphore(%run_scoped3A : memref<!tpu.dma_semaphore, #tpu.memory_space<semaphore_mem>>)
      %dma_wait3A = arith.constant 0 : i32
      %dma_wait3A_37 = tpu.memref_slice %arg11[%add3A_25, %dma_wait3A] : memref<10240x128xf32, #tpu.memory_space<vmem_shared>> -> memref<80x128xf32, #tpu.memory_space<vmem_shared>>
      %dma_wait3A_38 = arith.constant 0 : i32
      %dma_wait3A_39 = tpu.memref_slice %arg11[%add3A_25, %dma_wait3A_38] : memref<10240x128xf32, #tpu.memory_space<vmem_shared>> -> memref<80x128xf32, #tpu.memory_space<vmem_shared>>
      tpu.wait_dma2 semaphore(%run_scoped3A : memref<!tpu.dma_semaphore, #tpu.memory_space<semaphore_mem>>) src(%arg10 : memref<80x128xf32, #tpu.memory_space<vmem>>) dst(%dma_wait3A_39 : memref<80x128xf32, #tpu.memory_space<vmem_shared>>)
      tpu.yield
    }) : () -> ()
    %barrier3A = arith.constant 0 : index
    tpu.barrier barrier_id(%barrier3A)
    %scan3A_26 = arith.constant 0 : i32
    %scan3A_27 = arith.constant 0 : i32
    %scan3A_28 = arith.constant 125 : i32
    %scan3A_29 = arith.addi %scan3A_27, %scan3A_28 : i32
    %scan3A_30 = arith.constant 1 : i32
    %scan3A_31 = scf.for %scan3A_34 = %scan3A_27 to %scan3A_29 step %scan3A_30 iter_args(%scan3A_35 = %scan3A_26) -> (i32)  : i32 {
      %mul3A_36 = arith.constant 10000 : i32
      %mul3A_37 = arith.muli %add3A, %mul3A_36 : i32
      %mul3A_38 = arith.constant 80 : i32
      %mul3A_39 = arith.muli %scan3A_34, %mul3A_38 : i32
      %add3A_40 = arith.addi %mul3A_37, %mul3A_39 : i32
      "tpu.region"() ({
        %run_scoped3A = tpu.sem_alloc : memref<!tpu.dma_semaphore, #tpu.memory_space<semaphore_mem>>
        %dma_start3A_59 = tpu.memref_slice %arg2[%add3A_40] : memref<320000xi32, #tpu.memory_space<hbm>> -> memref<80xi32, #tpu.memory_space<hbm>>
        %dma_start3A_60 = tpu.memref_slice %arg2[%add3A_40] : memref<320000xi32, #tpu.memory_space<hbm>> -> memref<80xi32, #tpu.memory_space<hbm>>
        tpu.enqueue_dma source(%dma_start3A_60 : memref<80xi32, #tpu.memory_space<hbm>>) target(%arg6 : memref<80xi32, #tpu.memory_space<vmem>>) target_semaphore(%run_scoped3A : memref<!tpu.dma_semaphore, #tpu.memory_space<semaphore_mem>>)
        %dma_wait3A_61 = tpu.memref_slice %arg2[%add3A_40] : memref<320000xi32, #tpu.memory_space<hbm>> -> memref<80xi32, #tpu.memory_space<hbm>>
        %dma_wait3A_62 = tpu.memref_slice %arg2[%add3A_40] : memref<320000xi32, #tpu.memory_space<hbm>> -> memref<80xi32, #tpu.memory_space<hbm>>
        tpu.wait_dma2 semaphore(%run_scoped3A : memref<!tpu.dma_semaphore, #tpu.memory_space<semaphore_mem>>) src(%dma_wait3A_62 : memref<80xi32, #tpu.memory_space<hbm>>) dst(%arg6 : memref<80xi32, #tpu.memory_space<vmem>>)
        tpu.yield
      }) : () -> ()
      "tpu.region"() ({
        %run_scoped3A = tpu.sem_alloc : memref<!tpu.dma_semaphore, #tpu.memory_space<semaphore_mem>>
        %dma_start3A_59 = tpu.memref_slice %arg3[%add3A_40] : memref<320000xi32, #tpu.memory_space<hbm>> -> memref<80xi32, #tpu.memory_space<hbm>>
        %dma_start3A_60 = tpu.memref_slice %arg3[%add3A_40] : memref<320000xi32, #tpu.memory_space<hbm>> -> memref<80xi32, #tpu.memory_space<hbm>>
        tpu.enqueue_dma source(%dma_start3A_60 : memref<80xi32, #tpu.memory_space<hbm>>) target(%arg7 : memref<80xi32, #tpu.memory_space<vmem>>) target_semaphore(%run_scoped3A : memref<!tpu.dma_semaphore, #tpu.memory_space<semaphore_mem>>)
        %dma_wait3A_61 = tpu.memref_slice %arg3[%add3A_40] : memref<320000xi32, #tpu.memory_space<hbm>> -> memref<80xi32, #tpu.memory_space<hbm>>
        %dma_wait3A_62 = tpu.memref_slice %arg3[%add3A_40] : memref<320000xi32, #tpu.memory_space<hbm>> -> memref<80xi32, #tpu.memory_space<hbm>>
        tpu.wait_dma2 semaphore(%run_scoped3A : memref<!tpu.dma_semaphore, #tpu.memory_space<semaphore_mem>>) src(%dma_wait3A_62 : memref<80xi32, #tpu.memory_space<hbm>>) dst(%arg7 : memref<80xi32, #tpu.memory_space<vmem>>)
        tpu.yield
      }) : () -> ()
      %dma_start3A = arith.constant 0 : i32
      %dma_start3A_41 = arith.constant 0 : i32
      %dma_start3A_42 = tpu.memref_slice %arg4[%dma_start3A, %dma_start3A_41] : memref<10240x128xf32, #tpu.memory_space<hbm>> -> memref<10240x128xf32, #tpu.memory_space<hbm>>
      tpu.enqueue_indirect_dma source(%dma_start3A_42 : memref<10240x128xf32, #tpu.memory_space<hbm>>) target(%arg8 : memref<80x128xf32, #tpu.memory_space<vmem>>) offsets(%arg6 : memref<80xi32, #tpu.memory_space<vmem>>) semaphore(%arg12 : memref<!tpu.dma_semaphore, #tpu.memory_space<semaphore_mem>>)
      %dma_start3A_43 = arith.constant 0 : i32
      %dma_start3A_44 = arith.constant 0 : i32
      %dma_start3A_45 = tpu.memref_slice %arg4[%dma_start3A_43, %dma_start3A_44] : memref<10240x128xf32, #tpu.memory_space<hbm>> -> memref<10240x128xf32, #tpu.memory_space<hbm>>
      tpu.enqueue_indirect_dma source(%dma_start3A_45 : memref<10240x128xf32, #tpu.memory_space<hbm>>) target(%arg9 : memref<80x128xf32, #tpu.memory_space<vmem>>) offsets(%arg7 : memref<80xi32, #tpu.memory_space<vmem>>) semaphore(%arg13 : memref<!tpu.dma_semaphore, #tpu.memory_space<semaphore_mem>>)
      %dma_wait3A = arith.constant 0 : i32
      %dma_wait3A_46 = arith.constant 0 : i32
      %dma_wait3A_47 = tpu.memref_slice %arg4[%dma_wait3A, %dma_wait3A_46] : memref<10240x128xf32, #tpu.memory_space<hbm>> -> memref<10240x128xf32, #tpu.memory_space<hbm>>
      tpu.wait_indirect_dma semaphore(%arg12 : memref<!tpu.dma_semaphore, #tpu.memory_space<semaphore_mem>>) src(%dma_wait3A_47 : memref<10240x128xf32, #tpu.memory_space<hbm>>) dst(%arg8 : memref<80x128xf32, #tpu.memory_space<vmem>>)
      %dma_wait3A_48 = arith.constant 0 : i32
      %dma_wait3A_49 = arith.constant 0 : i32
      %dma_wait3A_50 = tpu.memref_slice %arg4[%dma_wait3A_48, %dma_wait3A_49] : memref<10240x128xf32, #tpu.memory_space<hbm>> -> memref<10240x128xf32, #tpu.memory_space<hbm>>
      tpu.wait_indirect_dma semaphore(%arg13 : memref<!tpu.dma_semaphore, #tpu.memory_space<semaphore_mem>>) src(%dma_wait3A_50 : memref<10240x128xf32, #tpu.memory_space<hbm>>) dst(%arg9 : memref<80x128xf32, #tpu.memory_space<vmem>>)
      %scan3A_51 = arith.constant 0 : i32
      %scan3A_52 = arith.constant 0 : i32
      %scan3A_53 = arith.constant 80 : i32
      %scan3A_54 = arith.addi %scan3A_52, %scan3A_53 : i32
      %scan3A_55 = arith.constant 1 : i32
      %scan3A_56 = scf.for %scan3A_59 = %scan3A_52 to %scan3A_54 step %scan3A_55 iter_args(%scan3A_60 = %scan3A_51) -> (i32)  : i32 {
        %get3A = arith.index_cast %scan3A_59 : i32 to index
        %get3A_61 = arith.constant 64 : index
        %get3A_62 = tpu.vector_load %arg8[%get3A, %get3A_61] {strides = array<i32>} : memref<80x128xf32, #tpu.memory_space<vmem>>, vector<1x16xf32>,
        %get3A_63 = vector.shape_cast %get3A_62 : vector<1x16xf32> to vector<16xf32>
        %get3A_64 = arith.index_cast %scan3A_59 : i32 to index
        %get3A_65 = arith.constant 80 : index
        %get3A_66 = tpu.vector_load %arg9[%get3A_64, %get3A_65] {strides = array<i32>} : memref<80x128xf32, #tpu.memory_space<vmem>>, vector<1x16xf32>,
        %get3A_67 = vector.shape_cast %get3A_66 : vector<1x16xf32> to vector<16xf32>
        %add3A_68 = arith.addf %get3A_63, %get3A_67 : vector<16xf32>
        %mul3A_69 = arith.constant -6.000000e+00 : f32
        %mul3A_70 = vector.broadcast %mul3A_69 : f32 to vector<16xf32>
        %mul3A_71 = arith.mulf %mul3A_70, %add3A_68 : vector<16xf32>
        %exp3A = math.exp %mul3A_71 : vector<16xf32>
        %add3A_72 = arith.constant 1.000000e+00 : f32
        %add3A_73 = vector.broadcast %add3A_72 : f32 to vector<16xf32>
        %add3A_74 = arith.addf %add3A_73, %exp3A : vector<16xf32>
        %div3A = arith.constant 1.000000e+00 : f32
        %div3A_75 = vector.broadcast %div3A : f32 to vector<16xf32>
        %div3A_76 = arith.divf %div3A_75, %add3A_74 : vector<16xf32>
        %get3A_77 = arith.index_cast %scan3A_59 : i32 to index
        %get3A_78 = arith.constant 0 : index
        %get3A_79 = tpu.vector_load %arg8[%get3A_77, %get3A_78] {strides = array<i32>} : memref<80x128xf32, #tpu.memory_space<vmem>>, vector<1x16xf32>,
        %get3A_80 = vector.shape_cast %get3A_79 : vector<1x16xf32> to vector<16xf32>
        %get3A_81 = arith.index_cast %scan3A_59 : i32 to index
        %get3A_82 = arith.constant 16 : index
        %get3A_83 = tpu.vector_load %arg8[%get3A_81, %get3A_82] {strides = array<i32>} : memref<80x128xf32, #tpu.memory_space<vmem>>, vector<1x16xf32>,
        %get3A_84 = vector.shape_cast %get3A_83 : vector<1x16xf32> to vector<16xf32>
        %get3A_85 = arith.index_cast %scan3A_59 : i32 to index
        %get3A_86 = arith.constant 32 : index
        %get3A_87 = tpu.vector_load %arg8[%get3A_85, %get3A_86] {strides = array<i32>} : memref<80x128xf32, #tpu.memory_space<vmem>>, vector<1x16xf32>,
        %get3A_88 = vector.shape_cast %get3A_87 : vector<1x16xf32> to vector<16xf32>
        %get3A_89 = arith.index_cast %scan3A_59 : i32 to index
        %get3A_90 = arith.constant 48 : index
        %get3A_91 = tpu.vector_load %arg8[%get3A_89, %get3A_90] {strides = array<i32>} : memref<80x128xf32, #tpu.memory_space<vmem>>, vector<1x16xf32>,
        %get3A_92 = vector.shape_cast %get3A_91 : vector<1x16xf32> to vector<16xf32>
        %slice3A = vector.extract_strided_slice %div3A_76 {offsets = [0], sizes = [1], strides = [1]} : vector<16xf32> to vector<1xf32>
        %squeeze3A = vector.extract %slice3A[0] : f32 from vector<1xf32>
        %mul3A_93 = vector.broadcast %squeeze3A : f32 to vector<16xf32>
        %mul3A_94 = arith.mulf %get3A_80, %mul3A_93 : vector<16xf32>
        %swap3A = arith.index_cast %scan3A_59 : i32 to index
        %swap3A_95 = arith.constant 0 : index
        %swap3A_96 = tpu.vector_load %arg10[%swap3A, %swap3A_95] {strides = array<i32>} : memref<80x128xf32, #tpu.memory_space<vmem>>, vector<1x16xf32>,
        %swap3A_97 = vector.shape_cast %swap3A_96 : vector<1x16xf32> to vector<16xf32>
        %swap3A_98 = vector.shape_cast %mul3A_94 : vector<16xf32> to vector<1x16xf32>
        tpu.vector_store %arg10[%swap3A, %swap3A_95], %swap3A_98 {strides = array<i32>} : memref<80x128xf32, #tpu.memory_space<vmem>>, vector<1x16xf32>,
        %mul3A_99 = vector.broadcast %squeeze3A : f32 to vector<16xf32>
        %mul3A_100 = arith.mulf %get3A_84, %mul3A_99 : vector<16xf32>
        %swap3A_101 = arith.index_cast %scan3A_59 : i32 to index
        %swap3A_102 = arith.constant 16 : index
        %swap3A_103 = tpu.vector_load %arg10[%swap3A_101, %swap3A_102] {strides = array<i32>} : memref<80x128xf32, #tpu.memory_space<vmem>>, vector<1x16xf32>,
        %swap3A_104 = vector.shape_cast %swap3A_103 : vector<1x16xf32> to vector<16xf32>
        %swap3A_105 = vector.shape_cast %mul3A_100 : vector<16xf32> to vector<1x16xf32>
        tpu.vector_store %arg10[%swap3A_101, %swap3A_102], %swap3A_105 {strides = array<i32>} : memref<80x128xf32, #tpu.memory_space<vmem>>, vector<1x16xf32>,
        %mul3A_106 = vector.broadcast %squeeze3A : f32 to vector<16xf32>
        %mul3A_107 = arith.mulf %get3A_88, %mul3A_106 : vector<16xf32>
        %swap3A_108 = arith.index_cast %scan3A_59 : i32 to index
        %swap3A_109 = arith.constant 32 : index
        %swap3A_110 = tpu.vector_load %arg10[%swap3A_108, %swap3A_109] {strides = array<i32>} : memref<80x128xf32, #tpu.memory_space<vmem>>, vector<1x16xf32>,
        %swap3A_111 = vector.shape_cast %swap3A_110 : vector<1x16xf32> to vector<16xf32>
        %swap3A_112 = vector.shape_cast %mul3A_107 : vector<16xf32> to vector<1x16xf32>
        tpu.vector_store %arg10[%swap3A_108, %swap3A_109], %swap3A_112 {strides = array<i32>} : memref<80x128xf32, #tpu.memory_space<vmem>>, vector<1x16xf32>,
        %mul3A_113 = vector.broadcast %squeeze3A : f32 to vector<16xf32>
        %mul3A_114 = arith.mulf %get3A_92, %mul3A_113 : vector<16xf32>
        %swap3A_115 = arith.index_cast %scan3A_59 : i32 to index
        %swap3A_116 = arith.constant 48 : index
        %swap3A_117 = tpu.vector_load %arg10[%swap3A_115, %swap3A_116] {strides = array<i32>} : memref<80x128xf32, #tpu.memory_space<vmem>>, vector<1x16xf32>,
        %swap3A_118 = vector.shape_cast %swap3A_117 : vector<1x16xf32> to vector<16xf32>
        %swap3A_119 = vector.shape_cast %mul3A_114 : vector<16xf32> to vector<1x16xf32>
        tpu.vector_store %arg10[%swap3A_115, %swap3A_116], %swap3A_119 {strides = array<i32>} : memref<80x128xf32, #tpu.memory_space<vmem>>, vector<1x16xf32>,
        %slice3A_120 = vector.extract_strided_slice %div3A_76 {offsets = [1], sizes = [1], strides = [1]} : vector<16xf32> to vector<1xf32>
        %squeeze3A_121 = vector.extract %slice3A_120[0] : f32 from vector<1xf32>
        %mul3A_122 = vector.broadcast %squeeze3A_121 : f32 to vector<16xf32>
        %mul3A_123 = arith.mulf %get3A_80, %mul3A_122 : vector<16xf32>
        %swap3A_124 = arith.index_cast %scan3A_59 : i32 to index
        %swap3A_125 = arith.constant 64 : index
        %swap3A_126 = tpu.vector_load %arg10[%swap3A_124, %swap3A_125] {strides = array<i32>} : memref<80x128xf32, #tpu.memory_space<vmem>>, vector<1x16xf32>,
        %swap3A_127 = vector.shape_cast %swap3A_126 : vector<1x16xf32> to vector<16xf32>
        %swap3A_128 = vector.shape_cast %mul3A_123 : vector<16xf32> to vector<1x16xf32>
        tpu.vector_store %arg10[%swap3A_124, %swap3A_125], %swap3A_128 {strides = array<i32>} : memref<80x128xf32, #tpu.memory_space<vmem>>, vector<1x16xf32>,
        %mul3A_129 = vector.broadcast %squeeze3A_121 : f32 to vector<16xf32>
        %mul3A_130 = arith.mulf %get3A_84, %mul3A_129 : vector<16xf32>
        %swap3A_131 = arith.index_cast %scan3A_59 : i32 to index
        %swap3A_132 = arith.constant 80 : index
        %swap3A_133 = tpu.vector_load %arg10[%swap3A_131, %swap3A_132] {strides = array<i32>} : memref<80x128xf32, #tpu.memory_space<vmem>>, vector<1x16xf32>,
        %swap3A_134 = vector.shape_cast %swap3A_133 : vector<1x16xf32> to vector<16xf32>
        %swap3A_135 = vector.shape_cast %mul3A_130 : vector<16xf32> to vector<1x16xf32>
        tpu.vector_store %arg10[%swap3A_131, %swap3A_132], %swap3A_135 {strides = array<i32>} : memref<80x128xf32, #tpu.memory_space<vmem>>, vector<1x16xf32>,
        %mul3A_136 = vector.broadcast %squeeze3A_121 : f32 to vector<16xf32>
        %mul3A_137 = arith.mulf %get3A_88, %mul3A_136 : vector<16xf32>
        %swap3A_138 = arith.index_cast %scan3A_59 : i32 to index
        %swap3A_139 = arith.constant 96 : index
        %swap3A_140 = tpu.vector_load %arg10[%swap3A_138, %swap3A_139] {strides = array<i32>} : memref<80x128xf32, #tpu.memory_space<vmem>>, vector<1x16xf32>,
        %swap3A_141 = vector.shape_cast %swap3A_140 : vector<1x16xf32> to vector<16xf32>
        %swap3A_142 = vector.shape_cast %mul3A_137 : vector<16xf32> to vector<1x16xf32>
        tpu.vector_store %arg10[%swap3A_138, %swap3A_139], %swap3A_142 {strides = array<i32>} : memref<80x128xf32, #tpu.memory_space<vmem>>, vector<1x16xf32>,
        %mul3A_143 = vector.broadcast %squeeze3A_121 : f32 to vector<16xf32>
        %mul3A_144 = arith.mulf %get3A_92, %mul3A_143 : vector<16xf32>
        %swap3A_145 = arith.index_cast %scan3A_59 : i32 to index
        %swap3A_146 = arith.constant 112 : index
        %swap3A_147 = tpu.vector_load %arg10[%swap3A_145, %swap3A_146] {strides = array<i32>} : memref<80x128xf32, #tpu.memory_space<vmem>>, vector<1x16xf32>,
        %swap3A_148 = vector.shape_cast %swap3A_147 : vector<1x16xf32> to vector<16xf32>
        %swap3A_149 = vector.shape_cast %mul3A_144 : vector<16xf32> to vector<1x16xf32>
        tpu.vector_store %arg10[%swap3A_145, %swap3A_146], %swap3A_149 {strides = array<i32>} : memref<80x128xf32, #tpu.memory_space<vmem>>, vector<1x16xf32>,
        %scan3A_150 = arith.constant 0 : i32
        scf.yield %scan3A_150 : i32
      }
      %scan3A_57 = arith.constant 80 : i32
      "tpu.region"() ({
        %run_scoped3A = tpu.sem_alloc : memref<!tpu.dma_semaphore, #tpu.memory_space<semaphore_mem>>
        %dma_start3A_59 = arith.constant 0 : i32
        %dma_start3A_60 = arith.constant 0 : i32
        %dma_start3A_61 = tpu.memref_slice %arg11[%dma_start3A_59, %dma_start3A_60] : memref<10240x128xf32, #tpu.memory_space<vmem_shared>> -> memref<10240x128xf32, #tpu.memory_space<vmem_shared>>
        tpu.enqueue_indirect_dma source(%arg10 : memref<80x128xf32, #tpu.memory_space<vmem>>) target(%dma_start3A_61 : memref<10240x128xf32, #tpu.memory_space<vmem_shared>>) offsets(%arg7 : memref<80xi32, #tpu.memory_space<vmem>>) semaphore(%run_scoped3A : memref<!tpu.dma_semaphore, #tpu.memory_space<semaphore_mem>>) {add = true}
        %dma_wait3A_62 = arith.constant 0 : i32
        %dma_wait3A_63 = arith.constant 0 : i32
        %dma_wait3A_64 = tpu.memref_slice %arg11[%dma_wait3A_62, %dma_wait3A_63] : memref<10240x128xf32, #tpu.memory_space<vmem_shared>> -> memref<10240x128xf32, #tpu.memory_space<vmem_shared>>
        tpu.wait_indirect_dma semaphore(%run_scoped3A : memref<!tpu.dma_semaphore, #tpu.memory_space<semaphore_mem>>) src(%arg10 : memref<80x128xf32, #tpu.memory_space<vmem>>) dst(%dma_wait3A_64 : memref<10240x128xf32, #tpu.memory_space<vmem_shared>>)
        tpu.yield
      }) : () -> ()
      %scan3A_58 = arith.constant 0 : i32
      scf.yield %scan3A_58 : i32
    }
    %scan3A_32 = arith.constant 125 : i32
    %barrier3A_33 = arith.constant 0 : index
    tpu.barrier barrier_id(%barrier3A_33)
    "tpu.region"() ({
      %run_scoped3A = tpu.sem_alloc : memref<!tpu.dma_semaphore, #tpu.memory_space<semaphore_mem>>
      %dma_start3A = arith.constant 0 : i32
      %dma_start3A_34 = tpu.memref_slice %arg5[%arg0, %mul3A_2, %dma_start3A] : memref<2x10240x128xf32, #tpu.memory_space<hbm>> -> memref<1x640x128xf32, #tpu.memory_space<hbm>>
      %dma_start3A_35 = tpu.memref_squeeze %dma_start3A_34 : memref<1x640x128xf32, #tpu.memory_space<hbm>> -> memref<640x128xf32, #tpu.memory_space<hbm>>
      %dma_start3A_36 = arith.constant 0 : i32
      %dma_start3A_37 = tpu.memref_slice %arg11[%mul3A_2, %dma_start3A_36] : memref<10240x128xf32, #tpu.memory_space<vmem_shared>> -> memref<640x128xf32, #tpu.memory_space<vmem_shared>>
      tpu.enqueue_dma source(%dma_start3A_37 : memref<640x128xf32, #tpu.memory_space<vmem_shared>>) target(%dma_start3A_35 : memref<640x128xf32, #tpu.memory_space<hbm>>) target_semaphore(%run_scoped3A : memref<!tpu.dma_semaphore, #tpu.memory_space<semaphore_mem>>)
      %dma_wait3A = arith.constant 0 : i32
      %dma_wait3A_38 = tpu.memref_slice %arg5[%arg0, %mul3A_2, %dma_wait3A] : memref<2x10240x128xf32, #tpu.memory_space<hbm>> -> memref<1x640x128xf32, #tpu.memory_space<hbm>>
      %dma_wait3A_39 = tpu.memref_squeeze %dma_wait3A_38 : memref<1x640x128xf32, #tpu.memory_space<hbm>> -> memref<640x128xf32, #tpu.memory_space<hbm>>
      %dma_wait3A_40 = arith.constant 0 : i32
      %dma_wait3A_41 = tpu.memref_slice %arg11[%mul3A_2, %dma_wait3A_40] : memref<10240x128xf32, #tpu.memory_space<vmem_shared>> -> memref<640x128xf32, #tpu.memory_space<vmem_shared>>
      tpu.wait_dma2 semaphore(%run_scoped3A : memref<!tpu.dma_semaphore, #tpu.memory_space<semaphore_mem>>) src(%dma_wait3A_41 : memref<640x128xf32, #tpu.memory_space<vmem_shared>>) dst(%dma_wait3A_39 : memref<640x128xf32, #tpu.memory_space<hbm>>)
      tpu.yield
    }) : () -> ()
    return
  }
}

module attributes {stable_mosaic.version = 14 : i64} {
  func.func @_tc_prep_body(%arg0: memref<2x10240x128xf32, #tpu.memory_space<vmem>>, %arg1: memref<200x128xf32, #tpu.memory_space<vmem>>, %arg2: memref<128x32xf32, #tpu.memory_space<vmem>>, %arg3: memref<32xf32, #tpu.memory_space<vmem>>, %arg4: memref<4x32xf32, #tpu.memory_space<vmem>>, %arg5: memref<4xf32, #tpu.memory_space<vmem>>, %arg6: memref<4x32xf32, #tpu.memory_space<vmem>>, %arg7: memref<4xf32, #tpu.memory_space<vmem>>, %arg8: memref<10000x1xf32, #tpu.memory_space<vmem>>, %arg9: memref<200x128xf32, #tpu.memory_space<vmem>>) attributes {dimension_semantics = [], scalar_prefetch = 0 : i64, scratch_operands = 0 : i64, tpu.core_type = #tpu.core_type<tc>} {
    %get3A = arith.constant 0 : index
    %get3A_0 = arith.constant 0 : index
    %get3A_1 = arith.constant 0 : index
    %get3A_2 = vector.load %arg0[%get3A, %get3A_0, %get3A_1] : memref<2x10240x128xf32, #tpu.memory_space<vmem>>, vector<2x10240x128xf32>
    %slice3A = vector.extract_strided_slice %get3A_2 {offsets = [0, 0, 0], sizes = [1, 10000, 1], strides = [1, 1, 1]} : vector<2x10240x128xf32> to vector<1x10000x1xf32>
    %squeeze3A = vector.shape_cast %slice3A : vector<1x10000x1xf32> to vector<10000x1xf32>
    %slice3A_3 = vector.extract_strided_slice %get3A_2 {offsets = [1, 0, 0], sizes = [1, 10000, 1], strides = [1, 1, 1]} : vector<2x10240x128xf32> to vector<1x10000x1xf32>
    %squeeze3A_4 = vector.shape_cast %slice3A_3 : vector<1x10000x1xf32> to vector<10000x1xf32>
    %add3A = arith.addf %squeeze3A, %squeeze3A_4 : vector<10000x1xf32>
    %max3A = arith.constant 1.000000e+00 : f32
    %max3A_5 = vector.broadcast %max3A : f32 to vector<10000x1xf32>
    %max3A_6 = arith.maximumf %add3A, %max3A_5 : vector<10000x1xf32>
    %rsqrt3A = math.rsqrt %max3A_6 : vector<10000x1xf32>
    %swap3A = arith.constant 0 : index
    %swap3A_7 = arith.constant 0 : index
    %swap3A_8 = vector.load %arg8[%swap3A, %swap3A_7] : memref<10000x1xf32, #tpu.memory_space<vmem>>, vector<10000x1xf32>
    tpu.vector_store %arg8[%swap3A, %swap3A_7], %rsqrt3A {strides = array<i32>} : memref<10000x1xf32, #tpu.memory_space<vmem>>, vector<10000x1xf32>,
    %get3A_9 = arith.constant 0 : index
    %get3A_10 = arith.constant 0 : index
    %get3A_11 = vector.load %arg1[%get3A_9, %get3A_10] : memref<200x128xf32, #tpu.memory_space<vmem>>, vector<200x128xf32>
    %get3A_12 = arith.constant 0 : index
    %get3A_13 = arith.constant 0 : index
    %get3A_14 = vector.load %arg2[%get3A_12, %get3A_13] : memref<128x32xf32, #tpu.memory_space<vmem>>, vector<128x32xf32>
    %dot_general3A = arith.constant dense<0.000000e+00> : vector<200x32xf32>
    %dot_general3A_15 = tpu.matmul %get3A_11, %get3A_14, %dot_general3A {dimension_numbers = #tpu.dot_dimension_numbers<[1], [0], [0], [1], [0, 0, 1, 1], [], []>, transpose_lhs_hint = false} : vector<200x128xf32>, vector<128x32xf32>, vector<200x32xf32> -> vector<200x32xf32>
    %get3A_16 = arith.constant 0 : index
    %get3A_17 = vector.load %arg3[%get3A_16] : memref<32xf32, #tpu.memory_space<vmem>>, vector<32xf32>
    %broadcast_in_dim3A = vector.shape_cast %get3A_17 : vector<32xf32> to vector<1x32xf32>
    %add3A_18 = vector.broadcast %broadcast_in_dim3A : vector<1x32xf32> to vector<200x32xf32>
    %add3A_19 = arith.addf %dot_general3A_15, %add3A_18 : vector<200x32xf32>
    %get3A_20 = arith.constant 0 : index
    %get3A_21 = arith.constant 0 : index
    %get3A_22 = vector.load %arg4[%get3A_20, %get3A_21] : memref<4x32xf32, #tpu.memory_space<vmem>>, vector<4x32xf32>
    %dot_general3A_23 = arith.constant dense<0.000000e+00> : vector<200x4xf32>
    %dot_general3A_24 = tpu.matmul %add3A_19, %get3A_22, %dot_general3A_23 {dimension_numbers = #tpu.dot_dimension_numbers<[1], [1], [0], [0], [0, 0, 1, 0], [], []>, transpose_lhs_hint = false} : vector<200x32xf32>, vector<4x32xf32>, vector<200x4xf32> -> vector<200x4xf32>
    %get3A_25 = arith.constant 0 : index
    %get3A_26 = vector.load %arg5[%get3A_25] : memref<4xf32, #tpu.memory_space<vmem>>, vector<4xf32>
    %broadcast_in_dim3A_27 = vector.shape_cast %get3A_26 : vector<4xf32> to vector<1x4xf32>
    %add3A_28 = vector.broadcast %broadcast_in_dim3A_27 : vector<1x4xf32> to vector<200x4xf32>
    %add3A_29 = arith.addf %dot_general3A_24, %add3A_28 : vector<200x4xf32>
    %get3A_30 = arith.constant 0 : index
    %get3A_31 = arith.constant 0 : index
    %get3A_32 = vector.load %arg6[%get3A_30, %get3A_31] : memref<4x32xf32, #tpu.memory_space<vmem>>, vector<4x32xf32>
    %dot_general3A_33 = arith.constant dense<0.000000e+00> : vector<200x4xf32>
    %dot_general3A_34 = tpu.matmul %add3A_19, %get3A_32, %dot_general3A_33 {dimension_numbers = #tpu.dot_dimension_numbers<[1], [1], [0], [0], [0, 0, 1, 0], [], []>, transpose_lhs_hint = false} : vector<200x32xf32>, vector<4x32xf32>, vector<200x4xf32> -> vector<200x4xf32>
    %get3A_35 = arith.constant 0 : index
    %get3A_36 = vector.load %arg7[%get3A_35] : memref<4xf32, #tpu.memory_space<vmem>>, vector<4xf32>
    %broadcast_in_dim3A_37 = vector.shape_cast %get3A_36 : vector<4xf32> to vector<1x4xf32>
    %add3A_38 = vector.broadcast %broadcast_in_dim3A_37 : vector<1x4xf32> to vector<200x4xf32>
    %add3A_39 = arith.addf %dot_general3A_34, %add3A_38 : vector<200x4xf32>
    %broadcast_in_dim3A_40 = arith.constant 0.000000e+00 : f32
    %broadcast_in_dim3A_41 = vector.broadcast %broadcast_in_dim3A_40 : f32 to vector<200x12xf32>
    %broadcast_in_dim3A_42 = arith.constant 0.000000e+00 : f32
    %broadcast_in_dim3A_43 = vector.broadcast %broadcast_in_dim3A_42 : f32 to vector<200x64xf32>
    %concatenate3A = tpu.concatenate %add3A_19, %add3A_29, %broadcast_in_dim3A_41, %add3A_39, %broadcast_in_dim3A_41, %broadcast_in_dim3A_43 in 1 : vector<200x32xf32>, vector<200x4xf32>, vector<200x12xf32>, vector<200x4xf32>, vector<200x12xf32>, vector<200x64xf32> -> vector<200x128xf32>
    %swap3A_44 = arith.constant 0 : index
    %swap3A_45 = arith.constant 0 : index
    %swap3A_46 = vector.load %arg9[%swap3A_44, %swap3A_45] : memref<200x128xf32, #tpu.memory_space<vmem>>, vector<200x128xf32>
    tpu.vector_store %arg9[%swap3A_44, %swap3A_45], %concatenate3A {strides = array<i32>} : memref<200x128xf32, #tpu.memory_space<vmem>>, vector<200x128xf32>,
    return
  }
}

module attributes {stable_mosaic.version = 14 : i64} {
  func.func @_tc_mid_body(%arg0: memref<2x10240x128xf32, #tpu.memory_space<vmem>>, %arg1: memref<10000x1xf32, #tpu.memory_space<vmem>>, %arg2: memref<128xf32, #tpu.memory_space<vmem>>, %arg3: memref<128xf32, #tpu.memory_space<vmem>>, %arg4: memref<10000x1xf32, #tpu.memory_space<vmem>>, %arg5: memref<128x64xf32, #tpu.memory_space<vmem>>, %arg6: memref<64xf32, #tpu.memory_space<vmem>>, %arg7: memref<2x64xf32, #tpu.memory_space<vmem>>, %arg8: memref<2xf32, #tpu.memory_space<vmem>>, %arg9: memref<2x64xf32, #tpu.memory_space<vmem>>, %arg10: memref<2xf32, #tpu.memory_space<vmem>>, %arg11: memref<10240x128xf32, #tpu.memory_space<vmem>>) attributes {dimension_semantics = [], scalar_prefetch = 0 : i64, scratch_operands = 0 : i64, tpu.core_type = #tpu.core_type<tc>} {
    %get3A = arith.constant 0 : index
    %get3A_0 = arith.constant 0 : index
    %get3A_1 = arith.constant 0 : index
    %get3A_2 = vector.load %arg0[%get3A, %get3A_0, %get3A_1] : memref<2x10240x128xf32, #tpu.memory_space<vmem>>, vector<2x10240x128xf32>
    %get3A_3 = arith.constant 0 : index
    %get3A_4 = arith.constant 0 : index
    %get3A_5 = vector.load %arg1[%get3A_3, %get3A_4] : memref<10000x1xf32, #tpu.memory_space<vmem>>, vector<10000x1xf32>
    %get3A_6 = arith.constant 0 : index
    %get3A_7 = vector.load %arg2[%get3A_6] : memref<128xf32, #tpu.memory_space<vmem>>, vector<128xf32>
    %get3A_8 = arith.constant 0 : index
    %get3A_9 = vector.load %arg3[%get3A_8] : memref<128xf32, #tpu.memory_space<vmem>>, vector<128xf32>
    %slice3A = vector.extract_strided_slice %get3A_2 {offsets = [0, 0, 0], sizes = [1, 10000, 128], strides = [1, 1, 1]} : vector<2x10240x128xf32> to vector<1x10000x128xf32>
    %squeeze3A = vector.shape_cast %slice3A : vector<1x10000x128xf32> to vector<10000x128xf32>
    %slice3A_10 = vector.extract_strided_slice %get3A_2 {offsets = [1, 0, 0], sizes = [1, 10000, 128], strides = [1, 1, 1]} : vector<2x10240x128xf32> to vector<1x10000x128xf32>
    %squeeze3A_11 = vector.shape_cast %slice3A_10 : vector<1x10000x128xf32> to vector<10000x128xf32>
    %add3A = arith.addf %squeeze3A, %squeeze3A_11 : vector<10000x128xf32>
    %mul3A = vector.broadcast %get3A_5 : vector<10000x1xf32> to vector<10000x128xf32>
    %mul3A_12 = arith.mulf %add3A, %mul3A : vector<10000x128xf32>
    %reduce_sum3A = arith.constant dense<0.000000e+00> : vector<128xf32>
    %reduce_sum3A_13 = vector.multi_reduction <add>, %mul3A_12, %reduce_sum3A [0] : vector<10000x128xf32> to vector<128xf32>
    %broadcast_in_dim3A = vector.shape_cast %reduce_sum3A_13 : vector<128xf32> to vector<1x128xf32>
    %div3A = arith.constant 1.000000e+04 : f32
    %div3A_14 = vector.broadcast %div3A : f32 to vector<1x128xf32>
    %div3A_15 = arith.divf %broadcast_in_dim3A, %div3A_14 : vector<1x128xf32>
    %sub3A = vector.broadcast %div3A_15 : vector<1x128xf32> to vector<10000x128xf32>
    %sub3A_16 = arith.subf %mul3A_12, %sub3A : vector<10000x128xf32>
    %mul3A_17 = arith.mulf %sub3A_16, %sub3A_16 : vector<10000x128xf32>
    %reduce_sum3A_18 = arith.constant dense<0.000000e+00> : vector<128xf32>
    %reduce_sum3A_19 = vector.multi_reduction <add>, %mul3A_17, %reduce_sum3A_18 [0] : vector<10000x128xf32> to vector<128xf32>
    %broadcast_in_dim3A_20 = vector.shape_cast %reduce_sum3A_19 : vector<128xf32> to vector<1x128xf32>
    %div3A_21 = arith.constant 1.000000e+04 : f32
    %div3A_22 = vector.broadcast %div3A_21 : f32 to vector<1x128xf32>
    %div3A_23 = arith.divf %broadcast_in_dim3A_20, %div3A_22 : vector<1x128xf32>
    %sub3A_24 = vector.broadcast %div3A_15 : vector<1x128xf32> to vector<10000x128xf32>
    %sub3A_25 = arith.subf %mul3A_12, %sub3A_24 : vector<10000x128xf32>
    %add3A_26 = arith.constant 9.99999974E-6 : f32
    %add3A_27 = vector.broadcast %add3A_26 : f32 to vector<1x128xf32>
    %add3A_28 = arith.addf %div3A_23, %add3A_27 : vector<1x128xf32>
    %rsqrt3A = math.rsqrt %add3A_28 : vector<1x128xf32>
    %mul3A_29 = vector.broadcast %rsqrt3A : vector<1x128xf32> to vector<10000x128xf32>
    %mul3A_30 = arith.mulf %sub3A_25, %mul3A_29 : vector<10000x128xf32>
    %broadcast_in_dim3A_31 = vector.shape_cast %get3A_7 : vector<128xf32> to vector<1x128xf32>
    %mul3A_32 = vector.broadcast %broadcast_in_dim3A_31 : vector<1x128xf32> to vector<10000x128xf32>
    %mul3A_33 = arith.mulf %mul3A_30, %mul3A_32 : vector<10000x128xf32>
    %broadcast_in_dim3A_34 = vector.shape_cast %get3A_9 : vector<128xf32> to vector<1x128xf32>
    %add3A_35 = vector.broadcast %broadcast_in_dim3A_34 : vector<1x128xf32> to vector<10000x128xf32>
    %add3A_36 = arith.addf %mul3A_33, %add3A_35 : vector<10000x128xf32>
    %ge3A = arith.constant 0.000000e+00 : f32
    %ge3A_37 = vector.broadcast %ge3A : f32 to vector<10000x128xf32>
    %ge3A_38 = arith.cmpf oge, %add3A_36, %ge3A_37 : vector<10000x128xf32>
    %mul3A_39 = arith.constant 2.000000e-01 : f32
    %mul3A_40 = vector.broadcast %mul3A_39 : f32 to vector<10000x128xf32>
    %mul3A_41 = arith.mulf %mul3A_40, %add3A_36 : vector<10000x128xf32>
    %select_n3A = arith.select %ge3A_38, %add3A_36, %mul3A_41 : vector<10000x128xi1>, vector<10000x128xf32>
    %get3A_42 = arith.constant 0 : index
    %get3A_43 = arith.constant 0 : index
    %get3A_44 = vector.load %arg5[%get3A_42, %get3A_43] : memref<128x64xf32, #tpu.memory_space<vmem>>, vector<128x64xf32>
    %dot_general3A = arith.constant dense<0.000000e+00> : vector<10000x64xf32>
    %dot_general3A_45 = tpu.matmul %select_n3A, %get3A_44, %dot_general3A {dimension_numbers = #tpu.dot_dimension_numbers<[1], [0], [0], [1], [0, 0, 1, 1], [], []>, transpose_lhs_hint = false} : vector<10000x128xf32>, vector<128x64xf32>, vector<10000x64xf32> -> vector<10000x64xf32>
    %get3A_46 = arith.constant 0 : index
    %get3A_47 = vector.load %arg6[%get3A_46] : memref<64xf32, #tpu.memory_space<vmem>>, vector<64xf32>
    %broadcast_in_dim3A_48 = vector.shape_cast %get3A_47 : vector<64xf32> to vector<1x64xf32>
    %add3A_49 = vector.broadcast %broadcast_in_dim3A_48 : vector<1x64xf32> to vector<10000x64xf32>
    %add3A_50 = arith.addf %dot_general3A_45, %add3A_49 : vector<10000x64xf32>
    %get3A_51 = arith.constant 0 : index
    %get3A_52 = arith.constant 0 : index
    %get3A_53 = vector.load %arg7[%get3A_51, %get3A_52] : memref<2x64xf32, #tpu.memory_space<vmem>>, vector<2x64xf32>
    %dot_general3A_54 = arith.constant dense<0.000000e+00> : vector<10000x2xf32>
    %dot_general3A_55 = tpu.matmul %add3A_50, %get3A_53, %dot_general3A_54 {dimension_numbers = #tpu.dot_dimension_numbers<[1], [1], [0], [0], [0, 0, 1, 0], [], []>, transpose_lhs_hint = false} : vector<10000x64xf32>, vector<2x64xf32>, vector<10000x2xf32> -> vector<10000x2xf32>
    %get3A_56 = arith.constant 0 : index
    %get3A_57 = vector.load %arg8[%get3A_56] : memref<2xf32, #tpu.memory_space<vmem>>, vector<2xf32>
    %broadcast_in_dim3A_58 = vector.shape_cast %get3A_57 : vector<2xf32> to vector<1x2xf32>
    %add3A_59 = vector.broadcast %broadcast_in_dim3A_58 : vector<1x2xf32> to vector<10000x2xf32>
    %add3A_60 = arith.addf %dot_general3A_55, %add3A_59 : vector<10000x2xf32>
    %get3A_61 = arith.constant 0 : index
    %get3A_62 = arith.constant 0 : index
    %get3A_63 = vector.load %arg9[%get3A_61, %get3A_62] : memref<2x64xf32, #tpu.memory_space<vmem>>, vector<2x64xf32>
    %dot_general3A_64 = arith.constant dense<0.000000e+00> : vector<10000x2xf32>
    %dot_general3A_65 = tpu.matmul %add3A_50, %get3A_63, %dot_general3A_64 {dimension_numbers = #tpu.dot_dimension_numbers<[1], [1], [0], [0], [0, 0, 1, 0], [], []>, transpose_lhs_hint = false} : vector<10000x64xf32>, vector<2x64xf32>, vector<10000x2xf32> -> vector<10000x2xf32>
    %get3A_66 = arith.constant 0 : index
    %get3A_67 = vector.load %arg10[%get3A_66] : memref<2xf32, #tpu.memory_space<vmem>>, vector<2xf32>
    %broadcast_in_dim3A_68 = vector.shape_cast %get3A_67 : vector<2xf32> to vector<1x2xf32>
    %add3A_69 = vector.broadcast %broadcast_in_dim3A_68 : vector<1x2xf32> to vector<10000x2xf32>
    %add3A_70 = arith.addf %dot_general3A_65, %add3A_69 : vector<10000x2xf32>
    %get3A_71 = arith.constant 0 : index
    %get3A_72 = arith.constant 0 : index
    %get3A_73 = vector.load %arg4[%get3A_71, %get3A_72] : memref<10000x1xf32, #tpu.memory_space<vmem>>, vector<10000x1xf32>
    %mul3A_74 = vector.broadcast %get3A_73 : vector<10000x1xf32> to vector<10000x64xf32>
    %mul3A_75 = arith.mulf %add3A_50, %mul3A_74 : vector<10000x64xf32>
    %broadcast_in_dim3A_76 = arith.constant 0.000000e+00 : f32
    %broadcast_in_dim3A_77 = vector.broadcast %broadcast_in_dim3A_76 : f32 to vector<10000x14xf32>
    %broadcast_in_dim3A_78 = arith.constant 0.000000e+00 : f32
    %broadcast_in_dim3A_79 = vector.broadcast %broadcast_in_dim3A_78 : f32 to vector<10000x32xf32>
    %broadcast_in_dim3A_80 = arith.constant 0.000000e+00 : f32
    %broadcast_in_dim3A_81 = vector.broadcast %broadcast_in_dim3A_80 : f32 to vector<240x128xf32>
    %concatenate3A = tpu.concatenate %mul3A_75, %add3A_60, %broadcast_in_dim3A_77, %add3A_70, %broadcast_in_dim3A_77, %broadcast_in_dim3A_79 in 1 : vector<10000x64xf32>, vector<10000x2xf32>, vector<10000x14xf32>, vector<10000x2xf32>, vector<10000x14xf32>, vector<10000x32xf32> -> vector<10000x128xf32>
    %concatenate3A_82 = tpu.concatenate %concatenate3A, %broadcast_in_dim3A_81 in 0 : vector<10000x128xf32>, vector<240x128xf32> -> vector<10240x128xf32>
    %swap3A = arith.constant 0 : index
    %swap3A_83 = arith.constant 0 : index
    %swap3A_84 = vector.load %arg11[%swap3A, %swap3A_83] : memref<10240x128xf32, #tpu.memory_space<vmem>>, vector<10240x128xf32>
    tpu.vector_store %arg11[%swap3A, %swap3A_83], %concatenate3A_82 {strides = array<i32>} : memref<10240x128xf32, #tpu.memory_space<vmem>>, vector<10240x128xf32>,
    return
  }
}

module attributes {stable_mosaic.version = 14 : i64} {
  func.func @_tc_final_body(%arg0: memref<2x10240x128xf32, #tpu.memory_space<vmem>>, %arg1: memref<10000x1xf32, #tpu.memory_space<vmem>>, %arg2: memref<128xf32, #tpu.memory_space<vmem>>, %arg3: memref<128xf32, #tpu.memory_space<vmem>>, %arg4: memref<128x64xf32, #tpu.memory_space<vmem>>, %arg5: memref<64xf32, #tpu.memory_space<vmem>>, %arg6: memref<64x2xf32, #tpu.memory_space<vmem>>, %arg7: memref<2xf32, #tpu.memory_space<vmem>>, %arg8: memref<10000x2xf32, #tpu.memory_space<vmem>>) attributes {dimension_semantics = [], scalar_prefetch = 0 : i64, scratch_operands = 0 : i64, tpu.core_type = #tpu.core_type<tc>} {
    %get3A = arith.constant 0 : index
    %get3A_0 = arith.constant 0 : index
    %get3A_1 = arith.constant 0 : index
    %get3A_2 = vector.load %arg0[%get3A, %get3A_0, %get3A_1] : memref<2x10240x128xf32, #tpu.memory_space<vmem>>, vector<2x10240x128xf32>
    %get3A_3 = arith.constant 0 : index
    %get3A_4 = arith.constant 0 : index
    %get3A_5 = vector.load %arg1[%get3A_3, %get3A_4] : memref<10000x1xf32, #tpu.memory_space<vmem>>, vector<10000x1xf32>
    %get3A_6 = arith.constant 0 : index
    %get3A_7 = vector.load %arg2[%get3A_6] : memref<128xf32, #tpu.memory_space<vmem>>, vector<128xf32>
    %get3A_8 = arith.constant 0 : index
    %get3A_9 = vector.load %arg3[%get3A_8] : memref<128xf32, #tpu.memory_space<vmem>>, vector<128xf32>
    %slice3A = vector.extract_strided_slice %get3A_2 {offsets = [0, 0, 0], sizes = [1, 10000, 128], strides = [1, 1, 1]} : vector<2x10240x128xf32> to vector<1x10000x128xf32>
    %squeeze3A = vector.shape_cast %slice3A : vector<1x10000x128xf32> to vector<10000x128xf32>
    %slice3A_10 = vector.extract_strided_slice %get3A_2 {offsets = [1, 0, 0], sizes = [1, 10000, 128], strides = [1, 1, 1]} : vector<2x10240x128xf32> to vector<1x10000x128xf32>
    %squeeze3A_11 = vector.shape_cast %slice3A_10 : vector<1x10000x128xf32> to vector<10000x128xf32>
    %add3A = arith.addf %squeeze3A, %squeeze3A_11 : vector<10000x128xf32>
    %mul3A = vector.broadcast %get3A_5 : vector<10000x1xf32> to vector<10000x128xf32>
    %mul3A_12 = arith.mulf %add3A, %mul3A : vector<10000x128xf32>
    %reduce_sum3A = arith.constant dense<0.000000e+00> : vector<128xf32>
    %reduce_sum3A_13 = vector.multi_reduction <add>, %mul3A_12, %reduce_sum3A [0] : vector<10000x128xf32> to vector<128xf32>
    %broadcast_in_dim3A = vector.shape_cast %reduce_sum3A_13 : vector<128xf32> to vector<1x128xf32>
    %div3A = arith.constant 1.000000e+04 : f32
    %div3A_14 = vector.broadcast %div3A : f32 to vector<1x128xf32>
    %div3A_15 = arith.divf %broadcast_in_dim3A, %div3A_14 : vector<1x128xf32>
    %sub3A = vector.broadcast %div3A_15 : vector<1x128xf32> to vector<10000x128xf32>
    %sub3A_16 = arith.subf %mul3A_12, %sub3A : vector<10000x128xf32>
    %mul3A_17 = arith.mulf %sub3A_16, %sub3A_16 : vector<10000x128xf32>
    %reduce_sum3A_18 = arith.constant dense<0.000000e+00> : vector<128xf32>
    %reduce_sum3A_19 = vector.multi_reduction <add>, %mul3A_17, %reduce_sum3A_18 [0] : vector<10000x128xf32> to vector<128xf32>
    %broadcast_in_dim3A_20 = vector.shape_cast %reduce_sum3A_19 : vector<128xf32> to vector<1x128xf32>
    %div3A_21 = arith.constant 1.000000e+04 : f32
    %div3A_22 = vector.broadcast %div3A_21 : f32 to vector<1x128xf32>
    %div3A_23 = arith.divf %broadcast_in_dim3A_20, %div3A_22 : vector<1x128xf32>
    %sub3A_24 = vector.broadcast %div3A_15 : vector<1x128xf32> to vector<10000x128xf32>
    %sub3A_25 = arith.subf %mul3A_12, %sub3A_24 : vector<10000x128xf32>
    %add3A_26 = arith.constant 9.99999974E-6 : f32
    %add3A_27 = vector.broadcast %add3A_26 : f32 to vector<1x128xf32>
    %add3A_28 = arith.addf %div3A_23, %add3A_27 : vector<1x128xf32>
    %rsqrt3A = math.rsqrt %add3A_28 : vector<1x128xf32>
    %mul3A_29 = vector.broadcast %rsqrt3A : vector<1x128xf32> to vector<10000x128xf32>
    %mul3A_30 = arith.mulf %sub3A_25, %mul3A_29 : vector<10000x128xf32>
    %broadcast_in_dim3A_31 = vector.shape_cast %get3A_7 : vector<128xf32> to vector<1x128xf32>
    %mul3A_32 = vector.broadcast %broadcast_in_dim3A_31 : vector<1x128xf32> to vector<10000x128xf32>
    %mul3A_33 = arith.mulf %mul3A_30, %mul3A_32 : vector<10000x128xf32>
    %broadcast_in_dim3A_34 = vector.shape_cast %get3A_9 : vector<128xf32> to vector<1x128xf32>
    %add3A_35 = vector.broadcast %broadcast_in_dim3A_34 : vector<1x128xf32> to vector<10000x128xf32>
    %add3A_36 = arith.addf %mul3A_33, %add3A_35 : vector<10000x128xf32>
    %ge3A = arith.constant 0.000000e+00 : f32
    %ge3A_37 = vector.broadcast %ge3A : f32 to vector<10000x128xf32>
    %ge3A_38 = arith.cmpf oge, %add3A_36, %ge3A_37 : vector<10000x128xf32>
    %mul3A_39 = arith.constant 2.000000e-01 : f32
    %mul3A_40 = vector.broadcast %mul3A_39 : f32 to vector<10000x128xf32>
    %mul3A_41 = arith.mulf %mul3A_40, %add3A_36 : vector<10000x128xf32>
    %select_n3A = arith.select %ge3A_38, %add3A_36, %mul3A_41 : vector<10000x128xi1>, vector<10000x128xf32>
    %max3A = arith.constant 0.000000e+00 : f32
    %max3A_42 = vector.broadcast %max3A : f32 to vector<10000x128xf32>
    %max3A_43 = arith.maximumf %select_n3A, %max3A_42 : vector<10000x128xf32>
    %get3A_44 = arith.constant 0 : index
    %get3A_45 = arith.constant 0 : index
    %get3A_46 = vector.load %arg4[%get3A_44, %get3A_45] : memref<128x64xf32, #tpu.memory_space<vmem>>, vector<128x64xf32>
    %dot_general3A = arith.constant dense<0.000000e+00> : vector<10000x64xf32>
    %dot_general3A_47 = tpu.matmul %max3A_43, %get3A_46, %dot_general3A {dimension_numbers = #tpu.dot_dimension_numbers<[1], [0], [0], [1], [0, 0, 1, 1], [], []>, transpose_lhs_hint = false} : vector<10000x128xf32>, vector<128x64xf32>, vector<10000x64xf32> -> vector<10000x64xf32>
    %get3A_48 = arith.constant 0 : index
    %get3A_49 = vector.load %arg5[%get3A_48] : memref<64xf32, #tpu.memory_space<vmem>>, vector<64xf32>
    %broadcast_in_dim3A_50 = vector.shape_cast %get3A_49 : vector<64xf32> to vector<1x64xf32>
    %add3A_51 = vector.broadcast %broadcast_in_dim3A_50 : vector<1x64xf32> to vector<10000x64xf32>
    %add3A_52 = arith.addf %dot_general3A_47, %add3A_51 : vector<10000x64xf32>
    %max3A_53 = arith.constant 0.000000e+00 : f32
    %max3A_54 = vector.broadcast %max3A_53 : f32 to vector<10000x64xf32>
    %max3A_55 = arith.maximumf %add3A_52, %max3A_54 : vector<10000x64xf32>
    %get3A_56 = arith.constant 0 : index
    %get3A_57 = arith.constant 0 : index
    %get3A_58 = vector.load %arg6[%get3A_56, %get3A_57] : memref<64x2xf32, #tpu.memory_space<vmem>>, vector<64x2xf32>
    %dot_general3A_59 = arith.constant dense<0.000000e+00> : vector<10000x2xf32>
    %dot_general3A_60 = tpu.matmul %max3A_55, %get3A_58, %dot_general3A_59 {dimension_numbers = #tpu.dot_dimension_numbers<[1], [0], [0], [1], [0, 0, 1, 1], [], []>, transpose_lhs_hint = false} : vector<10000x64xf32>, vector<64x2xf32>, vector<10000x2xf32> -> vector<10000x2xf32>
    %get3A_61 = arith.constant 0 : index
    %get3A_62 = vector.load %arg7[%get3A_61] : memref<2xf32, #tpu.memory_space<vmem>>, vector<2xf32>
    %broadcast_in_dim3A_63 = vector.shape_cast %get3A_62 : vector<2xf32> to vector<1x2xf32>
    %add3A_64 = vector.broadcast %broadcast_in_dim3A_63 : vector<1x2xf32> to vector<10000x2xf32>
    %add3A_65 = arith.addf %dot_general3A_60, %add3A_64 : vector<10000x2xf32>
    %swap3A = arith.constant 0 : index
    %swap3A_66 = arith.constant 0 : index
    %swap3A_67 = vector.load %arg8[%swap3A, %swap3A_66] : memref<10000x2xf32, #tpu.memory_space<vmem>>, vector<10000x2xf32>
    tpu.vector_store %arg8[%swap3A, %swap3A_66], %add3A_65 {strides = array<i32>} : memref<10000x2xf32, #tpu.memory_space<vmem>>, vector<10000x2xf32>,
    return
  }
}

</mosaic_0001>

<sc_bundles>
// kernel: kernel.11.cloned.1.call-start
scs
__scs_entry_jumppad:
0x0: {  	(pc) =	sbr.rel $0x88, $3  }
0x1: {  	(tag) =	ssettag $0x0;
	lr =	simm.s32 $0x1  }
0x2: {  	[smem:$0x3F81] =	sst lr;
	_ =	strace $0xD0000000  }
0x3: {  	_ = 	snop  }
0x4: {  	_ = 	snop  }
0x5: {  	_ = 	snop  }
0x6: {  	_ = 	snop  }
0x7: {  	_ = 	snop  }
__scs_overlays_trampoline_lowered:
0x8: {  	[smem:$0x3F90] =	sst s0  }
0x9: {  	[smem:$0x3F91] =	sst s1  }
0xa: {  	[smem:$0x3F92] =	sst s2  }
0xb: {  	[smem:$0x3F93] =	sst s3  }
0xc: {  	[smem:$0x3F94] =	sst s4  }
0xd: {  	[smem:$0x3F95] =	sst s5  }
0xe: {  	[smem:$0x3F96] =	sst s6  }
0xf: {  	[smem:$0x3F97] =	sst s7  }
0x10: {  	[smem:$0x3F98] =	sst s8  }
0x11: {  	[smem:$0x3F99] =	sst s9;
	s0 =	simm.s32 @!p0 $0x0  }
0x12: {  	s1 =	sld [smem:$0x3F7F];
	s0 =	simm.s32 @p0 $0x1  }
0x13: {  	[smem:$0x3F9A] =	sst s0;
	s0 =	simm.s32 @!p1 $0x0  }
0x14: {  	s2 =	sld [smem:$0x3F7E];
	s0 =	simm.s32 @p1 $0x1  }
0x15: {  	[smem:$0x3F9B] =	sst s0;
	s0 =	simm.s32 @!p2 $0x0  }
0x16: {  	s3 =	sld [smem:$0x3FDB];
	s0 =	simm.s32 @p2 $0x1  }
0x17: {  	s4 =	simm.s32 $0x1BF5;
	[smem:$0x3F9D] =	sst s0  }
0x18: {  	s0 =	sld [smem:$0x3F80];
	_ =	swait.ge [sflag:s4], $0x0  }
0x19: {  	s7 =	sld [smem:$0x3F81]  }
0x1a: {  	s8 =	sadd.s32 $0xFFFFE003, lr  }
0x1b: {  	s9 =	sadd.s32 $0xFFFFFEF7, lr;
	s5 =	simm.s32 $0xFFFFFFFF;
	p2 =	slt.u32 s8, $0xFFFFF086  }
0x1c: {  	p1 =	slt.u32 s9, $0xF7A;
	s5 =	simm.s32 @!p2 $0x0  }
0x1d: {  	s5 =	simm.s32 @p1 $0x1;
	p0 =	seq.s32 s7, s2  }
0x1e: {  	s7 =	smul.u32 @!p0 $0xF7A, s2;
	p2 =	seq.s32 @!p0 s5, $0x0  }
0x1f: {  	s9 =	smul.u32 $0xF7A, s1;
	s8 =	simm.s32 @!p0 $0x1BF5;
	p2 =	por !p2, p0  }
0x20: {  	[sflag:s8] =	ssyncset.s32 @!p0 $0xFFFFF086;
	s6 =	sadd.s32 @!p0 s3, s7;
	s7 =	simm.s32 @!p0 $0x108  }
0x21: {  	s3 =	sadd.s32 s3, s9;
	s6 =	sadd.s32 @!p0 $0x88, s6;
	s7 =	simm.s32 @p2 $0x1082  }
0x22: {  	[simem:s7], [sflag:s8] =	dma.local @!p0 [hbm:s6], $0xF7A  }
0x23: {  	s9 =	sor.u32 $0xD0000000, s2;
	s6 =	simm.s32 $0x108;
	_ =	swait.ge @!p0 [sflag:s8], $0x0  }
0x24: {  	s3 =	sadd.s32 $0x88, s3;
	s6 =	simm.s32 @!p1 $0x1082;
	[sflag:s4] =	ssyncset.s32 $0xFFFFF086  }
0x25: {  	[simem:s6], [sflag:s4] =	dma.local [hbm:s3], $0xF7A  }
0x26: {  	[smem:$0x3F81] =	sst s1;
	(tag) =	ssettag s2;
	_ =	strace s9  }
0x27: {  	s1 =	sld [smem:$0x3F91]  }
0x28: {  	s2 =	sld [smem:$0x3F92]  }
0x29: {  	s4 =	sld [smem:$0x3F94]  }
0x2a: {  	p0 =	seq.s32 s5, $0x0;
	s5 =	sld [smem:$0x3F95]  }
0x2b: {  	s6 =	sld [smem:$0x3F96]  }
0x2c: {  	s7 =	sld [smem:$0x3F97]  }
0x2d: {  	s3 =	simm.s32 $0x108;
	s8 =	sld [smem:$0x3F98]  }
0x2e: {  	s3 =	simm.s32 @!p0 $0x1082;
	s9 =	sld [smem:$0x3F99]  }
0x2f: {  	lr =	sadd.s32 s0, s3;
	s0 =	sld [smem:$0x3F90]  }
0x30: {  	s3 =	sld [smem:$0x3F93]  }
0x31: {  	[smem:$0x3F9C] =	sst s10  }
0x32: {  	s10 =	sld [smem:$0x3F9A];
	_ =	sdelay $0x3  }
0x33: {  	p0 =	seq.s32 s10, $0x1;
	s10 =	sld [smem:$0x3F9C];
	_ =	sdelay $0x3  }
0x34: {  	[smem:$0x3F9C] =	sst s10  }
0x35: {  	s10 =	sld [smem:$0x3F9B];
	_ =	sdelay $0x3  }
0x36: {  	p1 =	seq.s32 s10, $0x1;
	s10 =	sld [smem:$0x3F9C];
	_ =	sdelay $0x3  }
0x37: {  	[smem:$0x3F9C] =	sst s10  }
0x38: {  	s10 =	sld [smem:$0x3F9D]  }
0x39: {  	_ = 	snop;
	(pc) =	sbr.ind lr, $3  }
0x3a: {  	_ = 	snop  }
0x3b: {  	_ = 	snop  }
0x3c: {  	p2 =	seq.s32 s10, $0x1;
	s10 =	sld [smem:$0x3F9C]  }
0x3d: {  	_ =	shalt  }
0x3e: {  	_ =	shalt  }
0x3f: {  	_ =	shalt  }
0x40: {  	_ =	shalt  }
0x41: {  	_ =	shalt  }
0x42: {  	_ =	shalt  }
0x43: {  	_ =	shalt  }
0x44: {  	_ =	shalt  }
0x45: {  	_ =	shalt  }
0x46: {  	_ =	shalt  }
0x47: {  	_ =	shalt  }
0x48: {  	_ =	shalt  }
0x49: {  	_ =	shalt  }
0x4a: {  	_ =	shalt  }
0x4b: {  	_ =	shalt  }
0x4c: {  	_ =	shalt  }
0x4d: {  	_ =	shalt  }
0x4e: {  	_ =	shalt  }
0x4f: {  	_ =	shalt  }
0x50: {  	_ =	shalt  }
0x51: {  	_ =	shalt  }
0x52: {  	_ =	shalt  }
0x53: {  	_ =	shalt  }
0x54: {  	_ =	shalt  }
0x55: {  	_ =	shalt  }
0x56: {  	_ =	shalt  }
0x57: {  	_ =	shalt  }
0x58: {  	_ =	shalt  }
0x59: {  	_ =	shalt  }
0x5a: {  	_ =	shalt  }
0x5b: {  	_ =	shalt  }
0x5c: {  	_ =	shalt  }
0x5d: {  	_ =	shalt  }
0x5e: {  	_ =	shalt  }
0x5f: {  	_ =	shalt  }
0x60: {  	_ =	shalt  }
0x61: {  	_ =	shalt  }
0x62: {  	_ =	shalt  }
0x63: {  	_ =	shalt  }
0x64: {  	_ =	shalt  }
0x65: {  	_ =	shalt  }
0x66: {  	_ =	shalt  }
0x67: {  	_ =	shalt  }
0x68: {  	_ =	shalt  }
0x69: {  	_ =	shalt  }
0x6a: {  	_ =	shalt  }
0x6b: {  	_ =	shalt  }
0x6c: {  	_ =	shalt  }
0x6d: {  	_ =	shalt  }
0x6e: {  	_ =	shalt  }
0x6f: {  	_ =	shalt  }
0x70: {  	_ =	shalt  }
0x71: {  	_ =	shalt  }
0x72: {  	_ =	shalt  }
0x73: {  	_ =	shalt  }
0x74: {  	_ =	shalt  }
0x75: {  	_ =	shalt  }
0x76: {  	_ =	shalt  }
0x77: {  	_ =	shalt  }
0x78: {  	_ =	shalt  }
0x79: {  	_ =	shalt  }
0x7a: {  	_ =	shalt  }
0x7b: {  	_ =	shalt  }
0x7c: {  	_ =	shalt  }
0x7d: {  	_ =	shalt  }
0x7e: {  	_ =	shalt  }
0x7f: {  	_ =	shalt  }
0x80: {  	_ =	shalt  }
0x81: {  	_ =	shalt  }
0x82: {  	_ =	shalt  }
0x83: {  	_ =	shalt  }
0x84: {  	_ =	shalt  }
0x85: {  	_ =	shalt  }
0x86: {  	_ =	shalt  }
0x87: {  	_ =	shalt  }
.Lfunc_end0:
.L_simem_size_0:
called_computation_lowered:
.L_overlay_start_0:
0x88: {  	s2 =	sld [smem:$0x3FD9]  }
0x89: {  	s3 =	sld [smem:$0x3FFE];
	_ =	sdelay $0x1  }
0x8a: {  	s1 =	srdreg.scid  }
0x8b: {  	s0 =	sand.u32 $0x1, s1  }
0x8c: {  	s16 =	sshll.u32 s0, $0xA;
	s2 =	sadd.s32 s3, s2  }
0x8d: {  	s2 =	sadd.s32 s2, s16  }
0x8e: {  	[smem:$0x3FA8] =	sst s2  }
0x8f: {  	_ = 	snop  }
0x90: {  	(tm) =	ssettm $0x1  }
0x91: {  	s17 =	sld [smem:$0x3FFB];
	_ =	sdelay $0x3  }
0x92: {  	_ =	strace s17  }
0x93: {  	s2 =	sld [smem:$0x3FFC];
	_ =	sdelay $0x3  }
0x94: {  	_ =	strace s2  }
0x95: {  	s2 =	sld [smem:$0x3FFD];
	_ =	sdelay $0x3  }
0x96: {  	_ =	strace s2  }
0x97: {  	_ =	strace $0x8FFFFFFF  }
0x98: {  	s18 =	sld [smem:$0x3FDB];
	_ =	sdelay $0x1  }
0x99: {  	s19 =	simm.s32 $_scs_section_size  }
0x9a: {  	s4 =	simm.s32 $_size__tile_overlayer_lowered;
	s5 =	simm.s32 $_tile_overlayer_lowered  }
0x9b: {  	s22 =	simm.s32 $0x1BFF;
	s21 =	sshll.u32 s5, $0x1;
	s2 =	sadd.s32 s19, s18  }
0x9c: {  	s6 =	simm.s32 $0x0;
	s20 =	sshll.u32 s4, $0x1;
	s4 =	sadd.s32 s21, s2  }
0x9d: {  	[timem:s6], [sflag:s22] =	dma.local [hbm:s4], s20  }
0x9e: {  	_ =	swait.ge [sflag:s22], s20  }
0x9f: {  	s3 =	ssub.s32 $0x0, s20;
	[sflag:s22] =	ssyncset.done $0x0  }
0xa0: {  	[sflag:s22] =	ssyncadd.s32 s3;
	_ =	sdelay $0x1  }
0xa1: {  	s23 =	simm.s32 $0x1B8B  }
0xa2: {  	_ =	swait.ge [sflag:s23], $0x1  }
0xa3: {  	[sflag:s23] =	ssyncset.done $0x0  }
0xa4: {  	s25 =	simm.s32 $0x1B8E;
	s24 =	sld [smem:$0x3FFE];
	[sflag:s23] =	ssyncadd.s32 $0xFFFFFFFF  }
0xa5: {  	s26 =	simm.s32 $execute0_lowered;
	[smem:$0x3FD2] =	sst s25  }
0xa6: {  	s4 =	sshll.u32 s26, $0x1;
	_ =	strace $0x80000046;
	[dreg:$0x1] =	wrdreg $0xFFFFFFFF  }
0xa7: {  	s28 =	simm.s32 $_size_execute0_lowered;
	s2 =	sadd.s32 s2, s4;
	[dreg:$0x0] =	wrdreg $0x0  }
0xa8: {  	s4 =	sshll.u32 s28, $0x1;
	[dreg:$0x2] =	wrdreg s2  }
0xa9: {  	[dreg:$0x3] =	wrdreg s4  }
0xaa: {  	[dreg:$0x4] =	wrdreg $0xC0  }
0xab: {  	_ =	task [dreg:s6], $0x5FFFF  }
0xac: {  	[dreg:$0x1] =	wrdreg $0xFFFFFFFF  }
0xad: {  	[dreg:$0x0] =	wrdreg $0x60  }
0xae: {  	[dreg:$0x2] =	wrdreg s24  }
0xaf: {  	[dreg:$0x3] =	wrdreg $0x28800  }
0xb0: {  	[dreg:$0x4] =	wrdreg $0x9  }
0xb1: {  	_ =	task.clear_ibuf [dreg:s6], $0x5FFFF;
	_ =	strace $0x90000046  }
0xb2: {  	s29 =	simm.s32 $0x9;
	_ =	strace $0x80000048  }
0xb3: {  	_ =	swait.ge [sflag:s29], $0x1  }
0xb4: {  	[sflag:s29] =	ssyncadd.s32 $0xFFFFFFFF  }
0xb5: {  	_ =	strace $0x90000048  }
0xb6: {  	_ =	sfence  }
0xb7: {  	s30 =	sld [smem:$0x0];
	_ =	sdelay $0x2  }
0xb8: {  	s31 =	sshll.u32 s1, $0xD;
	s1 =	sshrl.u32 s1, $0x2  }
0xb9: {  	s3 =	sand.u32 $0x4000, s31;
	s1 =	sadd.s32 s1, s30  }
0xba: {  	s0 =	sor.u32 s3, s0;
	s1 =	sshll.u32 s1, $0x11  }
0xbb: {  	s0 =	sor.u32 s1, s0  }
0xbc: {  	s0 =	sadd.s32 $0x8F2B, s0  }
0xbd: {  	[sflag:s0] =	ssyncadd.remote.s32 $0x1  }
0xbe: {  	_ =	sfence.sel $0xFFFF  }
0xbf: {  	[dreg:$0x0] =	wrdreg $0xFFFFFFFF;
	(pc) =	sbr.abs _section_cstart, $3  }
0xc0: {  	[dreg:$0x1] =	wrdreg $0xFFFFFFFF  }
0xc1: {  	_ =	task.clear_ibuf [dreg:s6], $0x2FFFF;
	_ =	strace $0x9FFFFFFF  }
0xc2: {  	(tm) =	ssettm $0x7FFFFFFF  }
0xc3: {  	_ =	shalt  }
tec
execute0_lowered:
.L_overlay_start_1:
0x0: {  	(tag) =	ssettag $0x1  }
0x1: {  	s0 =	srdreg.scid;
	s4 =	rddreg [dreg:$0x0]  }
0x2: {  	s2 =	rddreg [dreg:$0x1];
	s5 =	sand.u32 $0x1, s0  }
0x3: {  	s0 =	stileid.u32;
	s6 =	smul.u32 $0x27100, s5  }
0x4: {  	s1 =	rddreg [dreg:$0x2];
	s3 =	simm.s32 $0x0;
	s7 =	smul.u32 $0x2710, s0  }
0x5: {  	s15 =	simm.s32 $0x80;
	s16 =	simm.s32 $0x1;
	s8 =	smul.u32 $0x140000, s5  }
0x6: {  	s17 =	simm.s32 $0x50;
	s20 =	simm.s32 $0x0;
	s28 =	smul.u32 $0x14000, s0  }
0x7: {  	[smem:$0x7FF] =	sst s3;
	s9 =	smul.u32 $0x50000, s0;
	s5 =	ssub.s32 $0x2, s5  }
0x8: {  	_ =	strace $0x80000047;
	s18 =	sshll.u32 s0, $0x6;
	s31 =	sshrl.u32 s5, $0x1  }
0x9: {  	s18 =	sor.u32 $0x1C01, s18;
	s6 =	sadd.s32 s7, s6;
	s29 =	sadd.s32 s28, s8  }
0xa: {  	s30 =	sshrl.u32 s9, $0x2;
	s13 =	ssub.s32 s5, s31;
	s6 =	sshrl.u32 s6, $0x3  }
0xb: {  	s13 =	smax.u32 s13, $0x1;
	s14 =	sadd.s32 s6, s4;
	s6 =	sshrl.u32 s29, $0x3  }
0xc: {  	s12 =	sadd.s32 s6, s4;
	s4 =	sadd.s32 s30, s2;
	s14 =	sadd.s32 $0x4E00, s14  }
0xd: {  	s5 =	sadd.s32 $0x2800, s4;
	s6 =	sadd.s32 $0x5000, s4;
	s7 =	sadd.s32 $0x7800, s4  }
0xe: {  	s8 =	sadd.s32 $0xA000, s4;
	s9 =	sadd.s32 $0xC800, s4;
	s10 =	sadd.s32 $0xF000, s4  }
0xf: {  	v0 =	vimm.f32 $0.0e+00;
	v1 =	vimm.f32 $1.000000000e+00;
	s11 =	sadd.s32 $0x11800, s4;
	s12 =	sadd.s32 $0x18A00, s12;
	s19 =	sshrl.u32 s4, $0x3  }
.LBB2_1:
0x10: {  	s21 =	simm.s32 $0x0;
	s22 =	simm.s32 $0x200  }
.LBB2_2:
0x11: {  	p0 =	sne.s32 s22, $0x9E00;
	[tilespmem:s21+$0xF0] =	vst v0  }
0x12: {  	[tilespmem:s21+$0x80] =	vst v0  }
0x13: {  	[tilespmem:s21+$0x90] =	vst v0  }
.Ltmp0:
0x14: {  	[tilespmem:s21+$0xA0] =	vst v0;
	(pc) =	sbr.rel @p0 .LBB2_2-.Ltmp0, $4  }
0x15: {  	[tilespmem:s21+$0xB0] =	vst v0  }
0x16: {  	[tilespmem:s21+$0xC0] =	vst v0  }
0x17: {  	[tilespmem:s21+$0xD0] =	vst v0  }
0x18: {  	[tilespmem:s21+$0xE0] =	vst v0;
	s21 =	sshra.s32 s22, $0x2;
	s22 =	sadd.s32 $0x200, s22  }
0x19: {  	[tilespmem:s21+$0xF0] =	vst v0  }
0x1a: {  	[tilespmem:s21+$0x80] =	vst v0  }
0x1b: {  	[tilespmem:s21+$0x90] =	vst v0  }
0x1c: {  	[tilespmem:s21+$0xA0] =	vst v0  }
0x1d: {  	[tilespmem:s21+$0xB0] =	vst v0  }
0x1e: {  	[tilespmem:s21+$0xC0] =	vst v0  }
0x1f: {  	[tilespmem:s21+$0xD0] =	vst v0  }
0x20: {  	[tilespmem:s21+$0xE0] =	vst v0  }
0x21: {  	[spmem:s4] =	stream.linear.scatter [tilespmem:s15], [sflag:$0x1], $0x2800, $0x38;
	[tilespmem:$0x16880] =	vst v63  }
0x22: {  	_ =	swait.ge [sflag:s16], $0x2800  }
0x23: {  	[sflag:s16] =	ssyncset.done $0x0  }
0x24: {  	[sflag:s16] =	ssyncadd.s32 $0xFFFFD800  }
0x25: {  	[spmem:s5] =	stream.linear.scatter [tilespmem:s15], [sflag:$0x1], $0x2800, $0x38;
	[tilespmem:$0x16880] =	vst v63  }
0x26: {  	_ =	swait.ge [sflag:s16], $0x2800  }
0x27: {  	[sflag:s16] =	ssyncset.done $0x0  }
0x28: {  	[sflag:s16] =	ssyncadd.s32 $0xFFFFD800  }
0x29: {  	[spmem:s6] =	stream.linear.scatter [tilespmem:s15], [sflag:$0x1], $0x2800, $0x38;
	[tilespmem:$0x16880] =	vst v63  }
0x2a: {  	_ =	swait.ge [sflag:s16], $0x2800  }
0x2b: {  	[sflag:s16] =	ssyncset.done $0x0  }
0x2c: {  	[sflag:s16] =	ssyncadd.s32 $0xFFFFD800  }
0x2d: {  	[spmem:s7] =	stream.linear.scatter [tilespmem:s15], [sflag:$0x1], $0x2800, $0x38;
	[tilespmem:$0x16880] =	vst v63  }
0x2e: {  	_ =	swait.ge [sflag:s16], $0x2800  }
0x2f: {  	[sflag:s16] =	ssyncset.done $0x0  }
0x30: {  	[sflag:s16] =	ssyncadd.s32 $0xFFFFD800  }
0x31: {  	[spmem:s8] =	stream.linear.scatter [tilespmem:s15], [sflag:$0x1], $0x2800, $0x38;
	[tilespmem:$0x16880] =	vst v63  }
0x32: {  	_ =	swait.ge [sflag:s16], $0x2800  }
0x33: {  	[sflag:s16] =	ssyncset.done $0x0  }
0x34: {  	[sflag:s16] =	ssyncadd.s32 $0xFFFFD800  }
0x35: {  	[spmem:s9] =	stream.linear.scatter [tilespmem:s15], [sflag:$0x1], $0x2800, $0x38;
	[tilespmem:$0x16880] =	vst v63  }
0x36: {  	_ =	swait.ge [sflag:s16], $0x2800  }
0x37: {  	[sflag:s16] =	ssyncset.done $0x0  }
0x38: {  	[sflag:s16] =	ssyncadd.s32 $0xFFFFD800  }
0x39: {  	[spmem:s10] =	stream.linear.scatter [tilespmem:s15], [sflag:$0x1], $0x2800, $0x38;
	[tilespmem:$0x16880] =	vst v63  }
0x3a: {  	_ =	swait.ge [sflag:s16], $0x2800  }
0x3b: {  	[sflag:s16] =	ssyncset.done $0x0  }
0x3c: {  	[sflag:s16] =	ssyncadd.s32 $0xFFFFD800  }
0x3d: {  	[spmem:s11] =	stream.linear.scatter [tilespmem:s15], [sflag:$0x1], $0x2800, $0x38;
	[tilespmem:$0x16880] =	vst v63  }
0x3e: {  	_ =	swait.ge [sflag:s16], $0x2800  }
0x3f: {  	[sflag:s16] =	ssyncset.done $0x0  }
0x40: {  	s21 =	simm.s32 $0x200;
	s22 =	simm.s32 $0x0;
	[sflag:s16] =	ssyncadd.s32 $0xFFFFD800  }
.LBB2_4:
0x41: {  	p0 =	sne.s32 s21, $0x9E00;
	[tilespmem:s22+$0x80] =	vst v1;
	s22 =	smov.u32 s21;
	s21 =	sadd.s32 $0x200, s21  }
.Ltmp1:
0x42: {  	(pc) =	sbr.rel @p0 .LBB2_4-.Ltmp1, $2  }
0x43: {  	_ =	sdelay $0x2  }
0x44: {  	s22 =	sshra.s32 s22, $0x2  }
0x45: {  	[tilespmem:s22+$0x80] =	vst v1  }
0x46: {  	s21 =	sadd.s32 $0x0, s14;
	[bflag:$0x0] =	sbarrier.arrive $0xFFFF  }
0x47: {  	[tilespmem:s3], [sflag:$0x1] =	stream.linear.gather [hbm4b:s21+s3], $0x50, $0x38;
	[tilespmem:$0x16880] =	vst v63  }
0x48: {  	_ =	swait.ge [sflag:s16], $0x50  }
0x49: {  	[sflag:s16] =	ssyncset.done $0x0  }
0x4a: {  	[sflag:s16] =	ssyncadd.s32 $0xFFFFFFB0  }
0x4b: {  	[spmem:s2] =	stream.indirect.scatter.add.f32 [tilespmem:s15], [sflag:$0x1], $0x80, s3, s17, $0xb8;
	[tilespmem:$0x16880] =	vst v63  }
0x4c: {  	_ =	swait.ge [sflag:s16], $0x2800  }
0x4d: {  	s22 =	simm.s32 $0x14;
	s21 =	simm.s32 $0xA;
	[sflag:s16] =	ssyncset.done $0x0  }
.LBB2_6:
0x4e: {  	s23 =	sadd.s32 s21, s14  }
0x4f: {  	[sflag:s16] =	ssyncadd.s32 $0xFFFFD800;
	s21 =	smov.u32 s22;
	s24 =	sadd.s32 $0xA, s22  }
0x50: {  	[tilespmem:s3], [sflag:$0x1] =	stream.linear.gather [hbm4b:s23+s3], $0x50, $0x38;
	[tilespmem:$0x16880] =	vst v63  }
0x51: {  	p0 =	sne.s32 s22, $0x4D8;
	_ =	swait.ge [sflag:s16], $0x50  }
.Ltmp2:
0x52: {  	[sflag:s16] =	ssyncset.done $0x0;
	(pc) =	sbr.rel @p0 .LBB2_6-.Ltmp2, $4  }
0x53: {  	[sflag:s16] =	ssyncadd.s32 $0xFFFFFFB0  }
0x54: {  	[spmem:s2] =	stream.indirect.scatter.add.f32 [tilespmem:s15], [sflag:$0x1], $0x80, s3, s17, $0xb8;
	[tilespmem:$0x16880] =	vst v63  }
0x55: {  	_ =	swait.ge [sflag:s16], $0x2800  }
0x56: {  	s22 =	smov.u32 s24;
	[sflag:s16] =	ssyncset.done $0x0  }
0x57: {  	s21 =	sadd.s32 s21, s14;
	[sflag:s16] =	ssyncadd.s32 $0xFFFFD800  }
0x58: {  	[tilespmem:s3], [sflag:$0x1] =	stream.linear.gather [hbm4b:s21+s3], $0x50, $0x38;
	[tilespmem:$0x16880] =	vst v63  }
0x59: {  	_ =	swait.ge [sflag:s16], $0x50  }
0x5a: {  	[sflag:s16] =	ssyncset.done $0x0  }
0x5b: {  	[sflag:s16] =	ssyncadd.s32 $0xFFFFFFB0  }
0x5c: {  	[spmem:s2] =	stream.indirect.scatter.add.f32 [tilespmem:s15], [sflag:$0x1], $0x80, s3, s17, $0xb8;
	[tilespmem:$0x16880] =	vst v63  }
0x5d: {  	_ =	swait.ge [sflag:s16], $0x2800  }
0x5e: {  	s20 =	sadd.s32 $0x1, s20;
	[sflag:s16] =	ssyncset.done $0x0  }
0x5f: {  	p0 =	sne.s32 s20, s13;
	[sflag:s16] =	ssyncadd.s32 $0xFFFFD800  }
.Ltmp3:
0x60: {  	[bflag:$0x0] =	sbarrier.arrive $0xFFFF;
	(pc) =	sbr.rel @p0 .LBB2_1-.Ltmp3, $4  }
0x61: {  	[hbm:s12], [sflag:s18] =	dma.local [spmem:s19], $0x2800  }
0x62: {  	_ =	swait.ge [sflag:s16], $0x2800  }
0x63: {  	[sflag:s16] =	ssyncset.done $0x0  }
0x64: {  	[sflag:s16] =	ssyncadd.s32 $0xFFFFD800  }
0x65: {  	_ =	sfence.sel $0x180000  }
0x66: {  	[bflag:$0x0] =	sbarrier.arrive $0xFFFF  }
0x67: {  	p0 =	sne.s32 s0, $0x0;
	_ =	strace $0x90000047  }
0x68: {  	s0 =	sadd.s32 @!p0 $0x100000, s1;
	[bflag:$0x2] =	sbarrier.arrive $0xFFFF  }
0x69: {  	[sflag:s0] =	ssyncadd.tile.s32 @!p0 $0x1;
	_ =	shalt  }
.Lfunc_end2:
_tile_overlayer_lowered:
.L_overlay_start_2:
0x6a: {  	(tag) =	ssettag $0x2  }
0x6b: {  	s0 =	rddreg [dreg:$0x0];
	s2 =	stileid.u32  }
0x6c: {  	s1 =	rddreg [dreg:$0x1];
	p0 =	sne.s32 s2, $0x0  }
0x6d: {  	s3 =	rddreg [dreg:$0x2];
	[bflag:$0x3] =	sbarrier.arrive $0xFFFF;
	s2 =	simm.s32 @!p0 $0x1C01  }
0x6e: {  	[timem:s3], [sflag:s2] =	dma.local @!p0 [hbm:s0], s1  }
0x6f: {  	s0 =	simm.s32 @!p0 $0x1  }
0x70: {  	_ =	swait.ge @!p0 [sflag:s0], s1  }
0x71: {  	s1 =	ssub.s32 @!p0 $0x0, s1;
	[sflag:s0] =	ssyncset.done @!p0 $0x0  }
0x72: {  	[sflag:s0] =	ssyncadd.s32 @!p0 s1  }
0x73: {  	[bflag:$0x3] =	sbarrier.arrive $0xFFFF  }
0x74: {  	_ =	shalt  }

// kernel: kernel.14.cloned.1.call-start
scs
__scs_entry_jumppad:
0x0: {  	(pc) =	sbr.rel $0x88, $3  }
0x1: {  	(tag) =	ssettag $0x0;
	lr =	simm.s32 $0x1  }
0x2: {  	[smem:$0x3F81] =	sst lr;
	_ =	strace $0xD0000000  }
0x3: {  	_ = 	snop  }
0x4: {  	_ = 	snop  }
0x5: {  	_ = 	snop  }
0x6: {  	_ = 	snop  }
0x7: {  	_ = 	snop  }
__scs_overlays_trampoline_lowered:
0x8: {  	[smem:$0x3F90] =	sst s0  }
0x9: {  	[smem:$0x3F91] =	sst s1  }
0xa: {  	[smem:$0x3F92] =	sst s2  }
0xb: {  	[smem:$0x3F93] =	sst s3  }
0xc: {  	[smem:$0x3F94] =	sst s4  }
0xd: {  	[smem:$0x3F95] =	sst s5  }
0xe: {  	[smem:$0x3F96] =	sst s6  }
0xf: {  	[smem:$0x3F97] =	sst s7  }
0x10: {  	[smem:$0x3F98] =	sst s8  }
0x11: {  	[smem:$0x3F99] =	sst s9;
	s0 =	simm.s32 @!p0 $0x0  }
0x12: {  	s1 =	sld [smem:$0x3F7F];
	s0 =	simm.s32 @p0 $0x1  }
0x13: {  	[smem:$0x3F9A] =	sst s0;
	s0 =	simm.s32 @!p1 $0x0  }
0x14: {  	s2 =	sld [smem:$0x3F7E];
	s0 =	simm.s32 @p1 $0x1  }
0x15: {  	[smem:$0x3F9B] =	sst s0;
	s0 =	simm.s32 @!p2 $0x0  }
0x16: {  	s3 =	sld [smem:$0x3FDB];
	s0 =	simm.s32 @p2 $0x1  }
0x17: {  	s4 =	simm.s32 $0x1BF5;
	[smem:$0x3F9D] =	sst s0  }
0x18: {  	s0 =	sld [smem:$0x3F80];
	_ =	swait.ge [sflag:s4], $0x0  }
0x19: {  	s7 =	sld [smem:$0x3F81]  }
0x1a: {  	s8 =	sadd.s32 $0xFFFFE003, lr  }
0x1b: {  	s9 =	sadd.s32 $0xFFFFFEF7, lr;
	s5 =	simm.s32 $0xFFFFFFFF;
	p2 =	slt.u32 s8, $0xFFFFF086  }
0x1c: {  	p1 =	slt.u32 s9, $0xF7A;
	s5 =	simm.s32 @!p2 $0x0  }
0x1d: {  	s5 =	simm.s32 @p1 $0x1;
	p0 =	seq.s32 s7, s2  }
0x1e: {  	s7 =	smul.u32 @!p0 $0xF7A, s2;
	p2 =	seq.s32 @!p0 s5, $0x0  }
0x1f: {  	s9 =	smul.u32 $0xF7A, s1;
	s8 =	simm.s32 @!p0 $0x1BF5;
	p2 =	por !p2, p0  }
0x20: {  	[sflag:s8] =	ssyncset.s32 @!p0 $0xFFFFF086;
	s6 =	sadd.s32 @!p0 s3, s7;
	s7 =	simm.s32 @!p0 $0x108  }
0x21: {  	s3 =	sadd.s32 s3, s9;
	s6 =	sadd.s32 @!p0 $0x88, s6;
	s7 =	simm.s32 @p2 $0x1082  }
0x22: {  	[simem:s7], [sflag:s8] =	dma.local @!p0 [hbm:s6], $0xF7A  }
0x23: {  	s9 =	sor.u32 $0xD0000000, s2;
	s6 =	simm.s32 $0x108;
	_ =	swait.ge @!p0 [sflag:s8], $0x0  }
0x24: {  	s3 =	sadd.s32 $0x88, s3;
	s6 =	simm.s32 @!p1 $0x1082;
	[sflag:s4] =	ssyncset.s32 $0xFFFFF086  }
0x25: {  	[simem:s6], [sflag:s4] =	dma.local [hbm:s3], $0xF7A  }
0x26: {  	[smem:$0x3F81] =	sst s1;
	(tag) =	ssettag s2;
	_ =	strace s9  }
0x27: {  	s1 =	sld [smem:$0x3F91]  }
0x28: {  	s2 =	sld [smem:$0x3F92]  }
0x29: {  	s4 =	sld [smem:$0x3F94]  }
0x2a: {  	p0 =	seq.s32 s5, $0x0;
	s5 =	sld [smem:$0x3F95]  }
0x2b: {  	s6 =	sld [smem:$0x3F96]  }
0x2c: {  	s7 =	sld [smem:$0x3F97]  }
0x2d: {  	s3 =	simm.s32 $0x108;
	s8 =	sld [smem:$0x3F98]  }
0x2e: {  	s3 =	simm.s32 @!p0 $0x1082;
	s9 =	sld [smem:$0x3F99]  }
0x2f: {  	lr =	sadd.s32 s0, s3;
	s0 =	sld [smem:$0x3F90]  }
0x30: {  	s3 =	sld [smem:$0x3F93]  }
0x31: {  	[smem:$0x3F9C] =	sst s10  }
0x32: {  	s10 =	sld [smem:$0x3F9A];
	_ =	sdelay $0x3  }
0x33: {  	p0 =	seq.s32 s10, $0x1;
	s10 =	sld [smem:$0x3F9C];
	_ =	sdelay $0x3  }
0x34: {  	[smem:$0x3F9C] =	sst s10  }
0x35: {  	s10 =	sld [smem:$0x3F9B];
	_ =	sdelay $0x3  }
0x36: {  	p1 =	seq.s32 s10, $0x1;
	s10 =	sld [smem:$0x3F9C];
	_ =	sdelay $0x3  }
0x37: {  	[smem:$0x3F9C] =	sst s10  }
0x38: {  	s10 =	sld [smem:$0x3F9D]  }
0x39: {  	_ = 	snop;
	(pc) =	sbr.ind lr, $3  }
0x3a: {  	_ = 	snop  }
0x3b: {  	_ = 	snop  }
0x3c: {  	p2 =	seq.s32 s10, $0x1;
	s10 =	sld [smem:$0x3F9C]  }
0x3d: {  	_ =	shalt  }
0x3e: {  	_ =	shalt  }
0x3f: {  	_ =	shalt  }
0x40: {  	_ =	shalt  }
0x41: {  	_ =	shalt  }
0x42: {  	_ =	shalt  }
0x43: {  	_ =	shalt  }
0x44: {  	_ =	shalt  }
0x45: {  	_ =	shalt  }
0x46: {  	_ =	shalt  }
0x47: {  	_ =	shalt  }
0x48: {  	_ =	shalt  }
0x49: {  	_ =	shalt  }
0x4a: {  	_ =	shalt  }
0x4b: {  	_ =	shalt  }
0x4c: {  	_ =	shalt  }
0x4d: {  	_ =	shalt  }
0x4e: {  	_ =	shalt  }
0x4f: {  	_ =	shalt  }
0x50: {  	_ =	shalt  }
0x51: {  	_ =	shalt  }
0x52: {  	_ =	shalt  }
0x53: {  	_ =	shalt  }
0x54: {  	_ =	shalt  }
0x55: {  	_ =	shalt  }
0x56: {  	_ =	shalt  }
0x57: {  	_ =	shalt  }
0x58: {  	_ =	shalt  }
0x59: {  	_ =	shalt  }
0x5a: {  	_ =	shalt  }
0x5b: {  	_ =	shalt  }
0x5c: {  	_ =	shalt  }
0x5d: {  	_ =	shalt  }
0x5e: {  	_ =	shalt  }
0x5f: {  	_ =	shalt  }
0x60: {  	_ =	shalt  }
0x61: {  	_ =	shalt  }
0x62: {  	_ =	shalt  }
0x63: {  	_ =	shalt  }
0x64: {  	_ =	shalt  }
0x65: {  	_ =	shalt  }
0x66: {  	_ =	shalt  }
0x67: {  	_ =	shalt  }
0x68: {  	_ =	shalt  }
0x69: {  	_ =	shalt  }
0x6a: {  	_ =	shalt  }
0x6b: {  	_ =	shalt  }
0x6c: {  	_ =	shalt  }
0x6d: {  	_ =	shalt  }
0x6e: {  	_ =	shalt  }
0x6f: {  	_ =	shalt  }
0x70: {  	_ =	shalt  }
0x71: {  	_ =	shalt  }
0x72: {  	_ =	shalt  }
0x73: {  	_ =	shalt  }
0x74: {  	_ =	shalt  }
0x75: {  	_ =	shalt  }
0x76: {  	_ =	shalt  }
0x77: {  	_ =	shalt  }
0x78: {  	_ =	shalt  }
0x79: {  	_ =	shalt  }
0x7a: {  	_ =	shalt  }
0x7b: {  	_ =	shalt  }
0x7c: {  	_ =	shalt  }
0x7d: {  	_ =	shalt  }
0x7e: {  	_ =	shalt  }
0x7f: {  	_ =	shalt  }
0x80: {  	_ =	shalt  }
0x81: {  	_ =	shalt  }
0x82: {  	_ =	shalt  }
0x83: {  	_ =	shalt  }
0x84: {  	_ =	shalt  }
0x85: {  	_ =	shalt  }
0x86: {  	_ =	shalt  }
0x87: {  	_ =	shalt  }
.Lfunc_end0:
.L_simem_size_0:
called_computation.1_lowered:
.L_overlay_start_0:
0x88: {  	s2 =	sld [smem:$0x3FD9]  }
0x89: {  	s3 =	sld [smem:$0x3FFE];
	_ =	sdelay $0x1  }
0x8a: {  	s1 =	srdreg.scid  }
0x8b: {  	s0 =	sand.u32 $0x1, s1  }
0x8c: {  	s17 =	sshll.u32 s0, $0xA;
	s2 =	sadd.s32 s3, s2  }
0x8d: {  	s2 =	sadd.s32 s2, s17  }
0x8e: {  	[smem:$0x3FA8] =	sst s2  }
0x8f: {  	_ = 	snop  }
0x90: {  	s2 =	sld [smem:$0x3FC9]  }
0x91: {  	s18 =	sld [smem:$0x3FD0];
	(tm) =	ssettm $0x1  }
0x92: {  	s4 =	sld [smem:$0x3FFB];
	_ =	sdelay $0x3  }
0x93: {  	_ =	strace s4  }
0x94: {  	s4 =	sld [smem:$0x3FFC];
	_ =	sdelay $0x3  }
0x95: {  	_ =	strace s4  }
0x96: {  	s4 =	sld [smem:$0x3FFD];
	_ =	sdelay $0x3  }
0x97: {  	_ =	strace s4  }
0x98: {  	_ =	strace $0x8FFFFFFF  }
0x99: {  	s19 =	sld [smem:$0x3FDB];
	_ =	sdelay $0x1  }
0x9a: {  	s5 =	simm.s32 $_scs_section_size  }
0x9b: {  	s6 =	simm.s32 $_size__tile_overlayer_lowered;
	s7 =	simm.s32 $_tile_overlayer_lowered  }
0x9c: {  	s22 =	simm.s32 $0x1BFF;
	s21 =	sshll.u32 s7, $0x1;
	s4 =	sadd.s32 s5, s19  }
0x9d: {  	s8 =	simm.s32 $0x0;
	s20 =	sshll.u32 s6, $0x1;
	s6 =	sadd.s32 s21, s4  }
0x9e: {  	[timem:s8], [sflag:s22] =	dma.local [hbm:s6], s20  }
0x9f: {  	_ =	swait.ge [sflag:s22], s20  }
0xa0: {  	s5 =	ssub.s32 $0x0, s20;
	[sflag:s22] =	ssyncset.done $0x0  }
0xa1: {  	[sflag:s22] =	ssyncadd.s32 s5;
	_ =	sdelay $0x1  }
0xa2: {  	s23 =	simm.s32 $0x1B8B  }
0xa3: {  	_ =	swait.ge [sflag:s23], $0x1  }
0xa4: {  	[sflag:s23] =	ssyncset.done $0x0  }
0xa5: {  	s25 =	simm.s32 $0x1B8E;
	s24 =	sld [smem:$0x3FFE];
	[sflag:s23] =	ssyncadd.s32 $0xFFFFFFFF  }
0xa6: {  	s26 =	simm.s32 $execute0_lowered;
	[smem:$0x3FD2] =	sst s25  }
0xa7: {  	s6 =	sshll.u32 s26, $0x1;
	_ =	strace $0x80000049;
	[dreg:$0x1] =	wrdreg $0xFFFFFFFF  }
0xa8: {  	s28 =	simm.s32 $_size_execute0_lowered;
	s4 =	sadd.s32 s4, s6;
	[dreg:$0x0] =	wrdreg $0x0  }
0xa9: {  	s6 =	sshll.u32 s28, $0x1;
	[dreg:$0x2] =	wrdreg s4  }
0xaa: {  	[dreg:$0x3] =	wrdreg s6  }
0xab: {  	[dreg:$0x4] =	wrdreg $0xC0  }
0xac: {  	_ =	task [dreg:s8], $0x5FFFF  }
0xad: {  	[dreg:$0x1] =	wrdreg $0xFFFFFFFF  }
0xae: {  	[dreg:$0x0] =	wrdreg $0x60  }
0xaf: {  	[dreg:$0x2] =	wrdreg s2  }
0xb0: {  	[dreg:$0x3] =	wrdreg s18  }
0xb1: {  	[dreg:$0x4] =	wrdreg s24  }
0xb2: {  	[dreg:$0x5] =	wrdreg $0x66000  }
0xb3: {  	[dreg:$0x6] =	wrdreg $0x9  }
0xb4: {  	_ =	task.clear_ibuf [dreg:s8], $0x7FFFF;
	_ =	strace $0x90000049  }
0xb5: {  	s29 =	simm.s32 $0x9;
	_ =	strace $0x8000004B  }
0xb6: {  	_ =	swait.ge [sflag:s29], $0x1  }
0xb7: {  	[sflag:s29] =	ssyncadd.s32 $0xFFFFFFFF  }
0xb8: {  	_ =	strace $0x9000004B  }
0xb9: {  	_ =	sfence  }
0xba: {  	s30 =	sld [smem:$0x0];
	_ =	sdelay $0x2  }
0xbb: {  	s31 =	sshll.u32 s1, $0xD;
	s1 =	sshrl.u32 s1, $0x2  }
0xbc: {  	s3 =	sand.u32 $0x4000, s31;
	s1 =	sadd.s32 s1, s30  }
0xbd: {  	s0 =	sor.u32 s3, s0;
	s1 =	sshll.u32 s1, $0x11  }
0xbe: {  	s0 =	sor.u32 s1, s0  }
0xbf: {  	s0 =	sadd.s32 $0x8F2B, s0  }
0xc0: {  	[sflag:s0] =	ssyncadd.remote.s32 $0x1  }
0xc1: {  	_ =	sfence.sel $0xFFFF  }
0xc2: {  	[dreg:$0x0] =	wrdreg $0xFFFFFFFF;
	(pc) =	sbr.abs _section_cstart, $3  }
0xc3: {  	[dreg:$0x1] =	wrdreg $0xFFFFFFFF  }
0xc4: {  	_ =	task.clear_ibuf [dreg:s8], $0x2FFFF;
	_ =	strace $0x9FFFFFFF  }
0xc5: {  	(tm) =	ssettm $0x7FFFFFFF  }
tec
execute0_lowered:
.L_overlay_start_1:
0x0: {  	(tag) =	ssettag $0x1  }
0x1: {  	s7 =	rddreg [dreg:$0x0]  }
0x2: {  	s8 =	rddreg [dreg:$0x1]  }
0x3: {  	s4 =	rddreg [dreg:$0x2]  }
0x4: {  	s1 =	rddreg [dreg:$0x3];
	s2 =	srdreg.scid  }
0x5: {  	s0 =	rddreg [dreg:$0x4];
	s10 =	stileid.u32  }
0x6: {  	s15 =	simm.s32 $0x200;
	s16 =	simm.s32 $0x1;
	s5 =	sand.u32 $0x1, s2  }
0x7: {  	s2 =	simm.s32 $0x0;
	s12 =	sadd.s32 $0x19800, s4;
	s3 =	sshll.u32 s5, $0x4  }
0x8: {  	p0 =	sne.s32 s10, $0x0;
	[smem:$0x7FF] =	sst s2;
	s17 =	sor.u32 s10, s3  }
0x9: {  	s5 =	ssub.s32 $0x2, s5;
	_ =	strace $0x8000004A;
	s6 =	smul.u32 $0x19, s17  }
0xa: {  	s31 =	sshrl.u32 s5, $0x1;
	s9 =	smul.u32 $0xC80, s17;
	s11 =	sor.u32 $0x20, s17  }
0xb: {  	s3 =	sadd.s32 $0x18A00, s4;
	s14 =	ssub.s32 s5, s31;
	s13 =	smul.u32 $0x19, s11  }
.Ltmp0:
0xc: {  	p1 =	sgt.u32 s17, $0x11;
	s17 =	simm.s32 $0x0;
	(pc) =	sbr.rel .LBB2_1-.Ltmp0, $4  }
0xd: {  	s11 =	smul.u32 $0xC80, s11;
	s10 =	smax.u32 s14, $0x1;
	s14 =	simm.s32 $0xC8  }
0xe: {  	s4 =	sadd.s32 s7, s6;
	s5 =	sadd.s32 s8, s6;
	s6 =	sadd.s32 s12, s9  }
0xf: {  	s7 =	sadd.s32 s7, s13;
	s8 =	sadd.s32 s8, s13;
	s9 =	sadd.s32 s12, s11  }
0x10: {  	s11 =	sshrl.u32 @!p0 s1, $0x3;
	s12 =	simm.s32 $0x2;
	s13 =	simm.s32 $0x100  }
.LBB2_6:
0x11: {  	[tilespmem:s18+$0xFFFFFC00] =	vst v23;
	v14 =	vmul.f32 v14, v4  }
0x12: {  	v21 =	vmul.f32 v21, v15;
	[tilespmem:s18+$0xFFFFFD00] =	vst v22  }
0x13: {  	v10 =	vmul.f32 v10, v17;
	[tilespmem:s18+$0x380] =	vst v14  }
0x14: {  	v45 =	vmul.f32 v19, v13;
	[tilespmem:s18+$0x300] =	vst v21  }
0x15: {  	v18 =	vmul.f32 v20, v18;
	[tilespmem:s18+$0xFFFFFC10] =	vst v10  }
0x16: {  	v46 =	vmul.f32 v11, v15;
	[tilespmem:s18+$0x210] =	vst v45  }
0x17: {  	v50 =	vbroadcast v2, $0x6;
	v7 =	vmul.f32 v7, v13;
	[tilespmem:s18+$0xFFFFFD10] =	vst v18  }
0x18: {  	v51 =	vmul.f32 v16, v12;
	[tilespmem:s18+$0x310] =	vst v46  }
0x19: {  	v53 =	vbroadcast v2, $0x5;
	v6 =	vmul.f32 v6, v50;
	[tilespmem:s18+$0x200] =	vst v7  }
0x1a: {  	v55 =	vbroadcast v2, $0x7;
	v8 =	vmul.f32 v8, v50;
	[tilespmem:s18+$0x290] =	vst v51  }
0x1b: {  	v43 =	vld [tilespmem:s18+$0x280];
	v47 =	vbroadcast v2, $0xB;
	v5 =	vmul.f32 v5, v53;
	[tilespmem:s18+$0xFFFFFF10] =	vst v6  }
0x1c: {  	v44 =	vld [tilespmem:s18+$0x190];
	v61 =	vbroadcast v2, $0x3;
	v3 =	vmul.f32 v3, v55;
	[tilespmem:s18+$0xFFFFFF00] =	vst v8  }
0x1d: {  	v52 =	vld [tilespmem:s18+$0xFFFFFE90];
	v22 =	vbroadcast v2, $0x4;
	v9 =	vmul.f32 v9, v47;
	[tilespmem:s18+$0xFFFFFE80] =	vst v5  }
0x1e: {  	v54 =	vld [tilespmem:s18+$0xFFFFFC80];
	v0 =	vmul.f32 v0, v61;
	[tilespmem:s18+$0xFFFFFF90] =	vst v3  }
0x1f: {  	v57 =	vld [tilespmem:s18+$0x100];
	v1 =	vmul.f32 v1, v22;
	[tilespmem:s18+$0x180] =	vst v9  }
0x20: {  	v56 =	vld [tilespmem:s18+$0xFFFFFF80];
	[tilespmem:s18+$0xFFFFFD80] =	vst v0;
	v48 =	vmul.f32 v43, v12  }
0x21: {  	v59 =	vbroadcast v2, $0x1;
	v62 =	vld [tilespmem:s18+$0x390];
	[tilespmem:s18+$0xFFFFFE10] =	vst v1;
	v49 =	vmul.f32 v44, v47  }
0x22: {  	v63 =	vbroadcast v2, $0xA;
	v19 =	vld [tilespmem:s18+$0xFFFFFD90];
	v60 =	vmul.f32 v52, v53;
	[tilespmem:s18+$0x280] =	vst v48  }
0x23: {  	v58 =	vld [tilespmem:s18+$0x80];
	v7 =	vmul.f32 v54, v59;
	[tilespmem:s18+$0x190] =	vst v49  }
0x24: {  	v23 =	vld [tilespmem:s18+$0xFFFFFE00];
	v6 =	vmul.f32 v57, v63;
	[tilespmem:s18+$0xFFFFFE90] =	vst v60  }
0x25: {  	v20 =	vld [tilespmem:s18+$0x110];
	v10 =	vmul.f32 v56, v55;
	[tilespmem:s18+$0xFFFFFC80] =	vst v7  }
0x26: {  	v25 =	vbroadcast v2, $0x9;
	v26 =	vld [tilespmem:s18+$0x0];
	v24 =	vmul.f32 v62, v4;
	[tilespmem:s18+$0x100] =	vst v6  }
0x27: {  	v28 =	vld [tilespmem:s18+$0x10];
	v9 =	vmul.f32 v19, v61;
	[tilespmem:s18+$0xFFFFFF80] =	vst v10  }
0x28: {  	v21 =	vld [tilespmem:s18+$0x90];
	v27 =	vmul.f32 v58, v25;
	[tilespmem:s18+$0x390] =	vst v24  }
0x29: {  	v29 =	vbroadcast v2, $0x8;
	v18 =	vld [tilespmem:s18+$0xFFFFFC90];
	v0 =	vmul.f32 v23, v22;
	[tilespmem:s18+$0xFFFFFD90] =	vst v9  }
0x2a: {  	v3 =	vmul.f32 v20, v63;
	[tilespmem:s18+$0x80] =	vst v27  }
0x2b: {  	v30 =	vmul.f32 v26, v29;
	[tilespmem:s18+$0xFFFFFE00] =	vst v0  }
0x2c: {  	v1 =	vmul.f32 v28, v29;
	[tilespmem:s18+$0x110] =	vst v3  }
0x2d: {  	v6 =	vmul.f32 v21, v25;
	[tilespmem:s18+$0x0] =	vst v30  }
0x2e: {  	v31 =	vmul.f32 v18, v59;
	[tilespmem:s18+$0x10] =	vst v1  }
0x2f: {  	[tilespmem:s18+$0x90] =	vst v6  }
0x30: {  	[tilespmem:s18+$0xFFFFFC90] =	vst v31  }
0x31: {  	v0 =	vld [tilespmem:$0x1B8];
	_ =	sdelay $0x1  }
0x32: {  	v1 =	vld [tilespmem:$0x6200]  }
0x33: {  	v32 =	vld [tilespmem:$0x6210]  }
0x34: {  	v3 =	vld [tilespmem:$0x6280]  }
0x35: {  	v34 =	vld [tilespmem:$0x6290];
	v33 =	vbroadcast v0, $0x8  }
0x36: {  	v6 =	vld [tilespmem:$0x6300]  }
0x37: {  	v36 =	vld [tilespmem:$0x6310];
	v35 =	vbroadcast v0, $0x9;
	v1 =	vmul.f32 v33, v1  }
0x38: {  	v37 =	vld [tilespmem:$0x6380];
	v2 =	vmul.f32 v32, v33  }
0x39: {  	v9 =	vld [tilespmem:$0x6390];
	v39 =	vbroadcast v0, $0xA;
	v38 =	vmul.f32 v3, v35;
	[tilespmem:$0x6200] =	vst v1  }
0x3a: {  	v41 =	vld [tilespmem:$0x6400];
	v40 =	vmul.f32 v34, v35;
	[tilespmem:$0x6210] =	vst v2  }
0x3b: {  	v44 =	vld [tilespmem:$0x6410];
	v43 =	vbroadcast v0, $0xB;
	v42 =	vmul.f32 v6, v39;
	[tilespmem:$0x6280] =	vst v38  }
0x3c: {  	v46 =	vld [tilespmem:$0x6480];
	v45 =	vmul.f32 v36, v39;
	[tilespmem:$0x6290] =	vst v40  }
0x3d: {  	v49 =	vld [tilespmem:$0x6490];
	v48 =	vbroadcast v0, $0xC;
	v47 =	vmul.f32 v37, v43;
	[tilespmem:$0x6300] =	vst v42  }
0x3e: {  	v51 =	vld [tilespmem:$0x6500];
	v50 =	vmul.f32 v9, v43;
	[tilespmem:$0x6310] =	vst v45  }
0x3f: {  	v54 =	vld [tilespmem:$0x6510];
	v53 =	vbroadcast v0, $0xD;
	v52 =	vmul.f32 v41, v48;
	[tilespmem:$0x6380] =	vst v47  }
0x40: {  	v56 =	vld [tilespmem:$0x6580];
	v55 =	vmul.f32 v44, v48;
	[tilespmem:$0x6390] =	vst v50  }
0x41: {  	v59 =	vld [tilespmem:$0x6590];
	v58 =	vbroadcast v0, $0xE;
	v57 =	vmul.f32 v46, v53;
	[tilespmem:$0x6400] =	vst v52  }
0x42: {  	v60 =	vmul.f32 v49, v53;
	[tilespmem:$0x6410] =	vst v55  }
0x43: {  	v0 =	vbroadcast v0, $0xF;
	v61 =	vmul.f32 v51, v58;
	[tilespmem:$0x6480] =	vst v57  }
0x44: {  	v62 =	vmul.f32 v54, v58;
	[tilespmem:$0x6490] =	vst v60  }
0x45: {  	v63 =	vmul.f32 v56, v0;
	[tilespmem:$0x6500] =	vst v61  }
0x46: {  	v0 =	vmul.f32 v59, v0;
	[tilespmem:$0x6510] =	vst v62  }
0x47: {  	[tilespmem:$0x6580] =	vst v63  }
0x48: {  	[tilespmem:$0x6590] =	vst v0  }
0x49: {  	[hbm4b:s9+s2] =	stream.linear.scatter [tilespmem:s15], [sflag:$0x2], $0x6400, $0x38;
	[tilespmem:$0x6C40] =	vst v63  }
0x4a: {  	_ =	swait.ge [sflag:s12], $0x6400  }
0x4b: {  	[sflag:s12] =	ssyncset.done $0x0  }
0x4c: {  	[sflag:s12] =	ssyncadd.s32 $0xFFFF9C00  }
.LBB2_7:
0x4d: {  	s17 =	sadd.s32 $0x1, s17  }
0x4e: {  	p2 =	sne.s32 s17, s10  }
.Ltmp1:
0x4f: {  	_ = 	snop;
	(pc) =	sbr.rel @!p2 .LBB2_8-.Ltmp1, $1  }
0x50: {  	_ =	sdelay $0x3  }
.LBB2_1:
0x51: {  	s18 =	simm.s32 @!p0 $0x1C02  }
0x52: {  	[spmem:s11], [sflag:s18] =	dma.local @!p0 [hbm:s3], $0xC80  }
0x53: {  	s18 =	simm.s32 @!p0 $0x2  }
0x54: {  	_ =	swait.ge @!p0 [sflag:s18], $0xC80  }
0x55: {  	[sflag:s18] =	ssyncset.done @!p0 $0x0  }
0x56: {  	[sflag:s18] =	ssyncadd.s32 @!p0 $0xFFFFF380  }
0x57: {  	[bflag:$0x0] =	sbarrier.arrive $0xFFFF  }
0x58: {  	[tilespmem:s2], [sflag:$0x2] =	stream.linear.gather [hbm4b:s4+s2], $0xC8, $0x38;
	[tilespmem:$0x6C40] =	vst v63  }
0x59: {  	_ =	swait.ge [sflag:s12], $0xC8  }
0x5a: {  	[sflag:s12] =	ssyncset.done $0x0  }
0x5b: {  	[sflag:s12] =	ssyncadd.s32 $0xFFFFFF38  }
0x5c: {  	[tilespmem:s13], [sflag:$0x2] =	stream.linear.gather [hbm4b:s5+s2], $0xC8, $0x38;
	[tilespmem:$0x6C40] =	vst v63  }
0x5d: {  	_ =	swait.ge [sflag:s12], $0xC8  }
0x5e: {  	[sflag:s12] =	ssyncset.done $0x0  }
0x5f: {  	[sflag:s12] =	ssyncadd.s32 $0xFFFFFF38  }
0x60: {  	[tilespmem:s15], [sflag:$0x1] =	stream.indirect.gather [spmem:s1], $0x80, s2, s14, $0xb8;
	[tilespmem:$0x6C40] =	vst v63  }
0x61: {  	_ =	swait.ge [sflag:s16], $0x6400  }
0x62: {  	[sflag:s16] =	ssyncset.done $0x0  }
0x63: {  	s18 =	simm.s32 $0x600;
	[sflag:s16] =	ssyncadd.s32 $0xFFFF9C00  }
0x64: {  	v5 =	vld [tilespmem:s18+$0xFFFFFE80]  }
0x65: {  	v0 =	vld [tilespmem:s18+$0xFFFFFD80]  }
0x66: {  	v3 =	vld [tilespmem:s18+$0xFFFFFF90]  }
0x67: {  	v6 =	vld [tilespmem:s18+$0xFFFFFF10]  }
0x68: {  	v7 =	vld [tilespmem:s18+$0x200]  }
0x69: {  	v10 =	vld [tilespmem:s18+$0xFFFFFC10]  }
0x6a: {  	v14 =	vld [tilespmem:s18+$0x380]  }
0x6b: {  	v9 =	vld [tilespmem:s18+$0xFFFFFD00]  }
0x6c: {  	s19 =	simm.s32 $0x0;
	v1 =	vld [tilespmem:s18+$0xFFFFFE10]  }
0x6d: {  	v2 =	vld [tilespmem:s19+$0x100]  }
0x6e: {  	v8 =	vld [tilespmem:s18+$0xFFFFFF00]  }
0x6f: {  	v12 =	vld [tilespmem:s18+$0xFFFFFC00]  }
0x70: {  	v11 =	vld [tilespmem:s18+$0x310]  }
0x71: {  	v21 =	vld [tilespmem:s18+$0x300]  }
0x72: {  	v19 =	vld [tilespmem:s18+$0x210];
	v17 =	vbroadcast v2, $0x0;
	v4 =	vbroadcast v2, $0xF  }
0x73: {  	v20 =	vld [tilespmem:s18+$0xFFFFFD10];
	v18 =	vbroadcast v2, $0x2;
	v15 =	vbroadcast v2, $0xE  }
0x74: {  	v16 =	vld [tilespmem:s18+$0x290];
	v13 =	vbroadcast v2, $0xC;
	v23 =	vmul.f32 v17, v12  }
0x75: {  	s20 =	simm.s32 $0x600;
	s19 =	simm.s32 $0x40;
	v12 =	vbroadcast v2, $0xD;
	v22 =	vmul.f32 v9, v18;
	v9 =	vld [tilespmem:s18+$0x180]  }
.LBB2_2:
0x76: {  	p2 =	sne.s32 s19, $0x2C0  }
0x77: {  	[tilespmem:s18+$0xFFFFFC00] =	vst v23;
	v23 =	vld [tilespmem:s18+$0xFFFFFE90];
	v21 =	vmul.f32 v21, v15;
	v14 =	vmul.f32 v14, v4;
	s20 =	sadd.s32 $0x800, s20;
	s21 =	smov.u32 s19;
	s19 =	sadd.s32 $0x40, s19  }
0x78: {  	[tilespmem:s18+$0xFFFFFD00] =	vst v22;
	v22 =	vbroadcast v2, $0xA;
	v19 =	vmul.f32 v19, v13;
	v24 =	vld [tilespmem:s18+$0x280]  }
0x79: {  	v10 =	vmul.f32 v10, v17;
	v17 =	vmul.f32 v20, v18;
	v18 =	vld [tilespmem:s18+$0x190];
	[tilespmem:s18+$0x380] =	vst v14  }
0x7a: {  	v14 =	vbroadcast v2, $0x5;
	v20 =	vld [tilespmem:s18+$0xFFFFFF80];
	v16 =	vmul.f32 v16, v12;
	[tilespmem:s18+$0x300] =	vst v21  }
0x7b: {  	v11 =	vmul.f32 v11, v15;
	[tilespmem:s18+$0xFFFFFC10] =	vst v10;
	v10 =	vbroadcast v2, $0x6;
	v21 =	vld [tilespmem:s18+$0x100]  }
0x7c: {  	v25 =	vbroadcast v2, $0xB;
	v5 =	vmul.f32 v5, v14;
	v15 =	vld [tilespmem:s18+$0xFFFFFC80];
	[tilespmem:s18+$0x210] =	vst v19  }
0x7d: {  	v19 =	vbroadcast v2, $0x9;
	[tilespmem:s18+$0xFFFFFD10] =	vst v17;
	v17 =	vld [tilespmem:s18+$0x80];
	v12 =	vmul.f32 v24, v12  }
0x7e: {  	v14 =	vmul.f32 v23, v14;
	v23 =	vld [tilespmem:s18+$0x110];
	v18 =	vmul.f32 v18, v25;
	[tilespmem:s18+$0x310] =	vst v11  }
0x7f: {  	v7 =	vmul.f32 v7, v13;
	v11 =	vbroadcast v2, $0x7;
	v24 =	vld [tilespmem:s18+$0x90];
	[tilespmem:s18+$0x280] =	vst v12  }
0x80: {  	v8 =	vmul.f32 v8, v10;
	v12 =	vbroadcast v2, $0x3;
	v13 =	vld [tilespmem:s18+$0x0];
	[tilespmem:s18+$0x190] =	vst v18  }
0x81: {  	v9 =	vmul.f32 v9, v25;
	v6 =	vmul.f32 v6, v10;
	v10 =	vld [tilespmem:s18+$0x10];
	[tilespmem:s18+$0x200] =	vst v7  }
0x82: {  	v18 =	vbroadcast v2, $0x8;
	v21 =	vmul.f32 v21, v22;
	v7 =	vld [tilespmem:s18+$0xFFFFFC90];
	[tilespmem:s18+$0x290] =	vst v16  }
0x83: {  	v16 =	vbroadcast v2, $0x1;
	v25 =	vld [tilespmem:s18+$0xFFFFFD90];
	[tilespmem:s18+$0xFFFFFF10] =	vst v6;
	v22 =	vmul.f32 v23, v22  }
0x84: {  	v3 =	vmul.f32 v3, v11;
	v6 =	vmul.f32 v20, v11;
	[tilespmem:s18+$0xFFFFFF00] =	vst v8;
	v8 =	vld [tilespmem:s18+$0x390]  }
0x85: {  	v20 =	vmul.f32 v24, v19;
	v11 =	vld [tilespmem:s18+$0xFFFFFE00];
	[tilespmem:s18+$0xFFFFFE80] =	vst v5;
	v13 =	vmul.f32 v13, v18  }
0x86: {  	v5 =	vld [tilespmem:s20+$0xFFFFFE80];
	[tilespmem:s18+$0xFFFFFF90] =	vst v3;
	v18 =	vmul.f32 v10, v18;
	v10 =	vmul.f32 v17, v19  }
0x87: {  	v3 =	vmul.f32 v15, v16;
	v15 =	vmul.f32 v7, v16;
	[tilespmem:s18+$0x180] =	vst v9  }
0x88: {  	v0 =	vmul.f32 v0, v12;
	v7 =	vmul.f32 v25, v12;
	[tilespmem:s18+$0xFFFFFE90] =	vst v14  }
0x89: {  	v2 =	vbroadcast v2, $0x4;
	[tilespmem:s18+$0xFFFFFC80] =	vst v3;
	v3 =	vmul.f32 v8, v4  }
0x8a: {  	[tilespmem:s18+$0xFFFFFD80] =	vst v0  }
0x8b: {  	v4 =	vmul.f32 v11, v2;
	v0 =	vmul.f32 v1, v2;
	[tilespmem:s18+$0x100] =	vst v21  }
0x8c: {  	[tilespmem:s18+$0xFFFFFF80] =	vst v6  }
0x8d: {  	[tilespmem:s18+$0x390] =	vst v3  }
0x8e: {  	[tilespmem:s18+$0xFFFFFE10] =	vst v0  }
0x8f: {  	v0 =	vld [tilespmem:s20+$0xFFFFFD80];
	[tilespmem:s18+$0xFFFFFD90] =	vst v7  }
0x90: {  	v3 =	vld [tilespmem:s20+$0xFFFFFF90];
	[tilespmem:s18+$0x80] =	vst v10  }
0x91: {  	v6 =	vld [tilespmem:s20+$0xFFFFFF10];
	[tilespmem:s18+$0x90] =	vst v20  }
0x92: {  	v7 =	vld [tilespmem:s20+$0x200];
	[tilespmem:s18+$0xFFFFFE00] =	vst v4  }
0x93: {  	v10 =	vld [tilespmem:s20+$0xFFFFFC10];
	[tilespmem:s18+$0x110] =	vst v22  }
0x94: {  	v14 =	vld [tilespmem:s20+$0x380];
	[tilespmem:s18+$0x0] =	vst v13  }
0x95: {  	v9 =	vld [tilespmem:s20+$0xFFFFFD00];
	[tilespmem:s18+$0xFFFFFC90] =	vst v15  }
0x96: {  	s21 =	sshra.s32 s21, $0x2;
	v1 =	vld [tilespmem:s20+$0xFFFFFE10];
	[tilespmem:s18+$0x10] =	vst v18;
	s18 =	smov.u32 s20  }
0x97: {  	v2 =	vld [tilespmem:s21+$0x100]  }
0x98: {  	v8 =	vld [tilespmem:s20+$0xFFFFFF00]  }
0x99: {  	v12 =	vld [tilespmem:s20+$0xFFFFFC00]  }
0x9a: {  	v11 =	vld [tilespmem:s20+$0x310]  }
.Ltmp2:
0x9b: {  	v21 =	vld [tilespmem:s20+$0x300];
	(pc) =	sbr.rel @p2 .LBB2_2-.Ltmp2, $4  }
0x9c: {  	v17 =	vbroadcast v2, $0x0;
	v19 =	vld [tilespmem:s20+$0x210];
	v4 =	vbroadcast v2, $0xF  }
0x9d: {  	v18 =	vbroadcast v2, $0x2;
	v15 =	vbroadcast v2, $0xE;
	v20 =	vld [tilespmem:s20+$0xFFFFFD10]  }
0x9e: {  	v23 =	vmul.f32 v17, v12;
	v12 =	vbroadcast v2, $0xD;
	v16 =	vld [tilespmem:s20+$0x290]  }
0x9f: {  	v13 =	vbroadcast v2, $0xC;
	v22 =	vmul.f32 v9, v18;
	v9 =	vld [tilespmem:s20+$0x180]  }
0xa0: {  	[tilespmem:s18+$0xFFFFFC00] =	vst v23;
	v14 =	vmul.f32 v14, v4  }
0xa1: {  	v21 =	vmul.f32 v21, v15;
	[tilespmem:s18+$0xFFFFFD00] =	vst v22  }
0xa2: {  	v10 =	vmul.f32 v10, v17;
	[tilespmem:s18+$0x380] =	vst v14  }
0xa3: {  	v46 =	vmul.f32 v11, v15;
	[tilespmem:s18+$0x300] =	vst v21  }
0xa4: {  	v45 =	vmul.f32 v19, v13;
	[tilespmem:s18+$0xFFFFFC10] =	vst v10  }
0xa5: {  	v50 =	vbroadcast v2, $0x6;
	v7 =	vmul.f32 v7, v13;
	[tilespmem:s18+$0x310] =	vst v46  }
0xa6: {  	v18 =	vmul.f32 v20, v18;
	[tilespmem:s18+$0x210] =	vst v45  }
0xa7: {  	v53 =	vbroadcast v2, $0x5;
	v6 =	vmul.f32 v6, v50;
	[tilespmem:s18+$0x200] =	vst v7  }
0xa8: {  	v55 =	vbroadcast v2, $0x7;
	v8 =	vmul.f32 v8, v50;
	[tilespmem:s18+$0xFFFFFD10] =	vst v18  }
0xa9: {  	v61 =	vbroadcast v2, $0x3;
	v5 =	vmul.f32 v5, v53;
	[tilespmem:s18+$0xFFFFFF10] =	vst v6  }
0xaa: {  	v43 =	vld [tilespmem:s18+$0x280];
	v3 =	vmul.f32 v3, v55;
	[tilespmem:s18+$0xFFFFFF00] =	vst v8  }
0xab: {  	v44 =	vld [tilespmem:s18+$0x190];
	v22 =	vbroadcast v2, $0x4;
	v0 =	vmul.f32 v0, v61;
	[tilespmem:s18+$0xFFFFFE80] =	vst v5  }
0xac: {  	v47 =	vbroadcast v2, $0xB;
	v52 =	vld [tilespmem:s18+$0xFFFFFE90];
	v51 =	vmul.f32 v16, v12;
	[tilespmem:s18+$0xFFFFFF90] =	vst v3  }
0xad: {  	v54 =	vld [tilespmem:s18+$0xFFFFFC80];
	v1 =	vmul.f32 v1, v22;
	[tilespmem:s18+$0xFFFFFD80] =	vst v0  }
0xae: {  	v57 =	vld [tilespmem:s18+$0x100];
	v9 =	vmul.f32 v9, v47;
	[tilespmem:s18+$0x290] =	vst v51  }
0xaf: {  	v56 =	vld [tilespmem:s18+$0xFFFFFF80];
	v48 =	vmul.f32 v43, v12;
	[tilespmem:s18+$0xFFFFFE10] =	vst v1  }
0xb0: {  	v59 =	vbroadcast v2, $0x1;
	v62 =	vld [tilespmem:s18+$0x390];
	v49 =	vmul.f32 v44, v47;
	[tilespmem:s18+$0x180] =	vst v9  }
0xb1: {  	v58 =	vld [tilespmem:s18+$0x80];
	v63 =	vbroadcast v2, $0xA;
	v60 =	vmul.f32 v52, v53;
	[tilespmem:s18+$0x280] =	vst v48  }
0xb2: {  	v23 =	vld [tilespmem:s18+$0xFFFFFE00];
	v7 =	vmul.f32 v54, v59;
	[tilespmem:s18+$0x190] =	vst v49  }
0xb3: {  	v26 =	vld [tilespmem:s18+$0x0];
	v6 =	vmul.f32 v57, v63;
	[tilespmem:s18+$0xFFFFFE90] =	vst v60  }
0xb4: {  	v25 =	vbroadcast v2, $0x9;
	v28 =	vld [tilespmem:s18+$0x10];
	v10 =	vmul.f32 v56, v55;
	[tilespmem:s18+$0xFFFFFC80] =	vst v7  }
0xb5: {  	v19 =	vld [tilespmem:s18+$0xFFFFFD90];
	v24 =	vmul.f32 v62, v4;
	[tilespmem:s18+$0x100] =	vst v6  }
0xb6: {  	v29 =	vbroadcast v2, $0x8;
	v21 =	vld [tilespmem:s18+$0x90];
	v27 =	vmul.f32 v58, v25;
	[tilespmem:s18+$0xFFFFFF80] =	vst v10  }
0xb7: {  	v20 =	vld [tilespmem:s18+$0x110];
	v0 =	vmul.f32 v23, v22;
	[tilespmem:s18+$0x390] =	vst v24  }
0xb8: {  	v18 =	vld [tilespmem:s18+$0xFFFFFC90];
	v30 =	vmul.f32 v26, v29;
	[tilespmem:s18+$0x80] =	vst v27  }
0xb9: {  	v1 =	vmul.f32 v28, v29;
	[tilespmem:s18+$0xFFFFFE00] =	vst v0  }
0xba: {  	v9 =	vmul.f32 v19, v61;
	[tilespmem:s18+$0x0] =	vst v30  }
0xbb: {  	v6 =	vmul.f32 v21, v25;
	[tilespmem:s18+$0x10] =	vst v1  }
0xbc: {  	v3 =	vmul.f32 v20, v63;
	[tilespmem:s18+$0xFFFFFD90] =	vst v9  }
0xbd: {  	[tilespmem:s18+$0x90] =	vst v6;
	v31 =	vmul.f32 v18, v59  }
0xbe: {  	[tilespmem:s18+$0x110] =	vst v3  }
0xbf: {  	[tilespmem:s18+$0xFFFFFC90] =	vst v31  }
0xc0: {  	v0 =	vld [tilespmem:$0x1B8];
	_ =	sdelay $0x1  }
0xc1: {  	v1 =	vld [tilespmem:$0x6200]  }
0xc2: {  	v32 =	vld [tilespmem:$0x6210]  }
0xc3: {  	v3 =	vld [tilespmem:$0x6280]  }
0xc4: {  	v34 =	vld [tilespmem:$0x6290];
	v33 =	vbroadcast v0, $0x8  }
0xc5: {  	v6 =	vld [tilespmem:$0x6300]  }
0xc6: {  	v36 =	vld [tilespmem:$0x6310];
	v35 =	vbroadcast v0, $0x9;
	v1 =	vmul.f32 v33, v1  }
0xc7: {  	v37 =	vld [tilespmem:$0x6380];
	v2 =	vmul.f32 v32, v33  }
0xc8: {  	v9 =	vld [tilespmem:$0x6390];
	v39 =	vbroadcast v0, $0xA;
	v38 =	vmul.f32 v3, v35;
	[tilespmem:$0x6200] =	vst v1  }
0xc9: {  	v41 =	vld [tilespmem:$0x6400];
	v40 =	vmul.f32 v34, v35;
	[tilespmem:$0x6210] =	vst v2  }
0xca: {  	v44 =	vld [tilespmem:$0x6410];
	v43 =	vbroadcast v0, $0xB;
	v42 =	vmul.f32 v6, v39;
	[tilespmem:$0x6280] =	vst v38  }
0xcb: {  	v46 =	vld [tilespmem:$0x6480];
	v45 =	vmul.f32 v36, v39;
	[tilespmem:$0x6290] =	vst v40  }
0xcc: {  	v49 =	vld [tilespmem:$0x6490];
	v48 =	vbroadcast v0, $0xC;
	v47 =	vmul.f32 v37, v43;
	[tilespmem:$0x6300] =	vst v42  }
0xcd: {  	v51 =	vld [tilespmem:$0x6500];
	v50 =	vmul.f32 v9, v43;
	[tilespmem:$0x6310] =	vst v45  }
0xce: {  	v54 =	vld [tilespmem:$0x6510];
	v53 =	vbroadcast v0, $0xD;
	v52 =	vmul.f32 v41, v48;
	[tilespmem:$0x6380] =	vst v47  }
0xcf: {  	v56 =	vld [tilespmem:$0x6580];
	v55 =	vmul.f32 v44, v48;
	[tilespmem:$0x6390] =	vst v50  }
0xd0: {  	v59 =	vld [tilespmem:$0x6590];
	v58 =	vbroadcast v0, $0xE;
	v57 =	vmul.f32 v46, v53;
	[tilespmem:$0x6400] =	vst v52  }
0xd1: {  	v60 =	vmul.f32 v49, v53;
	[tilespmem:$0x6410] =	vst v55  }
0xd2: {  	v0 =	vbroadcast v0, $0xF;
	v61 =	vmul.f32 v51, v58;
	[tilespmem:$0x6480] =	vst v57  }
0xd3: {  	v62 =	vmul.f32 v54, v58;
	[tilespmem:$0x6490] =	vst v60  }
0xd4: {  	v63 =	vmul.f32 v56, v0;
	[tilespmem:$0x6500] =	vst v61  }
0xd5: {  	v0 =	vmul.f32 v59, v0;
	[tilespmem:$0x6510] =	vst v62  }
0xd6: {  	[tilespmem:$0x6580] =	vst v63  }
.Ltmp3:
0xd7: {  	[tilespmem:$0x6590] =	vst v0;
	(pc) =	sbr.rel @p1 .LBB2_7-.Ltmp3, $4  }
0xd8: {  	[hbm4b:s6+s2] =	stream.linear.scatter [tilespmem:s15], [sflag:$0x2], $0x6400, $0x38;
	[tilespmem:$0x6C40] =	vst v63  }
0xd9: {  	_ =	swait.ge [sflag:s12], $0x6400  }
0xda: {  	[sflag:s12] =	ssyncset.done $0x0  }
0xdb: {  	[sflag:s12] =	ssyncadd.s32 $0xFFFF9C00  }
0xdc: {  	s18 =	simm.s32 $0x0  }
0xdd: {  	[tilespmem:s18], [sflag:$0x2] =	stream.linear.gather [hbm4b:s7+s18], $0xC8, $0x38;
	[tilespmem:$0x6C40] =	vst v63  }
0xde: {  	_ =	swait.ge [sflag:s12], $0xC8  }
0xdf: {  	[sflag:s12] =	ssyncset.done $0x0  }
0xe0: {  	[sflag:s12] =	ssyncadd.s32 $0xFFFFFF38  }
0xe1: {  	[tilespmem:s13], [sflag:$0x2] =	stream.linear.gather [hbm4b:s8+s18], $0xC8, $0x38;
	[tilespmem:$0x6C40] =	vst v63  }
0xe2: {  	_ =	swait.ge [sflag:s12], $0xC8  }
0xe3: {  	[sflag:s12] =	ssyncset.done $0x0  }
0xe4: {  	[sflag:s12] =	ssyncadd.s32 $0xFFFFFF38  }
0xe5: {  	[tilespmem:s15], [sflag:$0x1] =	stream.indirect.gather [spmem:s1], $0x80, s18, s14, $0xb8;
	[tilespmem:$0x6C40] =	vst v63  }
0xe6: {  	_ =	swait.ge [sflag:s16], $0x6400  }
0xe7: {  	[sflag:s16] =	ssyncset.done $0x0  }
0xe8: {  	s18 =	simm.s32 $0x600;
	[sflag:s16] =	ssyncadd.s32 $0xFFFF9C00  }
0xe9: {  	v5 =	vld [tilespmem:s18+$0xFFFFFE80]  }
0xea: {  	v0 =	vld [tilespmem:s18+$0xFFFFFD80]  }
0xeb: {  	v3 =	vld [tilespmem:s18+$0xFFFFFF90]  }
0xec: {  	v6 =	vld [tilespmem:s18+$0xFFFFFF10]  }
0xed: {  	v7 =	vld [tilespmem:s18+$0x200]  }
0xee: {  	v10 =	vld [tilespmem:s18+$0xFFFFFC10]  }
0xef: {  	v14 =	vld [tilespmem:s18+$0x380]  }
0xf0: {  	v9 =	vld [tilespmem:s18+$0xFFFFFD00]  }
0xf1: {  	s19 =	simm.s32 $0x0;
	v1 =	vld [tilespmem:s18+$0xFFFFFE10]  }
0xf2: {  	v2 =	vld [tilespmem:s19+$0x100]  }
0xf3: {  	v8 =	vld [tilespmem:s18+$0xFFFFFF00]  }
0xf4: {  	v12 =	vld [tilespmem:s18+$0xFFFFFC00]  }
0xf5: {  	v11 =	vld [tilespmem:s18+$0x310]  }
0xf6: {  	v21 =	vld [tilespmem:s18+$0x300]  }
0xf7: {  	v19 =	vld [tilespmem:s18+$0x210];
	v17 =	vbroadcast v2, $0x0;
	v4 =	vbroadcast v2, $0xF  }
0xf8: {  	v20 =	vld [tilespmem:s18+$0xFFFFFD10];
	v18 =	vbroadcast v2, $0x2;
	v15 =	vbroadcast v2, $0xE  }
0xf9: {  	v16 =	vld [tilespmem:s18+$0x290];
	v13 =	vbroadcast v2, $0xC;
	v23 =	vmul.f32 v17, v12  }
0xfa: {  	s20 =	simm.s32 $0x600;
	s19 =	simm.s32 $0x40;
	v12 =	vbroadcast v2, $0xD;
	v22 =	vmul.f32 v9, v18;
	v9 =	vld [tilespmem:s18+$0x180]  }
.LBB2_5:
0xfb: {  	p2 =	sne.s32 s19, $0x2C0  }
0xfc: {  	[tilespmem:s18+$0xFFFFFC00] =	vst v23;
	v23 =	vld [tilespmem:s18+$0xFFFFFE90];
	v21 =	vmul.f32 v21, v15;
	v14 =	vmul.f32 v14, v4;
	s20 =	sadd.s32 $0x800, s20;
	s21 =	smov.u32 s19;
	s19 =	sadd.s32 $0x40, s19  }
0xfd: {  	v19 =	vmul.f32 v19, v13;
	[tilespmem:s18+$0xFFFFFD00] =	vst v22;
	v22 =	vbroadcast v2, $0xA;
	v24 =	vld [tilespmem:s18+$0x280]  }
0xfe: {  	v10 =	vmul.f32 v10, v17;
	v17 =	vmul.f32 v20, v18;
	v18 =	vld [tilespmem:s18+$0x190];
	[tilespmem:s18+$0x380] =	vst v14  }
0xff: {  	v16 =	vmul.f32 v16, v12;
	v14 =	vbroadcast v2, $0x5;
	v20 =	vld [tilespmem:s18+$0xFFFFFF80];
	[tilespmem:s18+$0x300] =	vst v21  }
0x100: {  	v11 =	vmul.f32 v11, v15;
	[tilespmem:s18+$0xFFFFFC10] =	vst v10;
	v10 =	vbroadcast v2, $0x6;
	v21 =	vld [tilespmem:s18+$0x100]  }
0x101: {  	v25 =	vbroadcast v2, $0xB;
	v5 =	vmul.f32 v5, v14;
	v15 =	vld [tilespmem:s18+$0xFFFFFC80];
	[tilespmem:s18+$0x210] =	vst v19  }
0x102: {  	v19 =	vbroadcast v2, $0x9;
	[tilespmem:s18+$0xFFFFFD10] =	vst v17;
	v17 =	vld [tilespmem:s18+$0x80];
	v12 =	vmul.f32 v24, v12  }
0x103: {  	v14 =	vmul.f32 v23, v14;
	v23 =	vld [tilespmem:s18+$0x110];
	v18 =	vmul.f32 v18, v25;
	[tilespmem:s18+$0x310] =	vst v11  }
0x104: {  	v7 =	vmul.f32 v7, v13;
	v11 =	vbroadcast v2, $0x7;
	v24 =	vld [tilespmem:s18+$0x90];
	[tilespmem:s18+$0x280] =	vst v12  }
0x105: {  	v8 =	vmul.f32 v8, v10;
	v12 =	vbroadcast v2, $0x3;
	v13 =	vld [tilespmem:s18+$0x0];
	[tilespmem:s18+$0x190] =	vst v18  }
0x106: {  	v9 =	vmul.f32 v9, v25;
	v6 =	vmul.f32 v6, v10;
	v10 =	vld [tilespmem:s18+$0x10];
	[tilespmem:s18+$0x200] =	vst v7  }
0x107: {  	v18 =	vbroadcast v2, $0x8;
	v21 =	vmul.f32 v21, v22;
	v7 =	vld [tilespmem:s18+$0xFFFFFC90];
	[tilespmem:s18+$0x290] =	vst v16  }
0x108: {  	v16 =	vbroadcast v2, $0x1;
	v25 =	vld [tilespmem:s18+$0xFFFFFD90];
	[tilespmem:s18+$0xFFFFFF10] =	vst v6;
	v22 =	vmul.f32 v23, v22  }
0x109: {  	v3 =	vmul.f32 v3, v11;
	v6 =	vmul.f32 v20, v11;
	[tilespmem:s18+$0xFFFFFF00] =	vst v8;
	v8 =	vld [tilespmem:s18+$0x390]  }
0x10a: {  	v20 =	vmul.f32 v24, v19;
	v11 =	vld [tilespmem:s18+$0xFFFFFE00];
	[tilespmem:s18+$0xFFFFFE80] =	vst v5;
	v13 =	vmul.f32 v13, v18  }
0x10b: {  	v5 =	vld [tilespmem:s20+$0xFFFFFE80];
	[tilespmem:s18+$0xFFFFFF90] =	vst v3;
	v18 =	vmul.f32 v10, v18;
	v10 =	vmul.f32 v17, v19  }
0x10c: {  	v3 =	vmul.f32 v15, v16;
	v15 =	vmul.f32 v7, v16;
	[tilespmem:s18+$0x180] =	vst v9  }
0x10d: {  	v0 =	vmul.f32 v0, v12;
	v7 =	vmul.f32 v25, v12;
	[tilespmem:s18+$0xFFFFFE90] =	vst v14  }
0x10e: {  	v2 =	vbroadcast v2, $0x4;
	[tilespmem:s18+$0xFFFFFC80] =	vst v3;
	v3 =	vmul.f32 v8, v4  }
0x10f: {  	[tilespmem:s18+$0xFFFFFD80] =	vst v0  }
0x110: {  	v4 =	vmul.f32 v11, v2;
	v0 =	vmul.f32 v1, v2;
	[tilespmem:s18+$0x100] =	vst v21  }
0x111: {  	[tilespmem:s18+$0xFFFFFF80] =	vst v6  }
0x112: {  	[tilespmem:s18+$0x390] =	vst v3  }
0x113: {  	[tilespmem:s18+$0xFFFFFE10] =	vst v0  }
0x114: {  	v0 =	vld [tilespmem:s20+$0xFFFFFD80];
	[tilespmem:s18+$0xFFFFFD90] =	vst v7  }
0x115: {  	v3 =	vld [tilespmem:s20+$0xFFFFFF90];
	[tilespmem:s18+$0x80] =	vst v10  }
0x116: {  	v6 =	vld [tilespmem:s20+$0xFFFFFF10];
	[tilespmem:s18+$0x90] =	vst v20  }
0x117: {  	v7 =	vld [tilespmem:s20+$0x200];
	[tilespmem:s18+$0xFFFFFE00] =	vst v4  }
0x118: {  	v10 =	vld [tilespmem:s20+$0xFFFFFC10];
	[tilespmem:s18+$0x110] =	vst v22  }
0x119: {  	v14 =	vld [tilespmem:s20+$0x380];
	[tilespmem:s18+$0x0] =	vst v13  }
0x11a: {  	v9 =	vld [tilespmem:s20+$0xFFFFFD00];
	[tilespmem:s18+$0xFFFFFC90] =	vst v15  }
0x11b: {  	s21 =	sshra.s32 s21, $0x2;
	v1 =	vld [tilespmem:s20+$0xFFFFFE10];
	[tilespmem:s18+$0x10] =	vst v18;
	s18 =	smov.u32 s20  }
0x11c: {  	v2 =	vld [tilespmem:s21+$0x100]  }
0x11d: {  	v8 =	vld [tilespmem:s20+$0xFFFFFF00]  }
0x11e: {  	v12 =	vld [tilespmem:s20+$0xFFFFFC00]  }
0x11f: {  	v11 =	vld [tilespmem:s20+$0x310]  }
.Ltmp4:
0x120: {  	v21 =	vld [tilespmem:s20+$0x300];
	(pc) =	sbr.rel @p2 .LBB2_5-.Ltmp4, $4  }
0x121: {  	v17 =	vbroadcast v2, $0x0;
	v19 =	vld [tilespmem:s20+$0x210];
	v4 =	vbroadcast v2, $0xF  }
0x122: {  	v18 =	vbroadcast v2, $0x2;
	v15 =	vbroadcast v2, $0xE;
	v20 =	vld [tilespmem:s20+$0xFFFFFD10]  }
0x123: {  	v23 =	vmul.f32 v17, v12;
	v12 =	vbroadcast v2, $0xD;
	v16 =	vld [tilespmem:s20+$0x290]  }
0x124: {  	v13 =	vbroadcast v2, $0xC;
	v22 =	vmul.f32 v9, v18;
	v9 =	vld [tilespmem:s20+$0x180]  }
.Ltmp5:
0x125: {  	_ = 	snop;
	(pc) =	sbr.rel .LBB2_6-.Ltmp5, $1  }
0x126: {  	_ =	sdelay $0x3  }
.LBB2_8:
0x127: {  	_ =	sfence.sel $0x180000  }
0x128: {  	[bflag:$0x0] =	sbarrier.arrive $0xFFFF  }
0x129: {  	_ =	strace $0x9000004A  }
0x12a: {  	s0 =	sadd.s32 @!p0 $0x100000, s0;
	[bflag:$0x2] =	sbarrier.arrive $0xFFFF  }
0x12b: {  	[sflag:s0] =	ssyncadd.tile.s32 @!p0 $0x1;
	_ =	shalt  }
.Lfunc_end2:
_tile_overlayer_lowered:
.L_overlay_start_2:
0x12c: {  	(tag) =	ssettag $0x2  }
0x12d: {  	s0 =	rddreg [dreg:$0x0];
	s2 =	stileid.u32  }
0x12e: {  	s1 =	rddreg [dreg:$0x1];
	p0 =	sne.s32 s2, $0x0  }
0x12f: {  	s3 =	rddreg [dreg:$0x2];
	[bflag:$0x3] =	sbarrier.arrive $0xFFFF;
	s2 =	simm.s32 @!p0 $0x1C02  }
0x130: {  	[timem:s3], [sflag:s2] =	dma.local @!p0 [hbm:s0], s1  }
0x131: {  	s0 =	simm.s32 @!p0 $0x2  }
0x132: {  	_ =	swait.ge @!p0 [sflag:s0], s1  }
0x133: {  	s1 =	ssub.s32 @!p0 $0x0, s1;
	[sflag:s0] =	ssyncset.done @!p0 $0x0  }
0x134: {  	[sflag:s0] =	ssyncadd.s32 @!p0 s1  }
0x135: {  	[bflag:$0x3] =	sbarrier.arrive $0xFFFF  }
0x136: {  	_ =	shalt  }

// kernel: kernel.17.cloned.1.call-start
scs
__scs_entry_jumppad:
0x0: {  	(pc) =	sbr.rel $0x88, $3  }
0x1: {  	(tag) =	ssettag $0x0;
	lr =	simm.s32 $0x1  }
0x2: {  	[smem:$0x3F81] =	sst lr;
	_ =	strace $0xD0000000  }
0x3: {  	_ = 	snop  }
0x4: {  	_ = 	snop  }
0x5: {  	_ = 	snop  }
0x6: {  	_ = 	snop  }
0x7: {  	_ = 	snop  }
__scs_overlays_trampoline_lowered:
0x8: {  	[smem:$0x3F90] =	sst s0  }
0x9: {  	[smem:$0x3F91] =	sst s1  }
0xa: {  	[smem:$0x3F92] =	sst s2  }
0xb: {  	[smem:$0x3F93] =	sst s3  }
0xc: {  	[smem:$0x3F94] =	sst s4  }
0xd: {  	[smem:$0x3F95] =	sst s5  }
0xe: {  	[smem:$0x3F96] =	sst s6  }
0xf: {  	[smem:$0x3F97] =	sst s7  }
0x10: {  	[smem:$0x3F98] =	sst s8  }
0x11: {  	[smem:$0x3F99] =	sst s9;
	s0 =	simm.s32 @!p0 $0x0  }
0x12: {  	s1 =	sld [smem:$0x3F7F];
	s0 =	simm.s32 @p0 $0x1  }
0x13: {  	[smem:$0x3F9A] =	sst s0;
	s0 =	simm.s32 @!p1 $0x0  }
0x14: {  	s2 =	sld [smem:$0x3F7E];
	s0 =	simm.s32 @p1 $0x1  }
0x15: {  	[smem:$0x3F9B] =	sst s0;
	s0 =	simm.s32 @!p2 $0x0  }
0x16: {  	s3 =	sld [smem:$0x3FDB];
	s0 =	simm.s32 @p2 $0x1  }
0x17: {  	s4 =	simm.s32 $0x1BF5;
	[smem:$0x3F9D] =	sst s0  }
0x18: {  	s0 =	sld [smem:$0x3F80];
	_ =	swait.ge [sflag:s4], $0x0  }
0x19: {  	s7 =	sld [smem:$0x3F81]  }
0x1a: {  	s8 =	sadd.s32 $0xFFFFE003, lr  }
0x1b: {  	s9 =	sadd.s32 $0xFFFFFEF7, lr;
	s5 =	simm.s32 $0xFFFFFFFF;
	p2 =	slt.u32 s8, $0xFFFFF086  }
0x1c: {  	p1 =	slt.u32 s9, $0xF7A;
	s5 =	simm.s32 @!p2 $0x0  }
0x1d: {  	s5 =	simm.s32 @p1 $0x1;
	p0 =	seq.s32 s7, s2  }
0x1e: {  	s7 =	smul.u32 @!p0 $0xF7A, s2;
	p2 =	seq.s32 @!p0 s5, $0x0  }
0x1f: {  	s9 =	smul.u32 $0xF7A, s1;
	s8 =	simm.s32 @!p0 $0x1BF5;
	p2 =	por !p2, p0  }
0x20: {  	[sflag:s8] =	ssyncset.s32 @!p0 $0xFFFFF086;
	s6 =	sadd.s32 @!p0 s3, s7;
	s7 =	simm.s32 @!p0 $0x108  }
0x21: {  	s3 =	sadd.s32 s3, s9;
	s6 =	sadd.s32 @!p0 $0x88, s6;
	s7 =	simm.s32 @p2 $0x1082  }
0x22: {  	[simem:s7], [sflag:s8] =	dma.local @!p0 [hbm:s6], $0xF7A  }
0x23: {  	s9 =	sor.u32 $0xD0000000, s2;
	s6 =	simm.s32 $0x108;
	_ =	swait.ge @!p0 [sflag:s8], $0x0  }
0x24: {  	s3 =	sadd.s32 $0x88, s3;
	s6 =	simm.s32 @!p1 $0x1082;
	[sflag:s4] =	ssyncset.s32 $0xFFFFF086  }
0x25: {  	[simem:s6], [sflag:s4] =	dma.local [hbm:s3], $0xF7A  }
0x26: {  	[smem:$0x3F81] =	sst s1;
	(tag) =	ssettag s2;
	_ =	strace s9  }
0x27: {  	s1 =	sld [smem:$0x3F91]  }
0x28: {  	s2 =	sld [smem:$0x3F92]  }
0x29: {  	s4 =	sld [smem:$0x3F94]  }
0x2a: {  	p0 =	seq.s32 s5, $0x0;
	s5 =	sld [smem:$0x3F95]  }
0x2b: {  	s6 =	sld [smem:$0x3F96]  }
0x2c: {  	s7 =	sld [smem:$0x3F97]  }
0x2d: {  	s3 =	simm.s32 $0x108;
	s8 =	sld [smem:$0x3F98]  }
0x2e: {  	s3 =	simm.s32 @!p0 $0x1082;
	s9 =	sld [smem:$0x3F99]  }
0x2f: {  	lr =	sadd.s32 s0, s3;
	s0 =	sld [smem:$0x3F90]  }
0x30: {  	s3 =	sld [smem:$0x3F93]  }
0x31: {  	[smem:$0x3F9C] =	sst s10  }
0x32: {  	s10 =	sld [smem:$0x3F9A];
	_ =	sdelay $0x3  }
0x33: {  	p0 =	seq.s32 s10, $0x1;
	s10 =	sld [smem:$0x3F9C];
	_ =	sdelay $0x3  }
0x34: {  	[smem:$0x3F9C] =	sst s10  }
0x35: {  	s10 =	sld [smem:$0x3F9B];
	_ =	sdelay $0x3  }
0x36: {  	p1 =	seq.s32 s10, $0x1;
	s10 =	sld [smem:$0x3F9C];
	_ =	sdelay $0x3  }
0x37: {  	[smem:$0x3F9C] =	sst s10  }
0x38: {  	s10 =	sld [smem:$0x3F9D]  }
0x39: {  	_ = 	snop;
	(pc) =	sbr.ind lr, $3  }
0x3a: {  	_ = 	snop  }
0x3b: {  	_ = 	snop  }
0x3c: {  	p2 =	seq.s32 s10, $0x1;
	s10 =	sld [smem:$0x3F9C]  }
0x3d: {  	_ =	shalt  }
0x3e: {  	_ =	shalt  }
0x3f: {  	_ =	shalt  }
0x40: {  	_ =	shalt  }
0x41: {  	_ =	shalt  }
0x42: {  	_ =	shalt  }
0x43: {  	_ =	shalt  }
0x44: {  	_ =	shalt  }
0x45: {  	_ =	shalt  }
0x46: {  	_ =	shalt  }
0x47: {  	_ =	shalt  }
0x48: {  	_ =	shalt  }
0x49: {  	_ =	shalt  }
0x4a: {  	_ =	shalt  }
0x4b: {  	_ =	shalt  }
0x4c: {  	_ =	shalt  }
0x4d: {  	_ =	shalt  }
0x4e: {  	_ =	shalt  }
0x4f: {  	_ =	shalt  }
0x50: {  	_ =	shalt  }
0x51: {  	_ =	shalt  }
0x52: {  	_ =	shalt  }
0x53: {  	_ =	shalt  }
0x54: {  	_ =	shalt  }
0x55: {  	_ =	shalt  }
0x56: {  	_ =	shalt  }
0x57: {  	_ =	shalt  }
0x58: {  	_ =	shalt  }
0x59: {  	_ =	shalt  }
0x5a: {  	_ =	shalt  }
0x5b: {  	_ =	shalt  }
0x5c: {  	_ =	shalt  }
0x5d: {  	_ =	shalt  }
0x5e: {  	_ =	shalt  }
0x5f: {  	_ =	shalt  }
0x60: {  	_ =	shalt  }
0x61: {  	_ =	shalt  }
0x62: {  	_ =	shalt  }
0x63: {  	_ =	shalt  }
0x64: {  	_ =	shalt  }
0x65: {  	_ =	shalt  }
0x66: {  	_ =	shalt  }
0x67: {  	_ =	shalt  }
0x68: {  	_ =	shalt  }
0x69: {  	_ =	shalt  }
0x6a: {  	_ =	shalt  }
0x6b: {  	_ =	shalt  }
0x6c: {  	_ =	shalt  }
0x6d: {  	_ =	shalt  }
0x6e: {  	_ =	shalt  }
0x6f: {  	_ =	shalt  }
0x70: {  	_ =	shalt  }
0x71: {  	_ =	shalt  }
0x72: {  	_ =	shalt  }
0x73: {  	_ =	shalt  }
0x74: {  	_ =	shalt  }
0x75: {  	_ =	shalt  }
0x76: {  	_ =	shalt  }
0x77: {  	_ =	shalt  }
0x78: {  	_ =	shalt  }
0x79: {  	_ =	shalt  }
0x7a: {  	_ =	shalt  }
0x7b: {  	_ =	shalt  }
0x7c: {  	_ =	shalt  }
0x7d: {  	_ =	shalt  }
0x7e: {  	_ =	shalt  }
0x7f: {  	_ =	shalt  }
0x80: {  	_ =	shalt  }
0x81: {  	_ =	shalt  }
0x82: {  	_ =	shalt  }
0x83: {  	_ =	shalt  }
0x84: {  	_ =	shalt  }
0x85: {  	_ =	shalt  }
0x86: {  	_ =	shalt  }
0x87: {  	_ =	shalt  }
.Lfunc_end0:
.L_simem_size_0:
called_computation.2_lowered:
.L_overlay_start_0:
0x88: {  	s2 =	sld [smem:$0x3FD9]  }
0x89: {  	s3 =	sld [smem:$0x3FFE];
	_ =	sdelay $0x1  }
0x8a: {  	s1 =	srdreg.scid  }
0x8b: {  	s0 =	sand.u32 $0x1, s1  }
0x8c: {  	s16 =	sshll.u32 s0, $0xA;
	s2 =	sadd.s32 s3, s2  }
0x8d: {  	s2 =	sadd.s32 s2, s16  }
0x8e: {  	[smem:$0x3FA8] =	sst s2  }
0x8f: {  	_ = 	snop  }
0x90: {  	(tm) =	ssettm $0x1  }
0x91: {  	s17 =	sld [smem:$0x3FFB];
	_ =	sdelay $0x3  }
0x92: {  	_ =	strace s17  }
0x93: {  	s2 =	sld [smem:$0x3FFC];
	_ =	sdelay $0x3  }
0x94: {  	_ =	strace s2  }
0x95: {  	s2 =	sld [smem:$0x3FFD];
	_ =	sdelay $0x3  }
0x96: {  	_ =	strace s2  }
0x97: {  	_ =	strace $0x8FFFFFFF  }
0x98: {  	s18 =	sld [smem:$0x3FDB];
	_ =	sdelay $0x1  }
0x99: {  	s19 =	simm.s32 $_scs_section_size  }
0x9a: {  	s4 =	simm.s32 $_size__tile_overlayer_lowered;
	s5 =	simm.s32 $_tile_overlayer_lowered  }
0x9b: {  	s22 =	simm.s32 $0x1BFF;
	s21 =	sshll.u32 s5, $0x1;
	s2 =	sadd.s32 s19, s18  }
0x9c: {  	s6 =	simm.s32 $0x0;
	s20 =	sshll.u32 s4, $0x1;
	s4 =	sadd.s32 s21, s2  }
0x9d: {  	[timem:s6], [sflag:s22] =	dma.local [hbm:s4], s20  }
0x9e: {  	_ =	swait.ge [sflag:s22], s20  }
0x9f: {  	s3 =	ssub.s32 $0x0, s20;
	[sflag:s22] =	ssyncset.done $0x0  }
0xa0: {  	[sflag:s22] =	ssyncadd.s32 s3;
	_ =	sdelay $0x1  }
0xa1: {  	s23 =	simm.s32 $0x1B8B  }
0xa2: {  	_ =	swait.ge [sflag:s23], $0x1  }
0xa3: {  	[sflag:s23] =	ssyncset.done $0x0  }
0xa4: {  	s25 =	simm.s32 $0x1B8E;
	s24 =	sld [smem:$0x3FFE];
	[sflag:s23] =	ssyncadd.s32 $0xFFFFFFFF  }
0xa5: {  	s26 =	simm.s32 $execute0_lowered;
	[smem:$0x3FD2] =	sst s25  }
0xa6: {  	s4 =	sshll.u32 s26, $0x1;
	_ =	strace $0x8000004C;
	[dreg:$0x1] =	wrdreg $0xFFFFFFFF  }
0xa7: {  	s28 =	simm.s32 $_size_execute0_lowered;
	s2 =	sadd.s32 s2, s4;
	[dreg:$0x0] =	wrdreg $0x0  }
0xa8: {  	s4 =	sshll.u32 s28, $0x1;
	[dreg:$0x2] =	wrdreg s2  }
0xa9: {  	[dreg:$0x3] =	wrdreg s4  }
0xaa: {  	[dreg:$0x4] =	wrdreg $0xC0  }
0xab: {  	_ =	task [dreg:s6], $0x5FFFF  }
0xac: {  	[dreg:$0x1] =	wrdreg $0xFFFFFFFF  }
0xad: {  	[dreg:$0x0] =	wrdreg $0x60  }
0xae: {  	[dreg:$0x2] =	wrdreg s24  }
0xaf: {  	[dreg:$0x3] =	wrdreg $0x79000  }
0xb0: {  	[dreg:$0x4] =	wrdreg $0x9  }
0xb1: {  	_ =	task.clear_ibuf [dreg:s6], $0x5FFFF;
	_ =	strace $0x9000004C  }
0xb2: {  	s29 =	simm.s32 $0x9;
	_ =	strace $0x8000004E  }
0xb3: {  	_ =	swait.ge [sflag:s29], $0x1  }
0xb4: {  	[sflag:s29] =	ssyncadd.s32 $0xFFFFFFFF  }
0xb5: {  	_ =	strace $0x9000004E  }
0xb6: {  	_ =	sfence  }
0xb7: {  	s30 =	sld [smem:$0x0];
	_ =	sdelay $0x2  }
0xb8: {  	s31 =	sshll.u32 s1, $0xD;
	s1 =	sshrl.u32 s1, $0x2  }
0xb9: {  	s3 =	sand.u32 $0x4000, s31;
	s1 =	sadd.s32 s1, s30  }
0xba: {  	s0 =	sor.u32 s3, s0;
	s1 =	sshll.u32 s1, $0x11  }
0xbb: {  	s0 =	sor.u32 s1, s0  }
0xbc: {  	s0 =	sadd.s32 $0x8F2B, s0  }
0xbd: {  	[sflag:s0] =	ssyncadd.remote.s32 $0x1  }
0xbe: {  	_ =	sfence.sel $0xFFFF  }
0xbf: {  	[dreg:$0x0] =	wrdreg $0xFFFFFFFF;
	(pc) =	sbr.abs _section_cstart, $3  }
0xc0: {  	[dreg:$0x1] =	wrdreg $0xFFFFFFFF  }
0xc1: {  	_ =	task.clear_ibuf [dreg:s6], $0x2FFFF;
	_ =	strace $0x9FFFFFFF  }
0xc2: {  	(tm) =	ssettm $0x7FFFFFFF  }
0xc3: {  	_ =	shalt  }
tec
execute0_lowered:
.L_overlay_start_1:
0x0: {  	(tag) =	ssettag $0x1  }
0x1: {  	s0 =	rddreg [dreg:$0x0]  }
0x2: {  	s1 =	srdreg.scid;
	s2 =	rddreg [dreg:$0x1]  }
0x3: {  	s10 =	stileid.u32;
	s3 =	simm.s32 $0x0;
	s18 =	simm.s32 $0x5100  }
0x4: {  	s19 =	simm.s32 $0x3;
	s20 =	simm.s32 $0x80;
	s21 =	simm.s32 $0x50  }
0x5: {  	s22 =	simm.s32 $0x100;
	s23 =	simm.s32 $0x2900;
	s24 =	simm.s32 $0x1  }
0x6: {  	s25 =	simm.s32 $0x2;
	s26 =	simm.s32 $0x0;
	s6 =	smul.u32 $0x14000, s10  }
0x7: {  	s1 =	sand.u32 $0x1, s1;
	[smem:$0x7FF] =	sst s3;
	s8 =	smul.u32 $0x50000, s10  }
0x8: {  	s4 =	sadd.s32 $0xEC00, s0;
	s5 =	smul.u32 $0x140000, s1;
	s30 =	ssub.s32 $0x2, s1  }
0x9: {  	_ =	strace $0x8000004D;
	s1 =	sshll.u32 s1, $0x4;
	s9 =	sshrl.u32 s30, $0x1  }
0xa: {  	s8 =	sshrl.u32 s8, $0x2;
	s1 =	sor.u32 s10, s1;
	s6 =	sadd.s32 s6, s5  }
0xb: {  	s5 =	sadd.s32 $0x4E00, s0;
	s17 =	ssub.s32 s30, s9;
	s7 =	sshrl.u32 s6, $0x3  }
0xc: {  	s6 =	sadd.s32 $0x19800, s0;
	s0 =	sadd.s32 s7, s0;
	s7 =	sadd.s32 s8, s2  }
0xd: {  	s15 =	smul.u32 $0x2710, s1;
	s17 =	smax.u32 s17, $0x1;
	s8 =	sadd.s32 $0x2800, s7  }
0xe: {  	s31 =	sadd.s32 $0x5000, s7;
	s10 =	sadd.s32 $0x7800, s7;
	s11 =	sadd.s32 $0xA000, s7  }
0xf: {  	s12 =	sadd.s32 $0xC800, s7;
	s13 =	sadd.s32 $0xF000, s7;
	[dreg:$0x3] =	wrdreg s8  }
0x10: {  	v0 =	vimm.f32 $0.0e+00;
	s14 =	sadd.s32 $0x11800, s7;
	s16 =	sadd.s32 $0x41800, s0;
	[dreg:$0x4] =	wrdreg s31  }
.LBB2_1:
0x11: {  	s0 =	simm.s32 $0x0;
	s1 =	simm.s32 $0x200  }
.LBB2_2:
0x12: {  	p0 =	sne.s32 s1, $0x9E00;
	[tilespmem:s0+$0x5170] =	vst v0  }
0x13: {  	[tilespmem:s0+$0x5100] =	vst v0  }
0x14: {  	[tilespmem:s0+$0x5110] =	vst v0  }
.Ltmp0:
0x15: {  	[tilespmem:s0+$0x5120] =	vst v0;
	(pc) =	sbr.rel @p0 .LBB2_2-.Ltmp0, $4  }
0x16: {  	[tilespmem:s0+$0x5130] =	vst v0  }
0x17: {  	[tilespmem:s0+$0x5140] =	vst v0  }
0x18: {  	[tilespmem:s0+$0x5150] =	vst v0  }
0x19: {  	[tilespmem:s0+$0x5160] =	vst v0;
	s0 =	sshra.s32 s1, $0x2;
	s1 =	sadd.s32 $0x200, s1  }
0x1a: {  	[tilespmem:s0+$0x5170] =	vst v0  }
0x1b: {  	[tilespmem:s0+$0x5100] =	vst v0  }
0x1c: {  	[tilespmem:s0+$0x5110] =	vst v0  }
0x1d: {  	[tilespmem:s0+$0x5120] =	vst v0  }
0x1e: {  	[tilespmem:s0+$0x5130] =	vst v0  }
0x1f: {  	[tilespmem:s0+$0x5140] =	vst v0  }
0x20: {  	[tilespmem:s0+$0x5150] =	vst v0  }
0x21: {  	[tilespmem:s0+$0x5160] =	vst v0  }
0x22: {  	[spmem:s7] =	stream.linear.scatter [tilespmem:s18], [sflag:$0x3], $0x2800, $0x38;
	[tilespmem:$0x1B900] =	vst v63  }
0x23: {  	_ =	swait.ge [sflag:s19], $0x2800  }
0x24: {  	[sflag:s19] =	ssyncset.done $0x0  }
0x25: {  	s30 =	rddreg [dreg:$0x3];
	[sflag:s19] =	ssyncadd.s32 $0xFFFFD800  }
0x26: {  	[spmem:s30] =	stream.linear.scatter [tilespmem:s18], [sflag:$0x3], $0x2800, $0x38;
	[tilespmem:$0x1B900] =	vst v63  }
0x27: {  	_ =	swait.ge [sflag:s19], $0x2800  }
0x28: {  	[sflag:s19] =	ssyncset.done $0x0  }
0x29: {  	s31 =	rddreg [dreg:$0x4];
	[sflag:s19] =	ssyncadd.s32 $0xFFFFD800  }
0x2a: {  	[spmem:s31] =	stream.linear.scatter [tilespmem:s18], [sflag:$0x3], $0x2800, $0x38;
	[tilespmem:$0x1B900] =	vst v63  }
0x2b: {  	_ =	swait.ge [sflag:s19], $0x2800  }
0x2c: {  	[sflag:s19] =	ssyncset.done $0x0  }
0x2d: {  	[sflag:s19] =	ssyncadd.s32 $0xFFFFD800  }
0x2e: {  	[spmem:s10] =	stream.linear.scatter [tilespmem:s18], [sflag:$0x3], $0x2800, $0x38;
	[tilespmem:$0x1B900] =	vst v63  }
0x2f: {  	_ =	swait.ge [sflag:s19], $0x2800  }
0x30: {  	[sflag:s19] =	ssyncset.done $0x0  }
0x31: {  	[sflag:s19] =	ssyncadd.s32 $0xFFFFD800  }
0x32: {  	[spmem:s11] =	stream.linear.scatter [tilespmem:s18], [sflag:$0x3], $0x2800, $0x38;
	[tilespmem:$0x1B900] =	vst v63  }
0x33: {  	_ =	swait.ge [sflag:s19], $0x2800  }
0x34: {  	[sflag:s19] =	ssyncset.done $0x0  }
0x35: {  	[sflag:s19] =	ssyncadd.s32 $0xFFFFD800  }
0x36: {  	[spmem:s12] =	stream.linear.scatter [tilespmem:s18], [sflag:$0x3], $0x2800, $0x38;
	[tilespmem:$0x1B900] =	vst v63  }
0x37: {  	_ =	swait.ge [sflag:s19], $0x2800  }
0x38: {  	[sflag:s19] =	ssyncset.done $0x0  }
0x39: {  	[sflag:s19] =	ssyncadd.s32 $0xFFFFD800  }
0x3a: {  	[spmem:s13] =	stream.linear.scatter [tilespmem:s18], [sflag:$0x3], $0x2800, $0x38;
	[tilespmem:$0x1B900] =	vst v63  }
0x3b: {  	_ =	swait.ge [sflag:s19], $0x2800  }
0x3c: {  	[sflag:s19] =	ssyncset.done $0x0  }
0x3d: {  	[sflag:s19] =	ssyncadd.s32 $0xFFFFD800  }
0x3e: {  	[spmem:s14] =	stream.linear.scatter [tilespmem:s18], [sflag:$0x3], $0x2800, $0x38;
	[tilespmem:$0x1B900] =	vst v63  }
0x3f: {  	_ =	swait.ge [sflag:s19], $0x2800  }
0x40: {  	[sflag:s19] =	ssyncset.done $0x0  }
0x41: {  	[sflag:s19] =	ssyncadd.s32 $0xFFFFD800  }
0x42: {  	s28 =	simm.s32 $0x0;
	[bflag:$0x0] =	sbarrier.arrive $0xFFFF  }
.LBB2_4:
0x43: {  	s0 =	smul.u32 $0x50, s28;
	_ =	sdelay $0x1  }
0x44: {  	s0 =	sadd.s32 s15, s0  }
0x45: {  	s0 =	sshrl.u32 s0, $0x3  }
0x46: {  	s1 =	sadd.s32 s4, s0  }
0x47: {  	[tilespmem:s26], [sflag:$0x3] =	stream.linear.gather [hbm4b:s1+s26], $0x50, $0x38;
	[tilespmem:$0x1B900] =	vst v63  }
0x48: {  	_ =	swait.ge [sflag:s19], $0x50  }
0x49: {  	[sflag:s19] =	ssyncset.done $0x0  }
0x4a: {  	s0 =	sadd.s32 s5, s0;
	[sflag:s19] =	ssyncadd.s32 $0xFFFFFFB0  }
0x4b: {  	[tilespmem:s20], [sflag:$0x3] =	stream.linear.gather [hbm4b:s0+s26], $0x50, $0x38;
	[tilespmem:$0x1B900] =	vst v63  }
0x4c: {  	_ =	swait.ge [sflag:s19], $0x50  }
0x4d: {  	[sflag:s19] =	ssyncset.done $0x0  }
0x4e: {  	[sflag:s19] =	ssyncadd.s32 $0xFFFFFFB0  }
0x4f: {  	[tilespmem:s22], [sflag:$0x1] =	stream.indirect.gather [hbm4b:s6+s21], $0x80, s26, s21, $0xb8;
	[tilespmem:$0x1B900] =	vst v63  }
0x50: {  	_ = 	snop  }
0x51: {  	[tilespmem:s23], [sflag:$0x2] =	stream.indirect.gather [hbm4b:s6+s21], $0x80, s20, s21, $0xb8;
	[tilespmem:$0x1B900] =	vst v63  }
0x52: {  	_ =	swait.ge [sflag:s24], $0x2800  }
0x53: {  	[sflag:s24] =	ssyncset.done $0x0  }
0x54: {  	[sflag:s24] =	ssyncadd.s32 $0xFFFFD800  }
0x55: {  	_ =	swait.ge [sflag:s25], $0x2800  }
0x56: {  	[sflag:s25] =	ssyncset.done $0x0  }
0x57: {  	s1 =	simm.s32 $0x0;
	[sflag:s25] =	ssyncadd.s32 $0xFFFFD800  }
0x58: {  	v1 =	vld [tilespmem:s1+$0x120]  }
0x59: {  	v2 =	vld [tilespmem:s1+$0x2930];
	_ =	sdelay $0x4  }
0x5a: {  	s0 =	simm.s32 $0x80;
	v1 =	vadd.f32 v2, v1  }
0x5b: {  	v3 =	vld [tilespmem:s0+$0x2930]  }
0x5c: {  	v2 =	vld [tilespmem:s0+$0x120];
	v1 =	vmul.f32 $-6.000000000e+00, v1;
	_ =	sdelay $0x1  }
0x5d: {  	v1 =	vmul.f32 $1.442695020e+00, v1;
	_ =	sdelay $0x1  }
0x5e: {  	(erf) = vpow2.f32 v1  }
0x5f: {  	v1 =	vadd.f32 v3, v2;
	_ =	sdelay $0x1  }
0x60: {  	v1 =	vmul.f32 $-6.000000000e+00, v1;
	_ =	sdelay $0x1  }
0x61: {  	s30 =	simm.s32 $0x100;
	v1 =	vmul.f32 $1.442695020e+00, v1  }
0x62: {  	v2 =	vld [tilespmem:s30+$0x120]  }
0x63: {  	v3 =	vld [tilespmem:s30+$0x2930];
	_ =	sdelay $0x1  }
0x64: {  	(erf) = vpow2.f32 v1;
	v1 =	vpop (erf)  }
0x65: {  	v1 =	vadd.f32 $1.000000000e+00, v1;
	_ =	sdelay $0x1  }
0x66: {  	(erf) = vrcp.f32 v1;
	v1 =	vadd.f32 v3, v2  }
0x67: {  	s29 =	simm.s32 $0x180  }
0x68: {  	v6 =	vld [tilespmem:s29+$0x2930];
	v1 =	vmul.f32 $-6.000000000e+00, v1  }
0x69: {  	v2 =	vld [tilespmem:s29+$0x120]  }
0x6a: {  	v1 =	vmul.f32 $1.442695020e+00, v1;
	_ =	sdelay $0x1  }
0x6b: {  	v3 =	vpop (erf);
	(erf) = vpow2.f32 v1  }
0x6c: {  	v5 =	vld [tilespmem:s1+$0x110];
	v7 =	vadd.f32 $1.000000000e+00, v3  }
0x6d: {  	v4 =	vld [tilespmem:s1+$0x100];
	v8 =	vadd.f32 v6, v2  }
0x6e: {  	v3 =	vld [tilespmem:s0+$0x100];
	(erf) = vrcp.f32 v7;
	v9 =	vpop (erf)  }
0x6f: {  	v2 =	vld [tilespmem:s30+$0x100];
	v11 =	vmul.f32 $-6.000000000e+00, v8;
	v6 =	vbroadcast v9, $0x3  }
0x70: {  	s31 =	simm.s32 $0x200;
	v1 =	vld [tilespmem:s29+$0x100];
	v10 =	vbroadcast v9, $0x0;
	v8 =	vbroadcast v9, $0x1  }
0x71: {  	s8 =	simm.s32 $0xA00;
	v7 =	vld [tilespmem:s31+$0x120];
	v9 =	vbroadcast v9, $0x2;
	v12 =	vmul.f32 v6, v5  }
.LBB2_5:
0x72: {  	p0 =	sne.s32 s8, $0x9E00;
	v13 =	vld [tilespmem:s31+$0x2930];
	v17 =	vmul.f32 $1.442695020e+00, v11;
	v14 =	vmul.f32 v10, v4;
	s9 =	smov.u32 s30;
	s30 =	smov.u32 s29  }
0x73: {  	v10 =	vmul.f32 v10, v5;
	v16 =	vmul.f32 v8, v4;
	s29 =	smov.u32 s31;
	v15 =	vld [tilespmem:s31+$0x100];
	[tilespmem:s1+$0x5170] =	vst v12  }
0x74: {  	v8 =	vmul.f32 v8, v5;
	(erf) = vpow2.f32 v17;
	v11 =	vpop (erf);
	[tilespmem:s1+$0x5100] =	vst v14  }
0x75: {  	v12 =	vmul.f32 v9, v4;
	v9 =	vmul.f32 v9, v5;
	v11 =	vadd.f32 $1.000000000e+00, v11;
	[tilespmem:s1+$0x5110] =	vst v10;
	v5 =	vld [tilespmem:s0+$0x110]  }
.Ltmp1:
0x76: {  	v14 =	vmul.f32 v6, v4;
	v4 =	vmovc v3;
	v3 =	vmov v2;
	v2 =	vmov v1;
	[tilespmem:s1+$0x5120] =	vst v16;
	(pc) =	sbr.rel @p0 .LBB2_5-.Ltmp1, $4  }
0x77: {  	v7 =	vadd.f32 v13, v7;
	(erf) = vrcp.f32 v11;
	v13 =	vpop (erf);
	[tilespmem:s1+$0x5130] =	vst v8  }
0x78: {  	v10 =	vbroadcast v13, $0x0;
	v6 =	vbroadcast v13, $0x3;
	[tilespmem:s1+$0x5140] =	vst v12;
	v1 =	vmov v15  }
0x79: {  	s31 =	sshra.s32 s8, $0x2;
	v8 =	vbroadcast v13, $0x1;
	v11 =	vmul.f32 $-6.000000000e+00, v7;
	[tilespmem:s1+$0x5150] =	vst v9  }
0x7a: {  	s8 =	sadd.s32 $0x200, s8;
	v9 =	vbroadcast v13, $0x2;
	v7 =	vld [tilespmem:s31+$0x120];
	v12 =	vmul.f32 v6, v5;
	[tilespmem:s1+$0x5160] =	vst v14;
	s1 =	smov.u32 s0;
	s0 =	smov.u32 s9  }
0x7b: {  	v13 =	vld [tilespmem:s31+$0x2930];
	v11 =	vmul.f32 $1.442695020e+00, v11;
	v14 =	vmul.f32 v10, v4  }
0x7c: {  	v15 =	vld [tilespmem:s31+$0x100];
	[tilespmem:s1+$0x5170] =	vst v12  }
0x7d: {  	v25 =	vmul.f32 v10, v5;
	(erf) = vpow2.f32 v11;
	v26 =	vpop (erf);
	[tilespmem:s1+$0x5100] =	vst v14  }
0x7e: {  	v27 =	vmul.f32 v8, v4;
	v11 =	vadd.f32 $1.000000000e+00, v26;
	v14 =	vld [tilespmem:s0+$0x110]  }
0x7f: {  	v28 =	vmul.f32 v8, v5;
	v32 =	vmul.f32 v6, v4;
	[tilespmem:s1+$0x5110] =	vst v25  }
0x80: {  	v29 =	vmul.f32 v9, v4;
	[tilespmem:s1+$0x5120] =	vst v27;
	v7 =	vadd.f32 v13, v7;
	(erf) = vrcp.f32 v11;
	v31 =	vpop (erf)  }
0x81: {  	v30 =	vmul.f32 v9, v5;
	[tilespmem:s1+$0x5130] =	vst v28;
	v33 =	vbroadcast v31, $0x3  }
0x82: {  	[tilespmem:s1+$0x5140] =	vst v29;
	v34 =	vbroadcast v31, $0x0;
	v7 =	vmul.f32 $-6.000000000e+00, v7  }
0x83: {  	[tilespmem:s1+$0x5150] =	vst v30;
	v35 =	vmul.f32 v33, v14  }
0x84: {  	[tilespmem:s1+$0x5160] =	vst v32;
	v37 =	vmul.f32 v34, v3;
	v36 =	vmul.f32 $1.442695020e+00, v7  }
0x85: {  	v38 =	vbroadcast v31, $0x1;
	[tilespmem:s0+$0x5170] =	vst v35  }
0x86: {  	v39 =	vmul.f32 v34, v14;
	[tilespmem:s0+$0x5100] =	vst v37;
	(erf) = vpow2.f32 v36;
	v40 =	vpop (erf)  }
0x87: {  	v41 =	vbroadcast v31, $0x2;
	v42 =	vmul.f32 v38, v3;
	v43 =	vld [tilespmem:s30+$0x110];
	v4 =	vadd.f32 $1.000000000e+00, v40  }
0x88: {  	v10 =	vmul.f32 v38, v14;
	[tilespmem:s0+$0x5110] =	vst v39  }
0x89: {  	v44 =	vmul.f32 v41, v3;
	[tilespmem:s0+$0x5120] =	vst v42;
	(erf) = vrcp.f32 v4;
	v45 =	vpop (erf)  }
0x8a: {  	v7 =	vmul.f32 v41, v14;
	[tilespmem:s0+$0x5130] =	vst v10;
	v46 =	vbroadcast v45, $0x3  }
0x8b: {  	v3 =	vmul.f32 v33, v3;
	[tilespmem:s0+$0x5140] =	vst v44;
	v47 =	vbroadcast v45, $0x0  }
0x8c: {  	[tilespmem:s0+$0x5150] =	vst v7;
	v48 =	vmul.f32 v46, v43  }
0x8d: {  	[tilespmem:s0+$0x5160] =	vst v3;
	v3 =	vmul.f32 v47, v2  }
0x8e: {  	v49 =	vbroadcast v45, $0x1;
	[tilespmem:s30+$0x5170] =	vst v48  }
0x8f: {  	v50 =	vmul.f32 v47, v43;
	[tilespmem:s30+$0x5100] =	vst v3;
	v51 =	vpop (erf)  }
0x90: {  	v52 =	vmul.f32 v49, v2;
	v3 =	vbroadcast v45, $0x2;
	v10 =	vld [tilespmem:s29+$0x110];
	v6 =	vadd.f32 $1.000000000e+00, v51  }
0x91: {  	v7 =	vmul.f32 v49, v43;
	[tilespmem:s30+$0x5110] =	vst v50  }
0x92: {  	[tilespmem:s30+$0x5120] =	vst v52;
	v53 =	vmul.f32 v3, v2;
	(erf) = vrcp.f32 v6;
	v54 =	vpop (erf)  }
0x93: {  	[tilespmem:s30+$0x5130] =	vst v7;
	v3 =	vmul.f32 v3, v43;
	v55 =	vbroadcast v54, $0x3  }
0x94: {  	v2 =	vmul.f32 v46, v2;
	[tilespmem:s30+$0x5140] =	vst v53;
	v56 =	vbroadcast v54, $0x0  }
0x95: {  	[tilespmem:s30+$0x5150] =	vst v3;
	v3 =	vmul.f32 v55, v10  }
0x96: {  	[tilespmem:s30+$0x5160] =	vst v2;
	v57 =	vbroadcast v54, $0x1;
	v2 =	vmul.f32 v56, v1  }
0x97: {  	[tilespmem:s29+$0x5170] =	vst v3  }
0x98: {  	v58 =	vmul.f32 v57, v1;
	[tilespmem:s29+$0x5100] =	vst v2  }
0x99: {  	v3 =	vmul.f32 v56, v10;
	v2 =	vbroadcast v54, $0x2;
	v59 =	vld [tilespmem:s31+$0x110]  }
0x9a: {  	v5 =	vmul.f32 v57, v10;
	[tilespmem:s29+$0x5120] =	vst v58  }
0x9b: {  	[tilespmem:s29+$0x5110] =	vst v3;
	v3 =	vmul.f32 v2, v1;
	v60 =	vpop (erf)  }
0x9c: {  	[tilespmem:s29+$0x5130] =	vst v5;
	v2 =	vmul.f32 v2, v10;
	v61 =	vbroadcast v60, $0x3  }
0x9d: {  	v1 =	vmul.f32 v55, v1;
	[tilespmem:s29+$0x5140] =	vst v3;
	v62 =	vbroadcast v60, $0x0  }
0x9e: {  	[tilespmem:s29+$0x5150] =	vst v2;
	v2 =	vmul.f32 v61, v59  }
0x9f: {  	[tilespmem:s29+$0x5160] =	vst v1;
	v3 =	vbroadcast v60, $0x1;
	v1 =	vmul.f32 v62, v15  }
0xa0: {  	v6 =	vmul.f32 v62, v59;
	[tilespmem:s31+$0x5170] =	vst v2  }
0xa1: {  	v63 =	vmul.f32 v3, v15;
	v2 =	vbroadcast v60, $0x2;
	[tilespmem:s31+$0x5100] =	vst v1  }
0xa2: {  	v1 =	vmul.f32 v3, v59;
	[tilespmem:s31+$0x5110] =	vst v6  }
0xa3: {  	[tilespmem:s31+$0x5120] =	vst v63;
	v3 =	vmul.f32 v2, v15  }
0xa4: {  	v2 =	vmul.f32 v2, v59;
	[tilespmem:s31+$0x5130] =	vst v1  }
0xa5: {  	s28 =	sadd.s32 $0x1, s28;
	v1 =	vmul.f32 v61, v15;
	[tilespmem:s31+$0x5140] =	vst v3  }
0xa6: {  	p0 =	sne.s32 s28, $0x7D;
	[tilespmem:s31+$0x5150] =	vst v2  }
.Ltmp2:
0xa7: {  	[tilespmem:s31+$0x5160] =	vst v1;
	(pc) =	sbr.rel @p0 .LBB2_4-.Ltmp2, $4  }
0xa8: {  	[spmem:s2] =	stream.indirect.scatter.add.f32 [tilespmem:s18], [sflag:$0x3], $0x80, s20, s21, $0xb8;
	[tilespmem:$0x1B900] =	vst v63  }
0xa9: {  	_ =	swait.ge [sflag:s19], $0x2800  }
0xaa: {  	[sflag:s19] =	ssyncset.done $0x0  }
0xab: {  	[sflag:s19] =	ssyncadd.s32 $0xFFFFD800  }
0xac: {  	s0 =	stileid.u32;
	s3 =	sadd.s32 $0x1, s3  }
0xad: {  	[bflag:$0x0] =	sbarrier.arrive $0xFFFF;
	s0 =	sshll.u32 s0, $0x6;
	p0 =	sne.s32 s3, s17  }
.Ltmp3:
0xae: {  	s1 =	sshrl.u32 s7, $0x3;
	s0 =	sor.u32 $0x1C03, s0;
	(pc) =	sbr.rel @p0 .LBB2_1-.Ltmp3, $4  }
0xaf: {  	[hbm:s16], [sflag:s0] =	dma.local [spmem:s1], $0x2800  }
0xb0: {  	_ =	swait.ge [sflag:s19], $0x2800  }
0xb1: {  	[sflag:s19] =	ssyncset.done $0x0  }
0xb2: {  	[sflag:s19] =	ssyncadd.s32 $0xFFFFD800  }
0xb3: {  	_ =	sfence.sel $0x180000  }
0xb4: {  	[bflag:$0x0] =	sbarrier.arrive $0xFFFF  }
0xb5: {  	_ =	strace $0x9000004D  }
0xb6: {  	s0 =	stileid.u32;
	[bflag:$0x2] =	sbarrier.arrive $0xFFFF  }
0xb7: {  	p0 =	sne.s32 s0, $0x0;
	s0 =	rddreg [dreg:$0x2]  }
0xb8: {  	s0 =	sadd.s32 @!p0 $0x100000, s0  }
0xb9: {  	[sflag:s0] =	ssyncadd.tile.s32 @!p0 $0x1;
	_ =	shalt  }
.Lfunc_end2:
_tile_overlayer_lowered:
.L_overlay_start_2:
0xba: {  	(tag) =	ssettag $0x2  }
0xbb: {  	s0 =	rddreg [dreg:$0x0];
	s2 =	stileid.u32  }
0xbc: {  	s1 =	rddreg [dreg:$0x1];
	p0 =	sne.s32 s2, $0x0  }
0xbd: {  	s3 =	rddreg [dreg:$0x2];
	[bflag:$0x3] =	sbarrier.arrive $0xFFFF;
	s2 =	simm.s32 @!p0 $0x1C03  }
0xbe: {  	[timem:s3], [sflag:s2] =	dma.local @!p0 [hbm:s0], s1  }
0xbf: {  	s0 =	simm.s32 @!p0 $0x3  }
0xc0: {  	_ =	swait.ge @!p0 [sflag:s0], s1  }
0xc1: {  	s1 =	ssub.s32 @!p0 $0x0, s1;
	[sflag:s0] =	ssyncset.done @!p0 $0x0  }
0xc2: {  	[sflag:s0] =	ssyncadd.s32 @!p0 s1  }
0xc3: {  	[bflag:$0x3] =	sbarrier.arrive $0xFFFF  }
0xc4: {  	_ =	shalt  }

// kernel: kernel.20.cloned.1.call-start
scs
__scs_entry_jumppad:
0x0: {  	(pc) =	sbr.rel $0x88, $3  }
0x1: {  	(tag) =	ssettag $0x0;
	lr =	simm.s32 $0x1  }
0x2: {  	[smem:$0x3F81] =	sst lr;
	_ =	strace $0xD0000000  }
0x3: {  	_ = 	snop  }
0x4: {  	_ = 	snop  }
0x5: {  	_ = 	snop  }
0x6: {  	_ = 	snop  }
0x7: {  	_ = 	snop  }
__scs_overlays_trampoline_lowered:
0x8: {  	[smem:$0x3F90] =	sst s0  }
0x9: {  	[smem:$0x3F91] =	sst s1  }
0xa: {  	[smem:$0x3F92] =	sst s2  }
0xb: {  	[smem:$0x3F93] =	sst s3  }
0xc: {  	[smem:$0x3F94] =	sst s4  }
0xd: {  	[smem:$0x3F95] =	sst s5  }
0xe: {  	[smem:$0x3F96] =	sst s6  }
0xf: {  	[smem:$0x3F97] =	sst s7  }
0x10: {  	[smem:$0x3F98] =	sst s8  }
0x11: {  	[smem:$0x3F99] =	sst s9;
	s0 =	simm.s32 @!p0 $0x0  }
0x12: {  	s1 =	sld [smem:$0x3F7F];
	s0 =	simm.s32 @p0 $0x1  }
0x13: {  	[smem:$0x3F9A] =	sst s0;
	s0 =	simm.s32 @!p1 $0x0  }
0x14: {  	s2 =	sld [smem:$0x3F7E];
	s0 =	simm.s32 @p1 $0x1  }
0x15: {  	[smem:$0x3F9B] =	sst s0;
	s0 =	simm.s32 @!p2 $0x0  }
0x16: {  	s3 =	sld [smem:$0x3FDB];
	s0 =	simm.s32 @p2 $0x1  }
0x17: {  	s4 =	simm.s32 $0x1BF5;
	[smem:$0x3F9D] =	sst s0  }
0x18: {  	s0 =	sld [smem:$0x3F80];
	_ =	swait.ge [sflag:s4], $0x0  }
0x19: {  	s7 =	sld [smem:$0x3F81]  }
0x1a: {  	s8 =	sadd.s32 $0xFFFFE003, lr  }
0x1b: {  	s9 =	sadd.s32 $0xFFFFFEF7, lr;
	s5 =	simm.s32 $0xFFFFFFFF;
	p2 =	slt.u32 s8, $0xFFFFF086  }
0x1c: {  	p1 =	slt.u32 s9, $0xF7A;
	s5 =	simm.s32 @!p2 $0x0  }
0x1d: {  	s5 =	simm.s32 @p1 $0x1;
	p0 =	seq.s32 s7, s2  }
0x1e: {  	s7 =	smul.u32 @!p0 $0xF7A, s2;
	p2 =	seq.s32 @!p0 s5, $0x0  }
0x1f: {  	s9 =	smul.u32 $0xF7A, s1;
	s8 =	simm.s32 @!p0 $0x1BF5;
	p2 =	por !p2, p0  }
0x20: {  	[sflag:s8] =	ssyncset.s32 @!p0 $0xFFFFF086;
	s6 =	sadd.s32 @!p0 s3, s7;
	s7 =	simm.s32 @!p0 $0x108  }
0x21: {  	s3 =	sadd.s32 s3, s9;
	s6 =	sadd.s32 @!p0 $0x88, s6;
	s7 =	simm.s32 @p2 $0x1082  }
0x22: {  	[simem:s7], [sflag:s8] =	dma.local @!p0 [hbm:s6], $0xF7A  }
0x23: {  	s9 =	sor.u32 $0xD0000000, s2;
	s6 =	simm.s32 $0x108;
	_ =	swait.ge @!p0 [sflag:s8], $0x0  }
0x24: {  	s3 =	sadd.s32 $0x88, s3;
	s6 =	simm.s32 @!p1 $0x1082;
	[sflag:s4] =	ssyncset.s32 $0xFFFFF086  }
0x25: {  	[simem:s6], [sflag:s4] =	dma.local [hbm:s3], $0xF7A  }
0x26: {  	[smem:$0x3F81] =	sst s1;
	(tag) =	ssettag s2;
	_ =	strace s9  }
0x27: {  	s1 =	sld [smem:$0x3F91]  }
0x28: {  	s2 =	sld [smem:$0x3F92]  }
0x29: {  	s4 =	sld [smem:$0x3F94]  }
0x2a: {  	p0 =	seq.s32 s5, $0x0;
	s5 =	sld [smem:$0x3F95]  }
0x2b: {  	s6 =	sld [smem:$0x3F96]  }
0x2c: {  	s7 =	sld [smem:$0x3F97]  }
0x2d: {  	s3 =	simm.s32 $0x108;
	s8 =	sld [smem:$0x3F98]  }
0x2e: {  	s3 =	simm.s32 @!p0 $0x1082;
	s9 =	sld [smem:$0x3F99]  }
0x2f: {  	lr =	sadd.s32 s0, s3;
	s0 =	sld [smem:$0x3F90]  }
0x30: {  	s3 =	sld [smem:$0x3F93]  }
0x31: {  	[smem:$0x3F9C] =	sst s10  }
0x32: {  	s10 =	sld [smem:$0x3F9A];
	_ =	sdelay $0x3  }
0x33: {  	p0 =	seq.s32 s10, $0x1;
	s10 =	sld [smem:$0x3F9C];
	_ =	sdelay $0x3  }
0x34: {  	[smem:$0x3F9C] =	sst s10  }
0x35: {  	s10 =	sld [smem:$0x3F9B];
	_ =	sdelay $0x3  }
0x36: {  	p1 =	seq.s32 s10, $0x1;
	s10 =	sld [smem:$0x3F9C];
	_ =	sdelay $0x3  }
0x37: {  	[smem:$0x3F9C] =	sst s10  }
0x38: {  	s10 =	sld [smem:$0x3F9D]  }
0x39: {  	_ = 	snop;
	(pc) =	sbr.ind lr, $3  }
0x3a: {  	_ = 	snop  }
0x3b: {  	_ = 	snop  }
0x3c: {  	p2 =	seq.s32 s10, $0x1;
	s10 =	sld [smem:$0x3F9C]  }
0x3d: {  	_ =	shalt  }
0x3e: {  	_ =	shalt  }
0x3f: {  	_ =	shalt  }
0x40: {  	_ =	shalt  }
0x41: {  	_ =	shalt  }
0x42: {  	_ =	shalt  }
0x43: {  	_ =	shalt  }
0x44: {  	_ =	shalt  }
0x45: {  	_ =	shalt  }
0x46: {  	_ =	shalt  }
0x47: {  	_ =	shalt  }
0x48: {  	_ =	shalt  }
0x49: {  	_ =	shalt  }
0x4a: {  	_ =	shalt  }
0x4b: {  	_ =	shalt  }
0x4c: {  	_ =	shalt  }
0x4d: {  	_ =	shalt  }
0x4e: {  	_ =	shalt  }
0x4f: {  	_ =	shalt  }
0x50: {  	_ =	shalt  }
0x51: {  	_ =	shalt  }
0x52: {  	_ =	shalt  }
0x53: {  	_ =	shalt  }
0x54: {  	_ =	shalt  }
0x55: {  	_ =	shalt  }
0x56: {  	_ =	shalt  }
0x57: {  	_ =	shalt  }
0x58: {  	_ =	shalt  }
0x59: {  	_ =	shalt  }
0x5a: {  	_ =	shalt  }
0x5b: {  	_ =	shalt  }
0x5c: {  	_ =	shalt  }
0x5d: {  	_ =	shalt  }
0x5e: {  	_ =	shalt  }
0x5f: {  	_ =	shalt  }
0x60: {  	_ =	shalt  }
0x61: {  	_ =	shalt  }
0x62: {  	_ =	shalt  }
0x63: {  	_ =	shalt  }
0x64: {  	_ =	shalt  }
0x65: {  	_ =	shalt  }
0x66: {  	_ =	shalt  }
0x67: {  	_ =	shalt  }
0x68: {  	_ =	shalt  }
0x69: {  	_ =	shalt  }
0x6a: {  	_ =	shalt  }
0x6b: {  	_ =	shalt  }
0x6c: {  	_ =	shalt  }
0x6d: {  	_ =	shalt  }
0x6e: {  	_ =	shalt  }
0x6f: {  	_ =	shalt  }
0x70: {  	_ =	shalt  }
0x71: {  	_ =	shalt  }
0x72: {  	_ =	shalt  }
0x73: {  	_ =	shalt  }
0x74: {  	_ =	shalt  }
0x75: {  	_ =	shalt  }
0x76: {  	_ =	shalt  }
0x77: {  	_ =	shalt  }
0x78: {  	_ =	shalt  }
0x79: {  	_ =	shalt  }
0x7a: {  	_ =	shalt  }
0x7b: {  	_ =	shalt  }
0x7c: {  	_ =	shalt  }
0x7d: {  	_ =	shalt  }
0x7e: {  	_ =	shalt  }
0x7f: {  	_ =	shalt  }
0x80: {  	_ =	shalt  }
0x81: {  	_ =	shalt  }
0x82: {  	_ =	shalt  }
0x83: {  	_ =	shalt  }
0x84: {  	_ =	shalt  }
0x85: {  	_ =	shalt  }
0x86: {  	_ =	shalt  }
0x87: {  	_ =	shalt  }
.Lfunc_end0:
.L_simem_size_0:
called_computation.3_lowered:
.L_overlay_start_0:
0x88: {  	s2 =	sld [smem:$0x3FD9]  }
0x89: {  	s3 =	sld [smem:$0x3FFE];
	_ =	sdelay $0x1  }
0x8a: {  	s1 =	srdreg.scid  }
0x8b: {  	s0 =	sand.u32 $0x1, s1  }
0x8c: {  	s16 =	sshll.u32 s0, $0xA;
	s2 =	sadd.s32 s3, s2  }
0x8d: {  	s2 =	sadd.s32 s2, s16  }
0x8e: {  	[smem:$0x3FA8] =	sst s2  }
0x8f: {  	_ = 	snop  }
0x90: {  	(tm) =	ssettm $0x1  }
0x91: {  	s17 =	sld [smem:$0x3FFB];
	_ =	sdelay $0x3  }
0x92: {  	_ =	strace s17  }
0x93: {  	s2 =	sld [smem:$0x3FFC];
	_ =	sdelay $0x3  }
0x94: {  	_ =	strace s2  }
0x95: {  	s2 =	sld [smem:$0x3FFD];
	_ =	sdelay $0x3  }
0x96: {  	_ =	strace s2  }
0x97: {  	_ =	strace $0x8FFFFFFF  }
0x98: {  	s18 =	sld [smem:$0x3FDB];
	_ =	sdelay $0x1  }
0x99: {  	s19 =	simm.s32 $_scs_section_size  }
0x9a: {  	s4 =	simm.s32 $_size__tile_overlayer_lowered;
	s5 =	simm.s32 $_tile_overlayer_lowered  }
0x9b: {  	s22 =	simm.s32 $0x1BFF;
	s21 =	sshll.u32 s5, $0x1;
	s2 =	sadd.s32 s19, s18  }
0x9c: {  	s6 =	simm.s32 $0x0;
	s20 =	sshll.u32 s4, $0x1;
	s4 =	sadd.s32 s21, s2  }
0x9d: {  	[timem:s6], [sflag:s22] =	dma.local [hbm:s4], s20  }
0x9e: {  	_ =	swait.ge [sflag:s22], s20  }
0x9f: {  	s3 =	ssub.s32 $0x0, s20;
	[sflag:s22] =	ssyncset.done $0x0  }
0xa0: {  	[sflag:s22] =	ssyncadd.s32 s3;
	_ =	sdelay $0x1  }
0xa1: {  	s23 =	simm.s32 $0x1B8B  }
0xa2: {  	_ =	swait.ge [sflag:s23], $0x1  }
0xa3: {  	[sflag:s23] =	ssyncset.done $0x0  }
0xa4: {  	s25 =	simm.s32 $0x1B8E;
	s24 =	sld [smem:$0x3FFE];
	[sflag:s23] =	ssyncadd.s32 $0xFFFFFFFF  }
0xa5: {  	s26 =	simm.s32 $execute0_lowered;
	[smem:$0x3FD2] =	sst s25  }
0xa6: {  	s4 =	sshll.u32 s26, $0x1;
	_ =	strace $0x8000004F;
	[dreg:$0x1] =	wrdreg $0xFFFFFFFF  }
0xa7: {  	s28 =	simm.s32 $_size_execute0_lowered;
	s2 =	sadd.s32 s2, s4;
	[dreg:$0x0] =	wrdreg $0x0  }
0xa8: {  	s4 =	sshll.u32 s28, $0x1;
	[dreg:$0x2] =	wrdreg s2  }
0xa9: {  	[dreg:$0x3] =	wrdreg s4  }
0xaa: {  	[dreg:$0x4] =	wrdreg $0xC0  }
0xab: {  	_ =	task [dreg:s6], $0x5FFFF  }
0xac: {  	[dreg:$0x1] =	wrdreg $0xFFFFFFFF  }
0xad: {  	[dreg:$0x0] =	wrdreg $0x60  }
0xae: {  	[dreg:$0x2] =	wrdreg s24  }
0xaf: {  	[dreg:$0x3] =	wrdreg $0x79000  }
0xb0: {  	[dreg:$0x4] =	wrdreg $0x9  }
0xb1: {  	_ =	task.clear_ibuf [dreg:s6], $0x5FFFF;
	_ =	strace $0x9000004F  }
0xb2: {  	s29 =	simm.s32 $0x9;
	_ =	strace $0x80000051  }
0xb3: {  	_ =	swait.ge [sflag:s29], $0x1  }
0xb4: {  	[sflag:s29] =	ssyncadd.s32 $0xFFFFFFFF  }
0xb5: {  	_ =	strace $0x90000051  }
0xb6: {  	_ =	sfence  }
0xb7: {  	s30 =	sld [smem:$0x0];
	_ =	sdelay $0x2  }
0xb8: {  	s31 =	sshll.u32 s1, $0xD;
	s1 =	sshrl.u32 s1, $0x2  }
0xb9: {  	s3 =	sand.u32 $0x4000, s31;
	s1 =	sadd.s32 s1, s30  }
0xba: {  	s0 =	sor.u32 s3, s0;
	s1 =	sshll.u32 s1, $0x11  }
0xbb: {  	s0 =	sor.u32 s1, s0  }
0xbc: {  	s0 =	sadd.s32 $0x8F2B, s0  }
0xbd: {  	[sflag:s0] =	ssyncadd.remote.s32 $0x1  }
0xbe: {  	_ =	sfence.sel $0xFFFF  }
0xbf: {  	[dreg:$0x0] =	wrdreg $0xFFFFFFFF;
	(pc) =	sbr.abs _section_cstart, $3  }
0xc0: {  	[dreg:$0x1] =	wrdreg $0xFFFFFFFF  }
0xc1: {  	_ =	task.clear_ibuf [dreg:s6], $0x2FFFF;
	_ =	strace $0x9FFFFFFF  }
0xc2: {  	(tm) =	ssettm $0x7FFFFFFF  }
0xc3: {  	_ =	shalt  }
tec
execute0_lowered:
.L_overlay_start_1:
0x0: {  	(tag) =	ssettag $0x1  }
0x1: {  	s0 =	rddreg [dreg:$0x0]  }
0x2: {  	s1 =	srdreg.scid;
	s2 =	rddreg [dreg:$0x1]  }
0x3: {  	s10 =	stileid.u32;
	s3 =	simm.s32 $0x0;
	s18 =	simm.s32 $0x5100  }
0x4: {  	s19 =	simm.s32 $0x3;
	s20 =	simm.s32 $0x80;
	s21 =	simm.s32 $0x50  }
0x5: {  	s22 =	simm.s32 $0x100;
	s23 =	simm.s32 $0x2900;
	s24 =	simm.s32 $0x1  }
0x6: {  	s25 =	simm.s32 $0x2;
	s26 =	simm.s32 $0x0;
	s6 =	smul.u32 $0x14000, s10  }
0x7: {  	s1 =	sand.u32 $0x1, s1;
	[smem:$0x7FF] =	sst s3;
	s8 =	smul.u32 $0x50000, s10  }
0x8: {  	s4 =	sadd.s32 $0xEC00, s0;
	s5 =	smul.u32 $0x140000, s1;
	s30 =	ssub.s32 $0x2, s1  }
0x9: {  	_ =	strace $0x80000050;
	s1 =	sshll.u32 s1, $0x4;
	s9 =	sshrl.u32 s30, $0x1  }
0xa: {  	s8 =	sshrl.u32 s8, $0x2;
	s1 =	sor.u32 s10, s1;
	s6 =	sadd.s32 s6, s5  }
0xb: {  	s5 =	sadd.s32 $0x4E00, s0;
	s9 =	ssub.s32 s30, s9;
	s7 =	sshrl.u32 s6, $0x3  }
0xc: {  	s6 =	sadd.s32 $0x18A00, s0;
	s0 =	sadd.s32 s7, s0;
	s7 =	sadd.s32 s8, s2  }
0xd: {  	s15 =	smul.u32 $0x2710, s1;
	s17 =	smax.u32 s9, $0x1;
	s8 =	sadd.s32 $0x2800, s7  }
0xe: {  	s31 =	sadd.s32 $0x5000, s7;
	s10 =	sadd.s32 $0x7800, s7;
	s11 =	sadd.s32 $0xA000, s7  }
0xf: {  	s12 =	sadd.s32 $0xC800, s7;
	s13 =	sadd.s32 $0xF000, s7;
	[dreg:$0x3] =	wrdreg s8  }
0x10: {  	v0 =	vimm.f32 $0.0e+00;
	s14 =	sadd.s32 $0x11800, s7;
	s16 =	sadd.s32 $0x40A00, s0;
	[dreg:$0x4] =	wrdreg s31  }
.LBB2_1:
0x11: {  	s0 =	simm.s32 $0x0;
	s1 =	simm.s32 $0x200  }
.LBB2_2:
0x12: {  	p0 =	sne.s32 s1, $0x9E00;
	[tilespmem:s0+$0x5170] =	vst v0  }
0x13: {  	[tilespmem:s0+$0x5100] =	vst v0  }
0x14: {  	[tilespmem:s0+$0x5110] =	vst v0  }
.Ltmp0:
0x15: {  	[tilespmem:s0+$0x5120] =	vst v0;
	(pc) =	sbr.rel @p0 .LBB2_2-.Ltmp0, $4  }
0x16: {  	[tilespmem:s0+$0x5130] =	vst v0  }
0x17: {  	[tilespmem:s0+$0x5140] =	vst v0  }
0x18: {  	[tilespmem:s0+$0x5150] =	vst v0  }
0x19: {  	[tilespmem:s0+$0x5160] =	vst v0;
	s0 =	sshra.s32 s1, $0x2;
	s1 =	sadd.s32 $0x200, s1  }
0x1a: {  	[tilespmem:s0+$0x5170] =	vst v0  }
0x1b: {  	[tilespmem:s0+$0x5100] =	vst v0  }
0x1c: {  	[tilespmem:s0+$0x5110] =	vst v0  }
0x1d: {  	[tilespmem:s0+$0x5120] =	vst v0  }
0x1e: {  	[tilespmem:s0+$0x5130] =	vst v0  }
0x1f: {  	[tilespmem:s0+$0x5140] =	vst v0  }
0x20: {  	[tilespmem:s0+$0x5150] =	vst v0  }
0x21: {  	[tilespmem:s0+$0x5160] =	vst v0  }
0x22: {  	[spmem:s7] =	stream.linear.scatter [tilespmem:s18], [sflag:$0x3], $0x2800, $0x38;
	[tilespmem:$0x1B900] =	vst v63  }
0x23: {  	_ =	swait.ge [sflag:s19], $0x2800  }
0x24: {  	[sflag:s19] =	ssyncset.done $0x0  }
0x25: {  	s30 =	rddreg [dreg:$0x3];
	[sflag:s19] =	ssyncadd.s32 $0xFFFFD800  }
0x26: {  	[spmem:s30] =	stream.linear.scatter [tilespmem:s18], [sflag:$0x3], $0x2800, $0x38;
	[tilespmem:$0x1B900] =	vst v63  }
0x27: {  	_ =	swait.ge [sflag:s19], $0x2800  }
0x28: {  	[sflag:s19] =	ssyncset.done $0x0  }
0x29: {  	s31 =	rddreg [dreg:$0x4];
	[sflag:s19] =	ssyncadd.s32 $0xFFFFD800  }
0x2a: {  	[spmem:s31] =	stream.linear.scatter [tilespmem:s18], [sflag:$0x3], $0x2800, $0x38;
	[tilespmem:$0x1B900] =	vst v63  }
0x2b: {  	_ =	swait.ge [sflag:s19], $0x2800  }
0x2c: {  	[sflag:s19] =	ssyncset.done $0x0  }
0x2d: {  	[sflag:s19] =	ssyncadd.s32 $0xFFFFD800  }
0x2e: {  	[spmem:s10] =	stream.linear.scatter [tilespmem:s18], [sflag:$0x3], $0x2800, $0x38;
	[tilespmem:$0x1B900] =	vst v63  }
0x2f: {  	_ =	swait.ge [sflag:s19], $0x2800  }
0x30: {  	[sflag:s19] =	ssyncset.done $0x0  }
0x31: {  	[sflag:s19] =	ssyncadd.s32 $0xFFFFD800  }
0x32: {  	[spmem:s11] =	stream.linear.scatter [tilespmem:s18], [sflag:$0x3], $0x2800, $0x38;
	[tilespmem:$0x1B900] =	vst v63  }
0x33: {  	_ =	swait.ge [sflag:s19], $0x2800  }
0x34: {  	[sflag:s19] =	ssyncset.done $0x0  }
0x35: {  	[sflag:s19] =	ssyncadd.s32 $0xFFFFD800  }
0x36: {  	[spmem:s12] =	stream.linear.scatter [tilespmem:s18], [sflag:$0x3], $0x2800, $0x38;
	[tilespmem:$0x1B900] =	vst v63  }
0x37: {  	_ =	swait.ge [sflag:s19], $0x2800  }
0x38: {  	[sflag:s19] =	ssyncset.done $0x0  }
0x39: {  	[sflag:s19] =	ssyncadd.s32 $0xFFFFD800  }
0x3a: {  	[spmem:s13] =	stream.linear.scatter [tilespmem:s18], [sflag:$0x3], $0x2800, $0x38;
	[tilespmem:$0x1B900] =	vst v63  }
0x3b: {  	_ =	swait.ge [sflag:s19], $0x2800  }
0x3c: {  	[sflag:s19] =	ssyncset.done $0x0  }
0x3d: {  	[sflag:s19] =	ssyncadd.s32 $0xFFFFD800  }
0x3e: {  	[spmem:s14] =	stream.linear.scatter [tilespmem:s18], [sflag:$0x3], $0x2800, $0x38;
	[tilespmem:$0x1B900] =	vst v63  }
0x3f: {  	_ =	swait.ge [sflag:s19], $0x2800  }
0x40: {  	[sflag:s19] =	ssyncset.done $0x0  }
0x41: {  	[sflag:s19] =	ssyncadd.s32 $0xFFFFD800  }
0x42: {  	s28 =	simm.s32 $0x0;
	[bflag:$0x0] =	sbarrier.arrive $0xFFFF  }
.LBB2_4:
0x43: {  	s0 =	smul.u32 $0x50, s28;
	_ =	sdelay $0x1  }
0x44: {  	s0 =	sadd.s32 s15, s0  }
0x45: {  	s0 =	sshrl.u32 s0, $0x3  }
0x46: {  	s1 =	sadd.s32 s4, s0  }
0x47: {  	[tilespmem:s26], [sflag:$0x3] =	stream.linear.gather [hbm4b:s1+s26], $0x50, $0x38;
	[tilespmem:$0x1B900] =	vst v63  }
0x48: {  	_ =	swait.ge [sflag:s19], $0x50  }
0x49: {  	[sflag:s19] =	ssyncset.done $0x0  }
0x4a: {  	s0 =	sadd.s32 s5, s0;
	[sflag:s19] =	ssyncadd.s32 $0xFFFFFFB0  }
0x4b: {  	[tilespmem:s20], [sflag:$0x3] =	stream.linear.gather [hbm4b:s0+s26], $0x50, $0x38;
	[tilespmem:$0x1B900] =	vst v63  }
0x4c: {  	_ =	swait.ge [sflag:s19], $0x50  }
0x4d: {  	[sflag:s19] =	ssyncset.done $0x0  }
0x4e: {  	[sflag:s19] =	ssyncadd.s32 $0xFFFFFFB0  }
0x4f: {  	[tilespmem:s22], [sflag:$0x1] =	stream.indirect.gather [hbm4b:s6+s21], $0x80, s26, s21, $0xb8;
	[tilespmem:$0x1B900] =	vst v63  }
0x50: {  	_ = 	snop  }
0x51: {  	[tilespmem:s23], [sflag:$0x2] =	stream.indirect.gather [hbm4b:s6+s21], $0x80, s20, s21, $0xb8;
	[tilespmem:$0x1B900] =	vst v63  }
0x52: {  	_ =	swait.ge [sflag:s24], $0x2800  }
0x53: {  	[sflag:s24] =	ssyncset.done $0x0  }
0x54: {  	[sflag:s24] =	ssyncadd.s32 $0xFFFFD800  }
0x55: {  	_ =	swait.ge [sflag:s25], $0x2800  }
0x56: {  	[sflag:s25] =	ssyncset.done $0x0  }
0x57: {  	s8 =	simm.s32 $0x0;
	[sflag:s25] =	ssyncadd.s32 $0xFFFFD800  }
0x58: {  	v1 =	vld [tilespmem:s8+$0x140]  }
0x59: {  	v2 =	vld [tilespmem:s8+$0x2950];
	_ =	sdelay $0x4  }
0x5a: {  	v1 =	vadd.f32 v2, v1;
	_ =	sdelay $0x1  }
0x5b: {  	s1 =	simm.s32 $0x80;
	v1 =	vmul.f32 $-6.000000000e+00, v1  }
0x5c: {  	v3 =	vld [tilespmem:s1+$0x2950]  }
0x5d: {  	v2 =	vld [tilespmem:s1+$0x140];
	v1 =	vmul.f32 $1.442695020e+00, v1;
	_ =	sdelay $0x1  }
0x5e: {  	(erf) = vpow2.f32 v1;
	_ =	sdelay $0x2  }
0x5f: {  	s0 =	simm.s32 $0x100;
	v1 =	vadd.f32 v3, v2  }
0x60: {  	v2 =	vld [tilespmem:s0+$0x140]  }
0x61: {  	v3 =	vld [tilespmem:s0+$0x2950];
	v1 =	vmul.f32 $-6.000000000e+00, v1;
	_ =	sdelay $0x1  }
0x62: {  	v1 =	vmul.f32 $1.442695020e+00, v1  }
0x63: {  	v17 =	vld [tilespmem:s8+$0x100]  }
0x64: {  	v13 =	vld [tilespmem:s8+$0x110];
	v4 =	vpop (erf);
	(erf) = vpow2.f32 v1  }
0x65: {  	s31 =	simm.s32 $0x180;
	v14 =	vld [tilespmem:s8+$0x120];
	v1 =	vadd.f32 v3, v2  }
0x66: {  	v2 =	vld [tilespmem:s31+$0x140];
	v4 =	vadd.f32 $1.000000000e+00, v4  }
0x67: {  	v3 =	vld [tilespmem:s31+$0x2950];
	v1 =	vmul.f32 $-6.000000000e+00, v1  }
0x68: {  	v11 =	vld [tilespmem:s1+$0x100];
	(erf) = vrcp.f32 v4  }
0x69: {  	v12 =	vld [tilespmem:s1+$0x110];
	v1 =	vmul.f32 $1.442695020e+00, v1  }
0x6a: {  	v10 =	vld [tilespmem:s1+$0x120]  }
0x6b: {  	v9 =	vld [tilespmem:s0+$0x100];
	(erf) = vpow2.f32 v1  }
0x6c: {  	v8 =	vld [tilespmem:s0+$0x110];
	v1 =	vadd.f32 v3, v2  }
0x6d: {  	v7 =	vld [tilespmem:s0+$0x120];
	v15 =	vpop (erf)  }
0x6e: {  	v6 =	vld [tilespmem:s31+$0x100];
	v21 =	vmul.f32 $-6.000000000e+00, v1;
	v15 =	vadd.f32 $1.000000000e+00, v15  }
0x6f: {  	s29 =	simm.s32 $0x200;
	v18 =	vld [tilespmem:s8+$0x130]  }
0x70: {  	v19 =	vld [tilespmem:s29+$0x140];
	v21 =	vmul.f32 $1.442695020e+00, v21;
	(erf) = vrcp.f32 v15  }
0x71: {  	v20 =	vld [tilespmem:s29+$0x2950];
	v3 =	vpop (erf)  }
0x72: {  	v5 =	vld [tilespmem:s31+$0x120];
	v16 =	vbroadcast v3, $0x1  }
0x73: {  	v4 =	vld [tilespmem:s31+$0x110];
	v22 =	vbroadcast v3, $0x0  }
0x74: {  	v2 =	vld [tilespmem:s29+$0x110];
	(erf) = vpow2.f32 v21;
	v23 =	vmul.f32 v16, v18;
	v21 =	vpop (erf)  }
0x75: {  	v1 =	vld [tilespmem:s29+$0x100];
	v24 =	vmul.f32 v22, v17;
	v26 =	vadd.f32 $1.000000000e+00, v21  }
0x76: {  	v25 =	vadd.f32 v20, v19;
	v3 =	vld [tilespmem:s29+$0x120];
	v19 =	vmul.f32 v22, v14;
	[tilespmem:s8+$0x5170] =	vst v23;
	v23 =	vmul.f32 v22, v13  }
0x77: {  	s30 =	simm.s32 $0x280;
	v20 =	vmul.f32 v22, v18;
	v15 =	vld [tilespmem:s1+$0x130];
	[tilespmem:s8+$0x5100] =	vst v24;
	(erf) = vrcp.f32 v26  }
0x78: {  	s9 =	simm.s32 $0xC00;
	v18 =	vmul.f32 v16, v17;
	v21 =	vmul.f32 $-6.000000000e+00, v25;
	v17 =	vld [tilespmem:s30+$0x140];
	[tilespmem:s8+$0x5110] =	vst v23  }
.LBB2_5:
0x79: {  	p0 =	sne.s32 s9, $0x9E00;
	v22 =	vld [tilespmem:s30+$0x2950];
	v23 =	vpop (erf);
	[tilespmem:s8+$0x5120] =	vst v19;
	v19 =	vmul.f32 v16, v13;
	v24 =	vmul.f32 v16, v14;
	v13 =	vmov v12  }
0x7a: {  	v12 =	vmovc v8;
	v8 =	vmovc v4;
	v4 =	vmov v2;
	v25 =	vld [tilespmem:s30+$0x100];
	v21 =	vmul.f32 $1.442695020e+00, v21;
	v16 =	vbroadcast v23, $0x1;
	[tilespmem:s8+$0x5130] =	vst v20  }
0x7b: {  	v14 =	vmovc v10;
	v10 =	vmovc v7;
	v7 =	vmov v5;
	v5 =	vmov v3;
	v20 =	vbroadcast v23, $0x0;
	v2 =	vld [tilespmem:s30+$0x110];
	[tilespmem:s8+$0x5140] =	vst v18  }
.Ltmp1:
0x7c: {  	v3 =	vld [tilespmem:s30+$0x120];
	(erf) = vpow2.f32 v21;
	v18 =	vmul.f32 v16, v15;
	[tilespmem:s8+$0x5150] =	vst v19;
	(pc) =	sbr.rel @p0 .LBB2_5-.Ltmp1, $4  }
0x7d: {  	v21 =	vmul.f32 v20, v11;
	v23 =	vmul.f32 v20, v13;
	v19 =	vpop (erf);
	[tilespmem:s8+$0x5160] =	vst v24;
	s8 =	smov.u32 s1;
	s1 =	smov.u32 s0;
	s0 =	smov.u32 s31  }
0x7e: {  	s31 =	smov.u32 s29;
	s29 =	smov.u32 s30;
	v22 =	vadd.f32 v22, v17;
	v24 =	vadd.f32 $1.000000000e+00, v19;
	v19 =	vmul.f32 v20, v14;
	[tilespmem:s8+$0x5170] =	vst v18  }
0x7f: {  	s30 =	sshra.s32 s9, $0x2;
	v20 =	vmul.f32 v20, v15;
	v18 =	vmul.f32 v16, v11;
	v11 =	vmovc v9;
	v9 =	vmov v6;
	[tilespmem:s8+$0x5100] =	vst v21;
	v15 =	vld [tilespmem:s1+$0x130]  }
0x80: {  	s9 =	sadd.s32 $0x200, s9;
	v6 =	vmovc v1;
	v1 =	vmov v25;
	v17 =	vld [tilespmem:s30+$0x140];
	v21 =	vmul.f32 $-6.000000000e+00, v22;
	(erf) = vrcp.f32 v24;
	[tilespmem:s8+$0x5110] =	vst v23  }
0x81: {  	v22 =	vld [tilespmem:s30+$0x2950];
	[tilespmem:s8+$0x5120] =	vst v19;
	v54 =	vpop (erf);
	v13 =	vmul.f32 v16, v13  }
0x82: {  	v19 =	vld [tilespmem:s30+$0x100];
	[tilespmem:s8+$0x5130] =	vst v20;
	v24 =	vbroadcast v54, $0x1;
	v57 =	vmul.f32 $1.442695020e+00, v21  }
0x83: {  	v14 =	vmul.f32 v16, v14;
	v55 =	vbroadcast v54, $0x0;
	v23 =	vld [tilespmem:s30+$0x110];
	[tilespmem:s8+$0x5140] =	vst v18  }
0x84: {  	v16 =	vld [tilespmem:s30+$0x120];
	v56 =	vmul.f32 v24, v15;
	[tilespmem:s8+$0x5150] =	vst v13;
	(erf) = vpow2.f32 v57  }
0x85: {  	[tilespmem:s8+$0x5160] =	vst v14;
	v58 =	vmul.f32 v55, v11;
	v59 =	vpop (erf)  }
0x86: {  	v60 =	vmul.f32 v55, v12;
	[tilespmem:s1+$0x5170] =	vst v56;
	v13 =	vadd.f32 $1.000000000e+00, v59;
	v63 =	vadd.f32 v22, v17  }
0x87: {  	v25 =	vmul.f32 v55, v10;
	v62 =	vmul.f32 v55, v15;
	v61 =	vld [tilespmem:s0+$0x130];
	[tilespmem:s1+$0x5100] =	vst v58  }
0x88: {  	[tilespmem:s1+$0x5110] =	vst v60;
	(erf) = vrcp.f32 v13;
	v27 =	vmul.f32 $-6.000000000e+00, v63  }
0x89: {  	v20 =	vmul.f32 v24, v11;
	v28 =	vmul.f32 v24, v10;
	[tilespmem:s1+$0x5120] =	vst v25;
	v22 =	vpop (erf)  }
0x8a: {  	[tilespmem:s1+$0x5130] =	vst v62;
	v26 =	vbroadcast v22, $0x1;
	v31 =	vmul.f32 $1.442695020e+00, v27  }
0x8b: {  	v25 =	vmul.f32 v24, v12;
	[tilespmem:s1+$0x5140] =	vst v20;
	v29 =	vbroadcast v22, $0x0  }
0x8c: {  	[tilespmem:s1+$0x5160] =	vst v28;
	v30 =	vmul.f32 v26, v61;
	(erf) = vpow2.f32 v31  }
0x8d: {  	[tilespmem:s1+$0x5150] =	vst v25;
	v32 =	vmul.f32 v29, v9;
	v33 =	vpop (erf)  }
0x8e: {  	v34 =	vmul.f32 v29, v8;
	[tilespmem:s0+$0x5170] =	vst v30;
	v12 =	vadd.f32 $1.000000000e+00, v33  }
0x8f: {  	v36 =	vmul.f32 v29, v7;
	v35 =	vld [tilespmem:s31+$0x130];
	[tilespmem:s0+$0x5100] =	vst v32  }
0x90: {  	v37 =	vmul.f32 v29, v61;
	[tilespmem:s0+$0x5110] =	vst v34;
	(erf) = vrcp.f32 v12  }
0x91: {  	v38 =	vmul.f32 v26, v9;
	[tilespmem:s0+$0x5120] =	vst v36;
	v39 =	vpop (erf)  }
0x92: {  	v40 =	vmul.f32 v26, v8;
	[tilespmem:s0+$0x5130] =	vst v37;
	v41 =	vbroadcast v39, $0x1  }
0x93: {  	v42 =	vmul.f32 v26, v7;
	[tilespmem:s0+$0x5140] =	vst v38;
	v43 =	vbroadcast v39, $0x0  }
0x94: {  	[tilespmem:s0+$0x5150] =	vst v40;
	v44 =	vmul.f32 v41, v35  }
0x95: {  	[tilespmem:s0+$0x5160] =	vst v42;
	v45 =	vmul.f32 v43, v6;
	v46 =	vpop (erf)  }
0x96: {  	v47 =	vmul.f32 v43, v4;
	[tilespmem:s31+$0x5170] =	vst v44;
	v8 =	vadd.f32 $1.000000000e+00, v46  }
0x97: {  	v49 =	vmul.f32 v43, v5;
	v48 =	vld [tilespmem:s29+$0x130];
	[tilespmem:s31+$0x5100] =	vst v45  }
0x98: {  	v50 =	vmul.f32 v43, v35;
	[tilespmem:s31+$0x5110] =	vst v47;
	(erf) = vrcp.f32 v8  }
0x99: {  	v51 =	vmul.f32 v41, v6;
	[tilespmem:s31+$0x5120] =	vst v49;
	v52 =	vpop (erf)  }
0x9a: {  	v53 =	vmul.f32 v41, v4;
	[tilespmem:s31+$0x5130] =	vst v50;
	v54 =	vbroadcast v52, $0x1  }
0x9b: {  	v55 =	vmul.f32 v41, v5;
	[tilespmem:s31+$0x5140] =	vst v51;
	v56 =	vbroadcast v52, $0x0  }
0x9c: {  	[tilespmem:s31+$0x5150] =	vst v53;
	v57 =	vmul.f32 v54, v48  }
0x9d: {  	[tilespmem:s31+$0x5160] =	vst v55;
	v58 =	vmul.f32 v56, v1  }
0x9e: {  	v59 =	vmul.f32 v56, v2;
	[tilespmem:s29+$0x5170] =	vst v57  }
0x9f: {  	v8 =	vmul.f32 v56, v3;
	v7 =	vld [tilespmem:s30+$0x130];
	[tilespmem:s29+$0x5100] =	vst v58  }
0xa0: {  	v60 =	vmul.f32 v56, v48;
	[tilespmem:s29+$0x5110] =	vst v59  }
0xa1: {  	v1 =	vmul.f32 v54, v1;
	[tilespmem:s29+$0x5120] =	vst v8;
	v61 =	vpop (erf)  }
0xa2: {  	v2 =	vmul.f32 v54, v2;
	[tilespmem:s29+$0x5130] =	vst v60;
	v62 =	vbroadcast v61, $0x1  }
0xa3: {  	v3 =	vmul.f32 v54, v3;
	[tilespmem:s29+$0x5140] =	vst v1;
	v63 =	vbroadcast v61, $0x0  }
0xa4: {  	[tilespmem:s29+$0x5150] =	vst v2;
	v1 =	vmul.f32 v62, v7  }
0xa5: {  	[tilespmem:s29+$0x5160] =	vst v3;
	v2 =	vmul.f32 v63, v19  }
0xa6: {  	v3 =	vmul.f32 v63, v23;
	[tilespmem:s30+$0x5170] =	vst v1  }
0xa7: {  	v1 =	vmul.f32 v63, v16;
	[tilespmem:s30+$0x5100] =	vst v2  }
0xa8: {  	v2 =	vmul.f32 v63, v7;
	[tilespmem:s30+$0x5110] =	vst v3  }
0xa9: {  	v3 =	vmul.f32 v62, v19;
	[tilespmem:s30+$0x5120] =	vst v1  }
0xaa: {  	v1 =	vmul.f32 v62, v23;
	[tilespmem:s30+$0x5130] =	vst v2  }
0xab: {  	s28 =	sadd.s32 $0x1, s28;
	v2 =	vmul.f32 v62, v16;
	[tilespmem:s30+$0x5140] =	vst v3  }
0xac: {  	p0 =	sne.s32 s28, $0x7D;
	[tilespmem:s30+$0x5150] =	vst v1  }
.Ltmp2:
0xad: {  	[tilespmem:s30+$0x5160] =	vst v2;
	(pc) =	sbr.rel @p0 .LBB2_4-.Ltmp2, $4  }
0xae: {  	[spmem:s2] =	stream.indirect.scatter.add.f32 [tilespmem:s18], [sflag:$0x3], $0x80, s20, s21, $0xb8;
	[tilespmem:$0x1B900] =	vst v63  }
0xaf: {  	_ =	swait.ge [sflag:s19], $0x2800  }
0xb0: {  	[sflag:s19] =	ssyncset.done $0x0  }
0xb1: {  	[sflag:s19] =	ssyncadd.s32 $0xFFFFD800  }
0xb2: {  	s0 =	stileid.u32;
	s3 =	sadd.s32 $0x1, s3  }
0xb3: {  	[bflag:$0x0] =	sbarrier.arrive $0xFFFF;
	s0 =	sshll.u32 s0, $0x6;
	p0 =	sne.s32 s3, s17  }
.Ltmp3:
0xb4: {  	s1 =	sshrl.u32 s7, $0x3;
	s0 =	sor.u32 $0x1C03, s0;
	(pc) =	sbr.rel @p0 .LBB2_1-.Ltmp3, $4  }
0xb5: {  	[hbm:s16], [sflag:s0] =	dma.local [spmem:s1], $0x2800  }
0xb6: {  	_ =	swait.ge [sflag:s19], $0x2800  }
0xb7: {  	[sflag:s19] =	ssyncset.done $0x0  }
0xb8: {  	[sflag:s19] =	ssyncadd.s32 $0xFFFFD800  }
0xb9: {  	_ =	sfence.sel $0x180000  }
0xba: {  	[bflag:$0x0] =	sbarrier.arrive $0xFFFF  }
0xbb: {  	_ =	strace $0x90000050  }
0xbc: {  	s0 =	stileid.u32;
	[bflag:$0x2] =	sbarrier.arrive $0xFFFF  }
0xbd: {  	p0 =	sne.s32 s0, $0x0;
	s0 =	rddreg [dreg:$0x2]  }
0xbe: {  	s0 =	sadd.s32 @!p0 $0x100000, s0  }
0xbf: {  	[sflag:s0] =	ssyncadd.tile.s32 @!p0 $0x1;
	_ =	shalt  }
.Lfunc_end2:
_tile_overlayer_lowered:
.L_overlay_start_2:
0xc0: {  	(tag) =	ssettag $0x2  }
0xc1: {  	s0 =	rddreg [dreg:$0x0];
	s2 =	stileid.u32  }
0xc2: {  	s1 =	rddreg [dreg:$0x1];
	p0 =	sne.s32 s2, $0x0  }
0xc3: {  	s3 =	rddreg [dreg:$0x2];
	[bflag:$0x3] =	sbarrier.arrive $0xFFFF;
	s2 =	simm.s32 @!p0 $0x1C03  }
0xc4: {  	[timem:s3], [sflag:s2] =	dma.local @!p0 [hbm:s0], s1  }
0xc5: {  	s0 =	simm.s32 @!p0 $0x3  }
0xc6: {  	_ =	swait.ge @!p0 [sflag:s0], s1  }
0xc7: {  	s1 =	ssub.s32 @!p0 $0x0, s1;
	[sflag:s0] =	ssyncset.done @!p0 $0x0  }
0xc8: {  	[sflag:s0] =	ssyncadd.s32 @!p0 s1  }
0xc9: {  	[bflag:$0x3] =	sbarrier.arrive $0xFFFF  }
0xca: {  	_ =	shalt  }

// kernel: kernel.23.cloned.1.call-start
scs
__scs_entry_jumppad:
0x0: {  	(pc) =	sbr.rel $0x88, $3  }
0x1: {  	(tag) =	ssettag $0x0;
	lr =	simm.s32 $0x1  }
0x2: {  	[smem:$0x3F81] =	sst lr;
	_ =	strace $0xD0000000  }
0x3: {  	_ = 	snop  }
0x4: {  	_ = 	snop  }
0x5: {  	_ = 	snop  }
0x6: {  	_ = 	snop  }
0x7: {  	_ = 	snop  }
__scs_overlays_trampoline_lowered:
0x8: {  	[smem:$0x3F90] =	sst s0  }
0x9: {  	[smem:$0x3F91] =	sst s1  }
0xa: {  	[smem:$0x3F92] =	sst s2  }
0xb: {  	[smem:$0x3F93] =	sst s3  }
0xc: {  	[smem:$0x3F94] =	sst s4  }
0xd: {  	[smem:$0x3F95] =	sst s5  }
0xe: {  	[smem:$0x3F96] =	sst s6  }
0xf: {  	[smem:$0x3F97] =	sst s7  }
0x10: {  	[smem:$0x3F98] =	sst s8  }
0x11: {  	[smem:$0x3F99] =	sst s9;
	s0 =	simm.s32 @!p0 $0x0  }
0x12: {  	s1 =	sld [smem:$0x3F7F];
	s0 =	simm.s32 @p0 $0x1  }
0x13: {  	[smem:$0x3F9A] =	sst s0;
	s0 =	simm.s32 @!p1 $0x0  }
0x14: {  	s2 =	sld [smem:$0x3F7E];
	s0 =	simm.s32 @p1 $0x1  }
0x15: {  	[smem:$0x3F9B] =	sst s0;
	s0 =	simm.s32 @!p2 $0x0  }
0x16: {  	s3 =	sld [smem:$0x3FDB];
	s0 =	simm.s32 @p2 $0x1  }
0x17: {  	s4 =	simm.s32 $0x1BF5;
	[smem:$0x3F9D] =	sst s0  }
0x18: {  	s0 =	sld [smem:$0x3F80];
	_ =	swait.ge [sflag:s4], $0x0  }
0x19: {  	s7 =	sld [smem:$0x3F81]  }
0x1a: {  	s8 =	sadd.s32 $0xFFFFE003, lr  }
0x1b: {  	s9 =	sadd.s32 $0xFFFFFEF7, lr;
	s5 =	simm.s32 $0xFFFFFFFF;
	p2 =	slt.u32 s8, $0xFFFFF086  }
0x1c: {  	p1 =	slt.u32 s9, $0xF7A;
	s5 =	simm.s32 @!p2 $0x0  }
0x1d: {  	s5 =	simm.s32 @p1 $0x1;
	p0 =	seq.s32 s7, s2  }
0x1e: {  	s7 =	smul.u32 @!p0 $0xF7A, s2;
	p2 =	seq.s32 @!p0 s5, $0x0  }
0x1f: {  	s9 =	smul.u32 $0xF7A, s1;
	s8 =	simm.s32 @!p0 $0x1BF5;
	p2 =	por !p2, p0  }
0x20: {  	[sflag:s8] =	ssyncset.s32 @!p0 $0xFFFFF086;
	s6 =	sadd.s32 @!p0 s3, s7;
	s7 =	simm.s32 @!p0 $0x108  }
0x21: {  	s3 =	sadd.s32 s3, s9;
	s6 =	sadd.s32 @!p0 $0x88, s6;
	s7 =	simm.s32 @p2 $0x1082  }
0x22: {  	[simem:s7], [sflag:s8] =	dma.local @!p0 [hbm:s6], $0xF7A  }
0x23: {  	s9 =	sor.u32 $0xD0000000, s2;
	s6 =	simm.s32 $0x108;
	_ =	swait.ge @!p0 [sflag:s8], $0x0  }
0x24: {  	s3 =	sadd.s32 $0x88, s3;
	s6 =	simm.s32 @!p1 $0x1082;
	[sflag:s4] =	ssyncset.s32 $0xFFFFF086  }
0x25: {  	[simem:s6], [sflag:s4] =	dma.local [hbm:s3], $0xF7A  }
0x26: {  	[smem:$0x3F81] =	sst s1;
	(tag) =	ssettag s2;
	_ =	strace s9  }
0x27: {  	s1 =	sld [smem:$0x3F91]  }
0x28: {  	s2 =	sld [smem:$0x3F92]  }
0x29: {  	s4 =	sld [smem:$0x3F94]  }
0x2a: {  	p0 =	seq.s32 s5, $0x0;
	s5 =	sld [smem:$0x3F95]  }
0x2b: {  	s6 =	sld [smem:$0x3F96]  }
0x2c: {  	s7 =	sld [smem:$0x3F97]  }
0x2d: {  	s3 =	simm.s32 $0x108;
	s8 =	sld [smem:$0x3F98]  }
0x2e: {  	s3 =	simm.s32 @!p0 $0x1082;
	s9 =	sld [smem:$0x3F99]  }
0x2f: {  	lr =	sadd.s32 s0, s3;
	s0 =	sld [smem:$0x3F90]  }
0x30: {  	s3 =	sld [smem:$0x3F93]  }
0x31: {  	[smem:$0x3F9C] =	sst s10  }
0x32: {  	s10 =	sld [smem:$0x3F9A];
	_ =	sdelay $0x3  }
0x33: {  	p0 =	seq.s32 s10, $0x1;
	s10 =	sld [smem:$0x3F9C];
	_ =	sdelay $0x3  }
0x34: {  	[smem:$0x3F9C] =	sst s10  }
0x35: {  	s10 =	sld [smem:$0x3F9B];
	_ =	sdelay $0x3  }
0x36: {  	p1 =	seq.s32 s10, $0x1;
	s10 =	sld [smem:$0x3F9C];
	_ =	sdelay $0x3  }
0x37: {  	[smem:$0x3F9C] =	sst s10  }
0x38: {  	s10 =	sld [smem:$0x3F9D]  }
0x39: {  	_ = 	snop;
	(pc) =	sbr.ind lr, $3  }
0x3a: {  	_ = 	snop  }
0x3b: {  	_ = 	snop  }
0x3c: {  	p2 =	seq.s32 s10, $0x1;
	s10 =	sld [smem:$0x3F9C]  }
0x3d: {  	_ =	shalt  }
0x3e: {  	_ =	shalt  }
0x3f: {  	_ =	shalt  }
0x40: {  	_ =	shalt  }
0x41: {  	_ =	shalt  }
0x42: {  	_ =	shalt  }
0x43: {  	_ =	shalt  }
0x44: {  	_ =	shalt  }
0x45: {  	_ =	shalt  }
0x46: {  	_ =	shalt  }
0x47: {  	_ =	shalt  }
0x48: {  	_ =	shalt  }
0x49: {  	_ =	shalt  }
0x4a: {  	_ =	shalt  }
0x4b: {  	_ =	shalt  }
0x4c: {  	_ =	shalt  }
0x4d: {  	_ =	shalt  }
0x4e: {  	_ =	shalt  }
0x4f: {  	_ =	shalt  }
0x50: {  	_ =	shalt  }
0x51: {  	_ =	shalt  }
0x52: {  	_ =	shalt  }
0x53: {  	_ =	shalt  }
0x54: {  	_ =	shalt  }
0x55: {  	_ =	shalt  }
0x56: {  	_ =	shalt  }
0x57: {  	_ =	shalt  }
0x58: {  	_ =	shalt  }
0x59: {  	_ =	shalt  }
0x5a: {  	_ =	shalt  }
0x5b: {  	_ =	shalt  }
0x5c: {  	_ =	shalt  }
0x5d: {  	_ =	shalt  }
0x5e: {  	_ =	shalt  }
0x5f: {  	_ =	shalt  }
0x60: {  	_ =	shalt  }
0x61: {  	_ =	shalt  }
0x62: {  	_ =	shalt  }
0x63: {  	_ =	shalt  }
0x64: {  	_ =	shalt  }
0x65: {  	_ =	shalt  }
0x66: {  	_ =	shalt  }
0x67: {  	_ =	shalt  }
0x68: {  	_ =	shalt  }
0x69: {  	_ =	shalt  }
0x6a: {  	_ =	shalt  }
0x6b: {  	_ =	shalt  }
0x6c: {  	_ =	shalt  }
0x6d: {  	_ =	shalt  }
0x6e: {  	_ =	shalt  }
0x6f: {  	_ =	shalt  }
0x70: {  	_ =	shalt  }
0x71: {  	_ =	shalt  }
0x72: {  	_ =	shalt  }
0x73: {  	_ =	shalt  }
0x74: {  	_ =	shalt  }
0x75: {  	_ =	shalt  }
0x76: {  	_ =	shalt  }
0x77: {  	_ =	shalt  }
0x78: {  	_ =	shalt  }
0x79: {  	_ =	shalt  }
0x7a: {  	_ =	shalt  }
0x7b: {  	_ =	shalt  }
0x7c: {  	_ =	shalt  }
0x7d: {  	_ =	shalt  }
0x7e: {  	_ =	shalt  }
0x7f: {  	_ =	shalt  }
0x80: {  	_ =	shalt  }
0x81: {  	_ =	shalt  }
0x82: {  	_ =	shalt  }
0x83: {  	_ =	shalt  }
0x84: {  	_ =	shalt  }
0x85: {  	_ =	shalt  }
0x86: {  	_ =	shalt  }
0x87: {  	_ =	shalt  }
.Lfunc_end0:
.L_simem_size_0:
called_computation.4_lowered:
.L_overlay_start_0:
0x88: {  	s2 =	sld [smem:$0x3FD9]  }
0x89: {  	s3 =	sld [smem:$0x3FFE];
	_ =	sdelay $0x1  }
0x8a: {  	s1 =	srdreg.scid  }
0x8b: {  	s0 =	sand.u32 $0x1, s1  }
0x8c: {  	s16 =	sshll.u32 s0, $0xA;
	s2 =	sadd.s32 s3, s2  }
0x8d: {  	s2 =	sadd.s32 s2, s16  }
0x8e: {  	[smem:$0x3FA8] =	sst s2  }
0x8f: {  	_ = 	snop  }
0x90: {  	(tm) =	ssettm $0x1  }
0x91: {  	s17 =	sld [smem:$0x3FFB];
	_ =	sdelay $0x3  }
0x92: {  	_ =	strace s17  }
0x93: {  	s2 =	sld [smem:$0x3FFC];
	_ =	sdelay $0x3  }
0x94: {  	_ =	strace s2  }
0x95: {  	s2 =	sld [smem:$0x3FFD];
	_ =	sdelay $0x3  }
0x96: {  	_ =	strace s2  }
0x97: {  	_ =	strace $0x8FFFFFFF  }
0x98: {  	s18 =	sld [smem:$0x3FDB];
	_ =	sdelay $0x1  }
0x99: {  	s19 =	simm.s32 $_scs_section_size  }
0x9a: {  	s4 =	simm.s32 $_size__tile_overlayer_lowered;
	s5 =	simm.s32 $_tile_overlayer_lowered  }
0x9b: {  	s22 =	simm.s32 $0x1BFF;
	s21 =	sshll.u32 s5, $0x1;
	s2 =	sadd.s32 s19, s18  }
0x9c: {  	s6 =	simm.s32 $0x0;
	s20 =	sshll.u32 s4, $0x1;
	s4 =	sadd.s32 s21, s2  }
0x9d: {  	[timem:s6], [sflag:s22] =	dma.local [hbm:s4], s20  }
0x9e: {  	_ =	swait.ge [sflag:s22], s20  }
0x9f: {  	s3 =	ssub.s32 $0x0, s20;
	[sflag:s22] =	ssyncset.done $0x0  }
0xa0: {  	[sflag:s22] =	ssyncadd.s32 s3;
	_ =	sdelay $0x1  }
0xa1: {  	s23 =	simm.s32 $0x1B8B  }
0xa2: {  	_ =	swait.ge [sflag:s23], $0x1  }
0xa3: {  	[sflag:s23] =	ssyncset.done $0x0  }
0xa4: {  	s25 =	simm.s32 $0x1B8E;
	s24 =	sld [smem:$0x3FFE];
	[sflag:s23] =	ssyncadd.s32 $0xFFFFFFFF  }
0xa5: {  	s26 =	simm.s32 $execute0_lowered;
	[smem:$0x3FD2] =	sst s25  }
0xa6: {  	s4 =	sshll.u32 s26, $0x1;
	_ =	strace $0x80000052;
	[dreg:$0x1] =	wrdreg $0xFFFFFFFF  }
0xa7: {  	s28 =	simm.s32 $_size_execute0_lowered;
	s2 =	sadd.s32 s2, s4;
	[dreg:$0x0] =	wrdreg $0x0  }
0xa8: {  	s4 =	sshll.u32 s28, $0x1;
	[dreg:$0x2] =	wrdreg s2  }
0xa9: {  	[dreg:$0x3] =	wrdreg s4  }
0xaa: {  	[dreg:$0x4] =	wrdreg $0xC0  }
0xab: {  	_ =	task [dreg:s6], $0x5FFFF  }
0xac: {  	[dreg:$0x1] =	wrdreg $0xFFFFFFFF  }
0xad: {  	[dreg:$0x0] =	wrdreg $0x60  }
0xae: {  	[dreg:$0x2] =	wrdreg s24  }
0xaf: {  	[dreg:$0x3] =	wrdreg $0x79000  }
0xb0: {  	[dreg:$0x4] =	wrdreg $0x9  }
0xb1: {  	_ =	task.clear_ibuf [dreg:s6], $0x5FFFF;
	_ =	strace $0x90000052  }
0xb2: {  	s29 =	simm.s32 $0x9;
	_ =	strace $0x80000054  }
0xb3: {  	_ =	swait.ge [sflag:s29], $0x1  }
0xb4: {  	[sflag:s29] =	ssyncadd.s32 $0xFFFFFFFF  }
0xb5: {  	_ =	strace $0x90000054  }
0xb6: {  	_ =	sfence  }
0xb7: {  	s30 =	sld [smem:$0x0];
	_ =	sdelay $0x2  }
0xb8: {  	s31 =	sshll.u32 s1, $0xD;
	s1 =	sshrl.u32 s1, $0x2  }
0xb9: {  	s3 =	sand.u32 $0x4000, s31;
	s1 =	sadd.s32 s1, s30  }
0xba: {  	s0 =	sor.u32 s3, s0;
	s1 =	sshll.u32 s1, $0x11  }
0xbb: {  	s0 =	sor.u32 s1, s0  }
0xbc: {  	s0 =	sadd.s32 $0x8F2B, s0  }
0xbd: {  	[sflag:s0] =	ssyncadd.remote.s32 $0x1  }
0xbe: {  	_ =	sfence.sel $0xFFFF  }
0xbf: {  	[dreg:$0x0] =	wrdreg $0xFFFFFFFF;
	(pc) =	sbr.abs _section_cstart, $3  }
0xc0: {  	[dreg:$0x1] =	wrdreg $0xFFFFFFFF  }
0xc1: {  	_ =	task.clear_ibuf [dreg:s6], $0x2FFFF;
	_ =	strace $0x9FFFFFFF  }
0xc2: {  	(tm) =	ssettm $0x7FFFFFFF  }
0xc3: {  	_ =	shalt  }
tec
execute0_lowered:
.L_overlay_start_1:
0x0: {  	(tag) =	ssettag $0x1  }
0x1: {  	s0 =	rddreg [dreg:$0x0]  }
0x2: {  	s1 =	srdreg.scid;
	s2 =	rddreg [dreg:$0x1]  }
0x3: {  	s10 =	stileid.u32;
	s3 =	simm.s32 $0x0;
	s18 =	simm.s32 $0x5100  }
0x4: {  	s19 =	simm.s32 $0x3;
	s20 =	simm.s32 $0x80;
	s21 =	simm.s32 $0x50  }
0x5: {  	s22 =	simm.s32 $0x100;
	s23 =	simm.s32 $0x2900;
	s24 =	simm.s32 $0x1  }
0x6: {  	s25 =	simm.s32 $0x2;
	s26 =	simm.s32 $0x0;
	s6 =	smul.u32 $0x14000, s10  }
0x7: {  	s1 =	sand.u32 $0x1, s1;
	[smem:$0x7FF] =	sst s3;
	s8 =	smul.u32 $0x50000, s10  }
0x8: {  	s4 =	sadd.s32 $0xEC00, s0;
	s5 =	smul.u32 $0x140000, s1;
	s30 =	ssub.s32 $0x2, s1  }
0x9: {  	_ =	strace $0x80000053;
	s1 =	sshll.u32 s1, $0x4;
	s9 =	sshrl.u32 s30, $0x1  }
0xa: {  	s8 =	sshrl.u32 s8, $0x2;
	s1 =	sor.u32 s10, s1;
	s6 =	sadd.s32 s6, s5  }
0xb: {  	s5 =	sadd.s32 $0x4E00, s0;
	s9 =	ssub.s32 s30, s9;
	s7 =	sshrl.u32 s6, $0x3  }
0xc: {  	s6 =	sadd.s32 $0x18A00, s0;
	s0 =	sadd.s32 s7, s0;
	s7 =	sadd.s32 s8, s2  }
0xd: {  	s15 =	smul.u32 $0x2710, s1;
	s17 =	smax.u32 s9, $0x1;
	s8 =	sadd.s32 $0x2800, s7  }
0xe: {  	s31 =	sadd.s32 $0x5000, s7;
	s10 =	sadd.s32 $0x7800, s7;
	s11 =	sadd.s32 $0xA000, s7  }
0xf: {  	s12 =	sadd.s32 $0xC800, s7;
	s13 =	sadd.s32 $0xF000, s7;
	[dreg:$0x3] =	wrdreg s8  }
0x10: {  	v0 =	vimm.f32 $0.0e+00;
	s14 =	sadd.s32 $0x11800, s7;
	s16 =	sadd.s32 $0x40A00, s0;
	[dreg:$0x4] =	wrdreg s31  }
.LBB2_1:
0x11: {  	s0 =	simm.s32 $0x0;
	s1 =	simm.s32 $0x200  }
.LBB2_2:
0x12: {  	p0 =	sne.s32 s1, $0x9E00;
	[tilespmem:s0+$0x5170] =	vst v0  }
0x13: {  	[tilespmem:s0+$0x5100] =	vst v0  }
0x14: {  	[tilespmem:s0+$0x5110] =	vst v0  }
.Ltmp0:
0x15: {  	[tilespmem:s0+$0x5120] =	vst v0;
	(pc) =	sbr.rel @p0 .LBB2_2-.Ltmp0, $4  }
0x16: {  	[tilespmem:s0+$0x5130] =	vst v0  }
0x17: {  	[tilespmem:s0+$0x5140] =	vst v0  }
0x18: {  	[tilespmem:s0+$0x5150] =	vst v0  }
0x19: {  	[tilespmem:s0+$0x5160] =	vst v0;
	s0 =	sshra.s32 s1, $0x2;
	s1 =	sadd.s32 $0x200, s1  }
0x1a: {  	[tilespmem:s0+$0x5170] =	vst v0  }
0x1b: {  	[tilespmem:s0+$0x5100] =	vst v0  }
0x1c: {  	[tilespmem:s0+$0x5110] =	vst v0  }
0x1d: {  	[tilespmem:s0+$0x5120] =	vst v0  }
0x1e: {  	[tilespmem:s0+$0x5130] =	vst v0  }
0x1f: {  	[tilespmem:s0+$0x5140] =	vst v0  }
0x20: {  	[tilespmem:s0+$0x5150] =	vst v0  }
0x21: {  	[tilespmem:s0+$0x5160] =	vst v0  }
0x22: {  	[spmem:s7] =	stream.linear.scatter [tilespmem:s18], [sflag:$0x3], $0x2800, $0x38;
	[tilespmem:$0x1B900] =	vst v63  }
0x23: {  	_ =	swait.ge [sflag:s19], $0x2800  }
0x24: {  	[sflag:s19] =	ssyncset.done $0x0  }
0x25: {  	s30 =	rddreg [dreg:$0x3];
	[sflag:s19] =	ssyncadd.s32 $0xFFFFD800  }
0x26: {  	[spmem:s30] =	stream.linear.scatter [tilespmem:s18], [sflag:$0x3], $0x2800, $0x38;
	[tilespmem:$0x1B900] =	vst v63  }
0x27: {  	_ =	swait.ge [sflag:s19], $0x2800  }
0x28: {  	[sflag:s19] =	ssyncset.done $0x0  }
0x29: {  	s31 =	rddreg [dreg:$0x4];
	[sflag:s19] =	ssyncadd.s32 $0xFFFFD800  }
0x2a: {  	[spmem:s31] =	stream.linear.scatter [tilespmem:s18], [sflag:$0x3], $0x2800, $0x38;
	[tilespmem:$0x1B900] =	vst v63  }
0x2b: {  	_ =	swait.ge [sflag:s19], $0x2800  }
0x2c: {  	[sflag:s19] =	ssyncset.done $0x0  }
0x2d: {  	[sflag:s19] =	ssyncadd.s32 $0xFFFFD800  }
0x2e: {  	[spmem:s10] =	stream.linear.scatter [tilespmem:s18], [sflag:$0x3], $0x2800, $0x38;
	[tilespmem:$0x1B900] =	vst v63  }
0x2f: {  	_ =	swait.ge [sflag:s19], $0x2800  }
0x30: {  	[sflag:s19] =	ssyncset.done $0x0  }
0x31: {  	[sflag:s19] =	ssyncadd.s32 $0xFFFFD800  }
0x32: {  	[spmem:s11] =	stream.linear.scatter [tilespmem:s18], [sflag:$0x3], $0x2800, $0x38;
	[tilespmem:$0x1B900] =	vst v63  }
0x33: {  	_ =	swait.ge [sflag:s19], $0x2800  }
0x34: {  	[sflag:s19] =	ssyncset.done $0x0  }
0x35: {  	[sflag:s19] =	ssyncadd.s32 $0xFFFFD800  }
0x36: {  	[spmem:s12] =	stream.linear.scatter [tilespmem:s18], [sflag:$0x3], $0x2800, $0x38;
	[tilespmem:$0x1B900] =	vst v63  }
0x37: {  	_ =	swait.ge [sflag:s19], $0x2800  }
0x38: {  	[sflag:s19] =	ssyncset.done $0x0  }
0x39: {  	[sflag:s19] =	ssyncadd.s32 $0xFFFFD800  }
0x3a: {  	[spmem:s13] =	stream.linear.scatter [tilespmem:s18], [sflag:$0x3], $0x2800, $0x38;
	[tilespmem:$0x1B900] =	vst v63  }
0x3b: {  	_ =	swait.ge [sflag:s19], $0x2800  }
0x3c: {  	[sflag:s19] =	ssyncset.done $0x0  }
0x3d: {  	[sflag:s19] =	ssyncadd.s32 $0xFFFFD800  }
0x3e: {  	[spmem:s14] =	stream.linear.scatter [tilespmem:s18], [sflag:$0x3], $0x2800, $0x38;
	[tilespmem:$0x1B900] =	vst v63  }
0x3f: {  	_ =	swait.ge [sflag:s19], $0x2800  }
0x40: {  	[sflag:s19] =	ssyncset.done $0x0  }
0x41: {  	[sflag:s19] =	ssyncadd.s32 $0xFFFFD800  }
0x42: {  	s28 =	simm.s32 $0x0;
	[bflag:$0x0] =	sbarrier.arrive $0xFFFF  }
.LBB2_4:
0x43: {  	s0 =	smul.u32 $0x50, s28;
	_ =	sdelay $0x1  }
0x44: {  	s0 =	sadd.s32 s15, s0  }
0x45: {  	s0 =	sshrl.u32 s0, $0x3  }
0x46: {  	s1 =	sadd.s32 s4, s0  }
0x47: {  	[tilespmem:s26], [sflag:$0x3] =	stream.linear.gather [hbm4b:s1+s26], $0x50, $0x38;
	[tilespmem:$0x1B900] =	vst v63  }
0x48: {  	_ =	swait.ge [sflag:s19], $0x50  }
0x49: {  	[sflag:s19] =	ssyncset.done $0x0  }
0x4a: {  	s0 =	sadd.s32 s5, s0;
	[sflag:s19] =	ssyncadd.s32 $0xFFFFFFB0  }
0x4b: {  	[tilespmem:s20], [sflag:$0x3] =	stream.linear.gather [hbm4b:s0+s26], $0x50, $0x38;
	[tilespmem:$0x1B900] =	vst v63  }
0x4c: {  	_ =	swait.ge [sflag:s19], $0x50  }
0x4d: {  	[sflag:s19] =	ssyncset.done $0x0  }
0x4e: {  	[sflag:s19] =	ssyncadd.s32 $0xFFFFFFB0  }
0x4f: {  	[tilespmem:s22], [sflag:$0x1] =	stream.indirect.gather [hbm4b:s6+s21], $0x80, s26, s21, $0xb8;
	[tilespmem:$0x1B900] =	vst v63  }
0x50: {  	_ = 	snop  }
0x51: {  	[tilespmem:s23], [sflag:$0x2] =	stream.indirect.gather [hbm4b:s6+s21], $0x80, s20, s21, $0xb8;
	[tilespmem:$0x1B900] =	vst v63  }
0x52: {  	_ =	swait.ge [sflag:s24], $0x2800  }
0x53: {  	[sflag:s24] =	ssyncset.done $0x0  }
0x54: {  	[sflag:s24] =	ssyncadd.s32 $0xFFFFD800  }
0x55: {  	_ =	swait.ge [sflag:s25], $0x2800  }
0x56: {  	[sflag:s25] =	ssyncset.done $0x0  }
0x57: {  	s8 =	simm.s32 $0x0;
	[sflag:s25] =	ssyncadd.s32 $0xFFFFD800  }
0x58: {  	v1 =	vld [tilespmem:s8+$0x140]  }
0x59: {  	v2 =	vld [tilespmem:s8+$0x2950];
	_ =	sdelay $0x4  }
0x5a: {  	v1 =	vadd.f32 v2, v1;
	_ =	sdelay $0x1  }
0x5b: {  	s1 =	simm.s32 $0x80;
	v1 =	vmul.f32 $-6.000000000e+00, v1  }
0x5c: {  	v3 =	vld [tilespmem:s1+$0x2950]  }
0x5d: {  	v2 =	vld [tilespmem:s1+$0x140];
	v1 =	vmul.f32 $1.442695020e+00, v1;
	_ =	sdelay $0x1  }
0x5e: {  	(erf) = vpow2.f32 v1;
	_ =	sdelay $0x2  }
0x5f: {  	s0 =	simm.s32 $0x100;
	v1 =	vadd.f32 v3, v2  }
0x60: {  	v2 =	vld [tilespmem:s0+$0x140]  }
0x61: {  	v3 =	vld [tilespmem:s0+$0x2950];
	v1 =	vmul.f32 $-6.000000000e+00, v1;
	_ =	sdelay $0x1  }
0x62: {  	v1 =	vmul.f32 $1.442695020e+00, v1  }
0x63: {  	v17 =	vld [tilespmem:s8+$0x100]  }
0x64: {  	v13 =	vld [tilespmem:s8+$0x110];
	v4 =	vpop (erf);
	(erf) = vpow2.f32 v1  }
0x65: {  	s31 =	simm.s32 $0x180;
	v14 =	vld [tilespmem:s8+$0x120];
	v1 =	vadd.f32 v3, v2  }
0x66: {  	v2 =	vld [tilespmem:s31+$0x140];
	v4 =	vadd.f32 $1.000000000e+00, v4  }
0x67: {  	v3 =	vld [tilespmem:s31+$0x2950];
	v1 =	vmul.f32 $-6.000000000e+00, v1  }
0x68: {  	v11 =	vld [tilespmem:s1+$0x100];
	(erf) = vrcp.f32 v4  }
0x69: {  	v12 =	vld [tilespmem:s1+$0x110];
	v1 =	vmul.f32 $1.442695020e+00, v1  }
0x6a: {  	v10 =	vld [tilespmem:s1+$0x120]  }
0x6b: {  	v9 =	vld [tilespmem:s0+$0x100];
	(erf) = vpow2.f32 v1  }
0x6c: {  	v8 =	vld [tilespmem:s0+$0x110];
	v1 =	vadd.f32 v3, v2  }
0x6d: {  	v7 =	vld [tilespmem:s0+$0x120];
	v15 =	vpop (erf)  }
0x6e: {  	v6 =	vld [tilespmem:s31+$0x100];
	v21 =	vmul.f32 $-6.000000000e+00, v1;
	v15 =	vadd.f32 $1.000000000e+00, v15  }
0x6f: {  	s29 =	simm.s32 $0x200;
	v18 =	vld [tilespmem:s8+$0x130]  }
0x70: {  	v19 =	vld [tilespmem:s29+$0x140];
	v21 =	vmul.f32 $1.442695020e+00, v21;
	(erf) = vrcp.f32 v15  }
0x71: {  	v20 =	vld [tilespmem:s29+$0x2950];
	v3 =	vpop (erf)  }
0x72: {  	v5 =	vld [tilespmem:s31+$0x120];
	v16 =	vbroadcast v3, $0x1  }
0x73: {  	v4 =	vld [tilespmem:s31+$0x110];
	v22 =	vbroadcast v3, $0x0  }
0x74: {  	v2 =	vld [tilespmem:s29+$0x110];
	(erf) = vpow2.f32 v21;
	v23 =	vmul.f32 v16, v18;
	v21 =	vpop (erf)  }
0x75: {  	v1 =	vld [tilespmem:s29+$0x100];
	v24 =	vmul.f32 v22, v17;
	v26 =	vadd.f32 $1.000000000e+00, v21  }
0x76: {  	v25 =	vadd.f32 v20, v19;
	v3 =	vld [tilespmem:s29+$0x120];
	v19 =	vmul.f32 v22, v14;
	[tilespmem:s8+$0x5170] =	vst v23;
	v23 =	vmul.f32 v22, v13  }
0x77: {  	s30 =	simm.s32 $0x280;
	v20 =	vmul.f32 v22, v18;
	v15 =	vld [tilespmem:s1+$0x130];
	[tilespmem:s8+$0x5100] =	vst v24;
	(erf) = vrcp.f32 v26  }
0x78: {  	s9 =	simm.s32 $0xC00;
	v18 =	vmul.f32 v16, v17;
	v21 =	vmul.f32 $-6.000000000e+00, v25;
	v17 =	vld [tilespmem:s30+$0x140];
	[tilespmem:s8+$0x5110] =	vst v23  }
.LBB2_5:
0x79: {  	p0 =	sne.s32 s9, $0x9E00;
	v22 =	vld [tilespmem:s30+$0x2950];
	v23 =	vpop (erf);
	[tilespmem:s8+$0x5120] =	vst v19;
	v19 =	vmul.f32 v16, v13;
	v24 =	vmul.f32 v16, v14;
	v13 =	vmov v12  }
0x7a: {  	v12 =	vmovc v8;
	v8 =	vmovc v4;
	v4 =	vmov v2;
	v25 =	vld [tilespmem:s30+$0x100];
	v21 =	vmul.f32 $1.442695020e+00, v21;
	v16 =	vbroadcast v23, $0x1;
	[tilespmem:s8+$0x5130] =	vst v20  }
0x7b: {  	v14 =	vmovc v10;
	v10 =	vmovc v7;
	v7 =	vmov v5;
	v5 =	vmov v3;
	v20 =	vbroadcast v23, $0x0;
	v2 =	vld [tilespmem:s30+$0x110];
	[tilespmem:s8+$0x5140] =	vst v18  }
.Ltmp1:
0x7c: {  	v3 =	vld [tilespmem:s30+$0x120];
	(erf) = vpow2.f32 v21;
	v18 =	vmul.f32 v16, v15;
	[tilespmem:s8+$0x5150] =	vst v19;
	(pc) =	sbr.rel @p0 .LBB2_5-.Ltmp1, $4  }
0x7d: {  	v21 =	vmul.f32 v20, v11;
	v23 =	vmul.f32 v20, v13;
	v19 =	vpop (erf);
	[tilespmem:s8+$0x5160] =	vst v24;
	s8 =	smov.u32 s1;
	s1 =	smov.u32 s0;
	s0 =	smov.u32 s31  }
0x7e: {  	s31 =	smov.u32 s29;
	s29 =	smov.u32 s30;
	v22 =	vadd.f32 v22, v17;
	v24 =	vadd.f32 $1.000000000e+00, v19;
	v19 =	vmul.f32 v20, v14;
	[tilespmem:s8+$0x5170] =	vst v18  }
0x7f: {  	s30 =	sshra.s32 s9, $0x2;
	v20 =	vmul.f32 v20, v15;
	v18 =	vmul.f32 v16, v11;
	v11 =	vmovc v9;
	v9 =	vmov v6;
	[tilespmem:s8+$0x5100] =	vst v21;
	v15 =	vld [tilespmem:s1+$0x130]  }
0x80: {  	s9 =	sadd.s32 $0x200, s9;
	v6 =	vmovc v1;
	v1 =	vmov v25;
	v17 =	vld [tilespmem:s30+$0x140];
	v21 =	vmul.f32 $-6.000000000e+00, v22;
	(erf) = vrcp.f32 v24;
	[tilespmem:s8+$0x5110] =	vst v23  }
0x81: {  	v22 =	vld [tilespmem:s30+$0x2950];
	[tilespmem:s8+$0x5120] =	vst v19;
	v54 =	vpop (erf);
	v13 =	vmul.f32 v16, v13  }
0x82: {  	v19 =	vld [tilespmem:s30+$0x100];
	[tilespmem:s8+$0x5130] =	vst v20;
	v24 =	vbroadcast v54, $0x1;
	v57 =	vmul.f32 $1.442695020e+00, v21  }
0x83: {  	v14 =	vmul.f32 v16, v14;
	v55 =	vbroadcast v54, $0x0;
	v23 =	vld [tilespmem:s30+$0x110];
	[tilespmem:s8+$0x5140] =	vst v18  }
0x84: {  	v16 =	vld [tilespmem:s30+$0x120];
	v56 =	vmul.f32 v24, v15;
	[tilespmem:s8+$0x5150] =	vst v13;
	(erf) = vpow2.f32 v57  }
0x85: {  	[tilespmem:s8+$0x5160] =	vst v14;
	v58 =	vmul.f32 v55, v11;
	v59 =	vpop (erf)  }
0x86: {  	v60 =	vmul.f32 v55, v12;
	[tilespmem:s1+$0x5170] =	vst v56;
	v13 =	vadd.f32 $1.000000000e+00, v59;
	v63 =	vadd.f32 v22, v17  }
0x87: {  	v25 =	vmul.f32 v55, v10;
	v62 =	vmul.f32 v55, v15;
	v61 =	vld [tilespmem:s0+$0x130];
	[tilespmem:s1+$0x5100] =	vst v58  }
0x88: {  	[tilespmem:s1+$0x5110] =	vst v60;
	(erf) = vrcp.f32 v13;
	v27 =	vmul.f32 $-6.000000000e+00, v63  }
0x89: {  	v20 =	vmul.f32 v24, v11;
	v28 =	vmul.f32 v24, v10;
	[tilespmem:s1+$0x5120] =	vst v25;
	v22 =	vpop (erf)  }
0x8a: {  	[tilespmem:s1+$0x5130] =	vst v62;
	v26 =	vbroadcast v22, $0x1;
	v31 =	vmul.f32 $1.442695020e+00, v27  }
0x8b: {  	v25 =	vmul.f32 v24, v12;
	[tilespmem:s1+$0x5140] =	vst v20;
	v29 =	vbroadcast v22, $0x0  }
0x8c: {  	[tilespmem:s1+$0x5160] =	vst v28;
	v30 =	vmul.f32 v26, v61;
	(erf) = vpow2.f32 v31  }
0x8d: {  	[tilespmem:s1+$0x5150] =	vst v25;
	v32 =	vmul.f32 v29, v9;
	v33 =	vpop (erf)  }
0x8e: {  	v34 =	vmul.f32 v29, v8;
	[tilespmem:s0+$0x5170] =	vst v30;
	v12 =	vadd.f32 $1.000000000e+00, v33  }
0x8f: {  	v36 =	vmul.f32 v29, v7;
	v35 =	vld [tilespmem:s31+$0x130];
	[tilespmem:s0+$0x5100] =	vst v32  }
0x90: {  	v37 =	vmul.f32 v29, v61;
	[tilespmem:s0+$0x5110] =	vst v34;
	(erf) = vrcp.f32 v12  }
0x91: {  	v38 =	vmul.f32 v26, v9;
	[tilespmem:s0+$0x5120] =	vst v36;
	v39 =	vpop (erf)  }
0x92: {  	v40 =	vmul.f32 v26, v8;
	[tilespmem:s0+$0x5130] =	vst v37;
	v41 =	vbroadcast v39, $0x1  }
0x93: {  	v42 =	vmul.f32 v26, v7;
	[tilespmem:s0+$0x5140] =	vst v38;
	v43 =	vbroadcast v39, $0x0  }
0x94: {  	[tilespmem:s0+$0x5150] =	vst v40;
	v44 =	vmul.f32 v41, v35  }
0x95: {  	[tilespmem:s0+$0x5160] =	vst v42;
	v45 =	vmul.f32 v43, v6;
	v46 =	vpop (erf)  }
0x96: {  	v47 =	vmul.f32 v43, v4;
	[tilespmem:s31+$0x5170] =	vst v44;
	v8 =	vadd.f32 $1.000000000e+00, v46  }
0x97: {  	v49 =	vmul.f32 v43, v5;
	v48 =	vld [tilespmem:s29+$0x130];
	[tilespmem:s31+$0x5100] =	vst v45  }
0x98: {  	v50 =	vmul.f32 v43, v35;
	[tilespmem:s31+$0x5110] =	vst v47;
	(erf) = vrcp.f32 v8  }
0x99: {  	v51 =	vmul.f32 v41, v6;
	[tilespmem:s31+$0x5120] =	vst v49;
	v52 =	vpop (erf)  }
0x9a: {  	v53 =	vmul.f32 v41, v4;
	[tilespmem:s31+$0x5130] =	vst v50;
	v54 =	vbroadcast v52, $0x1  }
0x9b: {  	v55 =	vmul.f32 v41, v5;
	[tilespmem:s31+$0x5140] =	vst v51;
	v56 =	vbroadcast v52, $0x0  }
0x9c: {  	[tilespmem:s31+$0x5150] =	vst v53;
	v57 =	vmul.f32 v54, v48  }
0x9d: {  	[tilespmem:s31+$0x5160] =	vst v55;
	v58 =	vmul.f32 v56, v1  }
0x9e: {  	v59 =	vmul.f32 v56, v2;
	[tilespmem:s29+$0x5170] =	vst v57  }
0x9f: {  	v8 =	vmul.f32 v56, v3;
	v7 =	vld [tilespmem:s30+$0x130];
	[tilespmem:s29+$0x5100] =	vst v58  }
0xa0: {  	v60 =	vmul.f32 v56, v48;
	[tilespmem:s29+$0x5110] =	vst v59  }
0xa1: {  	v1 =	vmul.f32 v54, v1;
	[tilespmem:s29+$0x5120] =	vst v8;
	v61 =	vpop (erf)  }
0xa2: {  	v2 =	vmul.f32 v54, v2;
	[tilespmem:s29+$0x5130] =	vst v60;
	v62 =	vbroadcast v61, $0x1  }
0xa3: {  	v3 =	vmul.f32 v54, v3;
	[tilespmem:s29+$0x5140] =	vst v1;
	v63 =	vbroadcast v61, $0x0  }
0xa4: {  	[tilespmem:s29+$0x5150] =	vst v2;
	v1 =	vmul.f32 v62, v7  }
0xa5: {  	[tilespmem:s29+$0x5160] =	vst v3;
	v2 =	vmul.f32 v63, v19  }
0xa6: {  	v3 =	vmul.f32 v63, v23;
	[tilespmem:s30+$0x5170] =	vst v1  }
0xa7: {  	v1 =	vmul.f32 v63, v16;
	[tilespmem:s30+$0x5100] =	vst v2  }
0xa8: {  	v2 =	vmul.f32 v63, v7;
	[tilespmem:s30+$0x5110] =	vst v3  }
0xa9: {  	v3 =	vmul.f32 v62, v19;
	[tilespmem:s30+$0x5120] =	vst v1  }
0xaa: {  	v1 =	vmul.f32 v62, v23;
	[tilespmem:s30+$0x5130] =	vst v2  }
0xab: {  	s28 =	sadd.s32 $0x1, s28;
	v2 =	vmul.f32 v62, v16;
	[tilespmem:s30+$0x5140] =	vst v3  }
0xac: {  	p0 =	sne.s32 s28, $0x7D;
	[tilespmem:s30+$0x5150] =	vst v1  }
.Ltmp2:
0xad: {  	[tilespmem:s30+$0x5160] =	vst v2;
	(pc) =	sbr.rel @p0 .LBB2_4-.Ltmp2, $4  }
0xae: {  	[spmem:s2] =	stream.indirect.scatter.add.f32 [tilespmem:s18], [sflag:$0x3], $0x80, s20, s21, $0xb8;
	[tilespmem:$0x1B900] =	vst v63  }
0xaf: {  	_ =	swait.ge [sflag:s19], $0x2800  }
0xb0: {  	[sflag:s19] =	ssyncset.done $0x0  }
0xb1: {  	[sflag:s19] =	ssyncadd.s32 $0xFFFFD800  }
0xb2: {  	s0 =	stileid.u32;
	s3 =	sadd.s32 $0x1, s3  }
0xb3: {  	[bflag:$0x0] =	sbarrier.arrive $0xFFFF;
	s0 =	sshll.u32 s0, $0x6;
	p0 =	sne.s32 s3, s17  }
.Ltmp3:
0xb4: {  	s1 =	sshrl.u32 s7, $0x3;
	s0 =	sor.u32 $0x1C03, s0;
	(pc) =	sbr.rel @p0 .LBB2_1-.Ltmp3, $4  }
0xb5: {  	[hbm:s16], [sflag:s0] =	dma.local [spmem:s1], $0x2800  }
0xb6: {  	_ =	swait.ge [sflag:s19], $0x2800  }
0xb7: {  	[sflag:s19] =	ssyncset.done $0x0  }
0xb8: {  	[sflag:s19] =	ssyncadd.s32 $0xFFFFD800  }
0xb9: {  	_ =	sfence.sel $0x180000  }
0xba: {  	[bflag:$0x0] =	sbarrier.arrive $0xFFFF  }
0xbb: {  	_ =	strace $0x90000053  }
0xbc: {  	s0 =	stileid.u32;
	[bflag:$0x2] =	sbarrier.arrive $0xFFFF  }
0xbd: {  	p0 =	sne.s32 s0, $0x0;
	s0 =	rddreg [dreg:$0x2]  }
0xbe: {  	s0 =	sadd.s32 @!p0 $0x100000, s0  }
0xbf: {  	[sflag:s0] =	ssyncadd.tile.s32 @!p0 $0x1;
	_ =	shalt  }
.Lfunc_end2:
_tile_overlayer_lowered:
.L_overlay_start_2:
0xc0: {  	(tag) =	ssettag $0x2  }
0xc1: {  	s0 =	rddreg [dreg:$0x0];
	s2 =	stileid.u32  }
0xc2: {  	s1 =	rddreg [dreg:$0x1];
	p0 =	sne.s32 s2, $0x0  }
0xc3: {  	s3 =	rddreg [dreg:$0x2];
	[bflag:$0x3] =	sbarrier.arrive $0xFFFF;
	s2 =	simm.s32 @!p0 $0x1C03  }
0xc4: {  	[timem:s3], [sflag:s2] =	dma.local @!p0 [hbm:s0], s1  }
0xc5: {  	s0 =	simm.s32 @!p0 $0x3  }
0xc6: {  	_ =	swait.ge @!p0 [sflag:s0], s1  }
0xc7: {  	s1 =	ssub.s32 @!p0 $0x0, s1;
	[sflag:s0] =	ssyncset.done @!p0 $0x0  }
0xc8: {  	[sflag:s0] =	ssyncadd.s32 @!p0 s1  }
0xc9: {  	[bflag:$0x3] =	sbarrier.arrive $0xFFFF  }
0xca: {  	_ =	shalt  }

</sc_bundles>
